<compile_context>
chip_gen: v7x
topology: tpu7x:2x2x1
jax: 0.10.2.dev20260603
libtpu: 0.0.44.dev20260713+nightly
codegen_flags: <defaults>
</compile_context>

<pallas_src>
import dataclasses
import functools

import jax
import jax.numpy as jnp
from jax import lax
from jax.experimental import pallas as pl
from jax.experimental.pallas import tpu as pltpu
from jax.experimental.pallas import tpu_sc as plsc

N_NODES = 10000
N_EDGES = 160000
D_FEAT = 256
HIDDEN = 512
OUT = 256

_NC = 2
_NS = 16
_LANES = 16

_EPS = N_EDGES // _NS
_BATCH = 80
_NBATCH = _EPS // _BATCH
_GRP = 1
_PADN = _GRP * _BATCH
_LISTN = _EPS + _PADN + _LANES
_DUMP = _EPS + _PADN
_ROWS2D = _LISTN // _BATCH + 1
_N_PAD = 10240
_HALF = 5120
_ACC_ROWS = 5248
_ZRPS = _ACC_ROWS // _NS
_ORPS = _HALF // _NS


def _sc_compiler_params():
    cp = pltpu.CompilerParams()
    if "needs_layout_passes" in pltpu.CompilerParams.__dataclass_fields__:
        cp = dataclasses.replace(cp, needs_layout_passes=False)
    return cp


def _compact_my_half(srcF, dstF, c):
    lane = lax.iota(jnp.int32, _LANES)

    @pl.loop(0, _EPS // _LANES, init_carry=jnp.int32(0))
    def off(i, off):
        dv = dstF[pl.ds(i * _LANES, _LANES)]
        reb = dv - c * _HALF
        ok = (reb >= 0) & (reb < _HALF)
        ok_i = ok.astype(jnp.int32)
        pos = jnp.where(ok, off + plsc.cumsum(ok_i) - 1, _DUMP + lane)
        if srcF is not None:
            sv = srcF[pl.ds(i * _LANES, _LANES)]
            plsc.store_scatter(srcF, [pos], sv)
        plsc.store_scatter(dstF, [pos], reb)
        return off + jnp.sum(ok_i)

    for j in range(_PADN // _LANES):
        if srcF is not None:
            srcF[pl.ds(off + j * _LANES, _LANES)] = jnp.zeros((_LANES,),
                                                              jnp.int32)
        dstF[pl.ds(off + j * _LANES, _LANES)] = (_HALF + (j * _LANES) % 128
                                                 + lane)
    return (off + _PADN - 1) // _PADN


@functools.cache
def _make_sc_agg(n_chunks: int):
    mesh = plsc.VectorSubcoreMesh(core_axis_name="c", subcore_axis_name="s")

    def body(table, src, dst, zrow, out_agg,
             srcF, dstF, didx2d, gidx2d, rows, accum, gsem, ssem):
        c = lax.axis_index("c")
        s = lax.axis_index("s")
        myz = pl.ds(s * _ZRPS, _ZRPS)

        pltpu.sync_copy(src.at[pl.ds(s * _EPS, _EPS)], srcF.at[pl.ds(0, _EPS)])
        pltpu.sync_copy(dst.at[pl.ds(s * _EPS, _EPS)], dstF.at[pl.ds(0, _EPS)])
        pltpu.sync_copy(zrow.at[myz], accum.at[myz])

        ng = _compact_my_half(srcF, dstF, c)
        nb = ng * _GRP

        @pl.loop(0, nb)
        def _(r):
            for j in range(_BATCH // _LANES):
                sl = pl.ds(j * _LANES, _LANES)
                didx2d[r, sl] = dstF[pl.ds(r * _BATCH + j * _LANES, _LANES)]

        plsc.subcore_barrier()

        for k in range(n_chunks):
            if k:
                plsc.subcore_barrier()
                pltpu.sync_copy(zrow.at[myz], accum.at[myz])
                plsc.subcore_barrier()

            @pl.loop(0, nb)
            def _(r):
                for j in range(_BATCH // _LANES):
                    sl = pl.ds(j * _LANES, _LANES)
                    gidx2d[r, sl] = (
                        srcF[pl.ds(r * _BATCH + j * _LANES, _LANES)] * n_chunks
                        + k)

            @pl.loop(0, nb)
            def _(r):
                pltpu.sync_copy(table.at[gidx2d.at[r]], rows)
                pltpu.sync_copy(rows, accum.at[didx2d.at[r]], add=True)

            plsc.subcore_barrier()
            pltpu.sync_copy(
                accum.at[pl.ds(s * _ORPS, _ORPS)],
                out_agg.at[pl.ds(k * _N_PAD + c * _HALF + s * _ORPS, _ORPS)])

    return pl.kernel(
        body,
        out_type=jax.ShapeDtypeStruct((n_chunks * _N_PAD, 128), jnp.float32),
        mesh=mesh,
        scratch_types=[
            pltpu.VMEM((_LISTN,), jnp.int32),
            pltpu.VMEM((_LISTN,), jnp.int32),
            pltpu.VMEM((_ROWS2D, _BATCH), jnp.int32),
            pltpu.VMEM((_ROWS2D, _BATCH), jnp.int32),
            pltpu.VMEM((_GRP * _BATCH, 128), jnp.float32),
            pltpu.VMEM_SHARED((_ACC_ROWS, 128), jnp.float32),
            pltpu.SemaphoreType.DMA,
            pltpu.SemaphoreType.DMA,
        ],
        compiler_params=_sc_compiler_params(),
    )


@functools.cache
def _make_sc_deg():
    mesh = plsc.VectorSubcoreMesh(core_axis_name="c", subcore_axis_name="s")

    def body(dst, zrow, out_deg, dstF, didx2d, ones, dacc, ssem):
        c = lax.axis_index("c")
        s = lax.axis_index("s")
        myz = pl.ds(s * _ZRPS, _ZRPS)

        pltpu.sync_copy(dst.at[pl.ds(s * _EPS, _EPS)], dstF.at[pl.ds(0, _EPS)])
        pltpu.sync_copy(zrow.at[myz], dacc.at[myz])

        nb = _compact_my_half(None, dstF, c) * _GRP

        @pl.loop(0, nb)
        def _(r):
            for j in range(_BATCH // _LANES):
                sl = pl.ds(j * _LANES, _LANES)
                didx2d[r, sl] = dstF[pl.ds(r * _BATCH + j * _LANES, _LANES)]

        @pl.loop(0, _BATCH)
        def _(r):
            @pl.loop(0, 128 // _LANES)
            def _(j):
                ones[r, pl.ds(j * _LANES, _LANES)] = jnp.full((_LANES,), 1.0,
                                                              jnp.float32)

        plsc.subcore_barrier()

        @pl.loop(0, nb)
        def _(r):
            pltpu.sync_copy(ones, dacc.at[didx2d.at[r]], add=True)

        plsc.subcore_barrier()
        pltpu.sync_copy(dacc.at[pl.ds(s * _ORPS, _ORPS)],
                        out_deg.at[pl.ds(c * _HALF + s * _ORPS, _ORPS)])

    return pl.kernel(
        body,
        out_type=jax.ShapeDtypeStruct((_NC * _HALF, 128), jnp.float32),
        mesh=mesh,
        scratch_types=[
            pltpu.VMEM((_LISTN,), jnp.int32),
            pltpu.VMEM((_ROWS2D, _BATCH), jnp.int32),
            pltpu.VMEM((_BATCH, 128), jnp.float32),
            pltpu.VMEM_SHARED((_ACC_ROWS, 128), jnp.float32),
            pltpu.SemaphoreType.DMA,
        ],
        compiler_params=_sc_compiler_params(),
    )


_ROWBLK = 1000


def _tc_layer(x, agg, degw, W, b, d_in, d_out, n_chunks):

    def body(x_ref, a_ref, d_ref, w_ref, b_ref, o_ref):
        recip = 1.0 / jnp.maximum(d_ref[:, 0:1], 1.0)
        acc = jnp.dot(x_ref[...], w_ref[0:d_in, :],
                      preferred_element_type=jnp.float32)
        for k in range(n_chunks):
            nk = a_ref[k] * recip
            acc = acc + jnp.dot(nk, w_ref[d_in + 128 * k:d_in + 128 * (k + 1), :],
                                preferred_element_type=jnp.float32)
        o_ref[...] = jnp.maximum(acc + b_ref[...], 0.0)

    return pl.pallas_call(
        body,
        grid=(N_NODES // _ROWBLK,),
        in_specs=[
            pl.BlockSpec((_ROWBLK, d_in), lambda i: (i, 0)),
            pl.BlockSpec((n_chunks, _ROWBLK, 128), lambda i: (0, i, 0)),
            pl.BlockSpec((_ROWBLK, 128), lambda i: (i, 0)),
            pl.BlockSpec((2 * d_in, d_out), lambda i: (0, 0)),
            pl.BlockSpec((1, d_out), lambda i: (0, 0)),
        ],
        out_specs=pl.BlockSpec((_ROWBLK, d_out), lambda i: (i, 0)),
        out_shape=jax.ShapeDtypeStruct((N_NODES, d_out), jnp.float32),
        compiler_params=pltpu.CompilerParams(
            dimension_semantics=("parallel",)),
    )(x, agg, degw, W, b)


def kernel(x, edge_index, W1, b1, W2, b2):
    src = edge_index[0]
    dst = edge_index[1]
    zrow = jnp.zeros((_ACC_ROWS, 128), jnp.float32)

    degw = _make_sc_deg()(dst, zrow)

    nc1 = D_FEAT // 128
    nc2 = HIDDEN // 128
    agg1 = _make_sc_agg(nc1)(
        x.reshape(nc1 * N_NODES, 128), src, dst, zrow)
    h = _tc_layer(x, agg1.reshape(nc1, _N_PAD, 128), degw,
                  W1, b1.reshape(1, HIDDEN), D_FEAT, HIDDEN, nc1)

    agg2 = _make_sc_agg(nc2)(
        h.reshape(nc2 * N_NODES, 128), src, dst, zrow)
    out = _tc_layer(h, agg2.reshape(nc2, _N_PAD, 128), degw,
                    W2, b2.reshape(1, OUT), HIDDEN, OUT, nc2)
    return out

# --- scband reference (transcript-rebuilt; emitter-appended) ---
"""Pipeline reference for scband-graph-sageencoder-2740189135593 (READ-ONLY COPY).

The authoritative reference and input builder live on the scoring server;
editing this copy changes nothing except your own understanding.
"""

import jax, jax.numpy as jnp
import numpy as np

N_NODES = 10000
D_FEAT = 256
N_EDGES = 160000
HIDDEN = 512
OUT = 256

def _xavier(key, fan_in, fan_out):
    limit = jnp.sqrt(6.0 / (fan_in + fan_out))
    return jax.random.uniform(key, (fan_in, fan_out), dtype=jnp.float32, minval=-limit, maxval=limit)

def setup_inputs(seed: int = 0) -> dict:
    key = jax.random.key(seed)
    k1, k2, k3, k4 = jax.random.split(key, 4)
    x = jax.random.normal(k1, (N_NODES, D_FEAT), dtype=jnp.float32)
    edge_index = jax.random.randint(k2, (2, N_EDGES), 0, N_NODES, dtype=jnp.int32)
    W1 = _xavier(k3, 2 * D_FEAT, HIDDEN)
    b1 = jnp.zeros((HIDDEN,), dtype=jnp.float32)
    W2 = _xavier(k4, 2 * HIDDEN, OUT)
    b2 = jnp.zeros((OUT,), dtype=jnp.float32)
    return {"x": x, "edge_index": edge_index, "W1": W1, "b1": b1, "W2": W2, "b2": b2}

def _sage_layer(x, edge_index, W, b):
    num_nodes = x.shape[0]
    src = edge_index[0]
    dst = edge_index[1]
    agg = jax.ops.segment_sum(x[src], dst, num_segments=num_nodes)
    deg = jax.ops.segment_sum(jnp.ones_like(dst, dtype=x.dtype), dst, num_segments=num_nodes)
    deg = jnp.clip(deg, 1.0, None)[:, None]
    neigh = agg / deg
    h = jnp.concatenate([x, neigh], axis=-1)
    return jax.nn.relu(h @ W + b)

def reference(x, edge_index, W1, b1, W2, b2):
    h = _sage_layer(x, edge_index, W1, b1)
    # dropout p=0.0 / eval mode -> identity
    h = _sage_layer(h, edge_index, W2, b2)
    return h

if __name__ == "__main__":
    import jax
    _d = setup_inputs()
    print(jax.jit(kernel)(*tuple(_d.values())))

</pallas_src>

<mosaic_0001>
#map = affine_map<(d0, d1) -> (0, 0)>
#map1 = affine_map<(d0, d1) -> (0)>
module attributes {stable_mosaic.version = 14 : i64} {
  func.func @body(%arg0: i32, %arg1: i32, %arg2: memref<20000x128xf32, #tpu.memory_space<hbm>>, %arg3: memref<160000xi32, #tpu.memory_space<hbm>>, %arg4: memref<160000xi32, #tpu.memory_space<hbm>>, %arg5: memref<5248x128xf32, #tpu.memory_space<hbm>>, %arg6: memref<20480x128xf32, #tpu.memory_space<hbm>>, %arg7: memref<10096xi32, #tpu.memory_space<vmem>>, %arg8: memref<10096xi32, #tpu.memory_space<vmem>>, %arg9: memref<127x80xi32, #tpu.memory_space<vmem>>, %arg10: memref<127x80xi32, #tpu.memory_space<vmem>>, %arg11: memref<80x128xf32, #tpu.memory_space<vmem>>, %arg12: memref<5248x128xf32, #tpu.memory_space<vmem_shared>>, %arg13: memref<!tpu.dma_semaphore, #tpu.memory_space<semaphore_mem>>, %arg14: memref<!tpu.dma_semaphore, #tpu.memory_space<semaphore_mem>>) attributes {dimension_semantics = [#tpu.dimension_semantics<core_parallel>, #tpu.dimension_semantics<subcore_parallel>], iteration_bounds = array<i64: 2, 16>, scalar_prefetch = 0 : i64, scratch_operands = 8 : i64, tpu.core_type = #tpu.core_type<sc_vector_subcore>, window_params = [{transform_indices = #map}, {transform_indices = #map1}, {transform_indices = #map1}, {transform_indices = #map}, {transform_indices = #map}]} {
    %mul3A = arith.constant 328 : i32
    %mul3A_0 = arith.muli %arg1, %mul3A : i32
    %mul3A_1 = arith.constant 10000 : i32
    %mul3A_2 = arith.muli %arg1, %mul3A_1 : i32
    "tpu.region"() ({
      %run_scoped3A = tpu.sem_alloc : memref<!tpu.dma_semaphore, #tpu.memory_space<semaphore_mem>>
      %dma_start3A = arith.constant 0 : i32
      %dma_start3A_211 = tpu.memref_slice %arg7[%dma_start3A] : memref<10096xi32, #tpu.memory_space<vmem>> -> memref<10000xi32, #tpu.memory_space<vmem>>
      %dma_start3A_212 = tpu.memref_slice %arg3[%mul3A_2] : memref<160000xi32, #tpu.memory_space<hbm>> -> memref<10000xi32, #tpu.memory_space<hbm>>
      %dma_start3A_213 = arith.constant 0 : i32
      %dma_start3A_214 = tpu.memref_slice %arg7[%dma_start3A_213] : memref<10096xi32, #tpu.memory_space<vmem>> -> memref<10000xi32, #tpu.memory_space<vmem>>
      %dma_start3A_215 = tpu.memref_slice %arg3[%mul3A_2] : memref<160000xi32, #tpu.memory_space<hbm>> -> memref<10000xi32, #tpu.memory_space<hbm>>
      tpu.enqueue_dma source(%dma_start3A_215 : memref<10000xi32, #tpu.memory_space<hbm>>) target(%dma_start3A_214 : memref<10000xi32, #tpu.memory_space<vmem>>) target_semaphore(%run_scoped3A : memref<!tpu.dma_semaphore, #tpu.memory_space<semaphore_mem>>)
      %dma_wait3A = arith.constant 0 : i32
      %dma_wait3A_216 = tpu.memref_slice %arg7[%dma_wait3A] : memref<10096xi32, #tpu.memory_space<vmem>> -> memref<10000xi32, #tpu.memory_space<vmem>>
      %dma_wait3A_217 = tpu.memref_slice %arg3[%mul3A_2] : memref<160000xi32, #tpu.memory_space<hbm>> -> memref<10000xi32, #tpu.memory_space<hbm>>
      %dma_wait3A_218 = arith.constant 0 : i32
      %dma_wait3A_219 = tpu.memref_slice %arg7[%dma_wait3A_218] : memref<10096xi32, #tpu.memory_space<vmem>> -> memref<10000xi32, #tpu.memory_space<vmem>>
      %dma_wait3A_220 = tpu.memref_slice %arg3[%mul3A_2] : memref<160000xi32, #tpu.memory_space<hbm>> -> memref<10000xi32, #tpu.memory_space<hbm>>
      tpu.wait_dma2 semaphore(%run_scoped3A : memref<!tpu.dma_semaphore, #tpu.memory_space<semaphore_mem>>) src(%dma_wait3A_220 : memref<10000xi32, #tpu.memory_space<hbm>>) dst(%dma_wait3A_219 : memref<10000xi32, #tpu.memory_space<vmem>>)
      tpu.yield
    }) : () -> ()
    %mul3A_3 = arith.constant 10000 : i32
    %mul3A_4 = arith.muli %arg1, %mul3A_3 : i32
    "tpu.region"() ({
      %run_scoped3A = tpu.sem_alloc : memref<!tpu.dma_semaphore, #tpu.memory_space<semaphore_mem>>
      %dma_start3A = arith.constant 0 : i32
      %dma_start3A_211 = tpu.memref_slice %arg8[%dma_start3A] : memref<10096xi32, #tpu.memory_space<vmem>> -> memref<10000xi32, #tpu.memory_space<vmem>>
      %dma_start3A_212 = tpu.memref_slice %arg4[%mul3A_4] : memref<160000xi32, #tpu.memory_space<hbm>> -> memref<10000xi32, #tpu.memory_space<hbm>>
      %dma_start3A_213 = arith.constant 0 : i32
      %dma_start3A_214 = tpu.memref_slice %arg8[%dma_start3A_213] : memref<10096xi32, #tpu.memory_space<vmem>> -> memref<10000xi32, #tpu.memory_space<vmem>>
      %dma_start3A_215 = tpu.memref_slice %arg4[%mul3A_4] : memref<160000xi32, #tpu.memory_space<hbm>> -> memref<10000xi32, #tpu.memory_space<hbm>>
      tpu.enqueue_dma source(%dma_start3A_215 : memref<10000xi32, #tpu.memory_space<hbm>>) target(%dma_start3A_214 : memref<10000xi32, #tpu.memory_space<vmem>>) target_semaphore(%run_scoped3A : memref<!tpu.dma_semaphore, #tpu.memory_space<semaphore_mem>>)
      %dma_wait3A = arith.constant 0 : i32
      %dma_wait3A_216 = tpu.memref_slice %arg8[%dma_wait3A] : memref<10096xi32, #tpu.memory_space<vmem>> -> memref<10000xi32, #tpu.memory_space<vmem>>
      %dma_wait3A_217 = tpu.memref_slice %arg4[%mul3A_4] : memref<160000xi32, #tpu.memory_space<hbm>> -> memref<10000xi32, #tpu.memory_space<hbm>>
      %dma_wait3A_218 = arith.constant 0 : i32
      %dma_wait3A_219 = tpu.memref_slice %arg8[%dma_wait3A_218] : memref<10096xi32, #tpu.memory_space<vmem>> -> memref<10000xi32, #tpu.memory_space<vmem>>
      %dma_wait3A_220 = tpu.memref_slice %arg4[%mul3A_4] : memref<160000xi32, #tpu.memory_space<hbm>> -> memref<10000xi32, #tpu.memory_space<hbm>>
      tpu.wait_dma2 semaphore(%run_scoped3A : memref<!tpu.dma_semaphore, #tpu.memory_space<semaphore_mem>>) src(%dma_wait3A_220 : memref<10000xi32, #tpu.memory_space<hbm>>) dst(%dma_wait3A_219 : memref<10000xi32, #tpu.memory_space<vmem>>)
      tpu.yield
    }) : () -> ()
    "tpu.region"() ({
      %run_scoped3A = tpu.sem_alloc : memref<!tpu.dma_semaphore, #tpu.memory_space<semaphore_mem>>
      %dma_start3A = arith.constant 0 : i32
      %dma_start3A_211 = tpu.memref_slice %arg12[%mul3A_0, %dma_start3A] : memref<5248x128xf32, #tpu.memory_space<vmem_shared>> -> memref<328x128xf32, #tpu.memory_space<vmem_shared>>
      %dma_start3A_212 = arith.constant 0 : i32
      %dma_start3A_213 = tpu.memref_slice %arg5[%mul3A_0, %dma_start3A_212] : memref<5248x128xf32, #tpu.memory_space<hbm>> -> memref<328x128xf32, #tpu.memory_space<hbm>>
      tpu.enqueue_dma source(%dma_start3A_213 : memref<328x128xf32, #tpu.memory_space<hbm>>) target(%dma_start3A_211 : memref<328x128xf32, #tpu.memory_space<vmem_shared>>) target_semaphore(%run_scoped3A : memref<!tpu.dma_semaphore, #tpu.memory_space<semaphore_mem>>)
      %dma_wait3A = arith.constant 0 : i32
      %dma_wait3A_214 = tpu.memref_slice %arg12[%mul3A_0, %dma_wait3A] : memref<5248x128xf32, #tpu.memory_space<vmem_shared>> -> memref<328x128xf32, #tpu.memory_space<vmem_shared>>
      %dma_wait3A_215 = arith.constant 0 : i32
      %dma_wait3A_216 = tpu.memref_slice %arg5[%mul3A_0, %dma_wait3A_215] : memref<5248x128xf32, #tpu.memory_space<hbm>> -> memref<328x128xf32, #tpu.memory_space<hbm>>
      tpu.wait_dma2 semaphore(%run_scoped3A : memref<!tpu.dma_semaphore, #tpu.memory_space<semaphore_mem>>) src(%dma_wait3A_216 : memref<328x128xf32, #tpu.memory_space<hbm>>) dst(%dma_wait3A_214 : memref<328x128xf32, #tpu.memory_space<vmem_shared>>)
      tpu.yield
    }) : () -> ()
    %iota3A = tpu.iota {dimensions = array<i32: 0>} : vector<16xi32>
    %scan3A = arith.constant 0 : i32
    %scan3A_5 = arith.constant 0 : i32
    %scan3A_6 = arith.constant 625 : i32
    %scan3A_7 = arith.addi %scan3A_5, %scan3A_6 : i32
    %scan3A_8 = arith.constant 1 : i32
    %scan3A_9 = scf.for %scan3A_211 = %scan3A_5 to %scan3A_7 step %scan3A_8 iter_args(%scan3A_212 = %scan3A) -> (i32)  : i32 {
      %mul3A_213 = arith.constant 1 : i32
      %mul3A_214 = arith.muli %scan3A_211, %mul3A_213 : i32
      %add3A_215 = arith.constant 0 : i32
      %add3A_216 = arith.addi %add3A_215, %mul3A_214 : i32
      %mul3A_217 = arith.constant 16 : i32
      %mul3A_218 = arith.muli %add3A_216, %mul3A_217 : i32
      %get3A = arith.index_cast %mul3A_218 : i32 to index
      %get3A_219 = tpu.vector_load %arg8[%get3A] {strides = array<i32>} : memref<10096xi32, #tpu.memory_space<vmem>>, vector<16xi32>,
      %mul3A_220 = arith.constant 5120 : i32
      %mul3A_221 = arith.muli %arg0, %mul3A_220 : i32
      %sub3A_222 = vector.broadcast %mul3A_221 : i32 to vector<16xi32>
      %sub3A_223 = arith.subi %get3A_219, %sub3A_222 : vector<16xi32>
      %ge3A = arith.constant 0 : i32
      %ge3A_224 = vector.broadcast %ge3A : i32 to vector<16xi32>
      %ge3A_225 = arith.cmpi sge, %sub3A_223, %ge3A_224 : vector<16xi32>
      %lt3A = arith.constant 5120 : i32
      %lt3A_226 = vector.broadcast %lt3A : i32 to vector<16xi32>
      %lt3A_227 = arith.cmpi slt, %sub3A_223, %lt3A_226 : vector<16xi32>
      %and3A_228 = arith.andi %ge3A_225, %lt3A_227 : vector<16xi1>
      %convert_element_type3A = arith.extui %and3A_228 : vector<16xi1> to vector<16xi32>
      %broadcast_in_dim3A_229 = arith.constant true
      %broadcast_in_dim3A_230 = vector.broadcast %broadcast_in_dim3A_229 : i1 to vector<16xi1>
      %masked_cumsum3A = tpu.scan <sum>, %convert_element_type3A masked %broadcast_in_dim3A_230 : vector<16xi32>, vector<16xi1> -> vector<16xi32>
      %add3A_231 = vector.broadcast %scan3A_212 : i32 to vector<16xi32>
      %add3A_232 = arith.addi %add3A_231, %masked_cumsum3A : vector<16xi32>
      %sub3A_233 = arith.constant 1 : i32
      %sub3A_234 = vector.broadcast %sub3A_233 : i32 to vector<16xi32>
      %sub3A_235 = arith.subi %add3A_232, %sub3A_234 : vector<16xi32>
      %add3A_236 = arith.constant 10080 : i32
      %add3A_237 = vector.broadcast %add3A_236 : i32 to vector<16xi32>
      %add3A_238 = arith.addi %add3A_237, %iota3A : vector<16xi32>
      %select_n3A_239 = arith.select %and3A_228, %sub3A_235, %add3A_238 : vector<16xi1>, vector<16xi32>
      %mul3A_240 = arith.constant 16 : i32
      %mul3A_241 = arith.muli %add3A_216, %mul3A_240 : i32
      %get3A_242 = arith.index_cast %mul3A_241 : i32 to index
      %get3A_243 = tpu.vector_load %arg7[%get3A_242] {strides = array<i32>} : memref<10096xi32, #tpu.memory_space<vmem>>, vector<16xi32>,
      tpu.vector_store_idx %arg7[%select_n3A_239], %get3A_243 : memref<10096xi32, #tpu.memory_space<vmem>>[vector<16xi32>], vector<16xi32>,
      tpu.vector_store_idx %arg8[%select_n3A_239], %sub3A_223 : memref<10096xi32, #tpu.memory_space<vmem>>[vector<16xi32>], vector<16xi32>,
      %reduce_sum3A = arith.constant true
      %reduce_sum3A_244 = vector.broadcast %reduce_sum3A : i1 to vector<16xi1>
      %reduce_sum3A_245 = tpu.scan <sum>, %convert_element_type3A masked %reduce_sum3A_244 : vector<16xi32>, vector<16xi1> -> vector<16xi32>
      %reduce_sum3A_246 = vector.extract %reduce_sum3A_245[15] : i32 from vector<16xi32>
      %add3A_247 = arith.addi %scan3A_212, %reduce_sum3A_246 : i32
      scf.yield %add3A_247 : i32
    }
    %scan3A_10 = arith.constant 625 : i32
    %broadcast_in_dim3A = arith.constant 0 : i32
    %broadcast_in_dim3A_11 = vector.broadcast %broadcast_in_dim3A : i32 to vector<16xi32>
    %add3A = arith.constant 0 : i32
    %add3A_12 = arith.addi %scan3A_9, %add3A : i32
    %swap3A = arith.index_cast %add3A_12 : i32 to index
    %swap3A_13 = tpu.vector_load %arg7[%swap3A] {strides = array<i32>} : memref<10096xi32, #tpu.memory_space<vmem>>, vector<16xi32>,
    tpu.vector_store %arg7[%swap3A], %broadcast_in_dim3A_11 {strides = array<i32>} : memref<10096xi32, #tpu.memory_space<vmem>>, vector<16xi32>,
    %add3A_14 = arith.constant 5120 : i32
    %add3A_15 = vector.broadcast %add3A_14 : i32 to vector<16xi32>
    %add3A_16 = arith.addi %add3A_15, %iota3A : vector<16xi32>
    %add3A_17 = arith.constant 0 : i32
    %add3A_18 = arith.addi %scan3A_9, %add3A_17 : i32
    %swap3A_19 = arith.index_cast %add3A_18 : i32 to index
    %swap3A_20 = tpu.vector_load %arg8[%swap3A_19] {strides = array<i32>} : memref<10096xi32, #tpu.memory_space<vmem>>, vector<16xi32>,
    tpu.vector_store %arg8[%swap3A_19], %add3A_16 {strides = array<i32>} : memref<10096xi32, #tpu.memory_space<vmem>>, vector<16xi32>,
    %broadcast_in_dim3A_21 = arith.constant 0 : i32
    %broadcast_in_dim3A_22 = vector.broadcast %broadcast_in_dim3A_21 : i32 to vector<16xi32>
    %add3A_23 = arith.constant 16 : i32
    %add3A_24 = arith.addi %scan3A_9, %add3A_23 : i32
    %swap3A_25 = arith.index_cast %add3A_24 : i32 to index
    %swap3A_26 = tpu.vector_load %arg7[%swap3A_25] {strides = array<i32>} : memref<10096xi32, #tpu.memory_space<vmem>>, vector<16xi32>,
    tpu.vector_store %arg7[%swap3A_25], %broadcast_in_dim3A_22 {strides = array<i32>} : memref<10096xi32, #tpu.memory_space<vmem>>, vector<16xi32>,
    %add3A_27 = arith.constant 5136 : i32
    %add3A_28 = vector.broadcast %add3A_27 : i32 to vector<16xi32>
    %add3A_29 = arith.addi %add3A_28, %iota3A : vector<16xi32>
    %add3A_30 = arith.constant 16 : i32
    %add3A_31 = arith.addi %scan3A_9, %add3A_30 : i32
    %swap3A_32 = arith.index_cast %add3A_31 : i32 to index
    %swap3A_33 = tpu.vector_load %arg8[%swap3A_32] {strides = array<i32>} : memref<10096xi32, #tpu.memory_space<vmem>>, vector<16xi32>,
    tpu.vector_store %arg8[%swap3A_32], %add3A_29 {strides = array<i32>} : memref<10096xi32, #tpu.memory_space<vmem>>, vector<16xi32>,
    %broadcast_in_dim3A_34 = arith.constant 0 : i32
    %broadcast_in_dim3A_35 = vector.broadcast %broadcast_in_dim3A_34 : i32 to vector<16xi32>
    %add3A_36 = arith.constant 32 : i32
    %add3A_37 = arith.addi %scan3A_9, %add3A_36 : i32
    %swap3A_38 = arith.index_cast %add3A_37 : i32 to index
    %swap3A_39 = tpu.vector_load %arg7[%swap3A_38] {strides = array<i32>} : memref<10096xi32, #tpu.memory_space<vmem>>, vector<16xi32>,
    tpu.vector_store %arg7[%swap3A_38], %broadcast_in_dim3A_35 {strides = array<i32>} : memref<10096xi32, #tpu.memory_space<vmem>>, vector<16xi32>,
    %add3A_40 = arith.constant 5152 : i32
    %add3A_41 = vector.broadcast %add3A_40 : i32 to vector<16xi32>
    %add3A_42 = arith.addi %add3A_41, %iota3A : vector<16xi32>
    %add3A_43 = arith.constant 32 : i32
    %add3A_44 = arith.addi %scan3A_9, %add3A_43 : i32
    %swap3A_45 = arith.index_cast %add3A_44 : i32 to index
    %swap3A_46 = tpu.vector_load %arg8[%swap3A_45] {strides = array<i32>} : memref<10096xi32, #tpu.memory_space<vmem>>, vector<16xi32>,
    tpu.vector_store %arg8[%swap3A_45], %add3A_42 {strides = array<i32>} : memref<10096xi32, #tpu.memory_space<vmem>>, vector<16xi32>,
    %broadcast_in_dim3A_47 = arith.constant 0 : i32
    %broadcast_in_dim3A_48 = vector.broadcast %broadcast_in_dim3A_47 : i32 to vector<16xi32>
    %add3A_49 = arith.constant 48 : i32
    %add3A_50 = arith.addi %scan3A_9, %add3A_49 : i32
    %swap3A_51 = arith.index_cast %add3A_50 : i32 to index
    %swap3A_52 = tpu.vector_load %arg7[%swap3A_51] {strides = array<i32>} : memref<10096xi32, #tpu.memory_space<vmem>>, vector<16xi32>,
    tpu.vector_store %arg7[%swap3A_51], %broadcast_in_dim3A_48 {strides = array<i32>} : memref<10096xi32, #tpu.memory_space<vmem>>, vector<16xi32>,
    %add3A_53 = arith.constant 5168 : i32
    %add3A_54 = vector.broadcast %add3A_53 : i32 to vector<16xi32>
    %add3A_55 = arith.addi %add3A_54, %iota3A : vector<16xi32>
    %add3A_56 = arith.constant 48 : i32
    %add3A_57 = arith.addi %scan3A_9, %add3A_56 : i32
    %swap3A_58 = arith.index_cast %add3A_57 : i32 to index
    %swap3A_59 = tpu.vector_load %arg8[%swap3A_58] {strides = array<i32>} : memref<10096xi32, #tpu.memory_space<vmem>>, vector<16xi32>,
    tpu.vector_store %arg8[%swap3A_58], %add3A_55 {strides = array<i32>} : memref<10096xi32, #tpu.memory_space<vmem>>, vector<16xi32>,
    %broadcast_in_dim3A_60 = arith.constant 0 : i32
    %broadcast_in_dim3A_61 = vector.broadcast %broadcast_in_dim3A_60 : i32 to vector<16xi32>
    %add3A_62 = arith.constant 64 : i32
    %add3A_63 = arith.addi %scan3A_9, %add3A_62 : i32
    %swap3A_64 = arith.index_cast %add3A_63 : i32 to index
    %swap3A_65 = tpu.vector_load %arg7[%swap3A_64] {strides = array<i32>} : memref<10096xi32, #tpu.memory_space<vmem>>, vector<16xi32>,
    tpu.vector_store %arg7[%swap3A_64], %broadcast_in_dim3A_61 {strides = array<i32>} : memref<10096xi32, #tpu.memory_space<vmem>>, vector<16xi32>,
    %add3A_66 = arith.constant 5184 : i32
    %add3A_67 = vector.broadcast %add3A_66 : i32 to vector<16xi32>
    %add3A_68 = arith.addi %add3A_67, %iota3A : vector<16xi32>
    %add3A_69 = arith.constant 64 : i32
    %add3A_70 = arith.addi %scan3A_9, %add3A_69 : i32
    %swap3A_71 = arith.index_cast %add3A_70 : i32 to index
    %swap3A_72 = tpu.vector_load %arg8[%swap3A_71] {strides = array<i32>} : memref<10096xi32, #tpu.memory_space<vmem>>, vector<16xi32>,
    tpu.vector_store %arg8[%swap3A_71], %add3A_68 {strides = array<i32>} : memref<10096xi32, #tpu.memory_space<vmem>>, vector<16xi32>,
    %add3A_73 = arith.constant 80 : i32
    %add3A_74 = arith.addi %scan3A_9, %add3A_73 : i32
    %sub3A = arith.constant 1 : i32
    %sub3A_75 = arith.subi %add3A_74, %sub3A : i32
    %jit3A = arith.constant 80 : i32
    %div3A = arith.divsi %sub3A_75, %jit3A : i32
    %sign3A = arith.constant 0 : i32
    %sign3A_76 = arith.cmpi sgt, %sub3A_75, %sign3A : i32
    %sign3A_77 = arith.extui %sign3A_76 : i1 to i32
    %sign3A_78 = arith.constant 0 : i32
    %sign3A_79 = arith.cmpi slt, %sub3A_75, %sign3A_78 : i32
    %sign3A_80 = arith.extui %sign3A_79 : i1 to i32
    %sign3A_81 = arith.subi %sign3A_77, %sign3A_80 : i32
    %sign3A_82 = arith.constant 0 : i32
    %sign3A_83 = arith.cmpi sgt, %jit3A, %sign3A_82 : i32
    %sign3A_84 = arith.extui %sign3A_83 : i1 to i32
    %sign3A_85 = arith.constant 0 : i32
    %sign3A_86 = arith.cmpi slt, %jit3A, %sign3A_85 : i32
    %sign3A_87 = arith.extui %sign3A_86 : i1 to i32
    %sign3A_88 = arith.subi %sign3A_84, %sign3A_87 : i32
    %ne3A = arith.cmpi ne, %sign3A_81, %sign3A_88 : i32
    %rem3A = arith.remsi %sub3A_75, %jit3A : i32
    %ne3A_89 = arith.constant 0 : i32
    %ne3A_90 = arith.cmpi ne, %rem3A, %ne3A_89 : i32
    %and3A = arith.andi %ne3A, %ne3A_90 : i1
    %sub3A_91 = arith.constant 1 : i32
    %sub3A_92 = arith.subi %div3A, %sub3A_91 : i32
    %select_n3A = arith.select %and3A, %sub3A_92, %div3A : i32
    %mul3A_93 = arith.constant 1 : i32
    %mul3A_94 = arith.muli %select_n3A, %mul3A_93 : i32
    %sub3A_95 = arith.constant 0 : i32
    %sub3A_96 = arith.subi %mul3A_94, %sub3A_95 : i32
    %sub3A_97 = arith.constant 1 : i32
    %sub3A_98 = arith.constant 1 : i32
    %sub3A_99 = arith.subi %sub3A_97, %sub3A_98 : i32
    %add3A_100 = arith.addi %sub3A_96, %sub3A_99 : i32
    %div3A_101 = arith.constant 1 : i32
    %div3A_102 = arith.divsi %add3A_100, %div3A_101 : i32
    %while3A = arith.constant 1 : i32
    %while3A_103 = arith.constant 0 : i32
    %while3A_104 = arith.constant 0 : i32
    %while3A_105 = arith.subi %div3A_102, %while3A_104 : i32
    %while3A_106 = arith.addi %while3A_104, %while3A_105 : i32
    %while3A_107 = arith.constant 1 : i32
    %while3A_108 = arith.divsi %while3A_105, %while3A_107 : i32
    %while3A_109 = arith.muli %while3A_108, %while3A_107 : i32
    %while3A_110 = arith.addi %while3A_104, %while3A_109 : i32
    %while3A_111 = arith.constant 1 : i32
    scf.for %while3A_211 = %while3A_104 to %while3A_110 step %while3A_111  : i32 {
      %mul3A_212 = arith.muli %while3A_211, %while3A : i32
      %add3A_213 = arith.addi %while3A_103, %mul3A_212 : i32
      %mul3A_214 = arith.constant 80 : i32
      %mul3A_215 = arith.muli %add3A_213, %mul3A_214 : i32
      %add3A_216 = arith.constant 0 : i32
      %add3A_217 = arith.addi %mul3A_215, %add3A_216 : i32
      %get3A = arith.index_cast %add3A_217 : i32 to index
      %get3A_218 = tpu.vector_load %arg8[%get3A] {strides = array<i32>} : memref<10096xi32, #tpu.memory_space<vmem>>, vector<16xi32>,
      %swap3A_219 = arith.index_cast %add3A_213 : i32 to index
      %swap3A_220 = arith.constant 0 : index
      %swap3A_221 = tpu.vector_load %arg9[%swap3A_219, %swap3A_220] {strides = array<i32>} : memref<127x80xi32, #tpu.memory_space<vmem>>, vector<16xi32>,
      tpu.vector_store %arg9[%swap3A_219, %swap3A_220], %get3A_218 {strides = array<i32>} : memref<127x80xi32, #tpu.memory_space<vmem>>, vector<16xi32>,
      %mul3A_222 = arith.constant 80 : i32
      %mul3A_223 = arith.muli %add3A_213, %mul3A_222 : i32
      %add3A_224 = arith.constant 16 : i32
      %add3A_225 = arith.addi %mul3A_223, %add3A_224 : i32
      %get3A_226 = arith.index_cast %add3A_225 : i32 to index
      %get3A_227 = tpu.vector_load %arg8[%get3A_226] {strides = array<i32>} : memref<10096xi32, #tpu.memory_space<vmem>>, vector<16xi32>,
      %swap3A_228 = arith.index_cast %add3A_213 : i32 to index
      %swap3A_229 = arith.constant 16 : index
      %swap3A_230 = tpu.vector_load %arg9[%swap3A_228, %swap3A_229] {strides = array<i32>} : memref<127x80xi32, #tpu.memory_space<vmem>>, vector<16xi32>,
      tpu.vector_store %arg9[%swap3A_228, %swap3A_229], %get3A_227 {strides = array<i32>} : memref<127x80xi32, #tpu.memory_space<vmem>>, vector<16xi32>,
      %mul3A_231 = arith.constant 80 : i32
      %mul3A_232 = arith.muli %add3A_213, %mul3A_231 : i32
      %add3A_233 = arith.constant 32 : i32
      %add3A_234 = arith.addi %mul3A_232, %add3A_233 : i32
      %get3A_235 = arith.index_cast %add3A_234 : i32 to index
      %get3A_236 = tpu.vector_load %arg8[%get3A_235] {strides = array<i32>} : memref<10096xi32, #tpu.memory_space<vmem>>, vector<16xi32>,
      %swap3A_237 = arith.index_cast %add3A_213 : i32 to index
      %swap3A_238 = arith.constant 32 : index
      %swap3A_239 = tpu.vector_load %arg9[%swap3A_237, %swap3A_238] {strides = array<i32>} : memref<127x80xi32, #tpu.memory_space<vmem>>, vector<16xi32>,
      tpu.vector_store %arg9[%swap3A_237, %swap3A_238], %get3A_236 {strides = array<i32>} : memref<127x80xi32, #tpu.memory_space<vmem>>, vector<16xi32>,
      %mul3A_240 = arith.constant 80 : i32
      %mul3A_241 = arith.muli %add3A_213, %mul3A_240 : i32
      %add3A_242 = arith.constant 48 : i32
      %add3A_243 = arith.addi %mul3A_241, %add3A_242 : i32
      %get3A_244 = arith.index_cast %add3A_243 : i32 to index
      %get3A_245 = tpu.vector_load %arg8[%get3A_244] {strides = array<i32>} : memref<10096xi32, #tpu.memory_space<vmem>>, vector<16xi32>,
      %swap3A_246 = arith.index_cast %add3A_213 : i32 to index
      %swap3A_247 = arith.constant 48 : index
      %swap3A_248 = tpu.vector_load %arg9[%swap3A_246, %swap3A_247] {strides = array<i32>} : memref<127x80xi32, #tpu.memory_space<vmem>>, vector<16xi32>,
      tpu.vector_store %arg9[%swap3A_246, %swap3A_247], %get3A_245 {strides = array<i32>} : memref<127x80xi32, #tpu.memory_space<vmem>>, vector<16xi32>,
      %mul3A_249 = arith.constant 80 : i32
      %mul3A_250 = arith.muli %add3A_213, %mul3A_249 : i32
      %add3A_251 = arith.constant 64 : i32
      %add3A_252 = arith.addi %mul3A_250, %add3A_251 : i32
      %get3A_253 = arith.index_cast %add3A_252 : i32 to index
      %get3A_254 = tpu.vector_load %arg8[%get3A_253] {strides = array<i32>} : memref<10096xi32, #tpu.memory_space<vmem>>, vector<16xi32>,
      %swap3A_255 = arith.index_cast %add3A_213 : i32 to index
      %swap3A_256 = arith.constant 64 : index
      %swap3A_257 = tpu.vector_load %arg9[%swap3A_255, %swap3A_256] {strides = array<i32>} : memref<127x80xi32, #tpu.memory_space<vmem>>, vector<16xi32>,
      tpu.vector_store %arg9[%swap3A_255, %swap3A_256], %get3A_254 {strides = array<i32>} : memref<127x80xi32, #tpu.memory_space<vmem>>, vector<16xi32>,
    }
    %while3A_112 = arith.constant 1 : i32
    scf.for %while3A_211 = %while3A_110 to %while3A_106 step %while3A_112  : i32 {
      %mul3A_212 = arith.muli %while3A_211, %while3A : i32
      %add3A_213 = arith.addi %while3A_103, %mul3A_212 : i32
      %mul3A_214 = arith.constant 80 : i32
      %mul3A_215 = arith.muli %add3A_213, %mul3A_214 : i32
      %add3A_216 = arith.constant 0 : i32
      %add3A_217 = arith.addi %mul3A_215, %add3A_216 : i32
      %get3A = arith.index_cast %add3A_217 : i32 to index
      %get3A_218 = tpu.vector_load %arg8[%get3A] {strides = array<i32>} : memref<10096xi32, #tpu.memory_space<vmem>>, vector<16xi32>,
      %swap3A_219 = arith.index_cast %add3A_213 : i32 to index
      %swap3A_220 = arith.constant 0 : index
      %swap3A_221 = tpu.vector_load %arg9[%swap3A_219, %swap3A_220] {strides = array<i32>} : memref<127x80xi32, #tpu.memory_space<vmem>>, vector<16xi32>,
      tpu.vector_store %arg9[%swap3A_219, %swap3A_220], %get3A_218 {strides = array<i32>} : memref<127x80xi32, #tpu.memory_space<vmem>>, vector<16xi32>,
      %mul3A_222 = arith.constant 80 : i32
      %mul3A_223 = arith.muli %add3A_213, %mul3A_222 : i32
      %add3A_224 = arith.constant 16 : i32
      %add3A_225 = arith.addi %mul3A_223, %add3A_224 : i32
      %get3A_226 = arith.index_cast %add3A_225 : i32 to index
      %get3A_227 = tpu.vector_load %arg8[%get3A_226] {strides = array<i32>} : memref<10096xi32, #tpu.memory_space<vmem>>, vector<16xi32>,
      %swap3A_228 = arith.index_cast %add3A_213 : i32 to index
      %swap3A_229 = arith.constant 16 : index
      %swap3A_230 = tpu.vector_load %arg9[%swap3A_228, %swap3A_229] {strides = array<i32>} : memref<127x80xi32, #tpu.memory_space<vmem>>, vector<16xi32>,
      tpu.vector_store %arg9[%swap3A_228, %swap3A_229], %get3A_227 {strides = array<i32>} : memref<127x80xi32, #tpu.memory_space<vmem>>, vector<16xi32>,
      %mul3A_231 = arith.constant 80 : i32
      %mul3A_232 = arith.muli %add3A_213, %mul3A_231 : i32
      %add3A_233 = arith.constant 32 : i32
      %add3A_234 = arith.addi %mul3A_232, %add3A_233 : i32
      %get3A_235 = arith.index_cast %add3A_234 : i32 to index
      %get3A_236 = tpu.vector_load %arg8[%get3A_235] {strides = array<i32>} : memref<10096xi32, #tpu.memory_space<vmem>>, vector<16xi32>,
      %swap3A_237 = arith.index_cast %add3A_213 : i32 to index
      %swap3A_238 = arith.constant 32 : index
      %swap3A_239 = tpu.vector_load %arg9[%swap3A_237, %swap3A_238] {strides = array<i32>} : memref<127x80xi32, #tpu.memory_space<vmem>>, vector<16xi32>,
      tpu.vector_store %arg9[%swap3A_237, %swap3A_238], %get3A_236 {strides = array<i32>} : memref<127x80xi32, #tpu.memory_space<vmem>>, vector<16xi32>,
      %mul3A_240 = arith.constant 80 : i32
      %mul3A_241 = arith.muli %add3A_213, %mul3A_240 : i32
      %add3A_242 = arith.constant 48 : i32
      %add3A_243 = arith.addi %mul3A_241, %add3A_242 : i32
      %get3A_244 = arith.index_cast %add3A_243 : i32 to index
      %get3A_245 = tpu.vector_load %arg8[%get3A_244] {strides = array<i32>} : memref<10096xi32, #tpu.memory_space<vmem>>, vector<16xi32>,
      %swap3A_246 = arith.index_cast %add3A_213 : i32 to index
      %swap3A_247 = arith.constant 48 : index
      %swap3A_248 = tpu.vector_load %arg9[%swap3A_246, %swap3A_247] {strides = array<i32>} : memref<127x80xi32, #tpu.memory_space<vmem>>, vector<16xi32>,
      tpu.vector_store %arg9[%swap3A_246, %swap3A_247], %get3A_245 {strides = array<i32>} : memref<127x80xi32, #tpu.memory_space<vmem>>, vector<16xi32>,
      %mul3A_249 = arith.constant 80 : i32
      %mul3A_250 = arith.muli %add3A_213, %mul3A_249 : i32
      %add3A_251 = arith.constant 64 : i32
      %add3A_252 = arith.addi %mul3A_250, %add3A_251 : i32
      %get3A_253 = arith.index_cast %add3A_252 : i32 to index
      %get3A_254 = tpu.vector_load %arg8[%get3A_253] {strides = array<i32>} : memref<10096xi32, #tpu.memory_space<vmem>>, vector<16xi32>,
      %swap3A_255 = arith.index_cast %add3A_213 : i32 to index
      %swap3A_256 = arith.constant 64 : index
      %swap3A_257 = tpu.vector_load %arg9[%swap3A_255, %swap3A_256] {strides = array<i32>} : memref<127x80xi32, #tpu.memory_space<vmem>>, vector<16xi32>,
      tpu.vector_store %arg9[%swap3A_255, %swap3A_256], %get3A_254 {strides = array<i32>} : memref<127x80xi32, #tpu.memory_space<vmem>>, vector<16xi32>,
    }
    %barrier3A = arith.constant 0 : index
    tpu.barrier barrier_id(%barrier3A)
    %sub3A_113 = arith.constant 0 : i32
    %sub3A_114 = arith.subi %mul3A_94, %sub3A_113 : i32
    %sub3A_115 = arith.constant 1 : i32
    %sub3A_116 = arith.constant 1 : i32
    %sub3A_117 = arith.subi %sub3A_115, %sub3A_116 : i32
    %add3A_118 = arith.addi %sub3A_114, %sub3A_117 : i32
    %div3A_119 = arith.constant 1 : i32
    %div3A_120 = arith.divsi %add3A_118, %div3A_119 : i32
    %while3A_121 = arith.constant 1 : i32
    %while3A_122 = arith.constant 0 : i32
    %while3A_123 = arith.constant 0 : i32
    %while3A_124 = arith.subi %div3A_120, %while3A_123 : i32
    %while3A_125 = arith.addi %while3A_123, %while3A_124 : i32
    %while3A_126 = arith.constant 1 : i32
    %while3A_127 = arith.divsi %while3A_124, %while3A_126 : i32
    %while3A_128 = arith.muli %while3A_127, %while3A_126 : i32
    %while3A_129 = arith.addi %while3A_123, %while3A_128 : i32
    %while3A_130 = arith.constant 1 : i32
    scf.for %while3A_211 = %while3A_123 to %while3A_129 step %while3A_130  : i32 {
      %mul3A_212 = arith.muli %while3A_211, %while3A_121 : i32
      %add3A_213 = arith.addi %while3A_122, %mul3A_212 : i32
      %mul3A_214 = arith.constant 80 : i32
      %mul3A_215 = arith.muli %add3A_213, %mul3A_214 : i32
      %add3A_216 = arith.constant 0 : i32
      %add3A_217 = arith.addi %mul3A_215, %add3A_216 : i32
      %get3A = arith.index_cast %add3A_217 : i32 to index
      %get3A_218 = tpu.vector_load %arg7[%get3A] {strides = array<i32>} : memref<10096xi32, #tpu.memory_space<vmem>>, vector<16xi32>,
      %mul3A_219 = arith.constant 2 : i32
      %mul3A_220 = vector.broadcast %mul3A_219 : i32 to vector<16xi32>
      %mul3A_221 = arith.muli %get3A_218, %mul3A_220 : vector<16xi32>
      %add3A_222 = arith.constant 0 : i32
      %add3A_223 = vector.broadcast %add3A_222 : i32 to vector<16xi32>
      %add3A_224 = arith.addi %mul3A_221, %add3A_223 : vector<16xi32>
      %swap3A_225 = arith.index_cast %add3A_213 : i32 to index
      %swap3A_226 = arith.constant 0 : index
      %swap3A_227 = tpu.vector_load %arg10[%swap3A_225, %swap3A_226] {strides = array<i32>} : memref<127x80xi32, #tpu.memory_space<vmem>>, vector<16xi32>,
      tpu.vector_store %arg10[%swap3A_225, %swap3A_226], %add3A_224 {strides = array<i32>} : memref<127x80xi32, #tpu.memory_space<vmem>>, vector<16xi32>,
      %mul3A_228 = arith.constant 80 : i32
      %mul3A_229 = arith.muli %add3A_213, %mul3A_228 : i32
      %add3A_230 = arith.constant 16 : i32
      %add3A_231 = arith.addi %mul3A_229, %add3A_230 : i32
      %get3A_232 = arith.index_cast %add3A_231 : i32 to index
      %get3A_233 = tpu.vector_load %arg7[%get3A_232] {strides = array<i32>} : memref<10096xi32, #tpu.memory_space<vmem>>, vector<16xi32>,
      %mul3A_234 = arith.constant 2 : i32
      %mul3A_235 = vector.broadcast %mul3A_234 : i32 to vector<16xi32>
      %mul3A_236 = arith.muli %get3A_233, %mul3A_235 : vector<16xi32>
      %add3A_237 = arith.constant 0 : i32
      %add3A_238 = vector.broadcast %add3A_237 : i32 to vector<16xi32>
      %add3A_239 = arith.addi %mul3A_236, %add3A_238 : vector<16xi32>
      %swap3A_240 = arith.index_cast %add3A_213 : i32 to index
      %swap3A_241 = arith.constant 16 : index
      %swap3A_242 = tpu.vector_load %arg10[%swap3A_240, %swap3A_241] {strides = array<i32>} : memref<127x80xi32, #tpu.memory_space<vmem>>, vector<16xi32>,
      tpu.vector_store %arg10[%swap3A_240, %swap3A_241], %add3A_239 {strides = array<i32>} : memref<127x80xi32, #tpu.memory_space<vmem>>, vector<16xi32>,
      %mul3A_243 = arith.constant 80 : i32
      %mul3A_244 = arith.muli %add3A_213, %mul3A_243 : i32
      %add3A_245 = arith.constant 32 : i32
      %add3A_246 = arith.addi %mul3A_244, %add3A_245 : i32
      %get3A_247 = arith.index_cast %add3A_246 : i32 to index
      %get3A_248 = tpu.vector_load %arg7[%get3A_247] {strides = array<i32>} : memref<10096xi32, #tpu.memory_space<vmem>>, vector<16xi32>,
      %mul3A_249 = arith.constant 2 : i32
      %mul3A_250 = vector.broadcast %mul3A_249 : i32 to vector<16xi32>
      %mul3A_251 = arith.muli %get3A_248, %mul3A_250 : vector<16xi32>
      %add3A_252 = arith.constant 0 : i32
      %add3A_253 = vector.broadcast %add3A_252 : i32 to vector<16xi32>
      %add3A_254 = arith.addi %mul3A_251, %add3A_253 : vector<16xi32>
      %swap3A_255 = arith.index_cast %add3A_213 : i32 to index
      %swap3A_256 = arith.constant 32 : index
      %swap3A_257 = tpu.vector_load %arg10[%swap3A_255, %swap3A_256] {strides = array<i32>} : memref<127x80xi32, #tpu.memory_space<vmem>>, vector<16xi32>,
      tpu.vector_store %arg10[%swap3A_255, %swap3A_256], %add3A_254 {strides = array<i32>} : memref<127x80xi32, #tpu.memory_space<vmem>>, vector<16xi32>,
      %mul3A_258 = arith.constant 80 : i32
      %mul3A_259 = arith.muli %add3A_213, %mul3A_258 : i32
      %add3A_260 = arith.constant 48 : i32
      %add3A_261 = arith.addi %mul3A_259, %add3A_260 : i32
      %get3A_262 = arith.index_cast %add3A_261 : i32 to index
      %get3A_263 = tpu.vector_load %arg7[%get3A_262] {strides = array<i32>} : memref<10096xi32, #tpu.memory_space<vmem>>, vector<16xi32>,
      %mul3A_264 = arith.constant 2 : i32
      %mul3A_265 = vector.broadcast %mul3A_264 : i32 to vector<16xi32>
      %mul3A_266 = arith.muli %get3A_263, %mul3A_265 : vector<16xi32>
      %add3A_267 = arith.constant 0 : i32
      %add3A_268 = vector.broadcast %add3A_267 : i32 to vector<16xi32>
      %add3A_269 = arith.addi %mul3A_266, %add3A_268 : vector<16xi32>
      %swap3A_270 = arith.index_cast %add3A_213 : i32 to index
      %swap3A_271 = arith.constant 48 : index
      %swap3A_272 = tpu.vector_load %arg10[%swap3A_270, %swap3A_271] {strides = array<i32>} : memref<127x80xi32, #tpu.memory_space<vmem>>, vector<16xi32>,
      tpu.vector_store %arg10[%swap3A_270, %swap3A_271], %add3A_269 {strides = array<i32>} : memref<127x80xi32, #tpu.memory_space<vmem>>, vector<16xi32>,
      %mul3A_273 = arith.constant 80 : i32
      %mul3A_274 = arith.muli %add3A_213, %mul3A_273 : i32
      %add3A_275 = arith.constant 64 : i32
      %add3A_276 = arith.addi %mul3A_274, %add3A_275 : i32
      %get3A_277 = arith.index_cast %add3A_276 : i32 to index
      %get3A_278 = tpu.vector_load %arg7[%get3A_277] {strides = array<i32>} : memref<10096xi32, #tpu.memory_space<vmem>>, vector<16xi32>,
      %mul3A_279 = arith.constant 2 : i32
      %mul3A_280 = vector.broadcast %mul3A_279 : i32 to vector<16xi32>
      %mul3A_281 = arith.muli %get3A_278, %mul3A_280 : vector<16xi32>
      %add3A_282 = arith.constant 0 : i32
      %add3A_283 = vector.broadcast %add3A_282 : i32 to vector<16xi32>
      %add3A_284 = arith.addi %mul3A_281, %add3A_283 : vector<16xi32>
      %swap3A_285 = arith.index_cast %add3A_213 : i32 to index
      %swap3A_286 = arith.constant 64 : index
      %swap3A_287 = tpu.vector_load %arg10[%swap3A_285, %swap3A_286] {strides = array<i32>} : memref<127x80xi32, #tpu.memory_space<vmem>>, vector<16xi32>,
      tpu.vector_store %arg10[%swap3A_285, %swap3A_286], %add3A_284 {strides = array<i32>} : memref<127x80xi32, #tpu.memory_space<vmem>>, vector<16xi32>,
    }
    %while3A_131 = arith.constant 1 : i32
    scf.for %while3A_211 = %while3A_129 to %while3A_125 step %while3A_131  : i32 {
      %mul3A_212 = arith.muli %while3A_211, %while3A_121 : i32
      %add3A_213 = arith.addi %while3A_122, %mul3A_212 : i32
      %mul3A_214 = arith.constant 80 : i32
      %mul3A_215 = arith.muli %add3A_213, %mul3A_214 : i32
      %add3A_216 = arith.constant 0 : i32
      %add3A_217 = arith.addi %mul3A_215, %add3A_216 : i32
      %get3A = arith.index_cast %add3A_217 : i32 to index
      %get3A_218 = tpu.vector_load %arg7[%get3A] {strides = array<i32>} : memref<10096xi32, #tpu.memory_space<vmem>>, vector<16xi32>,
      %mul3A_219 = arith.constant 2 : i32
      %mul3A_220 = vector.broadcast %mul3A_219 : i32 to vector<16xi32>
      %mul3A_221 = arith.muli %get3A_218, %mul3A_220 : vector<16xi32>
      %add3A_222 = arith.constant 0 : i32
      %add3A_223 = vector.broadcast %add3A_222 : i32 to vector<16xi32>
      %add3A_224 = arith.addi %mul3A_221, %add3A_223 : vector<16xi32>
      %swap3A_225 = arith.index_cast %add3A_213 : i32 to index
      %swap3A_226 = arith.constant 0 : index
      %swap3A_227 = tpu.vector_load %arg10[%swap3A_225, %swap3A_226] {strides = array<i32>} : memref<127x80xi32, #tpu.memory_space<vmem>>, vector<16xi32>,
      tpu.vector_store %arg10[%swap3A_225, %swap3A_226], %add3A_224 {strides = array<i32>} : memref<127x80xi32, #tpu.memory_space<vmem>>, vector<16xi32>,
      %mul3A_228 = arith.constant 80 : i32
      %mul3A_229 = arith.muli %add3A_213, %mul3A_228 : i32
      %add3A_230 = arith.constant 16 : i32
      %add3A_231 = arith.addi %mul3A_229, %add3A_230 : i32
      %get3A_232 = arith.index_cast %add3A_231 : i32 to index
      %get3A_233 = tpu.vector_load %arg7[%get3A_232] {strides = array<i32>} : memref<10096xi32, #tpu.memory_space<vmem>>, vector<16xi32>,
      %mul3A_234 = arith.constant 2 : i32
      %mul3A_235 = vector.broadcast %mul3A_234 : i32 to vector<16xi32>
      %mul3A_236 = arith.muli %get3A_233, %mul3A_235 : vector<16xi32>
      %add3A_237 = arith.constant 0 : i32
      %add3A_238 = vector.broadcast %add3A_237 : i32 to vector<16xi32>
      %add3A_239 = arith.addi %mul3A_236, %add3A_238 : vector<16xi32>
      %swap3A_240 = arith.index_cast %add3A_213 : i32 to index
      %swap3A_241 = arith.constant 16 : index
      %swap3A_242 = tpu.vector_load %arg10[%swap3A_240, %swap3A_241] {strides = array<i32>} : memref<127x80xi32, #tpu.memory_space<vmem>>, vector<16xi32>,
      tpu.vector_store %arg10[%swap3A_240, %swap3A_241], %add3A_239 {strides = array<i32>} : memref<127x80xi32, #tpu.memory_space<vmem>>, vector<16xi32>,
      %mul3A_243 = arith.constant 80 : i32
      %mul3A_244 = arith.muli %add3A_213, %mul3A_243 : i32
      %add3A_245 = arith.constant 32 : i32
      %add3A_246 = arith.addi %mul3A_244, %add3A_245 : i32
      %get3A_247 = arith.index_cast %add3A_246 : i32 to index
      %get3A_248 = tpu.vector_load %arg7[%get3A_247] {strides = array<i32>} : memref<10096xi32, #tpu.memory_space<vmem>>, vector<16xi32>,
      %mul3A_249 = arith.constant 2 : i32
      %mul3A_250 = vector.broadcast %mul3A_249 : i32 to vector<16xi32>
      %mul3A_251 = arith.muli %get3A_248, %mul3A_250 : vector<16xi32>
      %add3A_252 = arith.constant 0 : i32
      %add3A_253 = vector.broadcast %add3A_252 : i32 to vector<16xi32>
      %add3A_254 = arith.addi %mul3A_251, %add3A_253 : vector<16xi32>
      %swap3A_255 = arith.index_cast %add3A_213 : i32 to index
      %swap3A_256 = arith.constant 32 : index
      %swap3A_257 = tpu.vector_load %arg10[%swap3A_255, %swap3A_256] {strides = array<i32>} : memref<127x80xi32, #tpu.memory_space<vmem>>, vector<16xi32>,
      tpu.vector_store %arg10[%swap3A_255, %swap3A_256], %add3A_254 {strides = array<i32>} : memref<127x80xi32, #tpu.memory_space<vmem>>, vector<16xi32>,
      %mul3A_258 = arith.constant 80 : i32
      %mul3A_259 = arith.muli %add3A_213, %mul3A_258 : i32
      %add3A_260 = arith.constant 48 : i32
      %add3A_261 = arith.addi %mul3A_259, %add3A_260 : i32
      %get3A_262 = arith.index_cast %add3A_261 : i32 to index
      %get3A_263 = tpu.vector_load %arg7[%get3A_262] {strides = array<i32>} : memref<10096xi32, #tpu.memory_space<vmem>>, vector<16xi32>,
      %mul3A_264 = arith.constant 2 : i32
      %mul3A_265 = vector.broadcast %mul3A_264 : i32 to vector<16xi32>
      %mul3A_266 = arith.muli %get3A_263, %mul3A_265 : vector<16xi32>
      %add3A_267 = arith.constant 0 : i32
      %add3A_268 = vector.broadcast %add3A_267 : i32 to vector<16xi32>
      %add3A_269 = arith.addi %mul3A_266, %add3A_268 : vector<16xi32>
      %swap3A_270 = arith.index_cast %add3A_213 : i32 to index
      %swap3A_271 = arith.constant 48 : index
      %swap3A_272 = tpu.vector_load %arg10[%swap3A_270, %swap3A_271] {strides = array<i32>} : memref<127x80xi32, #tpu.memory_space<vmem>>, vector<16xi32>,
      tpu.vector_store %arg10[%swap3A_270, %swap3A_271], %add3A_269 {strides = array<i32>} : memref<127x80xi32, #tpu.memory_space<vmem>>, vector<16xi32>,
      %mul3A_273 = arith.constant 80 : i32
      %mul3A_274 = arith.muli %add3A_213, %mul3A_273 : i32
      %add3A_275 = arith.constant 64 : i32
      %add3A_276 = arith.addi %mul3A_274, %add3A_275 : i32
      %get3A_277 = arith.index_cast %add3A_276 : i32 to index
      %get3A_278 = tpu.vector_load %arg7[%get3A_277] {strides = array<i32>} : memref<10096xi32, #tpu.memory_space<vmem>>, vector<16xi32>,
      %mul3A_279 = arith.constant 2 : i32
      %mul3A_280 = vector.broadcast %mul3A_279 : i32 to vector<16xi32>
      %mul3A_281 = arith.muli %get3A_278, %mul3A_280 : vector<16xi32>
      %add3A_282 = arith.constant 0 : i32
      %add3A_283 = vector.broadcast %add3A_282 : i32 to vector<16xi32>
      %add3A_284 = arith.addi %mul3A_281, %add3A_283 : vector<16xi32>
      %swap3A_285 = arith.index_cast %add3A_213 : i32 to index
      %swap3A_286 = arith.constant 64 : index
      %swap3A_287 = tpu.vector_load %arg10[%swap3A_285, %swap3A_286] {strides = array<i32>} : memref<127x80xi32, #tpu.memory_space<vmem>>, vector<16xi32>,
      tpu.vector_store %arg10[%swap3A_285, %swap3A_286], %add3A_284 {strides = array<i32>} : memref<127x80xi32, #tpu.memory_space<vmem>>, vector<16xi32>,
    }
    %sub3A_132 = arith.constant 0 : i32
    %sub3A_133 = arith.subi %mul3A_94, %sub3A_132 : i32
    %sub3A_134 = arith.constant 1 : i32
    %sub3A_135 = arith.constant 1 : i32
    %sub3A_136 = arith.subi %sub3A_134, %sub3A_135 : i32
    %add3A_137 = arith.addi %sub3A_133, %sub3A_136 : i32
    %div3A_138 = arith.constant 1 : i32
    %div3A_139 = arith.divsi %add3A_137, %div3A_138 : i32
    %while3A_140 = arith.constant 1 : i32
    %while3A_141 = arith.constant 0 : i32
    %while3A_142 = arith.constant 0 : i32
    %while3A_143 = arith.subi %div3A_139, %while3A_142 : i32
    %while3A_144 = arith.addi %while3A_142, %while3A_143 : i32
    %while3A_145 = arith.constant 1 : i32
    %while3A_146 = arith.divsi %while3A_143, %while3A_145 : i32
    %while3A_147 = arith.muli %while3A_146, %while3A_145 : i32
    %while3A_148 = arith.addi %while3A_142, %while3A_147 : i32
    %while3A_149 = arith.constant 1 : i32
    scf.for %while3A_211 = %while3A_142 to %while3A_148 step %while3A_149  : i32 {
      %mul3A_212 = arith.muli %while3A_211, %while3A_140 : i32
      %add3A_213 = arith.addi %while3A_141, %mul3A_212 : i32
      "tpu.region"() ({
        %run_scoped3A = tpu.sem_alloc : memref<!tpu.dma_semaphore, #tpu.memory_space<semaphore_mem>>
        %dma_start3A = arith.constant 0 : i32
        %dma_start3A_214 = tpu.memref_slice %arg10[%add3A_213, %dma_start3A] : memref<127x80xi32, #tpu.memory_space<vmem>> -> memref<1x80xi32, #tpu.memory_space<vmem>>
        %dma_start3A_215 = tpu.memref_squeeze %dma_start3A_214 : memref<1x80xi32, #tpu.memory_space<vmem>> -> memref<80xi32, #tpu.memory_space<vmem>>
        %dma_start3A_216 = arith.constant 0 : i32
        %dma_start3A_217 = arith.constant 0 : i32
        %dma_start3A_218 = tpu.memref_slice %arg2[%dma_start3A_216, %dma_start3A_217] : memref<20000x128xf32, #tpu.memory_space<hbm>> -> memref<20000x128xf32, #tpu.memory_space<hbm>>
        tpu.enqueue_indirect_dma source(%dma_start3A_218 : memref<20000x128xf32, #tpu.memory_space<hbm>>) target(%arg11 : memref<80x128xf32, #tpu.memory_space<vmem>>) offsets(%dma_start3A_215 : memref<80xi32, #tpu.memory_space<vmem>>) semaphore(%run_scoped3A : memref<!tpu.dma_semaphore, #tpu.memory_space<semaphore_mem>>)
        %dma_wait3A = arith.constant 0 : i32
        %dma_wait3A_219 = tpu.memref_slice %arg10[%add3A_213, %dma_wait3A] : memref<127x80xi32, #tpu.memory_space<vmem>> -> memref<1x80xi32, #tpu.memory_space<vmem>>
        %dma_wait3A_220 = tpu.memref_squeeze %dma_wait3A_219 : memref<1x80xi32, #tpu.memory_space<vmem>> -> memref<80xi32, #tpu.memory_space<vmem>>
        %dma_wait3A_221 = arith.constant 0 : i32
        %dma_wait3A_222 = arith.constant 0 : i32
        %dma_wait3A_223 = tpu.memref_slice %arg2[%dma_wait3A_221, %dma_wait3A_222] : memref<20000x128xf32, #tpu.memory_space<hbm>> -> memref<20000x128xf32, #tpu.memory_space<hbm>>
        tpu.wait_indirect_dma semaphore(%run_scoped3A : memref<!tpu.dma_semaphore, #tpu.memory_space<semaphore_mem>>) src(%dma_wait3A_223 : memref<20000x128xf32, #tpu.memory_space<hbm>>) dst(%arg11 : memref<80x128xf32, #tpu.memory_space<vmem>>)
        tpu.yield
      }) : () -> ()
      "tpu.region"() ({
        %run_scoped3A = tpu.sem_alloc : memref<!tpu.dma_semaphore, #tpu.memory_space<semaphore_mem>>
        %dma_start3A = arith.constant 0 : i32
        %dma_start3A_214 = tpu.memref_slice %arg9[%add3A_213, %dma_start3A] : memref<127x80xi32, #tpu.memory_space<vmem>> -> memref<1x80xi32, #tpu.memory_space<vmem>>
        %dma_start3A_215 = tpu.memref_squeeze %dma_start3A_214 : memref<1x80xi32, #tpu.memory_space<vmem>> -> memref<80xi32, #tpu.memory_space<vmem>>
        %dma_start3A_216 = arith.constant 0 : i32
        %dma_start3A_217 = arith.constant 0 : i32
        %dma_start3A_218 = tpu.memref_slice %arg12[%dma_start3A_216, %dma_start3A_217] : memref<5248x128xf32, #tpu.memory_space<vmem_shared>> -> memref<5248x128xf32, #tpu.memory_space<vmem_shared>>
        tpu.enqueue_indirect_dma source(%arg11 : memref<80x128xf32, #tpu.memory_space<vmem>>) target(%dma_start3A_218 : memref<5248x128xf32, #tpu.memory_space<vmem_shared>>) offsets(%dma_start3A_215 : memref<80xi32, #tpu.memory_space<vmem>>) semaphore(%run_scoped3A : memref<!tpu.dma_semaphore, #tpu.memory_space<semaphore_mem>>) {add = true}
        %dma_wait3A = arith.constant 0 : i32
        %dma_wait3A_219 = tpu.memref_slice %arg9[%add3A_213, %dma_wait3A] : memref<127x80xi32, #tpu.memory_space<vmem>> -> memref<1x80xi32, #tpu.memory_space<vmem>>
        %dma_wait3A_220 = tpu.memref_squeeze %dma_wait3A_219 : memref<1x80xi32, #tpu.memory_space<vmem>> -> memref<80xi32, #tpu.memory_space<vmem>>
        %dma_wait3A_221 = arith.constant 0 : i32
        %dma_wait3A_222 = arith.constant 0 : i32
        %dma_wait3A_223 = tpu.memref_slice %arg12[%dma_wait3A_221, %dma_wait3A_222] : memref<5248x128xf32, #tpu.memory_space<vmem_shared>> -> memref<5248x128xf32, #tpu.memory_space<vmem_shared>>
        tpu.wait_indirect_dma semaphore(%run_scoped3A : memref<!tpu.dma_semaphore, #tpu.memory_space<semaphore_mem>>) src(%arg11 : memref<80x128xf32, #tpu.memory_space<vmem>>) dst(%dma_wait3A_223 : memref<5248x128xf32, #tpu.memory_space<vmem_shared>>)
        tpu.yield
      }) : () -> ()
    }
    %while3A_150 = arith.constant 1 : i32
    scf.for %while3A_211 = %while3A_148 to %while3A_144 step %while3A_150  : i32 {
      %mul3A_212 = arith.muli %while3A_211, %while3A_140 : i32
      %add3A_213 = arith.addi %while3A_141, %mul3A_212 : i32
      "tpu.region"() ({
        %run_scoped3A = tpu.sem_alloc : memref<!tpu.dma_semaphore, #tpu.memory_space<semaphore_mem>>
        %dma_start3A = arith.constant 0 : i32
        %dma_start3A_214 = tpu.memref_slice %arg10[%add3A_213, %dma_start3A] : memref<127x80xi32, #tpu.memory_space<vmem>> -> memref<1x80xi32, #tpu.memory_space<vmem>>
        %dma_start3A_215 = tpu.memref_squeeze %dma_start3A_214 : memref<1x80xi32, #tpu.memory_space<vmem>> -> memref<80xi32, #tpu.memory_space<vmem>>
        %dma_start3A_216 = arith.constant 0 : i32
        %dma_start3A_217 = arith.constant 0 : i32
        %dma_start3A_218 = tpu.memref_slice %arg2[%dma_start3A_216, %dma_start3A_217] : memref<20000x128xf32, #tpu.memory_space<hbm>> -> memref<20000x128xf32, #tpu.memory_space<hbm>>
        tpu.enqueue_indirect_dma source(%dma_start3A_218 : memref<20000x128xf32, #tpu.memory_space<hbm>>) target(%arg11 : memref<80x128xf32, #tpu.memory_space<vmem>>) offsets(%dma_start3A_215 : memref<80xi32, #tpu.memory_space<vmem>>) semaphore(%run_scoped3A : memref<!tpu.dma_semaphore, #tpu.memory_space<semaphore_mem>>)
        %dma_wait3A = arith.constant 0 : i32
        %dma_wait3A_219 = tpu.memref_slice %arg10[%add3A_213, %dma_wait3A] : memref<127x80xi32, #tpu.memory_space<vmem>> -> memref<1x80xi32, #tpu.memory_space<vmem>>
        %dma_wait3A_220 = tpu.memref_squeeze %dma_wait3A_219 : memref<1x80xi32, #tpu.memory_space<vmem>> -> memref<80xi32, #tpu.memory_space<vmem>>
        %dma_wait3A_221 = arith.constant 0 : i32
        %dma_wait3A_222 = arith.constant 0 : i32
        %dma_wait3A_223 = tpu.memref_slice %arg2[%dma_wait3A_221, %dma_wait3A_222] : memref<20000x128xf32, #tpu.memory_space<hbm>> -> memref<20000x128xf32, #tpu.memory_space<hbm>>
        tpu.wait_indirect_dma semaphore(%run_scoped3A : memref<!tpu.dma_semaphore, #tpu.memory_space<semaphore_mem>>) src(%dma_wait3A_223 : memref<20000x128xf32, #tpu.memory_space<hbm>>) dst(%arg11 : memref<80x128xf32, #tpu.memory_space<vmem>>)
        tpu.yield
      }) : () -> ()
      "tpu.region"() ({
        %run_scoped3A = tpu.sem_alloc : memref<!tpu.dma_semaphore, #tpu.memory_space<semaphore_mem>>
        %dma_start3A = arith.constant 0 : i32
        %dma_start3A_214 = tpu.memref_slice %arg9[%add3A_213, %dma_start3A] : memref<127x80xi32, #tpu.memory_space<vmem>> -> memref<1x80xi32, #tpu.memory_space<vmem>>
        %dma_start3A_215 = tpu.memref_squeeze %dma_start3A_214 : memref<1x80xi32, #tpu.memory_space<vmem>> -> memref<80xi32, #tpu.memory_space<vmem>>
        %dma_start3A_216 = arith.constant 0 : i32
        %dma_start3A_217 = arith.constant 0 : i32
        %dma_start3A_218 = tpu.memref_slice %arg12[%dma_start3A_216, %dma_start3A_217] : memref<5248x128xf32, #tpu.memory_space<vmem_shared>> -> memref<5248x128xf32, #tpu.memory_space<vmem_shared>>
        tpu.enqueue_indirect_dma source(%arg11 : memref<80x128xf32, #tpu.memory_space<vmem>>) target(%dma_start3A_218 : memref<5248x128xf32, #tpu.memory_space<vmem_shared>>) offsets(%dma_start3A_215 : memref<80xi32, #tpu.memory_space<vmem>>) semaphore(%run_scoped3A : memref<!tpu.dma_semaphore, #tpu.memory_space<semaphore_mem>>) {add = true}
        %dma_wait3A = arith.constant 0 : i32
        %dma_wait3A_219 = tpu.memref_slice %arg9[%add3A_213, %dma_wait3A] : memref<127x80xi32, #tpu.memory_space<vmem>> -> memref<1x80xi32, #tpu.memory_space<vmem>>
        %dma_wait3A_220 = tpu.memref_squeeze %dma_wait3A_219 : memref<1x80xi32, #tpu.memory_space<vmem>> -> memref<80xi32, #tpu.memory_space<vmem>>
        %dma_wait3A_221 = arith.constant 0 : i32
        %dma_wait3A_222 = arith.constant 0 : i32
        %dma_wait3A_223 = tpu.memref_slice %arg12[%dma_wait3A_221, %dma_wait3A_222] : memref<5248x128xf32, #tpu.memory_space<vmem_shared>> -> memref<5248x128xf32, #tpu.memory_space<vmem_shared>>
        tpu.wait_indirect_dma semaphore(%run_scoped3A : memref<!tpu.dma_semaphore, #tpu.memory_space<semaphore_mem>>) src(%arg11 : memref<80x128xf32, #tpu.memory_space<vmem>>) dst(%dma_wait3A_223 : memref<5248x128xf32, #tpu.memory_space<vmem_shared>>)
        tpu.yield
      }) : () -> ()
    }
    %barrier3A_151 = arith.constant 0 : index
    tpu.barrier barrier_id(%barrier3A_151)
    %mul3A_152 = arith.constant 320 : i32
    %mul3A_153 = arith.muli %arg1, %mul3A_152 : i32
    %mul3A_154 = arith.constant 5120 : i32
    %mul3A_155 = arith.muli %arg0, %mul3A_154 : i32
    %add3A_156 = arith.constant 0 : i32
    %add3A_157 = arith.addi %add3A_156, %mul3A_155 : i32
    %mul3A_158 = arith.constant 320 : i32
    %mul3A_159 = arith.muli %arg1, %mul3A_158 : i32
    %add3A_160 = arith.addi %add3A_157, %mul3A_159 : i32
    "tpu.region"() ({
      %run_scoped3A = tpu.sem_alloc : memref<!tpu.dma_semaphore, #tpu.memory_space<semaphore_mem>>
      %dma_start3A = arith.constant 0 : i32
      %dma_start3A_211 = tpu.memref_slice %arg6[%add3A_160, %dma_start3A] : memref<20480x128xf32, #tpu.memory_space<hbm>> -> memref<320x128xf32, #tpu.memory_space<hbm>>
      %dma_start3A_212 = arith.constant 0 : i32
      %dma_start3A_213 = tpu.memref_slice %arg12[%mul3A_153, %dma_start3A_212] : memref<5248x128xf32, #tpu.memory_space<vmem_shared>> -> memref<320x128xf32, #tpu.memory_space<vmem_shared>>
      tpu.enqueue_dma source(%dma_start3A_213 : memref<320x128xf32, #tpu.memory_space<vmem_shared>>) target(%dma_start3A_211 : memref<320x128xf32, #tpu.memory_space<hbm>>) target_semaphore(%run_scoped3A : memref<!tpu.dma_semaphore, #tpu.memory_space<semaphore_mem>>)
      %dma_wait3A = arith.constant 0 : i32
      %dma_wait3A_214 = tpu.memref_slice %arg6[%add3A_160, %dma_wait3A] : memref<20480x128xf32, #tpu.memory_space<hbm>> -> memref<320x128xf32, #tpu.memory_space<hbm>>
      %dma_wait3A_215 = arith.constant 0 : i32
      %dma_wait3A_216 = tpu.memref_slice %arg12[%mul3A_153, %dma_wait3A_215] : memref<5248x128xf32, #tpu.memory_space<vmem_shared>> -> memref<320x128xf32, #tpu.memory_space<vmem_shared>>
      tpu.wait_dma2 semaphore(%run_scoped3A : memref<!tpu.dma_semaphore, #tpu.memory_space<semaphore_mem>>) src(%dma_wait3A_216 : memref<320x128xf32, #tpu.memory_space<vmem_shared>>) dst(%dma_wait3A_214 : memref<320x128xf32, #tpu.memory_space<hbm>>)
      tpu.yield
    }) : () -> ()
    %barrier3A_161 = arith.constant 0 : index
    tpu.barrier barrier_id(%barrier3A_161)
    "tpu.region"() ({
      %run_scoped3A = tpu.sem_alloc : memref<!tpu.dma_semaphore, #tpu.memory_space<semaphore_mem>>
      %dma_start3A = arith.constant 0 : i32
      %dma_start3A_211 = tpu.memref_slice %arg12[%mul3A_0, %dma_start3A] : memref<5248x128xf32, #tpu.memory_space<vmem_shared>> -> memref<328x128xf32, #tpu.memory_space<vmem_shared>>
      %dma_start3A_212 = arith.constant 0 : i32
      %dma_start3A_213 = tpu.memref_slice %arg5[%mul3A_0, %dma_start3A_212] : memref<5248x128xf32, #tpu.memory_space<hbm>> -> memref<328x128xf32, #tpu.memory_space<hbm>>
      tpu.enqueue_dma source(%dma_start3A_213 : memref<328x128xf32, #tpu.memory_space<hbm>>) target(%dma_start3A_211 : memref<328x128xf32, #tpu.memory_space<vmem_shared>>) target_semaphore(%run_scoped3A : memref<!tpu.dma_semaphore, #tpu.memory_space<semaphore_mem>>)
      %dma_wait3A = arith.constant 0 : i32
      %dma_wait3A_214 = tpu.memref_slice %arg12[%mul3A_0, %dma_wait3A] : memref<5248x128xf32, #tpu.memory_space<vmem_shared>> -> memref<328x128xf32, #tpu.memory_space<vmem_shared>>
      %dma_wait3A_215 = arith.constant 0 : i32
      %dma_wait3A_216 = tpu.memref_slice %arg5[%mul3A_0, %dma_wait3A_215] : memref<5248x128xf32, #tpu.memory_space<hbm>> -> memref<328x128xf32, #tpu.memory_space<hbm>>
      tpu.wait_dma2 semaphore(%run_scoped3A : memref<!tpu.dma_semaphore, #tpu.memory_space<semaphore_mem>>) src(%dma_wait3A_216 : memref<328x128xf32, #tpu.memory_space<hbm>>) dst(%dma_wait3A_214 : memref<328x128xf32, #tpu.memory_space<vmem_shared>>)
      tpu.yield
    }) : () -> ()
    %barrier3A_162 = arith.constant 0 : index
    tpu.barrier barrier_id(%barrier3A_162)
    %sub3A_163 = arith.constant 0 : i32
    %sub3A_164 = arith.subi %mul3A_94, %sub3A_163 : i32
    %sub3A_165 = arith.constant 1 : i32
    %sub3A_166 = arith.constant 1 : i32
    %sub3A_167 = arith.subi %sub3A_165, %sub3A_166 : i32
    %add3A_168 = arith.addi %sub3A_164, %sub3A_167 : i32
    %div3A_169 = arith.constant 1 : i32
    %div3A_170 = arith.divsi %add3A_168, %div3A_169 : i32
    %while3A_171 = arith.constant 1 : i32
    %while3A_172 = arith.constant 0 : i32
    %while3A_173 = arith.constant 0 : i32
    %while3A_174 = arith.subi %div3A_170, %while3A_173 : i32
    %while3A_175 = arith.addi %while3A_173, %while3A_174 : i32
    %while3A_176 = arith.constant 1 : i32
    %while3A_177 = arith.divsi %while3A_174, %while3A_176 : i32
    %while3A_178 = arith.muli %while3A_177, %while3A_176 : i32
    %while3A_179 = arith.addi %while3A_173, %while3A_178 : i32
    %while3A_180 = arith.constant 1 : i32
    scf.for %while3A_211 = %while3A_173 to %while3A_179 step %while3A_180  : i32 {
      %mul3A_212 = arith.muli %while3A_211, %while3A_171 : i32
      %add3A_213 = arith.addi %while3A_172, %mul3A_212 : i32
      %mul3A_214 = arith.constant 80 : i32
      %mul3A_215 = arith.muli %add3A_213, %mul3A_214 : i32
      %add3A_216 = arith.constant 0 : i32
      %add3A_217 = arith.addi %mul3A_215, %add3A_216 : i32
      %get3A = arith.index_cast %add3A_217 : i32 to index
      %get3A_218 = tpu.vector_load %arg7[%get3A] {strides = array<i32>} : memref<10096xi32, #tpu.memory_space<vmem>>, vector<16xi32>,
      %mul3A_219 = arith.constant 2 : i32
      %mul3A_220 = vector.broadcast %mul3A_219 : i32 to vector<16xi32>
      %mul3A_221 = arith.muli %get3A_218, %mul3A_220 : vector<16xi32>
      %add3A_222 = arith.constant 1 : i32
      %add3A_223 = vector.broadcast %add3A_222 : i32 to vector<16xi32>
      %add3A_224 = arith.addi %mul3A_221, %add3A_223 : vector<16xi32>
      %swap3A_225 = arith.index_cast %add3A_213 : i32 to index
      %swap3A_226 = arith.constant 0 : index
      %swap3A_227 = tpu.vector_load %arg10[%swap3A_225, %swap3A_226] {strides = array<i32>} : memref<127x80xi32, #tpu.memory_space<vmem>>, vector<16xi32>,
      tpu.vector_store %arg10[%swap3A_225, %swap3A_226], %add3A_224 {strides = array<i32>} : memref<127x80xi32, #tpu.memory_space<vmem>>, vector<16xi32>,
      %mul3A_228 = arith.constant 80 : i32
      %mul3A_229 = arith.muli %add3A_213, %mul3A_228 : i32
      %add3A_230 = arith.constant 16 : i32
      %add3A_231 = arith.addi %mul3A_229, %add3A_230 : i32
      %get3A_232 = arith.index_cast %add3A_231 : i32 to index
      %get3A_233 = tpu.vector_load %arg7[%get3A_232] {strides = array<i32>} : memref<10096xi32, #tpu.memory_space<vmem>>, vector<16xi32>,
      %mul3A_234 = arith.constant 2 : i32
      %mul3A_235 = vector.broadcast %mul3A_234 : i32 to vector<16xi32>
      %mul3A_236 = arith.muli %get3A_233, %mul3A_235 : vector<16xi32>
      %add3A_237 = arith.constant 1 : i32
      %add3A_238 = vector.broadcast %add3A_237 : i32 to vector<16xi32>
      %add3A_239 = arith.addi %mul3A_236, %add3A_238 : vector<16xi32>
      %swap3A_240 = arith.index_cast %add3A_213 : i32 to index
      %swap3A_241 = arith.constant 16 : index
      %swap3A_242 = tpu.vector_load %arg10[%swap3A_240, %swap3A_241] {strides = array<i32>} : memref<127x80xi32, #tpu.memory_space<vmem>>, vector<16xi32>,
      tpu.vector_store %arg10[%swap3A_240, %swap3A_241], %add3A_239 {strides = array<i32>} : memref<127x80xi32, #tpu.memory_space<vmem>>, vector<16xi32>,
      %mul3A_243 = arith.constant 80 : i32
      %mul3A_244 = arith.muli %add3A_213, %mul3A_243 : i32
      %add3A_245 = arith.constant 32 : i32
      %add3A_246 = arith.addi %mul3A_244, %add3A_245 : i32
      %get3A_247 = arith.index_cast %add3A_246 : i32 to index
      %get3A_248 = tpu.vector_load %arg7[%get3A_247] {strides = array<i32>} : memref<10096xi32, #tpu.memory_space<vmem>>, vector<16xi32>,
      %mul3A_249 = arith.constant 2 : i32
      %mul3A_250 = vector.broadcast %mul3A_249 : i32 to vector<16xi32>
      %mul3A_251 = arith.muli %get3A_248, %mul3A_250 : vector<16xi32>
      %add3A_252 = arith.constant 1 : i32
      %add3A_253 = vector.broadcast %add3A_252 : i32 to vector<16xi32>
      %add3A_254 = arith.addi %mul3A_251, %add3A_253 : vector<16xi32>
      %swap3A_255 = arith.index_cast %add3A_213 : i32 to index
      %swap3A_256 = arith.constant 32 : index
      %swap3A_257 = tpu.vector_load %arg10[%swap3A_255, %swap3A_256] {strides = array<i32>} : memref<127x80xi32, #tpu.memory_space<vmem>>, vector<16xi32>,
      tpu.vector_store %arg10[%swap3A_255, %swap3A_256], %add3A_254 {strides = array<i32>} : memref<127x80xi32, #tpu.memory_space<vmem>>, vector<16xi32>,
      %mul3A_258 = arith.constant 80 : i32
      %mul3A_259 = arith.muli %add3A_213, %mul3A_258 : i32
      %add3A_260 = arith.constant 48 : i32
      %add3A_261 = arith.addi %mul3A_259, %add3A_260 : i32
      %get3A_262 = arith.index_cast %add3A_261 : i32 to index
      %get3A_263 = tpu.vector_load %arg7[%get3A_262] {strides = array<i32>} : memref<10096xi32, #tpu.memory_space<vmem>>, vector<16xi32>,
      %mul3A_264 = arith.constant 2 : i32
      %mul3A_265 = vector.broadcast %mul3A_264 : i32 to vector<16xi32>
      %mul3A_266 = arith.muli %get3A_263, %mul3A_265 : vector<16xi32>
      %add3A_267 = arith.constant 1 : i32
      %add3A_268 = vector.broadcast %add3A_267 : i32 to vector<16xi32>
      %add3A_269 = arith.addi %mul3A_266, %add3A_268 : vector<16xi32>
      %swap3A_270 = arith.index_cast %add3A_213 : i32 to index
      %swap3A_271 = arith.constant 48 : index
      %swap3A_272 = tpu.vector_load %arg10[%swap3A_270, %swap3A_271] {strides = array<i32>} : memref<127x80xi32, #tpu.memory_space<vmem>>, vector<16xi32>,
      tpu.vector_store %arg10[%swap3A_270, %swap3A_271], %add3A_269 {strides = array<i32>} : memref<127x80xi32, #tpu.memory_space<vmem>>, vector<16xi32>,
      %mul3A_273 = arith.constant 80 : i32
      %mul3A_274 = arith.muli %add3A_213, %mul3A_273 : i32
      %add3A_275 = arith.constant 64 : i32
      %add3A_276 = arith.addi %mul3A_274, %add3A_275 : i32
      %get3A_277 = arith.index_cast %add3A_276 : i32 to index
      %get3A_278 = tpu.vector_load %arg7[%get3A_277] {strides = array<i32>} : memref<10096xi32, #tpu.memory_space<vmem>>, vector<16xi32>,
      %mul3A_279 = arith.constant 2 : i32
      %mul3A_280 = vector.broadcast %mul3A_279 : i32 to vector<16xi32>
      %mul3A_281 = arith.muli %get3A_278, %mul3A_280 : vector<16xi32>
      %add3A_282 = arith.constant 1 : i32
      %add3A_283 = vector.broadcast %add3A_282 : i32 to vector<16xi32>
      %add3A_284 = arith.addi %mul3A_281, %add3A_283 : vector<16xi32>
      %swap3A_285 = arith.index_cast %add3A_213 : i32 to index
      %swap3A_286 = arith.constant 64 : index
      %swap3A_287 = tpu.vector_load %arg10[%swap3A_285, %swap3A_286] {strides = array<i32>} : memref<127x80xi32, #tpu.memory_space<vmem>>, vector<16xi32>,
      tpu.vector_store %arg10[%swap3A_285, %swap3A_286], %add3A_284 {strides = array<i32>} : memref<127x80xi32, #tpu.memory_space<vmem>>, vector<16xi32>,
    }
    %while3A_181 = arith.constant 1 : i32
    scf.for %while3A_211 = %while3A_179 to %while3A_175 step %while3A_181  : i32 {
      %mul3A_212 = arith.muli %while3A_211, %while3A_171 : i32
      %add3A_213 = arith.addi %while3A_172, %mul3A_212 : i32
      %mul3A_214 = arith.constant 80 : i32
      %mul3A_215 = arith.muli %add3A_213, %mul3A_214 : i32
      %add3A_216 = arith.constant 0 : i32
      %add3A_217 = arith.addi %mul3A_215, %add3A_216 : i32
      %get3A = arith.index_cast %add3A_217 : i32 to index
      %get3A_218 = tpu.vector_load %arg7[%get3A] {strides = array<i32>} : memref<10096xi32, #tpu.memory_space<vmem>>, vector<16xi32>,
      %mul3A_219 = arith.constant 2 : i32
      %mul3A_220 = vector.broadcast %mul3A_219 : i32 to vector<16xi32>
      %mul3A_221 = arith.muli %get3A_218, %mul3A_220 : vector<16xi32>
      %add3A_222 = arith.constant 1 : i32
      %add3A_223 = vector.broadcast %add3A_222 : i32 to vector<16xi32>
      %add3A_224 = arith.addi %mul3A_221, %add3A_223 : vector<16xi32>
      %swap3A_225 = arith.index_cast %add3A_213 : i32 to index
      %swap3A_226 = arith.constant 0 : index
      %swap3A_227 = tpu.vector_load %arg10[%swap3A_225, %swap3A_226] {strides = array<i32>} : memref<127x80xi32, #tpu.memory_space<vmem>>, vector<16xi32>,
      tpu.vector_store %arg10[%swap3A_225, %swap3A_226], %add3A_224 {strides = array<i32>} : memref<127x80xi32, #tpu.memory_space<vmem>>, vector<16xi32>,
      %mul3A_228 = arith.constant 80 : i32
      %mul3A_229 = arith.muli %add3A_213, %mul3A_228 : i32
      %add3A_230 = arith.constant 16 : i32
      %add3A_231 = arith.addi %mul3A_229, %add3A_230 : i32
      %get3A_232 = arith.index_cast %add3A_231 : i32 to index
      %get3A_233 = tpu.vector_load %arg7[%get3A_232] {strides = array<i32>} : memref<10096xi32, #tpu.memory_space<vmem>>, vector<16xi32>,
      %mul3A_234 = arith.constant 2 : i32
      %mul3A_235 = vector.broadcast %mul3A_234 : i32 to vector<16xi32>
      %mul3A_236 = arith.muli %get3A_233, %mul3A_235 : vector<16xi32>
      %add3A_237 = arith.constant 1 : i32
      %add3A_238 = vector.broadcast %add3A_237 : i32 to vector<16xi32>
      %add3A_239 = arith.addi %mul3A_236, %add3A_238 : vector<16xi32>
      %swap3A_240 = arith.index_cast %add3A_213 : i32 to index
      %swap3A_241 = arith.constant 16 : index
      %swap3A_242 = tpu.vector_load %arg10[%swap3A_240, %swap3A_241] {strides = array<i32>} : memref<127x80xi32, #tpu.memory_space<vmem>>, vector<16xi32>,
      tpu.vector_store %arg10[%swap3A_240, %swap3A_241], %add3A_239 {strides = array<i32>} : memref<127x80xi32, #tpu.memory_space<vmem>>, vector<16xi32>,
      %mul3A_243 = arith.constant 80 : i32
      %mul3A_244 = arith.muli %add3A_213, %mul3A_243 : i32
      %add3A_245 = arith.constant 32 : i32
      %add3A_246 = arith.addi %mul3A_244, %add3A_245 : i32
      %get3A_247 = arith.index_cast %add3A_246 : i32 to index
      %get3A_248 = tpu.vector_load %arg7[%get3A_247] {strides = array<i32>} : memref<10096xi32, #tpu.memory_space<vmem>>, vector<16xi32>,
      %mul3A_249 = arith.constant 2 : i32
      %mul3A_250 = vector.broadcast %mul3A_249 : i32 to vector<16xi32>
      %mul3A_251 = arith.muli %get3A_248, %mul3A_250 : vector<16xi32>
      %add3A_252 = arith.constant 1 : i32
      %add3A_253 = vector.broadcast %add3A_252 : i32 to vector<16xi32>
      %add3A_254 = arith.addi %mul3A_251, %add3A_253 : vector<16xi32>
      %swap3A_255 = arith.index_cast %add3A_213 : i32 to index
      %swap3A_256 = arith.constant 32 : index
      %swap3A_257 = tpu.vector_load %arg10[%swap3A_255, %swap3A_256] {strides = array<i32>} : memref<127x80xi32, #tpu.memory_space<vmem>>, vector<16xi32>,
      tpu.vector_store %arg10[%swap3A_255, %swap3A_256], %add3A_254 {strides = array<i32>} : memref<127x80xi32, #tpu.memory_space<vmem>>, vector<16xi32>,
      %mul3A_258 = arith.constant 80 : i32
      %mul3A_259 = arith.muli %add3A_213, %mul3A_258 : i32
      %add3A_260 = arith.constant 48 : i32
      %add3A_261 = arith.addi %mul3A_259, %add3A_260 : i32
      %get3A_262 = arith.index_cast %add3A_261 : i32 to index
      %get3A_263 = tpu.vector_load %arg7[%get3A_262] {strides = array<i32>} : memref<10096xi32, #tpu.memory_space<vmem>>, vector<16xi32>,
      %mul3A_264 = arith.constant 2 : i32
      %mul3A_265 = vector.broadcast %mul3A_264 : i32 to vector<16xi32>
      %mul3A_266 = arith.muli %get3A_263, %mul3A_265 : vector<16xi32>
      %add3A_267 = arith.constant 1 : i32
      %add3A_268 = vector.broadcast %add3A_267 : i32 to vector<16xi32>
      %add3A_269 = arith.addi %mul3A_266, %add3A_268 : vector<16xi32>
      %swap3A_270 = arith.index_cast %add3A_213 : i32 to index
      %swap3A_271 = arith.constant 48 : index
      %swap3A_272 = tpu.vector_load %arg10[%swap3A_270, %swap3A_271] {strides = array<i32>} : memref<127x80xi32, #tpu.memory_space<vmem>>, vector<16xi32>,
      tpu.vector_store %arg10[%swap3A_270, %swap3A_271], %add3A_269 {strides = array<i32>} : memref<127x80xi32, #tpu.memory_space<vmem>>, vector<16xi32>,
      %mul3A_273 = arith.constant 80 : i32
      %mul3A_274 = arith.muli %add3A_213, %mul3A_273 : i32
      %add3A_275 = arith.constant 64 : i32
      %add3A_276 = arith.addi %mul3A_274, %add3A_275 : i32
      %get3A_277 = arith.index_cast %add3A_276 : i32 to index
      %get3A_278 = tpu.vector_load %arg7[%get3A_277] {strides = array<i32>} : memref<10096xi32, #tpu.memory_space<vmem>>, vector<16xi32>,
      %mul3A_279 = arith.constant 2 : i32
      %mul3A_280 = vector.broadcast %mul3A_279 : i32 to vector<16xi32>
      %mul3A_281 = arith.muli %get3A_278, %mul3A_280 : vector<16xi32>
      %add3A_282 = arith.constant 1 : i32
      %add3A_283 = vector.broadcast %add3A_282 : i32 to vector<16xi32>
      %add3A_284 = arith.addi %mul3A_281, %add3A_283 : vector<16xi32>
      %swap3A_285 = arith.index_cast %add3A_213 : i32 to index
      %swap3A_286 = arith.constant 64 : index
      %swap3A_287 = tpu.vector_load %arg10[%swap3A_285, %swap3A_286] {strides = array<i32>} : memref<127x80xi32, #tpu.memory_space<vmem>>, vector<16xi32>,
      tpu.vector_store %arg10[%swap3A_285, %swap3A_286], %add3A_284 {strides = array<i32>} : memref<127x80xi32, #tpu.memory_space<vmem>>, vector<16xi32>,
    }
    %sub3A_182 = arith.constant 0 : i32
    %sub3A_183 = arith.subi %mul3A_94, %sub3A_182 : i32
    %sub3A_184 = arith.constant 1 : i32
    %sub3A_185 = arith.constant 1 : i32
    %sub3A_186 = arith.subi %sub3A_184, %sub3A_185 : i32
    %add3A_187 = arith.addi %sub3A_183, %sub3A_186 : i32
    %div3A_188 = arith.constant 1 : i32
    %div3A_189 = arith.divsi %add3A_187, %div3A_188 : i32
    %while3A_190 = arith.constant 1 : i32
    %while3A_191 = arith.constant 0 : i32
    %while3A_192 = arith.constant 0 : i32
    %while3A_193 = arith.subi %div3A_189, %while3A_192 : i32
    %while3A_194 = arith.addi %while3A_192, %while3A_193 : i32
    %while3A_195 = arith.constant 1 : i32
    %while3A_196 = arith.divsi %while3A_193, %while3A_195 : i32
    %while3A_197 = arith.muli %while3A_196, %while3A_195 : i32
    %while3A_198 = arith.addi %while3A_192, %while3A_197 : i32
    %while3A_199 = arith.constant 1 : i32
    scf.for %while3A_211 = %while3A_192 to %while3A_198 step %while3A_199  : i32 {
      %mul3A_212 = arith.muli %while3A_211, %while3A_190 : i32
      %add3A_213 = arith.addi %while3A_191, %mul3A_212 : i32
      "tpu.region"() ({
        %run_scoped3A = tpu.sem_alloc : memref<!tpu.dma_semaphore, #tpu.memory_space<semaphore_mem>>
        %dma_start3A = arith.constant 0 : i32
        %dma_start3A_214 = tpu.memref_slice %arg10[%add3A_213, %dma_start3A] : memref<127x80xi32, #tpu.memory_space<vmem>> -> memref<1x80xi32, #tpu.memory_space<vmem>>
        %dma_start3A_215 = tpu.memref_squeeze %dma_start3A_214 : memref<1x80xi32, #tpu.memory_space<vmem>> -> memref<80xi32, #tpu.memory_space<vmem>>
        %dma_start3A_216 = arith.constant 0 : i32
        %dma_start3A_217 = arith.constant 0 : i32
        %dma_start3A_218 = tpu.memref_slice %arg2[%dma_start3A_216, %dma_start3A_217] : memref<20000x128xf32, #tpu.memory_space<hbm>> -> memref<20000x128xf32, #tpu.memory_space<hbm>>
        tpu.enqueue_indirect_dma source(%dma_start3A_218 : memref<20000x128xf32, #tpu.memory_space<hbm>>) target(%arg11 : memref<80x128xf32, #tpu.memory_space<vmem>>) offsets(%dma_start3A_215 : memref<80xi32, #tpu.memory_space<vmem>>) semaphore(%run_scoped3A : memref<!tpu.dma_semaphore, #tpu.memory_space<semaphore_mem>>)
        %dma_wait3A = arith.constant 0 : i32
        %dma_wait3A_219 = tpu.memref_slice %arg10[%add3A_213, %dma_wait3A] : memref<127x80xi32, #tpu.memory_space<vmem>> -> memref<1x80xi32, #tpu.memory_space<vmem>>
        %dma_wait3A_220 = tpu.memref_squeeze %dma_wait3A_219 : memref<1x80xi32, #tpu.memory_space<vmem>> -> memref<80xi32, #tpu.memory_space<vmem>>
        %dma_wait3A_221 = arith.constant 0 : i32
        %dma_wait3A_222 = arith.constant 0 : i32
        %dma_wait3A_223 = tpu.memref_slice %arg2[%dma_wait3A_221, %dma_wait3A_222] : memref<20000x128xf32, #tpu.memory_space<hbm>> -> memref<20000x128xf32, #tpu.memory_space<hbm>>
        tpu.wait_indirect_dma semaphore(%run_scoped3A : memref<!tpu.dma_semaphore, #tpu.memory_space<semaphore_mem>>) src(%dma_wait3A_223 : memref<20000x128xf32, #tpu.memory_space<hbm>>) dst(%arg11 : memref<80x128xf32, #tpu.memory_space<vmem>>)
        tpu.yield
      }) : () -> ()
      "tpu.region"() ({
        %run_scoped3A = tpu.sem_alloc : memref<!tpu.dma_semaphore, #tpu.memory_space<semaphore_mem>>
        %dma_start3A = arith.constant 0 : i32
        %dma_start3A_214 = tpu.memref_slice %arg9[%add3A_213, %dma_start3A] : memref<127x80xi32, #tpu.memory_space<vmem>> -> memref<1x80xi32, #tpu.memory_space<vmem>>
        %dma_start3A_215 = tpu.memref_squeeze %dma_start3A_214 : memref<1x80xi32, #tpu.memory_space<vmem>> -> memref<80xi32, #tpu.memory_space<vmem>>
        %dma_start3A_216 = arith.constant 0 : i32
        %dma_start3A_217 = arith.constant 0 : i32
        %dma_start3A_218 = tpu.memref_slice %arg12[%dma_start3A_216, %dma_start3A_217] : memref<5248x128xf32, #tpu.memory_space<vmem_shared>> -> memref<5248x128xf32, #tpu.memory_space<vmem_shared>>
        tpu.enqueue_indirect_dma source(%arg11 : memref<80x128xf32, #tpu.memory_space<vmem>>) target(%dma_start3A_218 : memref<5248x128xf32, #tpu.memory_space<vmem_shared>>) offsets(%dma_start3A_215 : memref<80xi32, #tpu.memory_space<vmem>>) semaphore(%run_scoped3A : memref<!tpu.dma_semaphore, #tpu.memory_space<semaphore_mem>>) {add = true}
        %dma_wait3A = arith.constant 0 : i32
        %dma_wait3A_219 = tpu.memref_slice %arg9[%add3A_213, %dma_wait3A] : memref<127x80xi32, #tpu.memory_space<vmem>> -> memref<1x80xi32, #tpu.memory_space<vmem>>
        %dma_wait3A_220 = tpu.memref_squeeze %dma_wait3A_219 : memref<1x80xi32, #tpu.memory_space<vmem>> -> memref<80xi32, #tpu.memory_space<vmem>>
        %dma_wait3A_221 = arith.constant 0 : i32
        %dma_wait3A_222 = arith.constant 0 : i32
        %dma_wait3A_223 = tpu.memref_slice %arg12[%dma_wait3A_221, %dma_wait3A_222] : memref<5248x128xf32, #tpu.memory_space<vmem_shared>> -> memref<5248x128xf32, #tpu.memory_space<vmem_shared>>
        tpu.wait_indirect_dma semaphore(%run_scoped3A : memref<!tpu.dma_semaphore, #tpu.memory_space<semaphore_mem>>) src(%arg11 : memref<80x128xf32, #tpu.memory_space<vmem>>) dst(%dma_wait3A_223 : memref<5248x128xf32, #tpu.memory_space<vmem_shared>>)
        tpu.yield
      }) : () -> ()
    }
    %while3A_200 = arith.constant 1 : i32
    scf.for %while3A_211 = %while3A_198 to %while3A_194 step %while3A_200  : i32 {
      %mul3A_212 = arith.muli %while3A_211, %while3A_190 : i32
      %add3A_213 = arith.addi %while3A_191, %mul3A_212 : i32
      "tpu.region"() ({
        %run_scoped3A = tpu.sem_alloc : memref<!tpu.dma_semaphore, #tpu.memory_space<semaphore_mem>>
        %dma_start3A = arith.constant 0 : i32
        %dma_start3A_214 = tpu.memref_slice %arg10[%add3A_213, %dma_start3A] : memref<127x80xi32, #tpu.memory_space<vmem>> -> memref<1x80xi32, #tpu.memory_space<vmem>>
        %dma_start3A_215 = tpu.memref_squeeze %dma_start3A_214 : memref<1x80xi32, #tpu.memory_space<vmem>> -> memref<80xi32, #tpu.memory_space<vmem>>
        %dma_start3A_216 = arith.constant 0 : i32
        %dma_start3A_217 = arith.constant 0 : i32
        %dma_start3A_218 = tpu.memref_slice %arg2[%dma_start3A_216, %dma_start3A_217] : memref<20000x128xf32, #tpu.memory_space<hbm>> -> memref<20000x128xf32, #tpu.memory_space<hbm>>
        tpu.enqueue_indirect_dma source(%dma_start3A_218 : memref<20000x128xf32, #tpu.memory_space<hbm>>) target(%arg11 : memref<80x128xf32, #tpu.memory_space<vmem>>) offsets(%dma_start3A_215 : memref<80xi32, #tpu.memory_space<vmem>>) semaphore(%run_scoped3A : memref<!tpu.dma_semaphore, #tpu.memory_space<semaphore_mem>>)
        %dma_wait3A = arith.constant 0 : i32
        %dma_wait3A_219 = tpu.memref_slice %arg10[%add3A_213, %dma_wait3A] : memref<127x80xi32, #tpu.memory_space<vmem>> -> memref<1x80xi32, #tpu.memory_space<vmem>>
        %dma_wait3A_220 = tpu.memref_squeeze %dma_wait3A_219 : memref<1x80xi32, #tpu.memory_space<vmem>> -> memref<80xi32, #tpu.memory_space<vmem>>
        %dma_wait3A_221 = arith.constant 0 : i32
        %dma_wait3A_222 = arith.constant 0 : i32
        %dma_wait3A_223 = tpu.memref_slice %arg2[%dma_wait3A_221, %dma_wait3A_222] : memref<20000x128xf32, #tpu.memory_space<hbm>> -> memref<20000x128xf32, #tpu.memory_space<hbm>>
        tpu.wait_indirect_dma semaphore(%run_scoped3A : memref<!tpu.dma_semaphore, #tpu.memory_space<semaphore_mem>>) src(%dma_wait3A_223 : memref<20000x128xf32, #tpu.memory_space<hbm>>) dst(%arg11 : memref<80x128xf32, #tpu.memory_space<vmem>>)
        tpu.yield
      }) : () -> ()
      "tpu.region"() ({
        %run_scoped3A = tpu.sem_alloc : memref<!tpu.dma_semaphore, #tpu.memory_space<semaphore_mem>>
        %dma_start3A = arith.constant 0 : i32
        %dma_start3A_214 = tpu.memref_slice %arg9[%add3A_213, %dma_start3A] : memref<127x80xi32, #tpu.memory_space<vmem>> -> memref<1x80xi32, #tpu.memory_space<vmem>>
        %dma_start3A_215 = tpu.memref_squeeze %dma_start3A_214 : memref<1x80xi32, #tpu.memory_space<vmem>> -> memref<80xi32, #tpu.memory_space<vmem>>
        %dma_start3A_216 = arith.constant 0 : i32
        %dma_start3A_217 = arith.constant 0 : i32
        %dma_start3A_218 = tpu.memref_slice %arg12[%dma_start3A_216, %dma_start3A_217] : memref<5248x128xf32, #tpu.memory_space<vmem_shared>> -> memref<5248x128xf32, #tpu.memory_space<vmem_shared>>
        tpu.enqueue_indirect_dma source(%arg11 : memref<80x128xf32, #tpu.memory_space<vmem>>) target(%dma_start3A_218 : memref<5248x128xf32, #tpu.memory_space<vmem_shared>>) offsets(%dma_start3A_215 : memref<80xi32, #tpu.memory_space<vmem>>) semaphore(%run_scoped3A : memref<!tpu.dma_semaphore, #tpu.memory_space<semaphore_mem>>) {add = true}
        %dma_wait3A = arith.constant 0 : i32
        %dma_wait3A_219 = tpu.memref_slice %arg9[%add3A_213, %dma_wait3A] : memref<127x80xi32, #tpu.memory_space<vmem>> -> memref<1x80xi32, #tpu.memory_space<vmem>>
        %dma_wait3A_220 = tpu.memref_squeeze %dma_wait3A_219 : memref<1x80xi32, #tpu.memory_space<vmem>> -> memref<80xi32, #tpu.memory_space<vmem>>
        %dma_wait3A_221 = arith.constant 0 : i32
        %dma_wait3A_222 = arith.constant 0 : i32
        %dma_wait3A_223 = tpu.memref_slice %arg12[%dma_wait3A_221, %dma_wait3A_222] : memref<5248x128xf32, #tpu.memory_space<vmem_shared>> -> memref<5248x128xf32, #tpu.memory_space<vmem_shared>>
        tpu.wait_indirect_dma semaphore(%run_scoped3A : memref<!tpu.dma_semaphore, #tpu.memory_space<semaphore_mem>>) src(%arg11 : memref<80x128xf32, #tpu.memory_space<vmem>>) dst(%dma_wait3A_223 : memref<5248x128xf32, #tpu.memory_space<vmem_shared>>)
        tpu.yield
      }) : () -> ()
    }
    %barrier3A_201 = arith.constant 0 : index
    tpu.barrier barrier_id(%barrier3A_201)
    %mul3A_202 = arith.constant 320 : i32
    %mul3A_203 = arith.muli %arg1, %mul3A_202 : i32
    %mul3A_204 = arith.constant 5120 : i32
    %mul3A_205 = arith.muli %arg0, %mul3A_204 : i32
    %add3A_206 = arith.constant 10240 : i32
    %add3A_207 = arith.addi %add3A_206, %mul3A_205 : i32
    %mul3A_208 = arith.constant 320 : i32
    %mul3A_209 = arith.muli %arg1, %mul3A_208 : i32
    %add3A_210 = arith.addi %add3A_207, %mul3A_209 : i32
    "tpu.region"() ({
      %run_scoped3A = tpu.sem_alloc : memref<!tpu.dma_semaphore, #tpu.memory_space<semaphore_mem>>
      %dma_start3A = arith.constant 0 : i32
      %dma_start3A_211 = tpu.memref_slice %arg6[%add3A_210, %dma_start3A] : memref<20480x128xf32, #tpu.memory_space<hbm>> -> memref<320x128xf32, #tpu.memory_space<hbm>>
      %dma_start3A_212 = arith.constant 0 : i32
      %dma_start3A_213 = tpu.memref_slice %arg12[%mul3A_203, %dma_start3A_212] : memref<5248x128xf32, #tpu.memory_space<vmem_shared>> -> memref<320x128xf32, #tpu.memory_space<vmem_shared>>
      tpu.enqueue_dma source(%dma_start3A_213 : memref<320x128xf32, #tpu.memory_space<vmem_shared>>) target(%dma_start3A_211 : memref<320x128xf32, #tpu.memory_space<hbm>>) target_semaphore(%run_scoped3A : memref<!tpu.dma_semaphore, #tpu.memory_space<semaphore_mem>>)
      %dma_wait3A = arith.constant 0 : i32
      %dma_wait3A_214 = tpu.memref_slice %arg6[%add3A_210, %dma_wait3A] : memref<20480x128xf32, #tpu.memory_space<hbm>> -> memref<320x128xf32, #tpu.memory_space<hbm>>
      %dma_wait3A_215 = arith.constant 0 : i32
      %dma_wait3A_216 = tpu.memref_slice %arg12[%mul3A_203, %dma_wait3A_215] : memref<5248x128xf32, #tpu.memory_space<vmem_shared>> -> memref<320x128xf32, #tpu.memory_space<vmem_shared>>
      tpu.wait_dma2 semaphore(%run_scoped3A : memref<!tpu.dma_semaphore, #tpu.memory_space<semaphore_mem>>) src(%dma_wait3A_216 : memref<320x128xf32, #tpu.memory_space<vmem_shared>>) dst(%dma_wait3A_214 : memref<320x128xf32, #tpu.memory_space<hbm>>)
      tpu.yield
    }) : () -> ()
    return
  }
}

#map = affine_map<(d0, d1) -> (0, 0)>
#map1 = affine_map<(d0, d1) -> (0)>
module attributes {stable_mosaic.version = 14 : i64} {
  func.func @body(%arg0: i32, %arg1: i32, %arg2: memref<40000x128xf32, #tpu.memory_space<hbm>>, %arg3: memref<160000xi32, #tpu.memory_space<hbm>>, %arg4: memref<160000xi32, #tpu.memory_space<hbm>>, %arg5: memref<5248x128xf32, #tpu.memory_space<hbm>>, %arg6: memref<40960x128xf32, #tpu.memory_space<hbm>>, %arg7: memref<10096xi32, #tpu.memory_space<vmem>>, %arg8: memref<10096xi32, #tpu.memory_space<vmem>>, %arg9: memref<127x80xi32, #tpu.memory_space<vmem>>, %arg10: memref<127x80xi32, #tpu.memory_space<vmem>>, %arg11: memref<80x128xf32, #tpu.memory_space<vmem>>, %arg12: memref<5248x128xf32, #tpu.memory_space<vmem_shared>>, %arg13: memref<!tpu.dma_semaphore, #tpu.memory_space<semaphore_mem>>, %arg14: memref<!tpu.dma_semaphore, #tpu.memory_space<semaphore_mem>>) attributes {dimension_semantics = [#tpu.dimension_semantics<core_parallel>, #tpu.dimension_semantics<subcore_parallel>], iteration_bounds = array<i64: 2, 16>, scalar_prefetch = 0 : i64, scratch_operands = 8 : i64, tpu.core_type = #tpu.core_type<sc_vector_subcore>, window_params = [{transform_indices = #map}, {transform_indices = #map1}, {transform_indices = #map1}, {transform_indices = #map}, {transform_indices = #map}]} {
    %mul3A = arith.constant 328 : i32
    %mul3A_0 = arith.muli %arg1, %mul3A : i32
    %mul3A_1 = arith.constant 10000 : i32
    %mul3A_2 = arith.muli %arg1, %mul3A_1 : i32
    "tpu.region"() ({
      %run_scoped3A = tpu.sem_alloc : memref<!tpu.dma_semaphore, #tpu.memory_space<semaphore_mem>>
      %dma_start3A = arith.constant 0 : i32
      %dma_start3A_311 = tpu.memref_slice %arg7[%dma_start3A] : memref<10096xi32, #tpu.memory_space<vmem>> -> memref<10000xi32, #tpu.memory_space<vmem>>
      %dma_start3A_312 = tpu.memref_slice %arg3[%mul3A_2] : memref<160000xi32, #tpu.memory_space<hbm>> -> memref<10000xi32, #tpu.memory_space<hbm>>
      %dma_start3A_313 = arith.constant 0 : i32
      %dma_start3A_314 = tpu.memref_slice %arg7[%dma_start3A_313] : memref<10096xi32, #tpu.memory_space<vmem>> -> memref<10000xi32, #tpu.memory_space<vmem>>
      %dma_start3A_315 = tpu.memref_slice %arg3[%mul3A_2] : memref<160000xi32, #tpu.memory_space<hbm>> -> memref<10000xi32, #tpu.memory_space<hbm>>
      tpu.enqueue_dma source(%dma_start3A_315 : memref<10000xi32, #tpu.memory_space<hbm>>) target(%dma_start3A_314 : memref<10000xi32, #tpu.memory_space<vmem>>) target_semaphore(%run_scoped3A : memref<!tpu.dma_semaphore, #tpu.memory_space<semaphore_mem>>)
      %dma_wait3A = arith.constant 0 : i32
      %dma_wait3A_316 = tpu.memref_slice %arg7[%dma_wait3A] : memref<10096xi32, #tpu.memory_space<vmem>> -> memref<10000xi32, #tpu.memory_space<vmem>>
      %dma_wait3A_317 = tpu.memref_slice %arg3[%mul3A_2] : memref<160000xi32, #tpu.memory_space<hbm>> -> memref<10000xi32, #tpu.memory_space<hbm>>
      %dma_wait3A_318 = arith.constant 0 : i32
      %dma_wait3A_319 = tpu.memref_slice %arg7[%dma_wait3A_318] : memref<10096xi32, #tpu.memory_space<vmem>> -> memref<10000xi32, #tpu.memory_space<vmem>>
      %dma_wait3A_320 = tpu.memref_slice %arg3[%mul3A_2] : memref<160000xi32, #tpu.memory_space<hbm>> -> memref<10000xi32, #tpu.memory_space<hbm>>
      tpu.wait_dma2 semaphore(%run_scoped3A : memref<!tpu.dma_semaphore, #tpu.memory_space<semaphore_mem>>) src(%dma_wait3A_320 : memref<10000xi32, #tpu.memory_space<hbm>>) dst(%dma_wait3A_319 : memref<10000xi32, #tpu.memory_space<vmem>>)
      tpu.yield
    }) : () -> ()
    %mul3A_3 = arith.constant 10000 : i32
    %mul3A_4 = arith.muli %arg1, %mul3A_3 : i32
    "tpu.region"() ({
      %run_scoped3A = tpu.sem_alloc : memref<!tpu.dma_semaphore, #tpu.memory_space<semaphore_mem>>
      %dma_start3A = arith.constant 0 : i32
      %dma_start3A_311 = tpu.memref_slice %arg8[%dma_start3A] : memref<10096xi32, #tpu.memory_space<vmem>> -> memref<10000xi32, #tpu.memory_space<vmem>>
      %dma_start3A_312 = tpu.memref_slice %arg4[%mul3A_4] : memref<160000xi32, #tpu.memory_space<hbm>> -> memref<10000xi32, #tpu.memory_space<hbm>>
      %dma_start3A_313 = arith.constant 0 : i32
      %dma_start3A_314 = tpu.memref_slice %arg8[%dma_start3A_313] : memref<10096xi32, #tpu.memory_space<vmem>> -> memref<10000xi32, #tpu.memory_space<vmem>>
      %dma_start3A_315 = tpu.memref_slice %arg4[%mul3A_4] : memref<160000xi32, #tpu.memory_space<hbm>> -> memref<10000xi32, #tpu.memory_space<hbm>>
      tpu.enqueue_dma source(%dma_start3A_315 : memref<10000xi32, #tpu.memory_space<hbm>>) target(%dma_start3A_314 : memref<10000xi32, #tpu.memory_space<vmem>>) target_semaphore(%run_scoped3A : memref<!tpu.dma_semaphore, #tpu.memory_space<semaphore_mem>>)
      %dma_wait3A = arith.constant 0 : i32
      %dma_wait3A_316 = tpu.memref_slice %arg8[%dma_wait3A] : memref<10096xi32, #tpu.memory_space<vmem>> -> memref<10000xi32, #tpu.memory_space<vmem>>
      %dma_wait3A_317 = tpu.memref_slice %arg4[%mul3A_4] : memref<160000xi32, #tpu.memory_space<hbm>> -> memref<10000xi32, #tpu.memory_space<hbm>>
      %dma_wait3A_318 = arith.constant 0 : i32
      %dma_wait3A_319 = tpu.memref_slice %arg8[%dma_wait3A_318] : memref<10096xi32, #tpu.memory_space<vmem>> -> memref<10000xi32, #tpu.memory_space<vmem>>
      %dma_wait3A_320 = tpu.memref_slice %arg4[%mul3A_4] : memref<160000xi32, #tpu.memory_space<hbm>> -> memref<10000xi32, #tpu.memory_space<hbm>>
      tpu.wait_dma2 semaphore(%run_scoped3A : memref<!tpu.dma_semaphore, #tpu.memory_space<semaphore_mem>>) src(%dma_wait3A_320 : memref<10000xi32, #tpu.memory_space<hbm>>) dst(%dma_wait3A_319 : memref<10000xi32, #tpu.memory_space<vmem>>)
      tpu.yield
    }) : () -> ()
    "tpu.region"() ({
      %run_scoped3A = tpu.sem_alloc : memref<!tpu.dma_semaphore, #tpu.memory_space<semaphore_mem>>
      %dma_start3A = arith.constant 0 : i32
      %dma_start3A_311 = tpu.memref_slice %arg12[%mul3A_0, %dma_start3A] : memref<5248x128xf32, #tpu.memory_space<vmem_shared>> -> memref<328x128xf32, #tpu.memory_space<vmem_shared>>
      %dma_start3A_312 = arith.constant 0 : i32
      %dma_start3A_313 = tpu.memref_slice %arg5[%mul3A_0, %dma_start3A_312] : memref<5248x128xf32, #tpu.memory_space<hbm>> -> memref<328x128xf32, #tpu.memory_space<hbm>>
      tpu.enqueue_dma source(%dma_start3A_313 : memref<328x128xf32, #tpu.memory_space<hbm>>) target(%dma_start3A_311 : memref<328x128xf32, #tpu.memory_space<vmem_shared>>) target_semaphore(%run_scoped3A : memref<!tpu.dma_semaphore, #tpu.memory_space<semaphore_mem>>)
      %dma_wait3A = arith.constant 0 : i32
      %dma_wait3A_314 = tpu.memref_slice %arg12[%mul3A_0, %dma_wait3A] : memref<5248x128xf32, #tpu.memory_space<vmem_shared>> -> memref<328x128xf32, #tpu.memory_space<vmem_shared>>
      %dma_wait3A_315 = arith.constant 0 : i32
      %dma_wait3A_316 = tpu.memref_slice %arg5[%mul3A_0, %dma_wait3A_315] : memref<5248x128xf32, #tpu.memory_space<hbm>> -> memref<328x128xf32, #tpu.memory_space<hbm>>
      tpu.wait_dma2 semaphore(%run_scoped3A : memref<!tpu.dma_semaphore, #tpu.memory_space<semaphore_mem>>) src(%dma_wait3A_316 : memref<328x128xf32, #tpu.memory_space<hbm>>) dst(%dma_wait3A_314 : memref<328x128xf32, #tpu.memory_space<vmem_shared>>)
      tpu.yield
    }) : () -> ()
    %iota3A = tpu.iota {dimensions = array<i32: 0>} : vector<16xi32>
    %scan3A = arith.constant 0 : i32
    %scan3A_5 = arith.constant 0 : i32
    %scan3A_6 = arith.constant 625 : i32
    %scan3A_7 = arith.addi %scan3A_5, %scan3A_6 : i32
    %scan3A_8 = arith.constant 1 : i32
    %scan3A_9 = scf.for %scan3A_311 = %scan3A_5 to %scan3A_7 step %scan3A_8 iter_args(%scan3A_312 = %scan3A) -> (i32)  : i32 {
      %mul3A_313 = arith.constant 1 : i32
      %mul3A_314 = arith.muli %scan3A_311, %mul3A_313 : i32
      %add3A_315 = arith.constant 0 : i32
      %add3A_316 = arith.addi %add3A_315, %mul3A_314 : i32
      %mul3A_317 = arith.constant 16 : i32
      %mul3A_318 = arith.muli %add3A_316, %mul3A_317 : i32
      %get3A = arith.index_cast %mul3A_318 : i32 to index
      %get3A_319 = tpu.vector_load %arg8[%get3A] {strides = array<i32>} : memref<10096xi32, #tpu.memory_space<vmem>>, vector<16xi32>,
      %mul3A_320 = arith.constant 5120 : i32
      %mul3A_321 = arith.muli %arg0, %mul3A_320 : i32
      %sub3A_322 = vector.broadcast %mul3A_321 : i32 to vector<16xi32>
      %sub3A_323 = arith.subi %get3A_319, %sub3A_322 : vector<16xi32>
      %ge3A = arith.constant 0 : i32
      %ge3A_324 = vector.broadcast %ge3A : i32 to vector<16xi32>
      %ge3A_325 = arith.cmpi sge, %sub3A_323, %ge3A_324 : vector<16xi32>
      %lt3A = arith.constant 5120 : i32
      %lt3A_326 = vector.broadcast %lt3A : i32 to vector<16xi32>
      %lt3A_327 = arith.cmpi slt, %sub3A_323, %lt3A_326 : vector<16xi32>
      %and3A_328 = arith.andi %ge3A_325, %lt3A_327 : vector<16xi1>
      %convert_element_type3A = arith.extui %and3A_328 : vector<16xi1> to vector<16xi32>
      %broadcast_in_dim3A_329 = arith.constant true
      %broadcast_in_dim3A_330 = vector.broadcast %broadcast_in_dim3A_329 : i1 to vector<16xi1>
      %masked_cumsum3A = tpu.scan <sum>, %convert_element_type3A masked %broadcast_in_dim3A_330 : vector<16xi32>, vector<16xi1> -> vector<16xi32>
      %add3A_331 = vector.broadcast %scan3A_312 : i32 to vector<16xi32>
      %add3A_332 = arith.addi %add3A_331, %masked_cumsum3A : vector<16xi32>
      %sub3A_333 = arith.constant 1 : i32
      %sub3A_334 = vector.broadcast %sub3A_333 : i32 to vector<16xi32>
      %sub3A_335 = arith.subi %add3A_332, %sub3A_334 : vector<16xi32>
      %add3A_336 = arith.constant 10080 : i32
      %add3A_337 = vector.broadcast %add3A_336 : i32 to vector<16xi32>
      %add3A_338 = arith.addi %add3A_337, %iota3A : vector<16xi32>
      %select_n3A_339 = arith.select %and3A_328, %sub3A_335, %add3A_338 : vector<16xi1>, vector<16xi32>
      %mul3A_340 = arith.constant 16 : i32
      %mul3A_341 = arith.muli %add3A_316, %mul3A_340 : i32
      %get3A_342 = arith.index_cast %mul3A_341 : i32 to index
      %get3A_343 = tpu.vector_load %arg7[%get3A_342] {strides = array<i32>} : memref<10096xi32, #tpu.memory_space<vmem>>, vector<16xi32>,
      tpu.vector_store_idx %arg7[%select_n3A_339], %get3A_343 : memref<10096xi32, #tpu.memory_space<vmem>>[vector<16xi32>], vector<16xi32>,
      tpu.vector_store_idx %arg8[%select_n3A_339], %sub3A_323 : memref<10096xi32, #tpu.memory_space<vmem>>[vector<16xi32>], vector<16xi32>,
      %reduce_sum3A = arith.constant true
      %reduce_sum3A_344 = vector.broadcast %reduce_sum3A : i1 to vector<16xi1>
      %reduce_sum3A_345 = tpu.scan <sum>, %convert_element_type3A masked %reduce_sum3A_344 : vector<16xi32>, vector<16xi1> -> vector<16xi32>
      %reduce_sum3A_346 = vector.extract %reduce_sum3A_345[15] : i32 from vector<16xi32>
      %add3A_347 = arith.addi %scan3A_312, %reduce_sum3A_346 : i32
      scf.yield %add3A_347 : i32
    }
    %scan3A_10 = arith.constant 625 : i32
    %broadcast_in_dim3A = arith.constant 0 : i32
    %broadcast_in_dim3A_11 = vector.broadcast %broadcast_in_dim3A : i32 to vector<16xi32>
    %add3A = arith.constant 0 : i32
    %add3A_12 = arith.addi %scan3A_9, %add3A : i32
    %swap3A = arith.index_cast %add3A_12 : i32 to index
    %swap3A_13 = tpu.vector_load %arg7[%swap3A] {strides = array<i32>} : memref<10096xi32, #tpu.memory_space<vmem>>, vector<16xi32>,
    tpu.vector_store %arg7[%swap3A], %broadcast_in_dim3A_11 {strides = array<i32>} : memref<10096xi32, #tpu.memory_space<vmem>>, vector<16xi32>,
    %add3A_14 = arith.constant 5120 : i32
    %add3A_15 = vector.broadcast %add3A_14 : i32 to vector<16xi32>
    %add3A_16 = arith.addi %add3A_15, %iota3A : vector<16xi32>
    %add3A_17 = arith.constant 0 : i32
    %add3A_18 = arith.addi %scan3A_9, %add3A_17 : i32
    %swap3A_19 = arith.index_cast %add3A_18 : i32 to index
    %swap3A_20 = tpu.vector_load %arg8[%swap3A_19] {strides = array<i32>} : memref<10096xi32, #tpu.memory_space<vmem>>, vector<16xi32>,
    tpu.vector_store %arg8[%swap3A_19], %add3A_16 {strides = array<i32>} : memref<10096xi32, #tpu.memory_space<vmem>>, vector<16xi32>,
    %broadcast_in_dim3A_21 = arith.constant 0 : i32
    %broadcast_in_dim3A_22 = vector.broadcast %broadcast_in_dim3A_21 : i32 to vector<16xi32>
    %add3A_23 = arith.constant 16 : i32
    %add3A_24 = arith.addi %scan3A_9, %add3A_23 : i32
    %swap3A_25 = arith.index_cast %add3A_24 : i32 to index
    %swap3A_26 = tpu.vector_load %arg7[%swap3A_25] {strides = array<i32>} : memref<10096xi32, #tpu.memory_space<vmem>>, vector<16xi32>,
    tpu.vector_store %arg7[%swap3A_25], %broadcast_in_dim3A_22 {strides = array<i32>} : memref<10096xi32, #tpu.memory_space<vmem>>, vector<16xi32>,
    %add3A_27 = arith.constant 5136 : i32
    %add3A_28 = vector.broadcast %add3A_27 : i32 to vector<16xi32>
    %add3A_29 = arith.addi %add3A_28, %iota3A : vector<16xi32>
    %add3A_30 = arith.constant 16 : i32
    %add3A_31 = arith.addi %scan3A_9, %add3A_30 : i32
    %swap3A_32 = arith.index_cast %add3A_31 : i32 to index
    %swap3A_33 = tpu.vector_load %arg8[%swap3A_32] {strides = array<i32>} : memref<10096xi32, #tpu.memory_space<vmem>>, vector<16xi32>,
    tpu.vector_store %arg8[%swap3A_32], %add3A_29 {strides = array<i32>} : memref<10096xi32, #tpu.memory_space<vmem>>, vector<16xi32>,
    %broadcast_in_dim3A_34 = arith.constant 0 : i32
    %broadcast_in_dim3A_35 = vector.broadcast %broadcast_in_dim3A_34 : i32 to vector<16xi32>
    %add3A_36 = arith.constant 32 : i32
    %add3A_37 = arith.addi %scan3A_9, %add3A_36 : i32
    %swap3A_38 = arith.index_cast %add3A_37 : i32 to index
    %swap3A_39 = tpu.vector_load %arg7[%swap3A_38] {strides = array<i32>} : memref<10096xi32, #tpu.memory_space<vmem>>, vector<16xi32>,
    tpu.vector_store %arg7[%swap3A_38], %broadcast_in_dim3A_35 {strides = array<i32>} : memref<10096xi32, #tpu.memory_space<vmem>>, vector<16xi32>,
    %add3A_40 = arith.constant 5152 : i32
    %add3A_41 = vector.broadcast %add3A_40 : i32 to vector<16xi32>
    %add3A_42 = arith.addi %add3A_41, %iota3A : vector<16xi32>
    %add3A_43 = arith.constant 32 : i32
    %add3A_44 = arith.addi %scan3A_9, %add3A_43 : i32
    %swap3A_45 = arith.index_cast %add3A_44 : i32 to index
    %swap3A_46 = tpu.vector_load %arg8[%swap3A_45] {strides = array<i32>} : memref<10096xi32, #tpu.memory_space<vmem>>, vector<16xi32>,
    tpu.vector_store %arg8[%swap3A_45], %add3A_42 {strides = array<i32>} : memref<10096xi32, #tpu.memory_space<vmem>>, vector<16xi32>,
    %broadcast_in_dim3A_47 = arith.constant 0 : i32
    %broadcast_in_dim3A_48 = vector.broadcast %broadcast_in_dim3A_47 : i32 to vector<16xi32>
    %add3A_49 = arith.constant 48 : i32
    %add3A_50 = arith.addi %scan3A_9, %add3A_49 : i32
    %swap3A_51 = arith.index_cast %add3A_50 : i32 to index
    %swap3A_52 = tpu.vector_load %arg7[%swap3A_51] {strides = array<i32>} : memref<10096xi32, #tpu.memory_space<vmem>>, vector<16xi32>,
    tpu.vector_store %arg7[%swap3A_51], %broadcast_in_dim3A_48 {strides = array<i32>} : memref<10096xi32, #tpu.memory_space<vmem>>, vector<16xi32>,
    %add3A_53 = arith.constant 5168 : i32
    %add3A_54 = vector.broadcast %add3A_53 : i32 to vector<16xi32>
    %add3A_55 = arith.addi %add3A_54, %iota3A : vector<16xi32>
    %add3A_56 = arith.constant 48 : i32
    %add3A_57 = arith.addi %scan3A_9, %add3A_56 : i32
    %swap3A_58 = arith.index_cast %add3A_57 : i32 to index
    %swap3A_59 = tpu.vector_load %arg8[%swap3A_58] {strides = array<i32>} : memref<10096xi32, #tpu.memory_space<vmem>>, vector<16xi32>,
    tpu.vector_store %arg8[%swap3A_58], %add3A_55 {strides = array<i32>} : memref<10096xi32, #tpu.memory_space<vmem>>, vector<16xi32>,
    %broadcast_in_dim3A_60 = arith.constant 0 : i32
    %broadcast_in_dim3A_61 = vector.broadcast %broadcast_in_dim3A_60 : i32 to vector<16xi32>
    %add3A_62 = arith.constant 64 : i32
    %add3A_63 = arith.addi %scan3A_9, %add3A_62 : i32
    %swap3A_64 = arith.index_cast %add3A_63 : i32 to index
    %swap3A_65 = tpu.vector_load %arg7[%swap3A_64] {strides = array<i32>} : memref<10096xi32, #tpu.memory_space<vmem>>, vector<16xi32>,
    tpu.vector_store %arg7[%swap3A_64], %broadcast_in_dim3A_61 {strides = array<i32>} : memref<10096xi32, #tpu.memory_space<vmem>>, vector<16xi32>,
    %add3A_66 = arith.constant 5184 : i32
    %add3A_67 = vector.broadcast %add3A_66 : i32 to vector<16xi32>
    %add3A_68 = arith.addi %add3A_67, %iota3A : vector<16xi32>
    %add3A_69 = arith.constant 64 : i32
    %add3A_70 = arith.addi %scan3A_9, %add3A_69 : i32
    %swap3A_71 = arith.index_cast %add3A_70 : i32 to index
    %swap3A_72 = tpu.vector_load %arg8[%swap3A_71] {strides = array<i32>} : memref<10096xi32, #tpu.memory_space<vmem>>, vector<16xi32>,
    tpu.vector_store %arg8[%swap3A_71], %add3A_68 {strides = array<i32>} : memref<10096xi32, #tpu.memory_space<vmem>>, vector<16xi32>,
    %add3A_73 = arith.constant 80 : i32
    %add3A_74 = arith.addi %scan3A_9, %add3A_73 : i32
    %sub3A = arith.constant 1 : i32
    %sub3A_75 = arith.subi %add3A_74, %sub3A : i32
    %jit3A = arith.constant 80 : i32
    %div3A = arith.divsi %sub3A_75, %jit3A : i32
    %sign3A = arith.constant 0 : i32
    %sign3A_76 = arith.cmpi sgt, %sub3A_75, %sign3A : i32
    %sign3A_77 = arith.extui %sign3A_76 : i1 to i32
    %sign3A_78 = arith.constant 0 : i32
    %sign3A_79 = arith.cmpi slt, %sub3A_75, %sign3A_78 : i32
    %sign3A_80 = arith.extui %sign3A_79 : i1 to i32
    %sign3A_81 = arith.subi %sign3A_77, %sign3A_80 : i32
    %sign3A_82 = arith.constant 0 : i32
    %sign3A_83 = arith.cmpi sgt, %jit3A, %sign3A_82 : i32
    %sign3A_84 = arith.extui %sign3A_83 : i1 to i32
    %sign3A_85 = arith.constant 0 : i32
    %sign3A_86 = arith.cmpi slt, %jit3A, %sign3A_85 : i32
    %sign3A_87 = arith.extui %sign3A_86 : i1 to i32
    %sign3A_88 = arith.subi %sign3A_84, %sign3A_87 : i32
    %ne3A = arith.cmpi ne, %sign3A_81, %sign3A_88 : i32
    %rem3A = arith.remsi %sub3A_75, %jit3A : i32
    %ne3A_89 = arith.constant 0 : i32
    %ne3A_90 = arith.cmpi ne, %rem3A, %ne3A_89 : i32
    %and3A = arith.andi %ne3A, %ne3A_90 : i1
    %sub3A_91 = arith.constant 1 : i32
    %sub3A_92 = arith.subi %div3A, %sub3A_91 : i32
    %select_n3A = arith.select %and3A, %sub3A_92, %div3A : i32
    %mul3A_93 = arith.constant 1 : i32
    %mul3A_94 = arith.muli %select_n3A, %mul3A_93 : i32
    %sub3A_95 = arith.constant 0 : i32
    %sub3A_96 = arith.subi %mul3A_94, %sub3A_95 : i32
    %sub3A_97 = arith.constant 1 : i32
    %sub3A_98 = arith.constant 1 : i32
    %sub3A_99 = arith.subi %sub3A_97, %sub3A_98 : i32
    %add3A_100 = arith.addi %sub3A_96, %sub3A_99 : i32
    %div3A_101 = arith.constant 1 : i32
    %div3A_102 = arith.divsi %add3A_100, %div3A_101 : i32
    %while3A = arith.constant 1 : i32
    %while3A_103 = arith.constant 0 : i32
    %while3A_104 = arith.constant 0 : i32
    %while3A_105 = arith.subi %div3A_102, %while3A_104 : i32
    %while3A_106 = arith.addi %while3A_104, %while3A_105 : i32
    %while3A_107 = arith.constant 1 : i32
    %while3A_108 = arith.divsi %while3A_105, %while3A_107 : i32
    %while3A_109 = arith.muli %while3A_108, %while3A_107 : i32
    %while3A_110 = arith.addi %while3A_104, %while3A_109 : i32
    %while3A_111 = arith.constant 1 : i32
    scf.for %while3A_311 = %while3A_104 to %while3A_110 step %while3A_111  : i32 {
      %mul3A_312 = arith.muli %while3A_311, %while3A : i32
      %add3A_313 = arith.addi %while3A_103, %mul3A_312 : i32
      %mul3A_314 = arith.constant 80 : i32
      %mul3A_315 = arith.muli %add3A_313, %mul3A_314 : i32
      %add3A_316 = arith.constant 0 : i32
      %add3A_317 = arith.addi %mul3A_315, %add3A_316 : i32
      %get3A = arith.index_cast %add3A_317 : i32 to index
      %get3A_318 = tpu.vector_load %arg8[%get3A] {strides = array<i32>} : memref<10096xi32, #tpu.memory_space<vmem>>, vector<16xi32>,
      %swap3A_319 = arith.index_cast %add3A_313 : i32 to index
      %swap3A_320 = arith.constant 0 : index
      %swap3A_321 = tpu.vector_load %arg9[%swap3A_319, %swap3A_320] {strides = array<i32>} : memref<127x80xi32, #tpu.memory_space<vmem>>, vector<16xi32>,
      tpu.vector_store %arg9[%swap3A_319, %swap3A_320], %get3A_318 {strides = array<i32>} : memref<127x80xi32, #tpu.memory_space<vmem>>, vector<16xi32>,
      %mul3A_322 = arith.constant 80 : i32
      %mul3A_323 = arith.muli %add3A_313, %mul3A_322 : i32
      %add3A_324 = arith.constant 16 : i32
      %add3A_325 = arith.addi %mul3A_323, %add3A_324 : i32
      %get3A_326 = arith.index_cast %add3A_325 : i32 to index
      %get3A_327 = tpu.vector_load %arg8[%get3A_326] {strides = array<i32>} : memref<10096xi32, #tpu.memory_space<vmem>>, vector<16xi32>,
      %swap3A_328 = arith.index_cast %add3A_313 : i32 to index
      %swap3A_329 = arith.constant 16 : index
      %swap3A_330 = tpu.vector_load %arg9[%swap3A_328, %swap3A_329] {strides = array<i32>} : memref<127x80xi32, #tpu.memory_space<vmem>>, vector<16xi32>,
      tpu.vector_store %arg9[%swap3A_328, %swap3A_329], %get3A_327 {strides = array<i32>} : memref<127x80xi32, #tpu.memory_space<vmem>>, vector<16xi32>,
      %mul3A_331 = arith.constant 80 : i32
      %mul3A_332 = arith.muli %add3A_313, %mul3A_331 : i32
      %add3A_333 = arith.constant 32 : i32
      %add3A_334 = arith.addi %mul3A_332, %add3A_333 : i32
      %get3A_335 = arith.index_cast %add3A_334 : i32 to index
      %get3A_336 = tpu.vector_load %arg8[%get3A_335] {strides = array<i32>} : memref<10096xi32, #tpu.memory_space<vmem>>, vector<16xi32>,
      %swap3A_337 = arith.index_cast %add3A_313 : i32 to index
      %swap3A_338 = arith.constant 32 : index
      %swap3A_339 = tpu.vector_load %arg9[%swap3A_337, %swap3A_338] {strides = array<i32>} : memref<127x80xi32, #tpu.memory_space<vmem>>, vector<16xi32>,
      tpu.vector_store %arg9[%swap3A_337, %swap3A_338], %get3A_336 {strides = array<i32>} : memref<127x80xi32, #tpu.memory_space<vmem>>, vector<16xi32>,
      %mul3A_340 = arith.constant 80 : i32
      %mul3A_341 = arith.muli %add3A_313, %mul3A_340 : i32
      %add3A_342 = arith.constant 48 : i32
      %add3A_343 = arith.addi %mul3A_341, %add3A_342 : i32
      %get3A_344 = arith.index_cast %add3A_343 : i32 to index
      %get3A_345 = tpu.vector_load %arg8[%get3A_344] {strides = array<i32>} : memref<10096xi32, #tpu.memory_space<vmem>>, vector<16xi32>,
      %swap3A_346 = arith.index_cast %add3A_313 : i32 to index
      %swap3A_347 = arith.constant 48 : index
      %swap3A_348 = tpu.vector_load %arg9[%swap3A_346, %swap3A_347] {strides = array<i32>} : memref<127x80xi32, #tpu.memory_space<vmem>>, vector<16xi32>,
      tpu.vector_store %arg9[%swap3A_346, %swap3A_347], %get3A_345 {strides = array<i32>} : memref<127x80xi32, #tpu.memory_space<vmem>>, vector<16xi32>,
      %mul3A_349 = arith.constant 80 : i32
      %mul3A_350 = arith.muli %add3A_313, %mul3A_349 : i32
      %add3A_351 = arith.constant 64 : i32
      %add3A_352 = arith.addi %mul3A_350, %add3A_351 : i32
      %get3A_353 = arith.index_cast %add3A_352 : i32 to index
      %get3A_354 = tpu.vector_load %arg8[%get3A_353] {strides = array<i32>} : memref<10096xi32, #tpu.memory_space<vmem>>, vector<16xi32>,
      %swap3A_355 = arith.index_cast %add3A_313 : i32 to index
      %swap3A_356 = arith.constant 64 : index
      %swap3A_357 = tpu.vector_load %arg9[%swap3A_355, %swap3A_356] {strides = array<i32>} : memref<127x80xi32, #tpu.memory_space<vmem>>, vector<16xi32>,
      tpu.vector_store %arg9[%swap3A_355, %swap3A_356], %get3A_354 {strides = array<i32>} : memref<127x80xi32, #tpu.memory_space<vmem>>, vector<16xi32>,
    }
    %while3A_112 = arith.constant 1 : i32
    scf.for %while3A_311 = %while3A_110 to %while3A_106 step %while3A_112  : i32 {
      %mul3A_312 = arith.muli %while3A_311, %while3A : i32
      %add3A_313 = arith.addi %while3A_103, %mul3A_312 : i32
      %mul3A_314 = arith.constant 80 : i32
      %mul3A_315 = arith.muli %add3A_313, %mul3A_314 : i32
      %add3A_316 = arith.constant 0 : i32
      %add3A_317 = arith.addi %mul3A_315, %add3A_316 : i32
      %get3A = arith.index_cast %add3A_317 : i32 to index
      %get3A_318 = tpu.vector_load %arg8[%get3A] {strides = array<i32>} : memref<10096xi32, #tpu.memory_space<vmem>>, vector<16xi32>,
      %swap3A_319 = arith.index_cast %add3A_313 : i32 to index
      %swap3A_320 = arith.constant 0 : index
      %swap3A_321 = tpu.vector_load %arg9[%swap3A_319, %swap3A_320] {strides = array<i32>} : memref<127x80xi32, #tpu.memory_space<vmem>>, vector<16xi32>,
      tpu.vector_store %arg9[%swap3A_319, %swap3A_320], %get3A_318 {strides = array<i32>} : memref<127x80xi32, #tpu.memory_space<vmem>>, vector<16xi32>,
      %mul3A_322 = arith.constant 80 : i32
      %mul3A_323 = arith.muli %add3A_313, %mul3A_322 : i32
      %add3A_324 = arith.constant 16 : i32
      %add3A_325 = arith.addi %mul3A_323, %add3A_324 : i32
      %get3A_326 = arith.index_cast %add3A_325 : i32 to index
      %get3A_327 = tpu.vector_load %arg8[%get3A_326] {strides = array<i32>} : memref<10096xi32, #tpu.memory_space<vmem>>, vector<16xi32>,
      %swap3A_328 = arith.index_cast %add3A_313 : i32 to index
      %swap3A_329 = arith.constant 16 : index
      %swap3A_330 = tpu.vector_load %arg9[%swap3A_328, %swap3A_329] {strides = array<i32>} : memref<127x80xi32, #tpu.memory_space<vmem>>, vector<16xi32>,
      tpu.vector_store %arg9[%swap3A_328, %swap3A_329], %get3A_327 {strides = array<i32>} : memref<127x80xi32, #tpu.memory_space<vmem>>, vector<16xi32>,
      %mul3A_331 = arith.constant 80 : i32
      %mul3A_332 = arith.muli %add3A_313, %mul3A_331 : i32
      %add3A_333 = arith.constant 32 : i32
      %add3A_334 = arith.addi %mul3A_332, %add3A_333 : i32
      %get3A_335 = arith.index_cast %add3A_334 : i32 to index
      %get3A_336 = tpu.vector_load %arg8[%get3A_335] {strides = array<i32>} : memref<10096xi32, #tpu.memory_space<vmem>>, vector<16xi32>,
      %swap3A_337 = arith.index_cast %add3A_313 : i32 to index
      %swap3A_338 = arith.constant 32 : index
      %swap3A_339 = tpu.vector_load %arg9[%swap3A_337, %swap3A_338] {strides = array<i32>} : memref<127x80xi32, #tpu.memory_space<vmem>>, vector<16xi32>,
      tpu.vector_store %arg9[%swap3A_337, %swap3A_338], %get3A_336 {strides = array<i32>} : memref<127x80xi32, #tpu.memory_space<vmem>>, vector<16xi32>,
      %mul3A_340 = arith.constant 80 : i32
      %mul3A_341 = arith.muli %add3A_313, %mul3A_340 : i32
      %add3A_342 = arith.constant 48 : i32
      %add3A_343 = arith.addi %mul3A_341, %add3A_342 : i32
      %get3A_344 = arith.index_cast %add3A_343 : i32 to index
      %get3A_345 = tpu.vector_load %arg8[%get3A_344] {strides = array<i32>} : memref<10096xi32, #tpu.memory_space<vmem>>, vector<16xi32>,
      %swap3A_346 = arith.index_cast %add3A_313 : i32 to index
      %swap3A_347 = arith.constant 48 : index
      %swap3A_348 = tpu.vector_load %arg9[%swap3A_346, %swap3A_347] {strides = array<i32>} : memref<127x80xi32, #tpu.memory_space<vmem>>, vector<16xi32>,
      tpu.vector_store %arg9[%swap3A_346, %swap3A_347], %get3A_345 {strides = array<i32>} : memref<127x80xi32, #tpu.memory_space<vmem>>, vector<16xi32>,
      %mul3A_349 = arith.constant 80 : i32
      %mul3A_350 = arith.muli %add3A_313, %mul3A_349 : i32
      %add3A_351 = arith.constant 64 : i32
      %add3A_352 = arith.addi %mul3A_350, %add3A_351 : i32
      %get3A_353 = arith.index_cast %add3A_352 : i32 to index
      %get3A_354 = tpu.vector_load %arg8[%get3A_353] {strides = array<i32>} : memref<10096xi32, #tpu.memory_space<vmem>>, vector<16xi32>,
      %swap3A_355 = arith.index_cast %add3A_313 : i32 to index
      %swap3A_356 = arith.constant 64 : index
      %swap3A_357 = tpu.vector_load %arg9[%swap3A_355, %swap3A_356] {strides = array<i32>} : memref<127x80xi32, #tpu.memory_space<vmem>>, vector<16xi32>,
      tpu.vector_store %arg9[%swap3A_355, %swap3A_356], %get3A_354 {strides = array<i32>} : memref<127x80xi32, #tpu.memory_space<vmem>>, vector<16xi32>,
    }
    %barrier3A = arith.constant 0 : index
    tpu.barrier barrier_id(%barrier3A)
    %sub3A_113 = arith.constant 0 : i32
    %sub3A_114 = arith.subi %mul3A_94, %sub3A_113 : i32
    %sub3A_115 = arith.constant 1 : i32
    %sub3A_116 = arith.constant 1 : i32
    %sub3A_117 = arith.subi %sub3A_115, %sub3A_116 : i32
    %add3A_118 = arith.addi %sub3A_114, %sub3A_117 : i32
    %div3A_119 = arith.constant 1 : i32
    %div3A_120 = arith.divsi %add3A_118, %div3A_119 : i32
    %while3A_121 = arith.constant 1 : i32
    %while3A_122 = arith.constant 0 : i32
    %while3A_123 = arith.constant 0 : i32
    %while3A_124 = arith.subi %div3A_120, %while3A_123 : i32
    %while3A_125 = arith.addi %while3A_123, %while3A_124 : i32
    %while3A_126 = arith.constant 1 : i32
    %while3A_127 = arith.divsi %while3A_124, %while3A_126 : i32
    %while3A_128 = arith.muli %while3A_127, %while3A_126 : i32
    %while3A_129 = arith.addi %while3A_123, %while3A_128 : i32
    %while3A_130 = arith.constant 1 : i32
    scf.for %while3A_311 = %while3A_123 to %while3A_129 step %while3A_130  : i32 {
      %mul3A_312 = arith.muli %while3A_311, %while3A_121 : i32
      %add3A_313 = arith.addi %while3A_122, %mul3A_312 : i32
      %mul3A_314 = arith.constant 80 : i32
      %mul3A_315 = arith.muli %add3A_313, %mul3A_314 : i32
      %add3A_316 = arith.constant 0 : i32
      %add3A_317 = arith.addi %mul3A_315, %add3A_316 : i32
      %get3A = arith.index_cast %add3A_317 : i32 to index
      %get3A_318 = tpu.vector_load %arg7[%get3A] {strides = array<i32>} : memref<10096xi32, #tpu.memory_space<vmem>>, vector<16xi32>,
      %mul3A_319 = arith.constant 4 : i32
      %mul3A_320 = vector.broadcast %mul3A_319 : i32 to vector<16xi32>
      %mul3A_321 = arith.muli %get3A_318, %mul3A_320 : vector<16xi32>
      %add3A_322 = arith.constant 0 : i32
      %add3A_323 = vector.broadcast %add3A_322 : i32 to vector<16xi32>
      %add3A_324 = arith.addi %mul3A_321, %add3A_323 : vector<16xi32>
      %swap3A_325 = arith.index_cast %add3A_313 : i32 to index
      %swap3A_326 = arith.constant 0 : index
      %swap3A_327 = tpu.vector_load %arg10[%swap3A_325, %swap3A_326] {strides = array<i32>} : memref<127x80xi32, #tpu.memory_space<vmem>>, vector<16xi32>,
      tpu.vector_store %arg10[%swap3A_325, %swap3A_326], %add3A_324 {strides = array<i32>} : memref<127x80xi32, #tpu.memory_space<vmem>>, vector<16xi32>,
      %mul3A_328 = arith.constant 80 : i32
      %mul3A_329 = arith.muli %add3A_313, %mul3A_328 : i32
      %add3A_330 = arith.constant 16 : i32
      %add3A_331 = arith.addi %mul3A_329, %add3A_330 : i32
      %get3A_332 = arith.index_cast %add3A_331 : i32 to index
      %get3A_333 = tpu.vector_load %arg7[%get3A_332] {strides = array<i32>} : memref<10096xi32, #tpu.memory_space<vmem>>, vector<16xi32>,
      %mul3A_334 = arith.constant 4 : i32
      %mul3A_335 = vector.broadcast %mul3A_334 : i32 to vector<16xi32>
      %mul3A_336 = arith.muli %get3A_333, %mul3A_335 : vector<16xi32>
      %add3A_337 = arith.constant 0 : i32
      %add3A_338 = vector.broadcast %add3A_337 : i32 to vector<16xi32>
      %add3A_339 = arith.addi %mul3A_336, %add3A_338 : vector<16xi32>
      %swap3A_340 = arith.index_cast %add3A_313 : i32 to index
      %swap3A_341 = arith.constant 16 : index
      %swap3A_342 = tpu.vector_load %arg10[%swap3A_340, %swap3A_341] {strides = array<i32>} : memref<127x80xi32, #tpu.memory_space<vmem>>, vector<16xi32>,
      tpu.vector_store %arg10[%swap3A_340, %swap3A_341], %add3A_339 {strides = array<i32>} : memref<127x80xi32, #tpu.memory_space<vmem>>, vector<16xi32>,
      %mul3A_343 = arith.constant 80 : i32
      %mul3A_344 = arith.muli %add3A_313, %mul3A_343 : i32
      %add3A_345 = arith.constant 32 : i32
      %add3A_346 = arith.addi %mul3A_344, %add3A_345 : i32
      %get3A_347 = arith.index_cast %add3A_346 : i32 to index
      %get3A_348 = tpu.vector_load %arg7[%get3A_347] {strides = array<i32>} : memref<10096xi32, #tpu.memory_space<vmem>>, vector<16xi32>,
      %mul3A_349 = arith.constant 4 : i32
      %mul3A_350 = vector.broadcast %mul3A_349 : i32 to vector<16xi32>
      %mul3A_351 = arith.muli %get3A_348, %mul3A_350 : vector<16xi32>
      %add3A_352 = arith.constant 0 : i32
      %add3A_353 = vector.broadcast %add3A_352 : i32 to vector<16xi32>
      %add3A_354 = arith.addi %mul3A_351, %add3A_353 : vector<16xi32>
      %swap3A_355 = arith.index_cast %add3A_313 : i32 to index
      %swap3A_356 = arith.constant 32 : index
      %swap3A_357 = tpu.vector_load %arg10[%swap3A_355, %swap3A_356] {strides = array<i32>} : memref<127x80xi32, #tpu.memory_space<vmem>>, vector<16xi32>,
      tpu.vector_store %arg10[%swap3A_355, %swap3A_356], %add3A_354 {strides = array<i32>} : memref<127x80xi32, #tpu.memory_space<vmem>>, vector<16xi32>,
      %mul3A_358 = arith.constant 80 : i32
      %mul3A_359 = arith.muli %add3A_313, %mul3A_358 : i32
      %add3A_360 = arith.constant 48 : i32
      %add3A_361 = arith.addi %mul3A_359, %add3A_360 : i32
      %get3A_362 = arith.index_cast %add3A_361 : i32 to index
      %get3A_363 = tpu.vector_load %arg7[%get3A_362] {strides = array<i32>} : memref<10096xi32, #tpu.memory_space<vmem>>, vector<16xi32>,
      %mul3A_364 = arith.constant 4 : i32
      %mul3A_365 = vector.broadcast %mul3A_364 : i32 to vector<16xi32>
      %mul3A_366 = arith.muli %get3A_363, %mul3A_365 : vector<16xi32>
      %add3A_367 = arith.constant 0 : i32
      %add3A_368 = vector.broadcast %add3A_367 : i32 to vector<16xi32>
      %add3A_369 = arith.addi %mul3A_366, %add3A_368 : vector<16xi32>
      %swap3A_370 = arith.index_cast %add3A_313 : i32 to index
      %swap3A_371 = arith.constant 48 : index
      %swap3A_372 = tpu.vector_load %arg10[%swap3A_370, %swap3A_371] {strides = array<i32>} : memref<127x80xi32, #tpu.memory_space<vmem>>, vector<16xi32>,
      tpu.vector_store %arg10[%swap3A_370, %swap3A_371], %add3A_369 {strides = array<i32>} : memref<127x80xi32, #tpu.memory_space<vmem>>, vector<16xi32>,
      %mul3A_373 = arith.constant 80 : i32
      %mul3A_374 = arith.muli %add3A_313, %mul3A_373 : i32
      %add3A_375 = arith.constant 64 : i32
      %add3A_376 = arith.addi %mul3A_374, %add3A_375 : i32
      %get3A_377 = arith.index_cast %add3A_376 : i32 to index
      %get3A_378 = tpu.vector_load %arg7[%get3A_377] {strides = array<i32>} : memref<10096xi32, #tpu.memory_space<vmem>>, vector<16xi32>,
      %mul3A_379 = arith.constant 4 : i32
      %mul3A_380 = vector.broadcast %mul3A_379 : i32 to vector<16xi32>
      %mul3A_381 = arith.muli %get3A_378, %mul3A_380 : vector<16xi32>
      %add3A_382 = arith.constant 0 : i32
      %add3A_383 = vector.broadcast %add3A_382 : i32 to vector<16xi32>
      %add3A_384 = arith.addi %mul3A_381, %add3A_383 : vector<16xi32>
      %swap3A_385 = arith.index_cast %add3A_313 : i32 to index
      %swap3A_386 = arith.constant 64 : index
      %swap3A_387 = tpu.vector_load %arg10[%swap3A_385, %swap3A_386] {strides = array<i32>} : memref<127x80xi32, #tpu.memory_space<vmem>>, vector<16xi32>,
      tpu.vector_store %arg10[%swap3A_385, %swap3A_386], %add3A_384 {strides = array<i32>} : memref<127x80xi32, #tpu.memory_space<vmem>>, vector<16xi32>,
    }
    %while3A_131 = arith.constant 1 : i32
    scf.for %while3A_311 = %while3A_129 to %while3A_125 step %while3A_131  : i32 {
      %mul3A_312 = arith.muli %while3A_311, %while3A_121 : i32
      %add3A_313 = arith.addi %while3A_122, %mul3A_312 : i32
      %mul3A_314 = arith.constant 80 : i32
      %mul3A_315 = arith.muli %add3A_313, %mul3A_314 : i32
      %add3A_316 = arith.constant 0 : i32
      %add3A_317 = arith.addi %mul3A_315, %add3A_316 : i32
      %get3A = arith.index_cast %add3A_317 : i32 to index
      %get3A_318 = tpu.vector_load %arg7[%get3A] {strides = array<i32>} : memref<10096xi32, #tpu.memory_space<vmem>>, vector<16xi32>,
      %mul3A_319 = arith.constant 4 : i32
      %mul3A_320 = vector.broadcast %mul3A_319 : i32 to vector<16xi32>
      %mul3A_321 = arith.muli %get3A_318, %mul3A_320 : vector<16xi32>
      %add3A_322 = arith.constant 0 : i32
      %add3A_323 = vector.broadcast %add3A_322 : i32 to vector<16xi32>
      %add3A_324 = arith.addi %mul3A_321, %add3A_323 : vector<16xi32>
      %swap3A_325 = arith.index_cast %add3A_313 : i32 to index
      %swap3A_326 = arith.constant 0 : index
      %swap3A_327 = tpu.vector_load %arg10[%swap3A_325, %swap3A_326] {strides = array<i32>} : memref<127x80xi32, #tpu.memory_space<vmem>>, vector<16xi32>,
      tpu.vector_store %arg10[%swap3A_325, %swap3A_326], %add3A_324 {strides = array<i32>} : memref<127x80xi32, #tpu.memory_space<vmem>>, vector<16xi32>,
      %mul3A_328 = arith.constant 80 : i32
      %mul3A_329 = arith.muli %add3A_313, %mul3A_328 : i32
      %add3A_330 = arith.constant 16 : i32
      %add3A_331 = arith.addi %mul3A_329, %add3A_330 : i32
      %get3A_332 = arith.index_cast %add3A_331 : i32 to index
      %get3A_333 = tpu.vector_load %arg7[%get3A_332] {strides = array<i32>} : memref<10096xi32, #tpu.memory_space<vmem>>, vector<16xi32>,
      %mul3A_334 = arith.constant 4 : i32
      %mul3A_335 = vector.broadcast %mul3A_334 : i32 to vector<16xi32>
      %mul3A_336 = arith.muli %get3A_333, %mul3A_335 : vector<16xi32>
      %add3A_337 = arith.constant 0 : i32
      %add3A_338 = vector.broadcast %add3A_337 : i32 to vector<16xi32>
      %add3A_339 = arith.addi %mul3A_336, %add3A_338 : vector<16xi32>
      %swap3A_340 = arith.index_cast %add3A_313 : i32 to index
      %swap3A_341 = arith.constant 16 : index
      %swap3A_342 = tpu.vector_load %arg10[%swap3A_340, %swap3A_341] {strides = array<i32>} : memref<127x80xi32, #tpu.memory_space<vmem>>, vector<16xi32>,
      tpu.vector_store %arg10[%swap3A_340, %swap3A_341], %add3A_339 {strides = array<i32>} : memref<127x80xi32, #tpu.memory_space<vmem>>, vector<16xi32>,
      %mul3A_343 = arith.constant 80 : i32
      %mul3A_344 = arith.muli %add3A_313, %mul3A_343 : i32
      %add3A_345 = arith.constant 32 : i32
      %add3A_346 = arith.addi %mul3A_344, %add3A_345 : i32
      %get3A_347 = arith.index_cast %add3A_346 : i32 to index
      %get3A_348 = tpu.vector_load %arg7[%get3A_347] {strides = array<i32>} : memref<10096xi32, #tpu.memory_space<vmem>>, vector<16xi32>,
      %mul3A_349 = arith.constant 4 : i32
      %mul3A_350 = vector.broadcast %mul3A_349 : i32 to vector<16xi32>
      %mul3A_351 = arith.muli %get3A_348, %mul3A_350 : vector<16xi32>
      %add3A_352 = arith.constant 0 : i32
      %add3A_353 = vector.broadcast %add3A_352 : i32 to vector<16xi32>
      %add3A_354 = arith.addi %mul3A_351, %add3A_353 : vector<16xi32>
      %swap3A_355 = arith.index_cast %add3A_313 : i32 to index
      %swap3A_356 = arith.constant 32 : index
      %swap3A_357 = tpu.vector_load %arg10[%swap3A_355, %swap3A_356] {strides = array<i32>} : memref<127x80xi32, #tpu.memory_space<vmem>>, vector<16xi32>,
      tpu.vector_store %arg10[%swap3A_355, %swap3A_356], %add3A_354 {strides = array<i32>} : memref<127x80xi32, #tpu.memory_space<vmem>>, vector<16xi32>,
      %mul3A_358 = arith.constant 80 : i32
      %mul3A_359 = arith.muli %add3A_313, %mul3A_358 : i32
      %add3A_360 = arith.constant 48 : i32
      %add3A_361 = arith.addi %mul3A_359, %add3A_360 : i32
      %get3A_362 = arith.index_cast %add3A_361 : i32 to index
      %get3A_363 = tpu.vector_load %arg7[%get3A_362] {strides = array<i32>} : memref<10096xi32, #tpu.memory_space<vmem>>, vector<16xi32>,
      %mul3A_364 = arith.constant 4 : i32
      %mul3A_365 = vector.broadcast %mul3A_364 : i32 to vector<16xi32>
      %mul3A_366 = arith.muli %get3A_363, %mul3A_365 : vector<16xi32>
      %add3A_367 = arith.constant 0 : i32
      %add3A_368 = vector.broadcast %add3A_367 : i32 to vector<16xi32>
      %add3A_369 = arith.addi %mul3A_366, %add3A_368 : vector<16xi32>
      %swap3A_370 = arith.index_cast %add3A_313 : i32 to index
      %swap3A_371 = arith.constant 48 : index
      %swap3A_372 = tpu.vector_load %arg10[%swap3A_370, %swap3A_371] {strides = array<i32>} : memref<127x80xi32, #tpu.memory_space<vmem>>, vector<16xi32>,
      tpu.vector_store %arg10[%swap3A_370, %swap3A_371], %add3A_369 {strides = array<i32>} : memref<127x80xi32, #tpu.memory_space<vmem>>, vector<16xi32>,
      %mul3A_373 = arith.constant 80 : i32
      %mul3A_374 = arith.muli %add3A_313, %mul3A_373 : i32
      %add3A_375 = arith.constant 64 : i32
      %add3A_376 = arith.addi %mul3A_374, %add3A_375 : i32
      %get3A_377 = arith.index_cast %add3A_376 : i32 to index
      %get3A_378 = tpu.vector_load %arg7[%get3A_377] {strides = array<i32>} : memref<10096xi32, #tpu.memory_space<vmem>>, vector<16xi32>,
      %mul3A_379 = arith.constant 4 : i32
      %mul3A_380 = vector.broadcast %mul3A_379 : i32 to vector<16xi32>
      %mul3A_381 = arith.muli %get3A_378, %mul3A_380 : vector<16xi32>
      %add3A_382 = arith.constant 0 : i32
      %add3A_383 = vector.broadcast %add3A_382 : i32 to vector<16xi32>
      %add3A_384 = arith.addi %mul3A_381, %add3A_383 : vector<16xi32>
      %swap3A_385 = arith.index_cast %add3A_313 : i32 to index
      %swap3A_386 = arith.constant 64 : index
      %swap3A_387 = tpu.vector_load %arg10[%swap3A_385, %swap3A_386] {strides = array<i32>} : memref<127x80xi32, #tpu.memory_space<vmem>>, vector<16xi32>,
      tpu.vector_store %arg10[%swap3A_385, %swap3A_386], %add3A_384 {strides = array<i32>} : memref<127x80xi32, #tpu.memory_space<vmem>>, vector<16xi32>,
    }
    %sub3A_132 = arith.constant 0 : i32
    %sub3A_133 = arith.subi %mul3A_94, %sub3A_132 : i32
    %sub3A_134 = arith.constant 1 : i32
    %sub3A_135 = arith.constant 1 : i32
    %sub3A_136 = arith.subi %sub3A_134, %sub3A_135 : i32
    %add3A_137 = arith.addi %sub3A_133, %sub3A_136 : i32
    %div3A_138 = arith.constant 1 : i32
    %div3A_139 = arith.divsi %add3A_137, %div3A_138 : i32
    %while3A_140 = arith.constant 1 : i32
    %while3A_141 = arith.constant 0 : i32
    %while3A_142 = arith.constant 0 : i32
    %while3A_143 = arith.subi %div3A_139, %while3A_142 : i32
    %while3A_144 = arith.addi %while3A_142, %while3A_143 : i32
    %while3A_145 = arith.constant 1 : i32
    %while3A_146 = arith.divsi %while3A_143, %while3A_145 : i32
    %while3A_147 = arith.muli %while3A_146, %while3A_145 : i32
    %while3A_148 = arith.addi %while3A_142, %while3A_147 : i32
    %while3A_149 = arith.constant 1 : i32
    scf.for %while3A_311 = %while3A_142 to %while3A_148 step %while3A_149  : i32 {
      %mul3A_312 = arith.muli %while3A_311, %while3A_140 : i32
      %add3A_313 = arith.addi %while3A_141, %mul3A_312 : i32
      "tpu.region"() ({
        %run_scoped3A = tpu.sem_alloc : memref<!tpu.dma_semaphore, #tpu.memory_space<semaphore_mem>>
        %dma_start3A = arith.constant 0 : i32
        %dma_start3A_314 = tpu.memref_slice %arg10[%add3A_313, %dma_start3A] : memref<127x80xi32, #tpu.memory_space<vmem>> -> memref<1x80xi32, #tpu.memory_space<vmem>>
        %dma_start3A_315 = tpu.memref_squeeze %dma_start3A_314 : memref<1x80xi32, #tpu.memory_space<vmem>> -> memref<80xi32, #tpu.memory_space<vmem>>
        %dma_start3A_316 = arith.constant 0 : i32
        %dma_start3A_317 = arith.constant 0 : i32
        %dma_start3A_318 = tpu.memref_slice %arg2[%dma_start3A_316, %dma_start3A_317] : memref<40000x128xf32, #tpu.memory_space<hbm>> -> memref<40000x128xf32, #tpu.memory_space<hbm>>
        tpu.enqueue_indirect_dma source(%dma_start3A_318 : memref<40000x128xf32, #tpu.memory_space<hbm>>) target(%arg11 : memref<80x128xf32, #tpu.memory_space<vmem>>) offsets(%dma_start3A_315 : memref<80xi32, #tpu.memory_space<vmem>>) semaphore(%run_scoped3A : memref<!tpu.dma_semaphore, #tpu.memory_space<semaphore_mem>>)
        %dma_wait3A = arith.constant 0 : i32
        %dma_wait3A_319 = tpu.memref_slice %arg10[%add3A_313, %dma_wait3A] : memref<127x80xi32, #tpu.memory_space<vmem>> -> memref<1x80xi32, #tpu.memory_space<vmem>>
        %dma_wait3A_320 = tpu.memref_squeeze %dma_wait3A_319 : memref<1x80xi32, #tpu.memory_space<vmem>> -> memref<80xi32, #tpu.memory_space<vmem>>
        %dma_wait3A_321 = arith.constant 0 : i32
        %dma_wait3A_322 = arith.constant 0 : i32
        %dma_wait3A_323 = tpu.memref_slice %arg2[%dma_wait3A_321, %dma_wait3A_322] : memref<40000x128xf32, #tpu.memory_space<hbm>> -> memref<40000x128xf32, #tpu.memory_space<hbm>>
        tpu.wait_indirect_dma semaphore(%run_scoped3A : memref<!tpu.dma_semaphore, #tpu.memory_space<semaphore_mem>>) src(%dma_wait3A_323 : memref<40000x128xf32, #tpu.memory_space<hbm>>) dst(%arg11 : memref<80x128xf32, #tpu.memory_space<vmem>>)
        tpu.yield
      }) : () -> ()
      "tpu.region"() ({
        %run_scoped3A = tpu.sem_alloc : memref<!tpu.dma_semaphore, #tpu.memory_space<semaphore_mem>>
        %dma_start3A = arith.constant 0 : i32
        %dma_start3A_314 = tpu.memref_slice %arg9[%add3A_313, %dma_start3A] : memref<127x80xi32, #tpu.memory_space<vmem>> -> memref<1x80xi32, #tpu.memory_space<vmem>>
        %dma_start3A_315 = tpu.memref_squeeze %dma_start3A_314 : memref<1x80xi32, #tpu.memory_space<vmem>> -> memref<80xi32, #tpu.memory_space<vmem>>
        %dma_start3A_316 = arith.constant 0 : i32
        %dma_start3A_317 = arith.constant 0 : i32
        %dma_start3A_318 = tpu.memref_slice %arg12[%dma_start3A_316, %dma_start3A_317] : memref<5248x128xf32, #tpu.memory_space<vmem_shared>> -> memref<5248x128xf32, #tpu.memory_space<vmem_shared>>
        tpu.enqueue_indirect_dma source(%arg11 : memref<80x128xf32, #tpu.memory_space<vmem>>) target(%dma_start3A_318 : memref<5248x128xf32, #tpu.memory_space<vmem_shared>>) offsets(%dma_start3A_315 : memref<80xi32, #tpu.memory_space<vmem>>) semaphore(%run_scoped3A : memref<!tpu.dma_semaphore, #tpu.memory_space<semaphore_mem>>) {add = true}
        %dma_wait3A = arith.constant 0 : i32
        %dma_wait3A_319 = tpu.memref_slice %arg9[%add3A_313, %dma_wait3A] : memref<127x80xi32, #tpu.memory_space<vmem>> -> memref<1x80xi32, #tpu.memory_space<vmem>>
        %dma_wait3A_320 = tpu.memref_squeeze %dma_wait3A_319 : memref<1x80xi32, #tpu.memory_space<vmem>> -> memref<80xi32, #tpu.memory_space<vmem>>
        %dma_wait3A_321 = arith.constant 0 : i32
        %dma_wait3A_322 = arith.constant 0 : i32
        %dma_wait3A_323 = tpu.memref_slice %arg12[%dma_wait3A_321, %dma_wait3A_322] : memref<5248x128xf32, #tpu.memory_space<vmem_shared>> -> memref<5248x128xf32, #tpu.memory_space<vmem_shared>>
        tpu.wait_indirect_dma semaphore(%run_scoped3A : memref<!tpu.dma_semaphore, #tpu.memory_space<semaphore_mem>>) src(%arg11 : memref<80x128xf32, #tpu.memory_space<vmem>>) dst(%dma_wait3A_323 : memref<5248x128xf32, #tpu.memory_space<vmem_shared>>)
        tpu.yield
      }) : () -> ()
    }
    %while3A_150 = arith.constant 1 : i32
    scf.for %while3A_311 = %while3A_148 to %while3A_144 step %while3A_150  : i32 {
      %mul3A_312 = arith.muli %while3A_311, %while3A_140 : i32
      %add3A_313 = arith.addi %while3A_141, %mul3A_312 : i32
      "tpu.region"() ({
        %run_scoped3A = tpu.sem_alloc : memref<!tpu.dma_semaphore, #tpu.memory_space<semaphore_mem>>
        %dma_start3A = arith.constant 0 : i32
        %dma_start3A_314 = tpu.memref_slice %arg10[%add3A_313, %dma_start3A] : memref<127x80xi32, #tpu.memory_space<vmem>> -> memref<1x80xi32, #tpu.memory_space<vmem>>
        %dma_start3A_315 = tpu.memref_squeeze %dma_start3A_314 : memref<1x80xi32, #tpu.memory_space<vmem>> -> memref<80xi32, #tpu.memory_space<vmem>>
        %dma_start3A_316 = arith.constant 0 : i32
        %dma_start3A_317 = arith.constant 0 : i32
        %dma_start3A_318 = tpu.memref_slice %arg2[%dma_start3A_316, %dma_start3A_317] : memref<40000x128xf32, #tpu.memory_space<hbm>> -> memref<40000x128xf32, #tpu.memory_space<hbm>>
        tpu.enqueue_indirect_dma source(%dma_start3A_318 : memref<40000x128xf32, #tpu.memory_space<hbm>>) target(%arg11 : memref<80x128xf32, #tpu.memory_space<vmem>>) offsets(%dma_start3A_315 : memref<80xi32, #tpu.memory_space<vmem>>) semaphore(%run_scoped3A : memref<!tpu.dma_semaphore, #tpu.memory_space<semaphore_mem>>)
        %dma_wait3A = arith.constant 0 : i32
        %dma_wait3A_319 = tpu.memref_slice %arg10[%add3A_313, %dma_wait3A] : memref<127x80xi32, #tpu.memory_space<vmem>> -> memref<1x80xi32, #tpu.memory_space<vmem>>
        %dma_wait3A_320 = tpu.memref_squeeze %dma_wait3A_319 : memref<1x80xi32, #tpu.memory_space<vmem>> -> memref<80xi32, #tpu.memory_space<vmem>>
        %dma_wait3A_321 = arith.constant 0 : i32
        %dma_wait3A_322 = arith.constant 0 : i32
        %dma_wait3A_323 = tpu.memref_slice %arg2[%dma_wait3A_321, %dma_wait3A_322] : memref<40000x128xf32, #tpu.memory_space<hbm>> -> memref<40000x128xf32, #tpu.memory_space<hbm>>
        tpu.wait_indirect_dma semaphore(%run_scoped3A : memref<!tpu.dma_semaphore, #tpu.memory_space<semaphore_mem>>) src(%dma_wait3A_323 : memref<40000x128xf32, #tpu.memory_space<hbm>>) dst(%arg11 : memref<80x128xf32, #tpu.memory_space<vmem>>)
        tpu.yield
      }) : () -> ()
      "tpu.region"() ({
        %run_scoped3A = tpu.sem_alloc : memref<!tpu.dma_semaphore, #tpu.memory_space<semaphore_mem>>
        %dma_start3A = arith.constant 0 : i32
        %dma_start3A_314 = tpu.memref_slice %arg9[%add3A_313, %dma_start3A] : memref<127x80xi32, #tpu.memory_space<vmem>> -> memref<1x80xi32, #tpu.memory_space<vmem>>
        %dma_start3A_315 = tpu.memref_squeeze %dma_start3A_314 : memref<1x80xi32, #tpu.memory_space<vmem>> -> memref<80xi32, #tpu.memory_space<vmem>>
        %dma_start3A_316 = arith.constant 0 : i32
        %dma_start3A_317 = arith.constant 0 : i32
        %dma_start3A_318 = tpu.memref_slice %arg12[%dma_start3A_316, %dma_start3A_317] : memref<5248x128xf32, #tpu.memory_space<vmem_shared>> -> memref<5248x128xf32, #tpu.memory_space<vmem_shared>>
        tpu.enqueue_indirect_dma source(%arg11 : memref<80x128xf32, #tpu.memory_space<vmem>>) target(%dma_start3A_318 : memref<5248x128xf32, #tpu.memory_space<vmem_shared>>) offsets(%dma_start3A_315 : memref<80xi32, #tpu.memory_space<vmem>>) semaphore(%run_scoped3A : memref<!tpu.dma_semaphore, #tpu.memory_space<semaphore_mem>>) {add = true}
        %dma_wait3A = arith.constant 0 : i32
        %dma_wait3A_319 = tpu.memref_slice %arg9[%add3A_313, %dma_wait3A] : memref<127x80xi32, #tpu.memory_space<vmem>> -> memref<1x80xi32, #tpu.memory_space<vmem>>
        %dma_wait3A_320 = tpu.memref_squeeze %dma_wait3A_319 : memref<1x80xi32, #tpu.memory_space<vmem>> -> memref<80xi32, #tpu.memory_space<vmem>>
        %dma_wait3A_321 = arith.constant 0 : i32
        %dma_wait3A_322 = arith.constant 0 : i32
        %dma_wait3A_323 = tpu.memref_slice %arg12[%dma_wait3A_321, %dma_wait3A_322] : memref<5248x128xf32, #tpu.memory_space<vmem_shared>> -> memref<5248x128xf32, #tpu.memory_space<vmem_shared>>
        tpu.wait_indirect_dma semaphore(%run_scoped3A : memref<!tpu.dma_semaphore, #tpu.memory_space<semaphore_mem>>) src(%arg11 : memref<80x128xf32, #tpu.memory_space<vmem>>) dst(%dma_wait3A_323 : memref<5248x128xf32, #tpu.memory_space<vmem_shared>>)
        tpu.yield
      }) : () -> ()
    }
    %barrier3A_151 = arith.constant 0 : index
    tpu.barrier barrier_id(%barrier3A_151)
    %mul3A_152 = arith.constant 320 : i32
    %mul3A_153 = arith.muli %arg1, %mul3A_152 : i32
    %mul3A_154 = arith.constant 5120 : i32
    %mul3A_155 = arith.muli %arg0, %mul3A_154 : i32
    %add3A_156 = arith.constant 0 : i32
    %add3A_157 = arith.addi %add3A_156, %mul3A_155 : i32
    %mul3A_158 = arith.constant 320 : i32
    %mul3A_159 = arith.muli %arg1, %mul3A_158 : i32
    %add3A_160 = arith.addi %add3A_157, %mul3A_159 : i32
    "tpu.region"() ({
      %run_scoped3A = tpu.sem_alloc : memref<!tpu.dma_semaphore, #tpu.memory_space<semaphore_mem>>
      %dma_start3A = arith.constant 0 : i32
      %dma_start3A_311 = tpu.memref_slice %arg6[%add3A_160, %dma_start3A] : memref<40960x128xf32, #tpu.memory_space<hbm>> -> memref<320x128xf32, #tpu.memory_space<hbm>>
      %dma_start3A_312 = arith.constant 0 : i32
      %dma_start3A_313 = tpu.memref_slice %arg12[%mul3A_153, %dma_start3A_312] : memref<5248x128xf32, #tpu.memory_space<vmem_shared>> -> memref<320x128xf32, #tpu.memory_space<vmem_shared>>
      tpu.enqueue_dma source(%dma_start3A_313 : memref<320x128xf32, #tpu.memory_space<vmem_shared>>) target(%dma_start3A_311 : memref<320x128xf32, #tpu.memory_space<hbm>>) target_semaphore(%run_scoped3A : memref<!tpu.dma_semaphore, #tpu.memory_space<semaphore_mem>>)
      %dma_wait3A = arith.constant 0 : i32
      %dma_wait3A_314 = tpu.memref_slice %arg6[%add3A_160, %dma_wait3A] : memref<40960x128xf32, #tpu.memory_space<hbm>> -> memref<320x128xf32, #tpu.memory_space<hbm>>
      %dma_wait3A_315 = arith.constant 0 : i32
      %dma_wait3A_316 = tpu.memref_slice %arg12[%mul3A_153, %dma_wait3A_315] : memref<5248x128xf32, #tpu.memory_space<vmem_shared>> -> memref<320x128xf32, #tpu.memory_space<vmem_shared>>
      tpu.wait_dma2 semaphore(%run_scoped3A : memref<!tpu.dma_semaphore, #tpu.memory_space<semaphore_mem>>) src(%dma_wait3A_316 : memref<320x128xf32, #tpu.memory_space<vmem_shared>>) dst(%dma_wait3A_314 : memref<320x128xf32, #tpu.memory_space<hbm>>)
      tpu.yield
    }) : () -> ()
    %barrier3A_161 = arith.constant 0 : index
    tpu.barrier barrier_id(%barrier3A_161)
    "tpu.region"() ({
      %run_scoped3A = tpu.sem_alloc : memref<!tpu.dma_semaphore, #tpu.memory_space<semaphore_mem>>
      %dma_start3A = arith.constant 0 : i32
      %dma_start3A_311 = tpu.memref_slice %arg12[%mul3A_0, %dma_start3A] : memref<5248x128xf32, #tpu.memory_space<vmem_shared>> -> memref<328x128xf32, #tpu.memory_space<vmem_shared>>
      %dma_start3A_312 = arith.constant 0 : i32
      %dma_start3A_313 = tpu.memref_slice %arg5[%mul3A_0, %dma_start3A_312] : memref<5248x128xf32, #tpu.memory_space<hbm>> -> memref<328x128xf32, #tpu.memory_space<hbm>>
      tpu.enqueue_dma source(%dma_start3A_313 : memref<328x128xf32, #tpu.memory_space<hbm>>) target(%dma_start3A_311 : memref<328x128xf32, #tpu.memory_space<vmem_shared>>) target_semaphore(%run_scoped3A : memref<!tpu.dma_semaphore, #tpu.memory_space<semaphore_mem>>)
      %dma_wait3A = arith.constant 0 : i32
      %dma_wait3A_314 = tpu.memref_slice %arg12[%mul3A_0, %dma_wait3A] : memref<5248x128xf32, #tpu.memory_space<vmem_shared>> -> memref<328x128xf32, #tpu.memory_space<vmem_shared>>
      %dma_wait3A_315 = arith.constant 0 : i32
      %dma_wait3A_316 = tpu.memref_slice %arg5[%mul3A_0, %dma_wait3A_315] : memref<5248x128xf32, #tpu.memory_space<hbm>> -> memref<328x128xf32, #tpu.memory_space<hbm>>
      tpu.wait_dma2 semaphore(%run_scoped3A : memref<!tpu.dma_semaphore, #tpu.memory_space<semaphore_mem>>) src(%dma_wait3A_316 : memref<328x128xf32, #tpu.memory_space<hbm>>) dst(%dma_wait3A_314 : memref<328x128xf32, #tpu.memory_space<vmem_shared>>)
      tpu.yield
    }) : () -> ()
    %barrier3A_162 = arith.constant 0 : index
    tpu.barrier barrier_id(%barrier3A_162)
    %sub3A_163 = arith.constant 0 : i32
    %sub3A_164 = arith.subi %mul3A_94, %sub3A_163 : i32
    %sub3A_165 = arith.constant 1 : i32
    %sub3A_166 = arith.constant 1 : i32
    %sub3A_167 = arith.subi %sub3A_165, %sub3A_166 : i32
    %add3A_168 = arith.addi %sub3A_164, %sub3A_167 : i32
    %div3A_169 = arith.constant 1 : i32
    %div3A_170 = arith.divsi %add3A_168, %div3A_169 : i32
    %while3A_171 = arith.constant 1 : i32
    %while3A_172 = arith.constant 0 : i32
    %while3A_173 = arith.constant 0 : i32
    %while3A_174 = arith.subi %div3A_170, %while3A_173 : i32
    %while3A_175 = arith.addi %while3A_173, %while3A_174 : i32
    %while3A_176 = arith.constant 1 : i32
    %while3A_177 = arith.divsi %while3A_174, %while3A_176 : i32
    %while3A_178 = arith.muli %while3A_177, %while3A_176 : i32
    %while3A_179 = arith.addi %while3A_173, %while3A_178 : i32
    %while3A_180 = arith.constant 1 : i32
    scf.for %while3A_311 = %while3A_173 to %while3A_179 step %while3A_180  : i32 {
      %mul3A_312 = arith.muli %while3A_311, %while3A_171 : i32
      %add3A_313 = arith.addi %while3A_172, %mul3A_312 : i32
      %mul3A_314 = arith.constant 80 : i32
      %mul3A_315 = arith.muli %add3A_313, %mul3A_314 : i32
      %add3A_316 = arith.constant 0 : i32
      %add3A_317 = arith.addi %mul3A_315, %add3A_316 : i32
      %get3A = arith.index_cast %add3A_317 : i32 to index
      %get3A_318 = tpu.vector_load %arg7[%get3A] {strides = array<i32>} : memref<10096xi32, #tpu.memory_space<vmem>>, vector<16xi32>,
      %mul3A_319 = arith.constant 4 : i32
      %mul3A_320 = vector.broadcast %mul3A_319 : i32 to vector<16xi32>
      %mul3A_321 = arith.muli %get3A_318, %mul3A_320 : vector<16xi32>
      %add3A_322 = arith.constant 1 : i32
      %add3A_323 = vector.broadcast %add3A_322 : i32 to vector<16xi32>
      %add3A_324 = arith.addi %mul3A_321, %add3A_323 : vector<16xi32>
      %swap3A_325 = arith.index_cast %add3A_313 : i32 to index
      %swap3A_326 = arith.constant 0 : index
      %swap3A_327 = tpu.vector_load %arg10[%swap3A_325, %swap3A_326] {strides = array<i32>} : memref<127x80xi32, #tpu.memory_space<vmem>>, vector<16xi32>,
      tpu.vector_store %arg10[%swap3A_325, %swap3A_326], %add3A_324 {strides = array<i32>} : memref<127x80xi32, #tpu.memory_space<vmem>>, vector<16xi32>,
      %mul3A_328 = arith.constant 80 : i32
      %mul3A_329 = arith.muli %add3A_313, %mul3A_328 : i32
      %add3A_330 = arith.constant 16 : i32
      %add3A_331 = arith.addi %mul3A_329, %add3A_330 : i32
      %get3A_332 = arith.index_cast %add3A_331 : i32 to index
      %get3A_333 = tpu.vector_load %arg7[%get3A_332] {strides = array<i32>} : memref<10096xi32, #tpu.memory_space<vmem>>, vector<16xi32>,
      %mul3A_334 = arith.constant 4 : i32
      %mul3A_335 = vector.broadcast %mul3A_334 : i32 to vector<16xi32>
      %mul3A_336 = arith.muli %get3A_333, %mul3A_335 : vector<16xi32>
      %add3A_337 = arith.constant 1 : i32
      %add3A_338 = vector.broadcast %add3A_337 : i32 to vector<16xi32>
      %add3A_339 = arith.addi %mul3A_336, %add3A_338 : vector<16xi32>
      %swap3A_340 = arith.index_cast %add3A_313 : i32 to index
      %swap3A_341 = arith.constant 16 : index
      %swap3A_342 = tpu.vector_load %arg10[%swap3A_340, %swap3A_341] {strides = array<i32>} : memref<127x80xi32, #tpu.memory_space<vmem>>, vector<16xi32>,
      tpu.vector_store %arg10[%swap3A_340, %swap3A_341], %add3A_339 {strides = array<i32>} : memref<127x80xi32, #tpu.memory_space<vmem>>, vector<16xi32>,
      %mul3A_343 = arith.constant 80 : i32
      %mul3A_344 = arith.muli %add3A_313, %mul3A_343 : i32
      %add3A_345 = arith.constant 32 : i32
      %add3A_346 = arith.addi %mul3A_344, %add3A_345 : i32
      %get3A_347 = arith.index_cast %add3A_346 : i32 to index
      %get3A_348 = tpu.vector_load %arg7[%get3A_347] {strides = array<i32>} : memref<10096xi32, #tpu.memory_space<vmem>>, vector<16xi32>,
      %mul3A_349 = arith.constant 4 : i32
      %mul3A_350 = vector.broadcast %mul3A_349 : i32 to vector<16xi32>
      %mul3A_351 = arith.muli %get3A_348, %mul3A_350 : vector<16xi32>
      %add3A_352 = arith.constant 1 : i32
      %add3A_353 = vector.broadcast %add3A_352 : i32 to vector<16xi32>
      %add3A_354 = arith.addi %mul3A_351, %add3A_353 : vector<16xi32>
      %swap3A_355 = arith.index_cast %add3A_313 : i32 to index
      %swap3A_356 = arith.constant 32 : index
      %swap3A_357 = tpu.vector_load %arg10[%swap3A_355, %swap3A_356] {strides = array<i32>} : memref<127x80xi32, #tpu.memory_space<vmem>>, vector<16xi32>,
      tpu.vector_store %arg10[%swap3A_355, %swap3A_356], %add3A_354 {strides = array<i32>} : memref<127x80xi32, #tpu.memory_space<vmem>>, vector<16xi32>,
      %mul3A_358 = arith.constant 80 : i32
      %mul3A_359 = arith.muli %add3A_313, %mul3A_358 : i32
      %add3A_360 = arith.constant 48 : i32
      %add3A_361 = arith.addi %mul3A_359, %add3A_360 : i32
      %get3A_362 = arith.index_cast %add3A_361 : i32 to index
      %get3A_363 = tpu.vector_load %arg7[%get3A_362] {strides = array<i32>} : memref<10096xi32, #tpu.memory_space<vmem>>, vector<16xi32>,
      %mul3A_364 = arith.constant 4 : i32
      %mul3A_365 = vector.broadcast %mul3A_364 : i32 to vector<16xi32>
      %mul3A_366 = arith.muli %get3A_363, %mul3A_365 : vector<16xi32>
      %add3A_367 = arith.constant 1 : i32
      %add3A_368 = vector.broadcast %add3A_367 : i32 to vector<16xi32>
      %add3A_369 = arith.addi %mul3A_366, %add3A_368 : vector<16xi32>
      %swap3A_370 = arith.index_cast %add3A_313 : i32 to index
      %swap3A_371 = arith.constant 48 : index
      %swap3A_372 = tpu.vector_load %arg10[%swap3A_370, %swap3A_371] {strides = array<i32>} : memref<127x80xi32, #tpu.memory_space<vmem>>, vector<16xi32>,
      tpu.vector_store %arg10[%swap3A_370, %swap3A_371], %add3A_369 {strides = array<i32>} : memref<127x80xi32, #tpu.memory_space<vmem>>, vector<16xi32>,
      %mul3A_373 = arith.constant 80 : i32
      %mul3A_374 = arith.muli %add3A_313, %mul3A_373 : i32
      %add3A_375 = arith.constant 64 : i32
      %add3A_376 = arith.addi %mul3A_374, %add3A_375 : i32
      %get3A_377 = arith.index_cast %add3A_376 : i32 to index
      %get3A_378 = tpu.vector_load %arg7[%get3A_377] {strides = array<i32>} : memref<10096xi32, #tpu.memory_space<vmem>>, vector<16xi32>,
      %mul3A_379 = arith.constant 4 : i32
      %mul3A_380 = vector.broadcast %mul3A_379 : i32 to vector<16xi32>
      %mul3A_381 = arith.muli %get3A_378, %mul3A_380 : vector<16xi32>
      %add3A_382 = arith.constant 1 : i32
      %add3A_383 = vector.broadcast %add3A_382 : i32 to vector<16xi32>
      %add3A_384 = arith.addi %mul3A_381, %add3A_383 : vector<16xi32>
      %swap3A_385 = arith.index_cast %add3A_313 : i32 to index
      %swap3A_386 = arith.constant 64 : index
      %swap3A_387 = tpu.vector_load %arg10[%swap3A_385, %swap3A_386] {strides = array<i32>} : memref<127x80xi32, #tpu.memory_space<vmem>>, vector<16xi32>,
      tpu.vector_store %arg10[%swap3A_385, %swap3A_386], %add3A_384 {strides = array<i32>} : memref<127x80xi32, #tpu.memory_space<vmem>>, vector<16xi32>,
    }
    %while3A_181 = arith.constant 1 : i32
    scf.for %while3A_311 = %while3A_179 to %while3A_175 step %while3A_181  : i32 {
      %mul3A_312 = arith.muli %while3A_311, %while3A_171 : i32
      %add3A_313 = arith.addi %while3A_172, %mul3A_312 : i32
      %mul3A_314 = arith.constant 80 : i32
      %mul3A_315 = arith.muli %add3A_313, %mul3A_314 : i32
      %add3A_316 = arith.constant 0 : i32
      %add3A_317 = arith.addi %mul3A_315, %add3A_316 : i32
      %get3A = arith.index_cast %add3A_317 : i32 to index
      %get3A_318 = tpu.vector_load %arg7[%get3A] {strides = array<i32>} : memref<10096xi32, #tpu.memory_space<vmem>>, vector<16xi32>,
      %mul3A_319 = arith.constant 4 : i32
      %mul3A_320 = vector.broadcast %mul3A_319 : i32 to vector<16xi32>
      %mul3A_321 = arith.muli %get3A_318, %mul3A_320 : vector<16xi32>
      %add3A_322 = arith.constant 1 : i32
      %add3A_323 = vector.broadcast %add3A_322 : i32 to vector<16xi32>
      %add3A_324 = arith.addi %mul3A_321, %add3A_323 : vector<16xi32>
      %swap3A_325 = arith.index_cast %add3A_313 : i32 to index
      %swap3A_326 = arith.constant 0 : index
      %swap3A_327 = tpu.vector_load %arg10[%swap3A_325, %swap3A_326] {strides = array<i32>} : memref<127x80xi32, #tpu.memory_space<vmem>>, vector<16xi32>,
      tpu.vector_store %arg10[%swap3A_325, %swap3A_326], %add3A_324 {strides = array<i32>} : memref<127x80xi32, #tpu.memory_space<vmem>>, vector<16xi32>,
      %mul3A_328 = arith.constant 80 : i32
      %mul3A_329 = arith.muli %add3A_313, %mul3A_328 : i32
      %add3A_330 = arith.constant 16 : i32
      %add3A_331 = arith.addi %mul3A_329, %add3A_330 : i32
      %get3A_332 = arith.index_cast %add3A_331 : i32 to index
      %get3A_333 = tpu.vector_load %arg7[%get3A_332] {strides = array<i32>} : memref<10096xi32, #tpu.memory_space<vmem>>, vector<16xi32>,
      %mul3A_334 = arith.constant 4 : i32
      %mul3A_335 = vector.broadcast %mul3A_334 : i32 to vector<16xi32>
      %mul3A_336 = arith.muli %get3A_333, %mul3A_335 : vector<16xi32>
      %add3A_337 = arith.constant 1 : i32
      %add3A_338 = vector.broadcast %add3A_337 : i32 to vector<16xi32>
      %add3A_339 = arith.addi %mul3A_336, %add3A_338 : vector<16xi32>
      %swap3A_340 = arith.index_cast %add3A_313 : i32 to index
      %swap3A_341 = arith.constant 16 : index
      %swap3A_342 = tpu.vector_load %arg10[%swap3A_340, %swap3A_341] {strides = array<i32>} : memref<127x80xi32, #tpu.memory_space<vmem>>, vector<16xi32>,
      tpu.vector_store %arg10[%swap3A_340, %swap3A_341], %add3A_339 {strides = array<i32>} : memref<127x80xi32, #tpu.memory_space<vmem>>, vector<16xi32>,
      %mul3A_343 = arith.constant 80 : i32
      %mul3A_344 = arith.muli %add3A_313, %mul3A_343 : i32
      %add3A_345 = arith.constant 32 : i32
      %add3A_346 = arith.addi %mul3A_344, %add3A_345 : i32
      %get3A_347 = arith.index_cast %add3A_346 : i32 to index
      %get3A_348 = tpu.vector_load %arg7[%get3A_347] {strides = array<i32>} : memref<10096xi32, #tpu.memory_space<vmem>>, vector<16xi32>,
      %mul3A_349 = arith.constant 4 : i32
      %mul3A_350 = vector.broadcast %mul3A_349 : i32 to vector<16xi32>
      %mul3A_351 = arith.muli %get3A_348, %mul3A_350 : vector<16xi32>
      %add3A_352 = arith.constant 1 : i32
      %add3A_353 = vector.broadcast %add3A_352 : i32 to vector<16xi32>
      %add3A_354 = arith.addi %mul3A_351, %add3A_353 : vector<16xi32>
      %swap3A_355 = arith.index_cast %add3A_313 : i32 to index
      %swap3A_356 = arith.constant 32 : index
      %swap3A_357 = tpu.vector_load %arg10[%swap3A_355, %swap3A_356] {strides = array<i32>} : memref<127x80xi32, #tpu.memory_space<vmem>>, vector<16xi32>,
      tpu.vector_store %arg10[%swap3A_355, %swap3A_356], %add3A_354 {strides = array<i32>} : memref<127x80xi32, #tpu.memory_space<vmem>>, vector<16xi32>,
      %mul3A_358 = arith.constant 80 : i32
      %mul3A_359 = arith.muli %add3A_313, %mul3A_358 : i32
      %add3A_360 = arith.constant 48 : i32
      %add3A_361 = arith.addi %mul3A_359, %add3A_360 : i32
      %get3A_362 = arith.index_cast %add3A_361 : i32 to index
      %get3A_363 = tpu.vector_load %arg7[%get3A_362] {strides = array<i32>} : memref<10096xi32, #tpu.memory_space<vmem>>, vector<16xi32>,
      %mul3A_364 = arith.constant 4 : i32
      %mul3A_365 = vector.broadcast %mul3A_364 : i32 to vector<16xi32>
      %mul3A_366 = arith.muli %get3A_363, %mul3A_365 : vector<16xi32>
      %add3A_367 = arith.constant 1 : i32
      %add3A_368 = vector.broadcast %add3A_367 : i32 to vector<16xi32>
      %add3A_369 = arith.addi %mul3A_366, %add3A_368 : vector<16xi32>
      %swap3A_370 = arith.index_cast %add3A_313 : i32 to index
      %swap3A_371 = arith.constant 48 : index
      %swap3A_372 = tpu.vector_load %arg10[%swap3A_370, %swap3A_371] {strides = array<i32>} : memref<127x80xi32, #tpu.memory_space<vmem>>, vector<16xi32>,
      tpu.vector_store %arg10[%swap3A_370, %swap3A_371], %add3A_369 {strides = array<i32>} : memref<127x80xi32, #tpu.memory_space<vmem>>, vector<16xi32>,
      %mul3A_373 = arith.constant 80 : i32
      %mul3A_374 = arith.muli %add3A_313, %mul3A_373 : i32
      %add3A_375 = arith.constant 64 : i32
      %add3A_376 = arith.addi %mul3A_374, %add3A_375 : i32
      %get3A_377 = arith.index_cast %add3A_376 : i32 to index
      %get3A_378 = tpu.vector_load %arg7[%get3A_377] {strides = array<i32>} : memref<10096xi32, #tpu.memory_space<vmem>>, vector<16xi32>,
      %mul3A_379 = arith.constant 4 : i32
      %mul3A_380 = vector.broadcast %mul3A_379 : i32 to vector<16xi32>
      %mul3A_381 = arith.muli %get3A_378, %mul3A_380 : vector<16xi32>
      %add3A_382 = arith.constant 1 : i32
      %add3A_383 = vector.broadcast %add3A_382 : i32 to vector<16xi32>
      %add3A_384 = arith.addi %mul3A_381, %add3A_383 : vector<16xi32>
      %swap3A_385 = arith.index_cast %add3A_313 : i32 to index
      %swap3A_386 = arith.constant 64 : index
      %swap3A_387 = tpu.vector_load %arg10[%swap3A_385, %swap3A_386] {strides = array<i32>} : memref<127x80xi32, #tpu.memory_space<vmem>>, vector<16xi32>,
      tpu.vector_store %arg10[%swap3A_385, %swap3A_386], %add3A_384 {strides = array<i32>} : memref<127x80xi32, #tpu.memory_space<vmem>>, vector<16xi32>,
    }
    %sub3A_182 = arith.constant 0 : i32
    %sub3A_183 = arith.subi %mul3A_94, %sub3A_182 : i32
    %sub3A_184 = arith.constant 1 : i32
    %sub3A_185 = arith.constant 1 : i32
    %sub3A_186 = arith.subi %sub3A_184, %sub3A_185 : i32
    %add3A_187 = arith.addi %sub3A_183, %sub3A_186 : i32
    %div3A_188 = arith.constant 1 : i32
    %div3A_189 = arith.divsi %add3A_187, %div3A_188 : i32
    %while3A_190 = arith.constant 1 : i32
    %while3A_191 = arith.constant 0 : i32
    %while3A_192 = arith.constant 0 : i32
    %while3A_193 = arith.subi %div3A_189, %while3A_192 : i32
    %while3A_194 = arith.addi %while3A_192, %while3A_193 : i32
    %while3A_195 = arith.constant 1 : i32
    %while3A_196 = arith.divsi %while3A_193, %while3A_195 : i32
    %while3A_197 = arith.muli %while3A_196, %while3A_195 : i32
    %while3A_198 = arith.addi %while3A_192, %while3A_197 : i32
    %while3A_199 = arith.constant 1 : i32
    scf.for %while3A_311 = %while3A_192 to %while3A_198 step %while3A_199  : i32 {
      %mul3A_312 = arith.muli %while3A_311, %while3A_190 : i32
      %add3A_313 = arith.addi %while3A_191, %mul3A_312 : i32
      "tpu.region"() ({
        %run_scoped3A = tpu.sem_alloc : memref<!tpu.dma_semaphore, #tpu.memory_space<semaphore_mem>>
        %dma_start3A = arith.constant 0 : i32
        %dma_start3A_314 = tpu.memref_slice %arg10[%add3A_313, %dma_start3A] : memref<127x80xi32, #tpu.memory_space<vmem>> -> memref<1x80xi32, #tpu.memory_space<vmem>>
        %dma_start3A_315 = tpu.memref_squeeze %dma_start3A_314 : memref<1x80xi32, #tpu.memory_space<vmem>> -> memref<80xi32, #tpu.memory_space<vmem>>
        %dma_start3A_316 = arith.constant 0 : i32
        %dma_start3A_317 = arith.constant 0 : i32
        %dma_start3A_318 = tpu.memref_slice %arg2[%dma_start3A_316, %dma_start3A_317] : memref<40000x128xf32, #tpu.memory_space<hbm>> -> memref<40000x128xf32, #tpu.memory_space<hbm>>
        tpu.enqueue_indirect_dma source(%dma_start3A_318 : memref<40000x128xf32, #tpu.memory_space<hbm>>) target(%arg11 : memref<80x128xf32, #tpu.memory_space<vmem>>) offsets(%dma_start3A_315 : memref<80xi32, #tpu.memory_space<vmem>>) semaphore(%run_scoped3A : memref<!tpu.dma_semaphore, #tpu.memory_space<semaphore_mem>>)
        %dma_wait3A = arith.constant 0 : i32
        %dma_wait3A_319 = tpu.memref_slice %arg10[%add3A_313, %dma_wait3A] : memref<127x80xi32, #tpu.memory_space<vmem>> -> memref<1x80xi32, #tpu.memory_space<vmem>>
        %dma_wait3A_320 = tpu.memref_squeeze %dma_wait3A_319 : memref<1x80xi32, #tpu.memory_space<vmem>> -> memref<80xi32, #tpu.memory_space<vmem>>
        %dma_wait3A_321 = arith.constant 0 : i32
        %dma_wait3A_322 = arith.constant 0 : i32
        %dma_wait3A_323 = tpu.memref_slice %arg2[%dma_wait3A_321, %dma_wait3A_322] : memref<40000x128xf32, #tpu.memory_space<hbm>> -> memref<40000x128xf32, #tpu.memory_space<hbm>>
        tpu.wait_indirect_dma semaphore(%run_scoped3A : memref<!tpu.dma_semaphore, #tpu.memory_space<semaphore_mem>>) src(%dma_wait3A_323 : memref<40000x128xf32, #tpu.memory_space<hbm>>) dst(%arg11 : memref<80x128xf32, #tpu.memory_space<vmem>>)
        tpu.yield
      }) : () -> ()
      "tpu.region"() ({
        %run_scoped3A = tpu.sem_alloc : memref<!tpu.dma_semaphore, #tpu.memory_space<semaphore_mem>>
        %dma_start3A = arith.constant 0 : i32
        %dma_start3A_314 = tpu.memref_slice %arg9[%add3A_313, %dma_start3A] : memref<127x80xi32, #tpu.memory_space<vmem>> -> memref<1x80xi32, #tpu.memory_space<vmem>>
        %dma_start3A_315 = tpu.memref_squeeze %dma_start3A_314 : memref<1x80xi32, #tpu.memory_space<vmem>> -> memref<80xi32, #tpu.memory_space<vmem>>
        %dma_start3A_316 = arith.constant 0 : i32
        %dma_start3A_317 = arith.constant 0 : i32
        %dma_start3A_318 = tpu.memref_slice %arg12[%dma_start3A_316, %dma_start3A_317] : memref<5248x128xf32, #tpu.memory_space<vmem_shared>> -> memref<5248x128xf32, #tpu.memory_space<vmem_shared>>
        tpu.enqueue_indirect_dma source(%arg11 : memref<80x128xf32, #tpu.memory_space<vmem>>) target(%dma_start3A_318 : memref<5248x128xf32, #tpu.memory_space<vmem_shared>>) offsets(%dma_start3A_315 : memref<80xi32, #tpu.memory_space<vmem>>) semaphore(%run_scoped3A : memref<!tpu.dma_semaphore, #tpu.memory_space<semaphore_mem>>) {add = true}
        %dma_wait3A = arith.constant 0 : i32
        %dma_wait3A_319 = tpu.memref_slice %arg9[%add3A_313, %dma_wait3A] : memref<127x80xi32, #tpu.memory_space<vmem>> -> memref<1x80xi32, #tpu.memory_space<vmem>>
        %dma_wait3A_320 = tpu.memref_squeeze %dma_wait3A_319 : memref<1x80xi32, #tpu.memory_space<vmem>> -> memref<80xi32, #tpu.memory_space<vmem>>
        %dma_wait3A_321 = arith.constant 0 : i32
        %dma_wait3A_322 = arith.constant 0 : i32
        %dma_wait3A_323 = tpu.memref_slice %arg12[%dma_wait3A_321, %dma_wait3A_322] : memref<5248x128xf32, #tpu.memory_space<vmem_shared>> -> memref<5248x128xf32, #tpu.memory_space<vmem_shared>>
        tpu.wait_indirect_dma semaphore(%run_scoped3A : memref<!tpu.dma_semaphore, #tpu.memory_space<semaphore_mem>>) src(%arg11 : memref<80x128xf32, #tpu.memory_space<vmem>>) dst(%dma_wait3A_323 : memref<5248x128xf32, #tpu.memory_space<vmem_shared>>)
        tpu.yield
      }) : () -> ()
    }
    %while3A_200 = arith.constant 1 : i32
    scf.for %while3A_311 = %while3A_198 to %while3A_194 step %while3A_200  : i32 {
      %mul3A_312 = arith.muli %while3A_311, %while3A_190 : i32
      %add3A_313 = arith.addi %while3A_191, %mul3A_312 : i32
      "tpu.region"() ({
        %run_scoped3A = tpu.sem_alloc : memref<!tpu.dma_semaphore, #tpu.memory_space<semaphore_mem>>
        %dma_start3A = arith.constant 0 : i32
        %dma_start3A_314 = tpu.memref_slice %arg10[%add3A_313, %dma_start3A] : memref<127x80xi32, #tpu.memory_space<vmem>> -> memref<1x80xi32, #tpu.memory_space<vmem>>
        %dma_start3A_315 = tpu.memref_squeeze %dma_start3A_314 : memref<1x80xi32, #tpu.memory_space<vmem>> -> memref<80xi32, #tpu.memory_space<vmem>>
        %dma_start3A_316 = arith.constant 0 : i32
        %dma_start3A_317 = arith.constant 0 : i32
        %dma_start3A_318 = tpu.memref_slice %arg2[%dma_start3A_316, %dma_start3A_317] : memref<40000x128xf32, #tpu.memory_space<hbm>> -> memref<40000x128xf32, #tpu.memory_space<hbm>>
        tpu.enqueue_indirect_dma source(%dma_start3A_318 : memref<40000x128xf32, #tpu.memory_space<hbm>>) target(%arg11 : memref<80x128xf32, #tpu.memory_space<vmem>>) offsets(%dma_start3A_315 : memref<80xi32, #tpu.memory_space<vmem>>) semaphore(%run_scoped3A : memref<!tpu.dma_semaphore, #tpu.memory_space<semaphore_mem>>)
        %dma_wait3A = arith.constant 0 : i32
        %dma_wait3A_319 = tpu.memref_slice %arg10[%add3A_313, %dma_wait3A] : memref<127x80xi32, #tpu.memory_space<vmem>> -> memref<1x80xi32, #tpu.memory_space<vmem>>
        %dma_wait3A_320 = tpu.memref_squeeze %dma_wait3A_319 : memref<1x80xi32, #tpu.memory_space<vmem>> -> memref<80xi32, #tpu.memory_space<vmem>>
        %dma_wait3A_321 = arith.constant 0 : i32
        %dma_wait3A_322 = arith.constant 0 : i32
        %dma_wait3A_323 = tpu.memref_slice %arg2[%dma_wait3A_321, %dma_wait3A_322] : memref<40000x128xf32, #tpu.memory_space<hbm>> -> memref<40000x128xf32, #tpu.memory_space<hbm>>
        tpu.wait_indirect_dma semaphore(%run_scoped3A : memref<!tpu.dma_semaphore, #tpu.memory_space<semaphore_mem>>) src(%dma_wait3A_323 : memref<40000x128xf32, #tpu.memory_space<hbm>>) dst(%arg11 : memref<80x128xf32, #tpu.memory_space<vmem>>)
        tpu.yield
      }) : () -> ()
      "tpu.region"() ({
        %run_scoped3A = tpu.sem_alloc : memref<!tpu.dma_semaphore, #tpu.memory_space<semaphore_mem>>
        %dma_start3A = arith.constant 0 : i32
        %dma_start3A_314 = tpu.memref_slice %arg9[%add3A_313, %dma_start3A] : memref<127x80xi32, #tpu.memory_space<vmem>> -> memref<1x80xi32, #tpu.memory_space<vmem>>
        %dma_start3A_315 = tpu.memref_squeeze %dma_start3A_314 : memref<1x80xi32, #tpu.memory_space<vmem>> -> memref<80xi32, #tpu.memory_space<vmem>>
        %dma_start3A_316 = arith.constant 0 : i32
        %dma_start3A_317 = arith.constant 0 : i32
        %dma_start3A_318 = tpu.memref_slice %arg12[%dma_start3A_316, %dma_start3A_317] : memref<5248x128xf32, #tpu.memory_space<vmem_shared>> -> memref<5248x128xf32, #tpu.memory_space<vmem_shared>>
        tpu.enqueue_indirect_dma source(%arg11 : memref<80x128xf32, #tpu.memory_space<vmem>>) target(%dma_start3A_318 : memref<5248x128xf32, #tpu.memory_space<vmem_shared>>) offsets(%dma_start3A_315 : memref<80xi32, #tpu.memory_space<vmem>>) semaphore(%run_scoped3A : memref<!tpu.dma_semaphore, #tpu.memory_space<semaphore_mem>>) {add = true}
        %dma_wait3A = arith.constant 0 : i32
        %dma_wait3A_319 = tpu.memref_slice %arg9[%add3A_313, %dma_wait3A] : memref<127x80xi32, #tpu.memory_space<vmem>> -> memref<1x80xi32, #tpu.memory_space<vmem>>
        %dma_wait3A_320 = tpu.memref_squeeze %dma_wait3A_319 : memref<1x80xi32, #tpu.memory_space<vmem>> -> memref<80xi32, #tpu.memory_space<vmem>>
        %dma_wait3A_321 = arith.constant 0 : i32
        %dma_wait3A_322 = arith.constant 0 : i32
        %dma_wait3A_323 = tpu.memref_slice %arg12[%dma_wait3A_321, %dma_wait3A_322] : memref<5248x128xf32, #tpu.memory_space<vmem_shared>> -> memref<5248x128xf32, #tpu.memory_space<vmem_shared>>
        tpu.wait_indirect_dma semaphore(%run_scoped3A : memref<!tpu.dma_semaphore, #tpu.memory_space<semaphore_mem>>) src(%arg11 : memref<80x128xf32, #tpu.memory_space<vmem>>) dst(%dma_wait3A_323 : memref<5248x128xf32, #tpu.memory_space<vmem_shared>>)
        tpu.yield
      }) : () -> ()
    }
    %barrier3A_201 = arith.constant 0 : index
    tpu.barrier barrier_id(%barrier3A_201)
    %mul3A_202 = arith.constant 320 : i32
    %mul3A_203 = arith.muli %arg1, %mul3A_202 : i32
    %mul3A_204 = arith.constant 5120 : i32
    %mul3A_205 = arith.muli %arg0, %mul3A_204 : i32
    %add3A_206 = arith.constant 10240 : i32
    %add3A_207 = arith.addi %add3A_206, %mul3A_205 : i32
    %mul3A_208 = arith.constant 320 : i32
    %mul3A_209 = arith.muli %arg1, %mul3A_208 : i32
    %add3A_210 = arith.addi %add3A_207, %mul3A_209 : i32
    "tpu.region"() ({
      %run_scoped3A = tpu.sem_alloc : memref<!tpu.dma_semaphore, #tpu.memory_space<semaphore_mem>>
      %dma_start3A = arith.constant 0 : i32
      %dma_start3A_311 = tpu.memref_slice %arg6[%add3A_210, %dma_start3A] : memref<40960x128xf32, #tpu.memory_space<hbm>> -> memref<320x128xf32, #tpu.memory_space<hbm>>
      %dma_start3A_312 = arith.constant 0 : i32
      %dma_start3A_313 = tpu.memref_slice %arg12[%mul3A_203, %dma_start3A_312] : memref<5248x128xf32, #tpu.memory_space<vmem_shared>> -> memref<320x128xf32, #tpu.memory_space<vmem_shared>>
      tpu.enqueue_dma source(%dma_start3A_313 : memref<320x128xf32, #tpu.memory_space<vmem_shared>>) target(%dma_start3A_311 : memref<320x128xf32, #tpu.memory_space<hbm>>) target_semaphore(%run_scoped3A : memref<!tpu.dma_semaphore, #tpu.memory_space<semaphore_mem>>)
      %dma_wait3A = arith.constant 0 : i32
      %dma_wait3A_314 = tpu.memref_slice %arg6[%add3A_210, %dma_wait3A] : memref<40960x128xf32, #tpu.memory_space<hbm>> -> memref<320x128xf32, #tpu.memory_space<hbm>>
      %dma_wait3A_315 = arith.constant 0 : i32
      %dma_wait3A_316 = tpu.memref_slice %arg12[%mul3A_203, %dma_wait3A_315] : memref<5248x128xf32, #tpu.memory_space<vmem_shared>> -> memref<320x128xf32, #tpu.memory_space<vmem_shared>>
      tpu.wait_dma2 semaphore(%run_scoped3A : memref<!tpu.dma_semaphore, #tpu.memory_space<semaphore_mem>>) src(%dma_wait3A_316 : memref<320x128xf32, #tpu.memory_space<vmem_shared>>) dst(%dma_wait3A_314 : memref<320x128xf32, #tpu.memory_space<hbm>>)
      tpu.yield
    }) : () -> ()
    %barrier3A_211 = arith.constant 0 : index
    tpu.barrier barrier_id(%barrier3A_211)
    "tpu.region"() ({
      %run_scoped3A = tpu.sem_alloc : memref<!tpu.dma_semaphore, #tpu.memory_space<semaphore_mem>>
      %dma_start3A = arith.constant 0 : i32
      %dma_start3A_311 = tpu.memref_slice %arg12[%mul3A_0, %dma_start3A] : memref<5248x128xf32, #tpu.memory_space<vmem_shared>> -> memref<328x128xf32, #tpu.memory_space<vmem_shared>>
      %dma_start3A_312 = arith.constant 0 : i32
      %dma_start3A_313 = tpu.memref_slice %arg5[%mul3A_0, %dma_start3A_312] : memref<5248x128xf32, #tpu.memory_space<hbm>> -> memref<328x128xf32, #tpu.memory_space<hbm>>
      tpu.enqueue_dma source(%dma_start3A_313 : memref<328x128xf32, #tpu.memory_space<hbm>>) target(%dma_start3A_311 : memref<328x128xf32, #tpu.memory_space<vmem_shared>>) target_semaphore(%run_scoped3A : memref<!tpu.dma_semaphore, #tpu.memory_space<semaphore_mem>>)
      %dma_wait3A = arith.constant 0 : i32
      %dma_wait3A_314 = tpu.memref_slice %arg12[%mul3A_0, %dma_wait3A] : memref<5248x128xf32, #tpu.memory_space<vmem_shared>> -> memref<328x128xf32, #tpu.memory_space<vmem_shared>>
      %dma_wait3A_315 = arith.constant 0 : i32
      %dma_wait3A_316 = tpu.memref_slice %arg5[%mul3A_0, %dma_wait3A_315] : memref<5248x128xf32, #tpu.memory_space<hbm>> -> memref<328x128xf32, #tpu.memory_space<hbm>>
      tpu.wait_dma2 semaphore(%run_scoped3A : memref<!tpu.dma_semaphore, #tpu.memory_space<semaphore_mem>>) src(%dma_wait3A_316 : memref<328x128xf32, #tpu.memory_space<hbm>>) dst(%dma_wait3A_314 : memref<328x128xf32, #tpu.memory_space<vmem_shared>>)
      tpu.yield
    }) : () -> ()
    %barrier3A_212 = arith.constant 0 : index
    tpu.barrier barrier_id(%barrier3A_212)
    %sub3A_213 = arith.constant 0 : i32
    %sub3A_214 = arith.subi %mul3A_94, %sub3A_213 : i32
    %sub3A_215 = arith.constant 1 : i32
    %sub3A_216 = arith.constant 1 : i32
    %sub3A_217 = arith.subi %sub3A_215, %sub3A_216 : i32
    %add3A_218 = arith.addi %sub3A_214, %sub3A_217 : i32
    %div3A_219 = arith.constant 1 : i32
    %div3A_220 = arith.divsi %add3A_218, %div3A_219 : i32
    %while3A_221 = arith.constant 1 : i32
    %while3A_222 = arith.constant 0 : i32
    %while3A_223 = arith.constant 0 : i32
    %while3A_224 = arith.subi %div3A_220, %while3A_223 : i32
    %while3A_225 = arith.addi %while3A_223, %while3A_224 : i32
    %while3A_226 = arith.constant 1 : i32
    %while3A_227 = arith.divsi %while3A_224, %while3A_226 : i32
    %while3A_228 = arith.muli %while3A_227, %while3A_226 : i32
    %while3A_229 = arith.addi %while3A_223, %while3A_228 : i32
    %while3A_230 = arith.constant 1 : i32
    scf.for %while3A_311 = %while3A_223 to %while3A_229 step %while3A_230  : i32 {
      %mul3A_312 = arith.muli %while3A_311, %while3A_221 : i32
      %add3A_313 = arith.addi %while3A_222, %mul3A_312 : i32
      %mul3A_314 = arith.constant 80 : i32
      %mul3A_315 = arith.muli %add3A_313, %mul3A_314 : i32
      %add3A_316 = arith.constant 0 : i32
      %add3A_317 = arith.addi %mul3A_315, %add3A_316 : i32
      %get3A = arith.index_cast %add3A_317 : i32 to index
      %get3A_318 = tpu.vector_load %arg7[%get3A] {strides = array<i32>} : memref<10096xi32, #tpu.memory_space<vmem>>, vector<16xi32>,
      %mul3A_319 = arith.constant 4 : i32
      %mul3A_320 = vector.broadcast %mul3A_319 : i32 to vector<16xi32>
      %mul3A_321 = arith.muli %get3A_318, %mul3A_320 : vector<16xi32>
      %add3A_322 = arith.constant 2 : i32
      %add3A_323 = vector.broadcast %add3A_322 : i32 to vector<16xi32>
      %add3A_324 = arith.addi %mul3A_321, %add3A_323 : vector<16xi32>
      %swap3A_325 = arith.index_cast %add3A_313 : i32 to index
      %swap3A_326 = arith.constant 0 : index
      %swap3A_327 = tpu.vector_load %arg10[%swap3A_325, %swap3A_326] {strides = array<i32>} : memref<127x80xi32, #tpu.memory_space<vmem>>, vector<16xi32>,
      tpu.vector_store %arg10[%swap3A_325, %swap3A_326], %add3A_324 {strides = array<i32>} : memref<127x80xi32, #tpu.memory_space<vmem>>, vector<16xi32>,
      %mul3A_328 = arith.constant 80 : i32
      %mul3A_329 = arith.muli %add3A_313, %mul3A_328 : i32
      %add3A_330 = arith.constant 16 : i32
      %add3A_331 = arith.addi %mul3A_329, %add3A_330 : i32
      %get3A_332 = arith.index_cast %add3A_331 : i32 to index
      %get3A_333 = tpu.vector_load %arg7[%get3A_332] {strides = array<i32>} : memref<10096xi32, #tpu.memory_space<vmem>>, vector<16xi32>,
      %mul3A_334 = arith.constant 4 : i32
      %mul3A_335 = vector.broadcast %mul3A_334 : i32 to vector<16xi32>
      %mul3A_336 = arith.muli %get3A_333, %mul3A_335 : vector<16xi32>
      %add3A_337 = arith.constant 2 : i32
      %add3A_338 = vector.broadcast %add3A_337 : i32 to vector<16xi32>
      %add3A_339 = arith.addi %mul3A_336, %add3A_338 : vector<16xi32>
      %swap3A_340 = arith.index_cast %add3A_313 : i32 to index
      %swap3A_341 = arith.constant 16 : index
      %swap3A_342 = tpu.vector_load %arg10[%swap3A_340, %swap3A_341] {strides = array<i32>} : memref<127x80xi32, #tpu.memory_space<vmem>>, vector<16xi32>,
      tpu.vector_store %arg10[%swap3A_340, %swap3A_341], %add3A_339 {strides = array<i32>} : memref<127x80xi32, #tpu.memory_space<vmem>>, vector<16xi32>,
      %mul3A_343 = arith.constant 80 : i32
      %mul3A_344 = arith.muli %add3A_313, %mul3A_343 : i32
      %add3A_345 = arith.constant 32 : i32
      %add3A_346 = arith.addi %mul3A_344, %add3A_345 : i32
      %get3A_347 = arith.index_cast %add3A_346 : i32 to index
      %get3A_348 = tpu.vector_load %arg7[%get3A_347] {strides = array<i32>} : memref<10096xi32, #tpu.memory_space<vmem>>, vector<16xi32>,
      %mul3A_349 = arith.constant 4 : i32
      %mul3A_350 = vector.broadcast %mul3A_349 : i32 to vector<16xi32>
      %mul3A_351 = arith.muli %get3A_348, %mul3A_350 : vector<16xi32>
      %add3A_352 = arith.constant 2 : i32
      %add3A_353 = vector.broadcast %add3A_352 : i32 to vector<16xi32>
      %add3A_354 = arith.addi %mul3A_351, %add3A_353 : vector<16xi32>
      %swap3A_355 = arith.index_cast %add3A_313 : i32 to index
      %swap3A_356 = arith.constant 32 : index
      %swap3A_357 = tpu.vector_load %arg10[%swap3A_355, %swap3A_356] {strides = array<i32>} : memref<127x80xi32, #tpu.memory_space<vmem>>, vector<16xi32>,
      tpu.vector_store %arg10[%swap3A_355, %swap3A_356], %add3A_354 {strides = array<i32>} : memref<127x80xi32, #tpu.memory_space<vmem>>, vector<16xi32>,
      %mul3A_358 = arith.constant 80 : i32
      %mul3A_359 = arith.muli %add3A_313, %mul3A_358 : i32
      %add3A_360 = arith.constant 48 : i32
      %add3A_361 = arith.addi %mul3A_359, %add3A_360 : i32
      %get3A_362 = arith.index_cast %add3A_361 : i32 to index
      %get3A_363 = tpu.vector_load %arg7[%get3A_362] {strides = array<i32>} : memref<10096xi32, #tpu.memory_space<vmem>>, vector<16xi32>,
      %mul3A_364 = arith.constant 4 : i32
      %mul3A_365 = vector.broadcast %mul3A_364 : i32 to vector<16xi32>
      %mul3A_366 = arith.muli %get3A_363, %mul3A_365 : vector<16xi32>
      %add3A_367 = arith.constant 2 : i32
      %add3A_368 = vector.broadcast %add3A_367 : i32 to vector<16xi32>
      %add3A_369 = arith.addi %mul3A_366, %add3A_368 : vector<16xi32>
      %swap3A_370 = arith.index_cast %add3A_313 : i32 to index
      %swap3A_371 = arith.constant 48 : index
      %swap3A_372 = tpu.vector_load %arg10[%swap3A_370, %swap3A_371] {strides = array<i32>} : memref<127x80xi32, #tpu.memory_space<vmem>>, vector<16xi32>,
      tpu.vector_store %arg10[%swap3A_370, %swap3A_371], %add3A_369 {strides = array<i32>} : memref<127x80xi32, #tpu.memory_space<vmem>>, vector<16xi32>,
      %mul3A_373 = arith.constant 80 : i32
      %mul3A_374 = arith.muli %add3A_313, %mul3A_373 : i32
      %add3A_375 = arith.constant 64 : i32
      %add3A_376 = arith.addi %mul3A_374, %add3A_375 : i32
      %get3A_377 = arith.index_cast %add3A_376 : i32 to index
      %get3A_378 = tpu.vector_load %arg7[%get3A_377] {strides = array<i32>} : memref<10096xi32, #tpu.memory_space<vmem>>, vector<16xi32>,
      %mul3A_379 = arith.constant 4 : i32
      %mul3A_380 = vector.broadcast %mul3A_379 : i32 to vector<16xi32>
      %mul3A_381 = arith.muli %get3A_378, %mul3A_380 : vector<16xi32>
      %add3A_382 = arith.constant 2 : i32
      %add3A_383 = vector.broadcast %add3A_382 : i32 to vector<16xi32>
      %add3A_384 = arith.addi %mul3A_381, %add3A_383 : vector<16xi32>
      %swap3A_385 = arith.index_cast %add3A_313 : i32 to index
      %swap3A_386 = arith.constant 64 : index
      %swap3A_387 = tpu.vector_load %arg10[%swap3A_385, %swap3A_386] {strides = array<i32>} : memref<127x80xi32, #tpu.memory_space<vmem>>, vector<16xi32>,
      tpu.vector_store %arg10[%swap3A_385, %swap3A_386], %add3A_384 {strides = array<i32>} : memref<127x80xi32, #tpu.memory_space<vmem>>, vector<16xi32>,
    }
    %while3A_231 = arith.constant 1 : i32
    scf.for %while3A_311 = %while3A_229 to %while3A_225 step %while3A_231  : i32 {
      %mul3A_312 = arith.muli %while3A_311, %while3A_221 : i32
      %add3A_313 = arith.addi %while3A_222, %mul3A_312 : i32
      %mul3A_314 = arith.constant 80 : i32
      %mul3A_315 = arith.muli %add3A_313, %mul3A_314 : i32
      %add3A_316 = arith.constant 0 : i32
      %add3A_317 = arith.addi %mul3A_315, %add3A_316 : i32
      %get3A = arith.index_cast %add3A_317 : i32 to index
      %get3A_318 = tpu.vector_load %arg7[%get3A] {strides = array<i32>} : memref<10096xi32, #tpu.memory_space<vmem>>, vector<16xi32>,
      %mul3A_319 = arith.constant 4 : i32
      %mul3A_320 = vector.broadcast %mul3A_319 : i32 to vector<16xi32>
      %mul3A_321 = arith.muli %get3A_318, %mul3A_320 : vector<16xi32>
      %add3A_322 = arith.constant 2 : i32
      %add3A_323 = vector.broadcast %add3A_322 : i32 to vector<16xi32>
      %add3A_324 = arith.addi %mul3A_321, %add3A_323 : vector<16xi32>
      %swap3A_325 = arith.index_cast %add3A_313 : i32 to index
      %swap3A_326 = arith.constant 0 : index
      %swap3A_327 = tpu.vector_load %arg10[%swap3A_325, %swap3A_326] {strides = array<i32>} : memref<127x80xi32, #tpu.memory_space<vmem>>, vector<16xi32>,
      tpu.vector_store %arg10[%swap3A_325, %swap3A_326], %add3A_324 {strides = array<i32>} : memref<127x80xi32, #tpu.memory_space<vmem>>, vector<16xi32>,
      %mul3A_328 = arith.constant 80 : i32
      %mul3A_329 = arith.muli %add3A_313, %mul3A_328 : i32
      %add3A_330 = arith.constant 16 : i32
      %add3A_331 = arith.addi %mul3A_329, %add3A_330 : i32
      %get3A_332 = arith.index_cast %add3A_331 : i32 to index
      %get3A_333 = tpu.vector_load %arg7[%get3A_332] {strides = array<i32>} : memref<10096xi32, #tpu.memory_space<vmem>>, vector<16xi32>,
      %mul3A_334 = arith.constant 4 : i32
      %mul3A_335 = vector.broadcast %mul3A_334 : i32 to vector<16xi32>
      %mul3A_336 = arith.muli %get3A_333, %mul3A_335 : vector<16xi32>
      %add3A_337 = arith.constant 2 : i32
      %add3A_338 = vector.broadcast %add3A_337 : i32 to vector<16xi32>
      %add3A_339 = arith.addi %mul3A_336, %add3A_338 : vector<16xi32>
      %swap3A_340 = arith.index_cast %add3A_313 : i32 to index
      %swap3A_341 = arith.constant 16 : index
      %swap3A_342 = tpu.vector_load %arg10[%swap3A_340, %swap3A_341] {strides = array<i32>} : memref<127x80xi32, #tpu.memory_space<vmem>>, vector<16xi32>,
      tpu.vector_store %arg10[%swap3A_340, %swap3A_341], %add3A_339 {strides = array<i32>} : memref<127x80xi32, #tpu.memory_space<vmem>>, vector<16xi32>,
      %mul3A_343 = arith.constant 80 : i32
      %mul3A_344 = arith.muli %add3A_313, %mul3A_343 : i32
      %add3A_345 = arith.constant 32 : i32
      %add3A_346 = arith.addi %mul3A_344, %add3A_345 : i32
      %get3A_347 = arith.index_cast %add3A_346 : i32 to index
      %get3A_348 = tpu.vector_load %arg7[%get3A_347] {strides = array<i32>} : memref<10096xi32, #tpu.memory_space<vmem>>, vector<16xi32>,
      %mul3A_349 = arith.constant 4 : i32
      %mul3A_350 = vector.broadcast %mul3A_349 : i32 to vector<16xi32>
      %mul3A_351 = arith.muli %get3A_348, %mul3A_350 : vector<16xi32>
      %add3A_352 = arith.constant 2 : i32
      %add3A_353 = vector.broadcast %add3A_352 : i32 to vector<16xi32>
      %add3A_354 = arith.addi %mul3A_351, %add3A_353 : vector<16xi32>
      %swap3A_355 = arith.index_cast %add3A_313 : i32 to index
      %swap3A_356 = arith.constant 32 : index
      %swap3A_357 = tpu.vector_load %arg10[%swap3A_355, %swap3A_356] {strides = array<i32>} : memref<127x80xi32, #tpu.memory_space<vmem>>, vector<16xi32>,
      tpu.vector_store %arg10[%swap3A_355, %swap3A_356], %add3A_354 {strides = array<i32>} : memref<127x80xi32, #tpu.memory_space<vmem>>, vector<16xi32>,
      %mul3A_358 = arith.constant 80 : i32
      %mul3A_359 = arith.muli %add3A_313, %mul3A_358 : i32
      %add3A_360 = arith.constant 48 : i32
      %add3A_361 = arith.addi %mul3A_359, %add3A_360 : i32
      %get3A_362 = arith.index_cast %add3A_361 : i32 to index
      %get3A_363 = tpu.vector_load %arg7[%get3A_362] {strides = array<i32>} : memref<10096xi32, #tpu.memory_space<vmem>>, vector<16xi32>,
      %mul3A_364 = arith.constant 4 : i32
      %mul3A_365 = vector.broadcast %mul3A_364 : i32 to vector<16xi32>
      %mul3A_366 = arith.muli %get3A_363, %mul3A_365 : vector<16xi32>
      %add3A_367 = arith.constant 2 : i32
      %add3A_368 = vector.broadcast %add3A_367 : i32 to vector<16xi32>
      %add3A_369 = arith.addi %mul3A_366, %add3A_368 : vector<16xi32>
      %swap3A_370 = arith.index_cast %add3A_313 : i32 to index
      %swap3A_371 = arith.constant 48 : index
      %swap3A_372 = tpu.vector_load %arg10[%swap3A_370, %swap3A_371] {strides = array<i32>} : memref<127x80xi32, #tpu.memory_space<vmem>>, vector<16xi32>,
      tpu.vector_store %arg10[%swap3A_370, %swap3A_371], %add3A_369 {strides = array<i32>} : memref<127x80xi32, #tpu.memory_space<vmem>>, vector<16xi32>,
      %mul3A_373 = arith.constant 80 : i32
      %mul3A_374 = arith.muli %add3A_313, %mul3A_373 : i32
      %add3A_375 = arith.constant 64 : i32
      %add3A_376 = arith.addi %mul3A_374, %add3A_375 : i32
      %get3A_377 = arith.index_cast %add3A_376 : i32 to index
      %get3A_378 = tpu.vector_load %arg7[%get3A_377] {strides = array<i32>} : memref<10096xi32, #tpu.memory_space<vmem>>, vector<16xi32>,
      %mul3A_379 = arith.constant 4 : i32
      %mul3A_380 = vector.broadcast %mul3A_379 : i32 to vector<16xi32>
      %mul3A_381 = arith.muli %get3A_378, %mul3A_380 : vector<16xi32>
      %add3A_382 = arith.constant 2 : i32
      %add3A_383 = vector.broadcast %add3A_382 : i32 to vector<16xi32>
      %add3A_384 = arith.addi %mul3A_381, %add3A_383 : vector<16xi32>
      %swap3A_385 = arith.index_cast %add3A_313 : i32 to index
      %swap3A_386 = arith.constant 64 : index
      %swap3A_387 = tpu.vector_load %arg10[%swap3A_385, %swap3A_386] {strides = array<i32>} : memref<127x80xi32, #tpu.memory_space<vmem>>, vector<16xi32>,
      tpu.vector_store %arg10[%swap3A_385, %swap3A_386], %add3A_384 {strides = array<i32>} : memref<127x80xi32, #tpu.memory_space<vmem>>, vector<16xi32>,
    }
    %sub3A_232 = arith.constant 0 : i32
    %sub3A_233 = arith.subi %mul3A_94, %sub3A_232 : i32
    %sub3A_234 = arith.constant 1 : i32
    %sub3A_235 = arith.constant 1 : i32
    %sub3A_236 = arith.subi %sub3A_234, %sub3A_235 : i32
    %add3A_237 = arith.addi %sub3A_233, %sub3A_236 : i32
    %div3A_238 = arith.constant 1 : i32
    %div3A_239 = arith.divsi %add3A_237, %div3A_238 : i32
    %while3A_240 = arith.constant 1 : i32
    %while3A_241 = arith.constant 0 : i32
    %while3A_242 = arith.constant 0 : i32
    %while3A_243 = arith.subi %div3A_239, %while3A_242 : i32
    %while3A_244 = arith.addi %while3A_242, %while3A_243 : i32
    %while3A_245 = arith.constant 1 : i32
    %while3A_246 = arith.divsi %while3A_243, %while3A_245 : i32
    %while3A_247 = arith.muli %while3A_246, %while3A_245 : i32
    %while3A_248 = arith.addi %while3A_242, %while3A_247 : i32
    %while3A_249 = arith.constant 1 : i32
    scf.for %while3A_311 = %while3A_242 to %while3A_248 step %while3A_249  : i32 {
      %mul3A_312 = arith.muli %while3A_311, %while3A_240 : i32
      %add3A_313 = arith.addi %while3A_241, %mul3A_312 : i32
      "tpu.region"() ({
        %run_scoped3A = tpu.sem_alloc : memref<!tpu.dma_semaphore, #tpu.memory_space<semaphore_mem>>
        %dma_start3A = arith.constant 0 : i32
        %dma_start3A_314 = tpu.memref_slice %arg10[%add3A_313, %dma_start3A] : memref<127x80xi32, #tpu.memory_space<vmem>> -> memref<1x80xi32, #tpu.memory_space<vmem>>
        %dma_start3A_315 = tpu.memref_squeeze %dma_start3A_314 : memref<1x80xi32, #tpu.memory_space<vmem>> -> memref<80xi32, #tpu.memory_space<vmem>>
        %dma_start3A_316 = arith.constant 0 : i32
        %dma_start3A_317 = arith.constant 0 : i32
        %dma_start3A_318 = tpu.memref_slice %arg2[%dma_start3A_316, %dma_start3A_317] : memref<40000x128xf32, #tpu.memory_space<hbm>> -> memref<40000x128xf32, #tpu.memory_space<hbm>>
        tpu.enqueue_indirect_dma source(%dma_start3A_318 : memref<40000x128xf32, #tpu.memory_space<hbm>>) target(%arg11 : memref<80x128xf32, #tpu.memory_space<vmem>>) offsets(%dma_start3A_315 : memref<80xi32, #tpu.memory_space<vmem>>) semaphore(%run_scoped3A : memref<!tpu.dma_semaphore, #tpu.memory_space<semaphore_mem>>)
        %dma_wait3A = arith.constant 0 : i32
        %dma_wait3A_319 = tpu.memref_slice %arg10[%add3A_313, %dma_wait3A] : memref<127x80xi32, #tpu.memory_space<vmem>> -> memref<1x80xi32, #tpu.memory_space<vmem>>
        %dma_wait3A_320 = tpu.memref_squeeze %dma_wait3A_319 : memref<1x80xi32, #tpu.memory_space<vmem>> -> memref<80xi32, #tpu.memory_space<vmem>>
        %dma_wait3A_321 = arith.constant 0 : i32
        %dma_wait3A_322 = arith.constant 0 : i32
        %dma_wait3A_323 = tpu.memref_slice %arg2[%dma_wait3A_321, %dma_wait3A_322] : memref<40000x128xf32, #tpu.memory_space<hbm>> -> memref<40000x128xf32, #tpu.memory_space<hbm>>
        tpu.wait_indirect_dma semaphore(%run_scoped3A : memref<!tpu.dma_semaphore, #tpu.memory_space<semaphore_mem>>) src(%dma_wait3A_323 : memref<40000x128xf32, #tpu.memory_space<hbm>>) dst(%arg11 : memref<80x128xf32, #tpu.memory_space<vmem>>)
        tpu.yield
      }) : () -> ()
      "tpu.region"() ({
        %run_scoped3A = tpu.sem_alloc : memref<!tpu.dma_semaphore, #tpu.memory_space<semaphore_mem>>
        %dma_start3A = arith.constant 0 : i32
        %dma_start3A_314 = tpu.memref_slice %arg9[%add3A_313, %dma_start3A] : memref<127x80xi32, #tpu.memory_space<vmem>> -> memref<1x80xi32, #tpu.memory_space<vmem>>
        %dma_start3A_315 = tpu.memref_squeeze %dma_start3A_314 : memref<1x80xi32, #tpu.memory_space<vmem>> -> memref<80xi32, #tpu.memory_space<vmem>>
        %dma_start3A_316 = arith.constant 0 : i32
        %dma_start3A_317 = arith.constant 0 : i32
        %dma_start3A_318 = tpu.memref_slice %arg12[%dma_start3A_316, %dma_start3A_317] : memref<5248x128xf32, #tpu.memory_space<vmem_shared>> -> memref<5248x128xf32, #tpu.memory_space<vmem_shared>>
        tpu.enqueue_indirect_dma source(%arg11 : memref<80x128xf32, #tpu.memory_space<vmem>>) target(%dma_start3A_318 : memref<5248x128xf32, #tpu.memory_space<vmem_shared>>) offsets(%dma_start3A_315 : memref<80xi32, #tpu.memory_space<vmem>>) semaphore(%run_scoped3A : memref<!tpu.dma_semaphore, #tpu.memory_space<semaphore_mem>>) {add = true}
        %dma_wait3A = arith.constant 0 : i32
        %dma_wait3A_319 = tpu.memref_slice %arg9[%add3A_313, %dma_wait3A] : memref<127x80xi32, #tpu.memory_space<vmem>> -> memref<1x80xi32, #tpu.memory_space<vmem>>
        %dma_wait3A_320 = tpu.memref_squeeze %dma_wait3A_319 : memref<1x80xi32, #tpu.memory_space<vmem>> -> memref<80xi32, #tpu.memory_space<vmem>>
        %dma_wait3A_321 = arith.constant 0 : i32
        %dma_wait3A_322 = arith.constant 0 : i32
        %dma_wait3A_323 = tpu.memref_slice %arg12[%dma_wait3A_321, %dma_wait3A_322] : memref<5248x128xf32, #tpu.memory_space<vmem_shared>> -> memref<5248x128xf32, #tpu.memory_space<vmem_shared>>
        tpu.wait_indirect_dma semaphore(%run_scoped3A : memref<!tpu.dma_semaphore, #tpu.memory_space<semaphore_mem>>) src(%arg11 : memref<80x128xf32, #tpu.memory_space<vmem>>) dst(%dma_wait3A_323 : memref<5248x128xf32, #tpu.memory_space<vmem_shared>>)
        tpu.yield
      }) : () -> ()
    }
    %while3A_250 = arith.constant 1 : i32
    scf.for %while3A_311 = %while3A_248 to %while3A_244 step %while3A_250  : i32 {
      %mul3A_312 = arith.muli %while3A_311, %while3A_240 : i32
      %add3A_313 = arith.addi %while3A_241, %mul3A_312 : i32
      "tpu.region"() ({
        %run_scoped3A = tpu.sem_alloc : memref<!tpu.dma_semaphore, #tpu.memory_space<semaphore_mem>>
        %dma_start3A = arith.constant 0 : i32
        %dma_start3A_314 = tpu.memref_slice %arg10[%add3A_313, %dma_start3A] : memref<127x80xi32, #tpu.memory_space<vmem>> -> memref<1x80xi32, #tpu.memory_space<vmem>>
        %dma_start3A_315 = tpu.memref_squeeze %dma_start3A_314 : memref<1x80xi32, #tpu.memory_space<vmem>> -> memref<80xi32, #tpu.memory_space<vmem>>
        %dma_start3A_316 = arith.constant 0 : i32
        %dma_start3A_317 = arith.constant 0 : i32
        %dma_start3A_318 = tpu.memref_slice %arg2[%dma_start3A_316, %dma_start3A_317] : memref<40000x128xf32, #tpu.memory_space<hbm>> -> memref<40000x128xf32, #tpu.memory_space<hbm>>
        tpu.enqueue_indirect_dma source(%dma_start3A_318 : memref<40000x128xf32, #tpu.memory_space<hbm>>) target(%arg11 : memref<80x128xf32, #tpu.memory_space<vmem>>) offsets(%dma_start3A_315 : memref<80xi32, #tpu.memory_space<vmem>>) semaphore(%run_scoped3A : memref<!tpu.dma_semaphore, #tpu.memory_space<semaphore_mem>>)
        %dma_wait3A = arith.constant 0 : i32
        %dma_wait3A_319 = tpu.memref_slice %arg10[%add3A_313, %dma_wait3A] : memref<127x80xi32, #tpu.memory_space<vmem>> -> memref<1x80xi32, #tpu.memory_space<vmem>>
        %dma_wait3A_320 = tpu.memref_squeeze %dma_wait3A_319 : memref<1x80xi32, #tpu.memory_space<vmem>> -> memref<80xi32, #tpu.memory_space<vmem>>
        %dma_wait3A_321 = arith.constant 0 : i32
        %dma_wait3A_322 = arith.constant 0 : i32
        %dma_wait3A_323 = tpu.memref_slice %arg2[%dma_wait3A_321, %dma_wait3A_322] : memref<40000x128xf32, #tpu.memory_space<hbm>> -> memref<40000x128xf32, #tpu.memory_space<hbm>>
        tpu.wait_indirect_dma semaphore(%run_scoped3A : memref<!tpu.dma_semaphore, #tpu.memory_space<semaphore_mem>>) src(%dma_wait3A_323 : memref<40000x128xf32, #tpu.memory_space<hbm>>) dst(%arg11 : memref<80x128xf32, #tpu.memory_space<vmem>>)
        tpu.yield
      }) : () -> ()
      "tpu.region"() ({
        %run_scoped3A = tpu.sem_alloc : memref<!tpu.dma_semaphore, #tpu.memory_space<semaphore_mem>>
        %dma_start3A = arith.constant 0 : i32
        %dma_start3A_314 = tpu.memref_slice %arg9[%add3A_313, %dma_start3A] : memref<127x80xi32, #tpu.memory_space<vmem>> -> memref<1x80xi32, #tpu.memory_space<vmem>>
        %dma_start3A_315 = tpu.memref_squeeze %dma_start3A_314 : memref<1x80xi32, #tpu.memory_space<vmem>> -> memref<80xi32, #tpu.memory_space<vmem>>
        %dma_start3A_316 = arith.constant 0 : i32
        %dma_start3A_317 = arith.constant 0 : i32
        %dma_start3A_318 = tpu.memref_slice %arg12[%dma_start3A_316, %dma_start3A_317] : memref<5248x128xf32, #tpu.memory_space<vmem_shared>> -> memref<5248x128xf32, #tpu.memory_space<vmem_shared>>
        tpu.enqueue_indirect_dma source(%arg11 : memref<80x128xf32, #tpu.memory_space<vmem>>) target(%dma_start3A_318 : memref<5248x128xf32, #tpu.memory_space<vmem_shared>>) offsets(%dma_start3A_315 : memref<80xi32, #tpu.memory_space<vmem>>) semaphore(%run_scoped3A : memref<!tpu.dma_semaphore, #tpu.memory_space<semaphore_mem>>) {add = true}
        %dma_wait3A = arith.constant 0 : i32
        %dma_wait3A_319 = tpu.memref_slice %arg9[%add3A_313, %dma_wait3A] : memref<127x80xi32, #tpu.memory_space<vmem>> -> memref<1x80xi32, #tpu.memory_space<vmem>>
        %dma_wait3A_320 = tpu.memref_squeeze %dma_wait3A_319 : memref<1x80xi32, #tpu.memory_space<vmem>> -> memref<80xi32, #tpu.memory_space<vmem>>
        %dma_wait3A_321 = arith.constant 0 : i32
        %dma_wait3A_322 = arith.constant 0 : i32
        %dma_wait3A_323 = tpu.memref_slice %arg12[%dma_wait3A_321, %dma_wait3A_322] : memref<5248x128xf32, #tpu.memory_space<vmem_shared>> -> memref<5248x128xf32, #tpu.memory_space<vmem_shared>>
        tpu.wait_indirect_dma semaphore(%run_scoped3A : memref<!tpu.dma_semaphore, #tpu.memory_space<semaphore_mem>>) src(%arg11 : memref<80x128xf32, #tpu.memory_space<vmem>>) dst(%dma_wait3A_323 : memref<5248x128xf32, #tpu.memory_space<vmem_shared>>)
        tpu.yield
      }) : () -> ()
    }
    %barrier3A_251 = arith.constant 0 : index
    tpu.barrier barrier_id(%barrier3A_251)
    %mul3A_252 = arith.constant 320 : i32
    %mul3A_253 = arith.muli %arg1, %mul3A_252 : i32
    %mul3A_254 = arith.constant 5120 : i32
    %mul3A_255 = arith.muli %arg0, %mul3A_254 : i32
    %add3A_256 = arith.constant 20480 : i32
    %add3A_257 = arith.addi %add3A_256, %mul3A_255 : i32
    %mul3A_258 = arith.constant 320 : i32
    %mul3A_259 = arith.muli %arg1, %mul3A_258 : i32
    %add3A_260 = arith.addi %add3A_257, %mul3A_259 : i32
    "tpu.region"() ({
      %run_scoped3A = tpu.sem_alloc : memref<!tpu.dma_semaphore, #tpu.memory_space<semaphore_mem>>
      %dma_start3A = arith.constant 0 : i32
      %dma_start3A_311 = tpu.memref_slice %arg6[%add3A_260, %dma_start3A] : memref<40960x128xf32, #tpu.memory_space<hbm>> -> memref<320x128xf32, #tpu.memory_space<hbm>>
      %dma_start3A_312 = arith.constant 0 : i32
      %dma_start3A_313 = tpu.memref_slice %arg12[%mul3A_253, %dma_start3A_312] : memref<5248x128xf32, #tpu.memory_space<vmem_shared>> -> memref<320x128xf32, #tpu.memory_space<vmem_shared>>
      tpu.enqueue_dma source(%dma_start3A_313 : memref<320x128xf32, #tpu.memory_space<vmem_shared>>) target(%dma_start3A_311 : memref<320x128xf32, #tpu.memory_space<hbm>>) target_semaphore(%run_scoped3A : memref<!tpu.dma_semaphore, #tpu.memory_space<semaphore_mem>>)
      %dma_wait3A = arith.constant 0 : i32
      %dma_wait3A_314 = tpu.memref_slice %arg6[%add3A_260, %dma_wait3A] : memref<40960x128xf32, #tpu.memory_space<hbm>> -> memref<320x128xf32, #tpu.memory_space<hbm>>
      %dma_wait3A_315 = arith.constant 0 : i32
      %dma_wait3A_316 = tpu.memref_slice %arg12[%mul3A_253, %dma_wait3A_315] : memref<5248x128xf32, #tpu.memory_space<vmem_shared>> -> memref<320x128xf32, #tpu.memory_space<vmem_shared>>
      tpu.wait_dma2 semaphore(%run_scoped3A : memref<!tpu.dma_semaphore, #tpu.memory_space<semaphore_mem>>) src(%dma_wait3A_316 : memref<320x128xf32, #tpu.memory_space<vmem_shared>>) dst(%dma_wait3A_314 : memref<320x128xf32, #tpu.memory_space<hbm>>)
      tpu.yield
    }) : () -> ()
    %barrier3A_261 = arith.constant 0 : index
    tpu.barrier barrier_id(%barrier3A_261)
    "tpu.region"() ({
      %run_scoped3A = tpu.sem_alloc : memref<!tpu.dma_semaphore, #tpu.memory_space<semaphore_mem>>
      %dma_start3A = arith.constant 0 : i32
      %dma_start3A_311 = tpu.memref_slice %arg12[%mul3A_0, %dma_start3A] : memref<5248x128xf32, #tpu.memory_space<vmem_shared>> -> memref<328x128xf32, #tpu.memory_space<vmem_shared>>
      %dma_start3A_312 = arith.constant 0 : i32
      %dma_start3A_313 = tpu.memref_slice %arg5[%mul3A_0, %dma_start3A_312] : memref<5248x128xf32, #tpu.memory_space<hbm>> -> memref<328x128xf32, #tpu.memory_space<hbm>>
      tpu.enqueue_dma source(%dma_start3A_313 : memref<328x128xf32, #tpu.memory_space<hbm>>) target(%dma_start3A_311 : memref<328x128xf32, #tpu.memory_space<vmem_shared>>) target_semaphore(%run_scoped3A : memref<!tpu.dma_semaphore, #tpu.memory_space<semaphore_mem>>)
      %dma_wait3A = arith.constant 0 : i32
      %dma_wait3A_314 = tpu.memref_slice %arg12[%mul3A_0, %dma_wait3A] : memref<5248x128xf32, #tpu.memory_space<vmem_shared>> -> memref<328x128xf32, #tpu.memory_space<vmem_shared>>
      %dma_wait3A_315 = arith.constant 0 : i32
      %dma_wait3A_316 = tpu.memref_slice %arg5[%mul3A_0, %dma_wait3A_315] : memref<5248x128xf32, #tpu.memory_space<hbm>> -> memref<328x128xf32, #tpu.memory_space<hbm>>
      tpu.wait_dma2 semaphore(%run_scoped3A : memref<!tpu.dma_semaphore, #tpu.memory_space<semaphore_mem>>) src(%dma_wait3A_316 : memref<328x128xf32, #tpu.memory_space<hbm>>) dst(%dma_wait3A_314 : memref<328x128xf32, #tpu.memory_space<vmem_shared>>)
      tpu.yield
    }) : () -> ()
    %barrier3A_262 = arith.constant 0 : index
    tpu.barrier barrier_id(%barrier3A_262)
    %sub3A_263 = arith.constant 0 : i32
    %sub3A_264 = arith.subi %mul3A_94, %sub3A_263 : i32
    %sub3A_265 = arith.constant 1 : i32
    %sub3A_266 = arith.constant 1 : i32
    %sub3A_267 = arith.subi %sub3A_265, %sub3A_266 : i32
    %add3A_268 = arith.addi %sub3A_264, %sub3A_267 : i32
    %div3A_269 = arith.constant 1 : i32
    %div3A_270 = arith.divsi %add3A_268, %div3A_269 : i32
    %while3A_271 = arith.constant 1 : i32
    %while3A_272 = arith.constant 0 : i32
    %while3A_273 = arith.constant 0 : i32
    %while3A_274 = arith.subi %div3A_270, %while3A_273 : i32
    %while3A_275 = arith.addi %while3A_273, %while3A_274 : i32
    %while3A_276 = arith.constant 1 : i32
    %while3A_277 = arith.divsi %while3A_274, %while3A_276 : i32
    %while3A_278 = arith.muli %while3A_277, %while3A_276 : i32
    %while3A_279 = arith.addi %while3A_273, %while3A_278 : i32
    %while3A_280 = arith.constant 1 : i32
    scf.for %while3A_311 = %while3A_273 to %while3A_279 step %while3A_280  : i32 {
      %mul3A_312 = arith.muli %while3A_311, %while3A_271 : i32
      %add3A_313 = arith.addi %while3A_272, %mul3A_312 : i32
      %mul3A_314 = arith.constant 80 : i32
      %mul3A_315 = arith.muli %add3A_313, %mul3A_314 : i32
      %add3A_316 = arith.constant 0 : i32
      %add3A_317 = arith.addi %mul3A_315, %add3A_316 : i32
      %get3A = arith.index_cast %add3A_317 : i32 to index
      %get3A_318 = tpu.vector_load %arg7[%get3A] {strides = array<i32>} : memref<10096xi32, #tpu.memory_space<vmem>>, vector<16xi32>,
      %mul3A_319 = arith.constant 4 : i32
      %mul3A_320 = vector.broadcast %mul3A_319 : i32 to vector<16xi32>
      %mul3A_321 = arith.muli %get3A_318, %mul3A_320 : vector<16xi32>
      %add3A_322 = arith.constant 3 : i32
      %add3A_323 = vector.broadcast %add3A_322 : i32 to vector<16xi32>
      %add3A_324 = arith.addi %mul3A_321, %add3A_323 : vector<16xi32>
      %swap3A_325 = arith.index_cast %add3A_313 : i32 to index
      %swap3A_326 = arith.constant 0 : index
      %swap3A_327 = tpu.vector_load %arg10[%swap3A_325, %swap3A_326] {strides = array<i32>} : memref<127x80xi32, #tpu.memory_space<vmem>>, vector<16xi32>,
      tpu.vector_store %arg10[%swap3A_325, %swap3A_326], %add3A_324 {strides = array<i32>} : memref<127x80xi32, #tpu.memory_space<vmem>>, vector<16xi32>,
      %mul3A_328 = arith.constant 80 : i32
      %mul3A_329 = arith.muli %add3A_313, %mul3A_328 : i32
      %add3A_330 = arith.constant 16 : i32
      %add3A_331 = arith.addi %mul3A_329, %add3A_330 : i32
      %get3A_332 = arith.index_cast %add3A_331 : i32 to index
      %get3A_333 = tpu.vector_load %arg7[%get3A_332] {strides = array<i32>} : memref<10096xi32, #tpu.memory_space<vmem>>, vector<16xi32>,
      %mul3A_334 = arith.constant 4 : i32
      %mul3A_335 = vector.broadcast %mul3A_334 : i32 to vector<16xi32>
      %mul3A_336 = arith.muli %get3A_333, %mul3A_335 : vector<16xi32>
      %add3A_337 = arith.constant 3 : i32
      %add3A_338 = vector.broadcast %add3A_337 : i32 to vector<16xi32>
      %add3A_339 = arith.addi %mul3A_336, %add3A_338 : vector<16xi32>
      %swap3A_340 = arith.index_cast %add3A_313 : i32 to index
      %swap3A_341 = arith.constant 16 : index
      %swap3A_342 = tpu.vector_load %arg10[%swap3A_340, %swap3A_341] {strides = array<i32>} : memref<127x80xi32, #tpu.memory_space<vmem>>, vector<16xi32>,
      tpu.vector_store %arg10[%swap3A_340, %swap3A_341], %add3A_339 {strides = array<i32>} : memref<127x80xi32, #tpu.memory_space<vmem>>, vector<16xi32>,
      %mul3A_343 = arith.constant 80 : i32
      %mul3A_344 = arith.muli %add3A_313, %mul3A_343 : i32
      %add3A_345 = arith.constant 32 : i32
      %add3A_346 = arith.addi %mul3A_344, %add3A_345 : i32
      %get3A_347 = arith.index_cast %add3A_346 : i32 to index
      %get3A_348 = tpu.vector_load %arg7[%get3A_347] {strides = array<i32>} : memref<10096xi32, #tpu.memory_space<vmem>>, vector<16xi32>,
      %mul3A_349 = arith.constant 4 : i32
      %mul3A_350 = vector.broadcast %mul3A_349 : i32 to vector<16xi32>
      %mul3A_351 = arith.muli %get3A_348, %mul3A_350 : vector<16xi32>
      %add3A_352 = arith.constant 3 : i32
      %add3A_353 = vector.broadcast %add3A_352 : i32 to vector<16xi32>
      %add3A_354 = arith.addi %mul3A_351, %add3A_353 : vector<16xi32>
      %swap3A_355 = arith.index_cast %add3A_313 : i32 to index
      %swap3A_356 = arith.constant 32 : index
      %swap3A_357 = tpu.vector_load %arg10[%swap3A_355, %swap3A_356] {strides = array<i32>} : memref<127x80xi32, #tpu.memory_space<vmem>>, vector<16xi32>,
      tpu.vector_store %arg10[%swap3A_355, %swap3A_356], %add3A_354 {strides = array<i32>} : memref<127x80xi32, #tpu.memory_space<vmem>>, vector<16xi32>,
      %mul3A_358 = arith.constant 80 : i32
      %mul3A_359 = arith.muli %add3A_313, %mul3A_358 : i32
      %add3A_360 = arith.constant 48 : i32
      %add3A_361 = arith.addi %mul3A_359, %add3A_360 : i32
      %get3A_362 = arith.index_cast %add3A_361 : i32 to index
      %get3A_363 = tpu.vector_load %arg7[%get3A_362] {strides = array<i32>} : memref<10096xi32, #tpu.memory_space<vmem>>, vector<16xi32>,
      %mul3A_364 = arith.constant 4 : i32
      %mul3A_365 = vector.broadcast %mul3A_364 : i32 to vector<16xi32>
      %mul3A_366 = arith.muli %get3A_363, %mul3A_365 : vector<16xi32>
      %add3A_367 = arith.constant 3 : i32
      %add3A_368 = vector.broadcast %add3A_367 : i32 to vector<16xi32>
      %add3A_369 = arith.addi %mul3A_366, %add3A_368 : vector<16xi32>
      %swap3A_370 = arith.index_cast %add3A_313 : i32 to index
      %swap3A_371 = arith.constant 48 : index
      %swap3A_372 = tpu.vector_load %arg10[%swap3A_370, %swap3A_371] {strides = array<i32>} : memref<127x80xi32, #tpu.memory_space<vmem>>, vector<16xi32>,
      tpu.vector_store %arg10[%swap3A_370, %swap3A_371], %add3A_369 {strides = array<i32>} : memref<127x80xi32, #tpu.memory_space<vmem>>, vector<16xi32>,
      %mul3A_373 = arith.constant 80 : i32
      %mul3A_374 = arith.muli %add3A_313, %mul3A_373 : i32
      %add3A_375 = arith.constant 64 : i32
      %add3A_376 = arith.addi %mul3A_374, %add3A_375 : i32
      %get3A_377 = arith.index_cast %add3A_376 : i32 to index
      %get3A_378 = tpu.vector_load %arg7[%get3A_377] {strides = array<i32>} : memref<10096xi32, #tpu.memory_space<vmem>>, vector<16xi32>,
      %mul3A_379 = arith.constant 4 : i32
      %mul3A_380 = vector.broadcast %mul3A_379 : i32 to vector<16xi32>
      %mul3A_381 = arith.muli %get3A_378, %mul3A_380 : vector<16xi32>
      %add3A_382 = arith.constant 3 : i32
      %add3A_383 = vector.broadcast %add3A_382 : i32 to vector<16xi32>
      %add3A_384 = arith.addi %mul3A_381, %add3A_383 : vector<16xi32>
      %swap3A_385 = arith.index_cast %add3A_313 : i32 to index
      %swap3A_386 = arith.constant 64 : index
      %swap3A_387 = tpu.vector_load %arg10[%swap3A_385, %swap3A_386] {strides = array<i32>} : memref<127x80xi32, #tpu.memory_space<vmem>>, vector<16xi32>,
      tpu.vector_store %arg10[%swap3A_385, %swap3A_386], %add3A_384 {strides = array<i32>} : memref<127x80xi32, #tpu.memory_space<vmem>>, vector<16xi32>,
    }
    %while3A_281 = arith.constant 1 : i32
    scf.for %while3A_311 = %while3A_279 to %while3A_275 step %while3A_281  : i32 {
      %mul3A_312 = arith.muli %while3A_311, %while3A_271 : i32
      %add3A_313 = arith.addi %while3A_272, %mul3A_312 : i32
      %mul3A_314 = arith.constant 80 : i32
      %mul3A_315 = arith.muli %add3A_313, %mul3A_314 : i32
      %add3A_316 = arith.constant 0 : i32
      %add3A_317 = arith.addi %mul3A_315, %add3A_316 : i32
      %get3A = arith.index_cast %add3A_317 : i32 to index
      %get3A_318 = tpu.vector_load %arg7[%get3A] {strides = array<i32>} : memref<10096xi32, #tpu.memory_space<vmem>>, vector<16xi32>,
      %mul3A_319 = arith.constant 4 : i32
      %mul3A_320 = vector.broadcast %mul3A_319 : i32 to vector<16xi32>
      %mul3A_321 = arith.muli %get3A_318, %mul3A_320 : vector<16xi32>
      %add3A_322 = arith.constant 3 : i32
      %add3A_323 = vector.broadcast %add3A_322 : i32 to vector<16xi32>
      %add3A_324 = arith.addi %mul3A_321, %add3A_323 : vector<16xi32>
      %swap3A_325 = arith.index_cast %add3A_313 : i32 to index
      %swap3A_326 = arith.constant 0 : index
      %swap3A_327 = tpu.vector_load %arg10[%swap3A_325, %swap3A_326] {strides = array<i32>} : memref<127x80xi32, #tpu.memory_space<vmem>>, vector<16xi32>,
      tpu.vector_store %arg10[%swap3A_325, %swap3A_326], %add3A_324 {strides = array<i32>} : memref<127x80xi32, #tpu.memory_space<vmem>>, vector<16xi32>,
      %mul3A_328 = arith.constant 80 : i32
      %mul3A_329 = arith.muli %add3A_313, %mul3A_328 : i32
      %add3A_330 = arith.constant 16 : i32
      %add3A_331 = arith.addi %mul3A_329, %add3A_330 : i32
      %get3A_332 = arith.index_cast %add3A_331 : i32 to index
      %get3A_333 = tpu.vector_load %arg7[%get3A_332] {strides = array<i32>} : memref<10096xi32, #tpu.memory_space<vmem>>, vector<16xi32>,
      %mul3A_334 = arith.constant 4 : i32
      %mul3A_335 = vector.broadcast %mul3A_334 : i32 to vector<16xi32>
      %mul3A_336 = arith.muli %get3A_333, %mul3A_335 : vector<16xi32>
      %add3A_337 = arith.constant 3 : i32
      %add3A_338 = vector.broadcast %add3A_337 : i32 to vector<16xi32>
      %add3A_339 = arith.addi %mul3A_336, %add3A_338 : vector<16xi32>
      %swap3A_340 = arith.index_cast %add3A_313 : i32 to index
      %swap3A_341 = arith.constant 16 : index
      %swap3A_342 = tpu.vector_load %arg10[%swap3A_340, %swap3A_341] {strides = array<i32>} : memref<127x80xi32, #tpu.memory_space<vmem>>, vector<16xi32>,
      tpu.vector_store %arg10[%swap3A_340, %swap3A_341], %add3A_339 {strides = array<i32>} : memref<127x80xi32, #tpu.memory_space<vmem>>, vector<16xi32>,
      %mul3A_343 = arith.constant 80 : i32
      %mul3A_344 = arith.muli %add3A_313, %mul3A_343 : i32
      %add3A_345 = arith.constant 32 : i32
      %add3A_346 = arith.addi %mul3A_344, %add3A_345 : i32
      %get3A_347 = arith.index_cast %add3A_346 : i32 to index
      %get3A_348 = tpu.vector_load %arg7[%get3A_347] {strides = array<i32>} : memref<10096xi32, #tpu.memory_space<vmem>>, vector<16xi32>,
      %mul3A_349 = arith.constant 4 : i32
      %mul3A_350 = vector.broadcast %mul3A_349 : i32 to vector<16xi32>
      %mul3A_351 = arith.muli %get3A_348, %mul3A_350 : vector<16xi32>
      %add3A_352 = arith.constant 3 : i32
      %add3A_353 = vector.broadcast %add3A_352 : i32 to vector<16xi32>
      %add3A_354 = arith.addi %mul3A_351, %add3A_353 : vector<16xi32>
      %swap3A_355 = arith.index_cast %add3A_313 : i32 to index
      %swap3A_356 = arith.constant 32 : index
      %swap3A_357 = tpu.vector_load %arg10[%swap3A_355, %swap3A_356] {strides = array<i32>} : memref<127x80xi32, #tpu.memory_space<vmem>>, vector<16xi32>,
      tpu.vector_store %arg10[%swap3A_355, %swap3A_356], %add3A_354 {strides = array<i32>} : memref<127x80xi32, #tpu.memory_space<vmem>>, vector<16xi32>,
      %mul3A_358 = arith.constant 80 : i32
      %mul3A_359 = arith.muli %add3A_313, %mul3A_358 : i32
      %add3A_360 = arith.constant 48 : i32
      %add3A_361 = arith.addi %mul3A_359, %add3A_360 : i32
      %get3A_362 = arith.index_cast %add3A_361 : i32 to index
      %get3A_363 = tpu.vector_load %arg7[%get3A_362] {strides = array<i32>} : memref<10096xi32, #tpu.memory_space<vmem>>, vector<16xi32>,
      %mul3A_364 = arith.constant 4 : i32
      %mul3A_365 = vector.broadcast %mul3A_364 : i32 to vector<16xi32>
      %mul3A_366 = arith.muli %get3A_363, %mul3A_365 : vector<16xi32>
      %add3A_367 = arith.constant 3 : i32
      %add3A_368 = vector.broadcast %add3A_367 : i32 to vector<16xi32>
      %add3A_369 = arith.addi %mul3A_366, %add3A_368 : vector<16xi32>
      %swap3A_370 = arith.index_cast %add3A_313 : i32 to index
      %swap3A_371 = arith.constant 48 : index
      %swap3A_372 = tpu.vector_load %arg10[%swap3A_370, %swap3A_371] {strides = array<i32>} : memref<127x80xi32, #tpu.memory_space<vmem>>, vector<16xi32>,
      tpu.vector_store %arg10[%swap3A_370, %swap3A_371], %add3A_369 {strides = array<i32>} : memref<127x80xi32, #tpu.memory_space<vmem>>, vector<16xi32>,
      %mul3A_373 = arith.constant 80 : i32
      %mul3A_374 = arith.muli %add3A_313, %mul3A_373 : i32
      %add3A_375 = arith.constant 64 : i32
      %add3A_376 = arith.addi %mul3A_374, %add3A_375 : i32
      %get3A_377 = arith.index_cast %add3A_376 : i32 to index
      %get3A_378 = tpu.vector_load %arg7[%get3A_377] {strides = array<i32>} : memref<10096xi32, #tpu.memory_space<vmem>>, vector<16xi32>,
      %mul3A_379 = arith.constant 4 : i32
      %mul3A_380 = vector.broadcast %mul3A_379 : i32 to vector<16xi32>
      %mul3A_381 = arith.muli %get3A_378, %mul3A_380 : vector<16xi32>
      %add3A_382 = arith.constant 3 : i32
      %add3A_383 = vector.broadcast %add3A_382 : i32 to vector<16xi32>
      %add3A_384 = arith.addi %mul3A_381, %add3A_383 : vector<16xi32>
      %swap3A_385 = arith.index_cast %add3A_313 : i32 to index
      %swap3A_386 = arith.constant 64 : index
      %swap3A_387 = tpu.vector_load %arg10[%swap3A_385, %swap3A_386] {strides = array<i32>} : memref<127x80xi32, #tpu.memory_space<vmem>>, vector<16xi32>,
      tpu.vector_store %arg10[%swap3A_385, %swap3A_386], %add3A_384 {strides = array<i32>} : memref<127x80xi32, #tpu.memory_space<vmem>>, vector<16xi32>,
    }
    %sub3A_282 = arith.constant 0 : i32
    %sub3A_283 = arith.subi %mul3A_94, %sub3A_282 : i32
    %sub3A_284 = arith.constant 1 : i32
    %sub3A_285 = arith.constant 1 : i32
    %sub3A_286 = arith.subi %sub3A_284, %sub3A_285 : i32
    %add3A_287 = arith.addi %sub3A_283, %sub3A_286 : i32
    %div3A_288 = arith.constant 1 : i32
    %div3A_289 = arith.divsi %add3A_287, %div3A_288 : i32
    %while3A_290 = arith.constant 1 : i32
    %while3A_291 = arith.constant 0 : i32
    %while3A_292 = arith.constant 0 : i32
    %while3A_293 = arith.subi %div3A_289, %while3A_292 : i32
    %while3A_294 = arith.addi %while3A_292, %while3A_293 : i32
    %while3A_295 = arith.constant 1 : i32
    %while3A_296 = arith.divsi %while3A_293, %while3A_295 : i32
    %while3A_297 = arith.muli %while3A_296, %while3A_295 : i32
    %while3A_298 = arith.addi %while3A_292, %while3A_297 : i32
    %while3A_299 = arith.constant 1 : i32
    scf.for %while3A_311 = %while3A_292 to %while3A_298 step %while3A_299  : i32 {
      %mul3A_312 = arith.muli %while3A_311, %while3A_290 : i32
      %add3A_313 = arith.addi %while3A_291, %mul3A_312 : i32
      "tpu.region"() ({
        %run_scoped3A = tpu.sem_alloc : memref<!tpu.dma_semaphore, #tpu.memory_space<semaphore_mem>>
        %dma_start3A = arith.constant 0 : i32
        %dma_start3A_314 = tpu.memref_slice %arg10[%add3A_313, %dma_start3A] : memref<127x80xi32, #tpu.memory_space<vmem>> -> memref<1x80xi32, #tpu.memory_space<vmem>>
        %dma_start3A_315 = tpu.memref_squeeze %dma_start3A_314 : memref<1x80xi32, #tpu.memory_space<vmem>> -> memref<80xi32, #tpu.memory_space<vmem>>
        %dma_start3A_316 = arith.constant 0 : i32
        %dma_start3A_317 = arith.constant 0 : i32
        %dma_start3A_318 = tpu.memref_slice %arg2[%dma_start3A_316, %dma_start3A_317] : memref<40000x128xf32, #tpu.memory_space<hbm>> -> memref<40000x128xf32, #tpu.memory_space<hbm>>
        tpu.enqueue_indirect_dma source(%dma_start3A_318 : memref<40000x128xf32, #tpu.memory_space<hbm>>) target(%arg11 : memref<80x128xf32, #tpu.memory_space<vmem>>) offsets(%dma_start3A_315 : memref<80xi32, #tpu.memory_space<vmem>>) semaphore(%run_scoped3A : memref<!tpu.dma_semaphore, #tpu.memory_space<semaphore_mem>>)
        %dma_wait3A = arith.constant 0 : i32
        %dma_wait3A_319 = tpu.memref_slice %arg10[%add3A_313, %dma_wait3A] : memref<127x80xi32, #tpu.memory_space<vmem>> -> memref<1x80xi32, #tpu.memory_space<vmem>>
        %dma_wait3A_320 = tpu.memref_squeeze %dma_wait3A_319 : memref<1x80xi32, #tpu.memory_space<vmem>> -> memref<80xi32, #tpu.memory_space<vmem>>
        %dma_wait3A_321 = arith.constant 0 : i32
        %dma_wait3A_322 = arith.constant 0 : i32
        %dma_wait3A_323 = tpu.memref_slice %arg2[%dma_wait3A_321, %dma_wait3A_322] : memref<40000x128xf32, #tpu.memory_space<hbm>> -> memref<40000x128xf32, #tpu.memory_space<hbm>>
        tpu.wait_indirect_dma semaphore(%run_scoped3A : memref<!tpu.dma_semaphore, #tpu.memory_space<semaphore_mem>>) src(%dma_wait3A_323 : memref<40000x128xf32, #tpu.memory_space<hbm>>) dst(%arg11 : memref<80x128xf32, #tpu.memory_space<vmem>>)
        tpu.yield
      }) : () -> ()
      "tpu.region"() ({
        %run_scoped3A = tpu.sem_alloc : memref<!tpu.dma_semaphore, #tpu.memory_space<semaphore_mem>>
        %dma_start3A = arith.constant 0 : i32
        %dma_start3A_314 = tpu.memref_slice %arg9[%add3A_313, %dma_start3A] : memref<127x80xi32, #tpu.memory_space<vmem>> -> memref<1x80xi32, #tpu.memory_space<vmem>>
        %dma_start3A_315 = tpu.memref_squeeze %dma_start3A_314 : memref<1x80xi32, #tpu.memory_space<vmem>> -> memref<80xi32, #tpu.memory_space<vmem>>
        %dma_start3A_316 = arith.constant 0 : i32
        %dma_start3A_317 = arith.constant 0 : i32
        %dma_start3A_318 = tpu.memref_slice %arg12[%dma_start3A_316, %dma_start3A_317] : memref<5248x128xf32, #tpu.memory_space<vmem_shared>> -> memref<5248x128xf32, #tpu.memory_space<vmem_shared>>
        tpu.enqueue_indirect_dma source(%arg11 : memref<80x128xf32, #tpu.memory_space<vmem>>) target(%dma_start3A_318 : memref<5248x128xf32, #tpu.memory_space<vmem_shared>>) offsets(%dma_start3A_315 : memref<80xi32, #tpu.memory_space<vmem>>) semaphore(%run_scoped3A : memref<!tpu.dma_semaphore, #tpu.memory_space<semaphore_mem>>) {add = true}
        %dma_wait3A = arith.constant 0 : i32
        %dma_wait3A_319 = tpu.memref_slice %arg9[%add3A_313, %dma_wait3A] : memref<127x80xi32, #tpu.memory_space<vmem>> -> memref<1x80xi32, #tpu.memory_space<vmem>>
        %dma_wait3A_320 = tpu.memref_squeeze %dma_wait3A_319 : memref<1x80xi32, #tpu.memory_space<vmem>> -> memref<80xi32, #tpu.memory_space<vmem>>
        %dma_wait3A_321 = arith.constant 0 : i32
        %dma_wait3A_322 = arith.constant 0 : i32
        %dma_wait3A_323 = tpu.memref_slice %arg12[%dma_wait3A_321, %dma_wait3A_322] : memref<5248x128xf32, #tpu.memory_space<vmem_shared>> -> memref<5248x128xf32, #tpu.memory_space<vmem_shared>>
        tpu.wait_indirect_dma semaphore(%run_scoped3A : memref<!tpu.dma_semaphore, #tpu.memory_space<semaphore_mem>>) src(%arg11 : memref<80x128xf32, #tpu.memory_space<vmem>>) dst(%dma_wait3A_323 : memref<5248x128xf32, #tpu.memory_space<vmem_shared>>)
        tpu.yield
      }) : () -> ()
    }
    %while3A_300 = arith.constant 1 : i32
    scf.for %while3A_311 = %while3A_298 to %while3A_294 step %while3A_300  : i32 {
      %mul3A_312 = arith.muli %while3A_311, %while3A_290 : i32
      %add3A_313 = arith.addi %while3A_291, %mul3A_312 : i32
      "tpu.region"() ({
        %run_scoped3A = tpu.sem_alloc : memref<!tpu.dma_semaphore, #tpu.memory_space<semaphore_mem>>
        %dma_start3A = arith.constant 0 : i32
        %dma_start3A_314 = tpu.memref_slice %arg10[%add3A_313, %dma_start3A] : memref<127x80xi32, #tpu.memory_space<vmem>> -> memref<1x80xi32, #tpu.memory_space<vmem>>
        %dma_start3A_315 = tpu.memref_squeeze %dma_start3A_314 : memref<1x80xi32, #tpu.memory_space<vmem>> -> memref<80xi32, #tpu.memory_space<vmem>>
        %dma_start3A_316 = arith.constant 0 : i32
        %dma_start3A_317 = arith.constant 0 : i32
        %dma_start3A_318 = tpu.memref_slice %arg2[%dma_start3A_316, %dma_start3A_317] : memref<40000x128xf32, #tpu.memory_space<hbm>> -> memref<40000x128xf32, #tpu.memory_space<hbm>>
        tpu.enqueue_indirect_dma source(%dma_start3A_318 : memref<40000x128xf32, #tpu.memory_space<hbm>>) target(%arg11 : memref<80x128xf32, #tpu.memory_space<vmem>>) offsets(%dma_start3A_315 : memref<80xi32, #tpu.memory_space<vmem>>) semaphore(%run_scoped3A : memref<!tpu.dma_semaphore, #tpu.memory_space<semaphore_mem>>)
        %dma_wait3A = arith.constant 0 : i32
        %dma_wait3A_319 = tpu.memref_slice %arg10[%add3A_313, %dma_wait3A] : memref<127x80xi32, #tpu.memory_space<vmem>> -> memref<1x80xi32, #tpu.memory_space<vmem>>
        %dma_wait3A_320 = tpu.memref_squeeze %dma_wait3A_319 : memref<1x80xi32, #tpu.memory_space<vmem>> -> memref<80xi32, #tpu.memory_space<vmem>>
        %dma_wait3A_321 = arith.constant 0 : i32
        %dma_wait3A_322 = arith.constant 0 : i32
        %dma_wait3A_323 = tpu.memref_slice %arg2[%dma_wait3A_321, %dma_wait3A_322] : memref<40000x128xf32, #tpu.memory_space<hbm>> -> memref<40000x128xf32, #tpu.memory_space<hbm>>
        tpu.wait_indirect_dma semaphore(%run_scoped3A : memref<!tpu.dma_semaphore, #tpu.memory_space<semaphore_mem>>) src(%dma_wait3A_323 : memref<40000x128xf32, #tpu.memory_space<hbm>>) dst(%arg11 : memref<80x128xf32, #tpu.memory_space<vmem>>)
        tpu.yield
      }) : () -> ()
      "tpu.region"() ({
        %run_scoped3A = tpu.sem_alloc : memref<!tpu.dma_semaphore, #tpu.memory_space<semaphore_mem>>
        %dma_start3A = arith.constant 0 : i32
        %dma_start3A_314 = tpu.memref_slice %arg9[%add3A_313, %dma_start3A] : memref<127x80xi32, #tpu.memory_space<vmem>> -> memref<1x80xi32, #tpu.memory_space<vmem>>
        %dma_start3A_315 = tpu.memref_squeeze %dma_start3A_314 : memref<1x80xi32, #tpu.memory_space<vmem>> -> memref<80xi32, #tpu.memory_space<vmem>>
        %dma_start3A_316 = arith.constant 0 : i32
        %dma_start3A_317 = arith.constant 0 : i32
        %dma_start3A_318 = tpu.memref_slice %arg12[%dma_start3A_316, %dma_start3A_317] : memref<5248x128xf32, #tpu.memory_space<vmem_shared>> -> memref<5248x128xf32, #tpu.memory_space<vmem_shared>>
        tpu.enqueue_indirect_dma source(%arg11 : memref<80x128xf32, #tpu.memory_space<vmem>>) target(%dma_start3A_318 : memref<5248x128xf32, #tpu.memory_space<vmem_shared>>) offsets(%dma_start3A_315 : memref<80xi32, #tpu.memory_space<vmem>>) semaphore(%run_scoped3A : memref<!tpu.dma_semaphore, #tpu.memory_space<semaphore_mem>>) {add = true}
        %dma_wait3A = arith.constant 0 : i32
        %dma_wait3A_319 = tpu.memref_slice %arg9[%add3A_313, %dma_wait3A] : memref<127x80xi32, #tpu.memory_space<vmem>> -> memref<1x80xi32, #tpu.memory_space<vmem>>
        %dma_wait3A_320 = tpu.memref_squeeze %dma_wait3A_319 : memref<1x80xi32, #tpu.memory_space<vmem>> -> memref<80xi32, #tpu.memory_space<vmem>>
        %dma_wait3A_321 = arith.constant 0 : i32
        %dma_wait3A_322 = arith.constant 0 : i32
        %dma_wait3A_323 = tpu.memref_slice %arg12[%dma_wait3A_321, %dma_wait3A_322] : memref<5248x128xf32, #tpu.memory_space<vmem_shared>> -> memref<5248x128xf32, #tpu.memory_space<vmem_shared>>
        tpu.wait_indirect_dma semaphore(%run_scoped3A : memref<!tpu.dma_semaphore, #tpu.memory_space<semaphore_mem>>) src(%arg11 : memref<80x128xf32, #tpu.memory_space<vmem>>) dst(%dma_wait3A_323 : memref<5248x128xf32, #tpu.memory_space<vmem_shared>>)
        tpu.yield
      }) : () -> ()
    }
    %barrier3A_301 = arith.constant 0 : index
    tpu.barrier barrier_id(%barrier3A_301)
    %mul3A_302 = arith.constant 320 : i32
    %mul3A_303 = arith.muli %arg1, %mul3A_302 : i32
    %mul3A_304 = arith.constant 5120 : i32
    %mul3A_305 = arith.muli %arg0, %mul3A_304 : i32
    %add3A_306 = arith.constant 30720 : i32
    %add3A_307 = arith.addi %add3A_306, %mul3A_305 : i32
    %mul3A_308 = arith.constant 320 : i32
    %mul3A_309 = arith.muli %arg1, %mul3A_308 : i32
    %add3A_310 = arith.addi %add3A_307, %mul3A_309 : i32
    "tpu.region"() ({
      %run_scoped3A = tpu.sem_alloc : memref<!tpu.dma_semaphore, #tpu.memory_space<semaphore_mem>>
      %dma_start3A = arith.constant 0 : i32
      %dma_start3A_311 = tpu.memref_slice %arg6[%add3A_310, %dma_start3A] : memref<40960x128xf32, #tpu.memory_space<hbm>> -> memref<320x128xf32, #tpu.memory_space<hbm>>
      %dma_start3A_312 = arith.constant 0 : i32
      %dma_start3A_313 = tpu.memref_slice %arg12[%mul3A_303, %dma_start3A_312] : memref<5248x128xf32, #tpu.memory_space<vmem_shared>> -> memref<320x128xf32, #tpu.memory_space<vmem_shared>>
      tpu.enqueue_dma source(%dma_start3A_313 : memref<320x128xf32, #tpu.memory_space<vmem_shared>>) target(%dma_start3A_311 : memref<320x128xf32, #tpu.memory_space<hbm>>) target_semaphore(%run_scoped3A : memref<!tpu.dma_semaphore, #tpu.memory_space<semaphore_mem>>)
      %dma_wait3A = arith.constant 0 : i32
      %dma_wait3A_314 = tpu.memref_slice %arg6[%add3A_310, %dma_wait3A] : memref<40960x128xf32, #tpu.memory_space<hbm>> -> memref<320x128xf32, #tpu.memory_space<hbm>>
      %dma_wait3A_315 = arith.constant 0 : i32
      %dma_wait3A_316 = tpu.memref_slice %arg12[%mul3A_303, %dma_wait3A_315] : memref<5248x128xf32, #tpu.memory_space<vmem_shared>> -> memref<320x128xf32, #tpu.memory_space<vmem_shared>>
      tpu.wait_dma2 semaphore(%run_scoped3A : memref<!tpu.dma_semaphore, #tpu.memory_space<semaphore_mem>>) src(%dma_wait3A_316 : memref<320x128xf32, #tpu.memory_space<vmem_shared>>) dst(%dma_wait3A_314 : memref<320x128xf32, #tpu.memory_space<hbm>>)
      tpu.yield
    }) : () -> ()
    return
  }
}

#map = affine_map<(d0, d1) -> (0)>
#map1 = affine_map<(d0, d1) -> (0, 0)>
module attributes {stable_mosaic.version = 14 : i64} {
  func.func @body(%arg0: i32, %arg1: i32, %arg2: memref<160000xi32, #tpu.memory_space<hbm>>, %arg3: memref<5248x128xf32, #tpu.memory_space<hbm>>, %arg4: memref<10240x128xf32, #tpu.memory_space<hbm>>, %arg5: memref<10096xi32, #tpu.memory_space<vmem>>, %arg6: memref<127x80xi32, #tpu.memory_space<vmem>>, %arg7: memref<80x128xf32, #tpu.memory_space<vmem>>, %arg8: memref<5248x128xf32, #tpu.memory_space<vmem_shared>>, %arg9: memref<!tpu.dma_semaphore, #tpu.memory_space<semaphore_mem>>) attributes {dimension_semantics = [#tpu.dimension_semantics<core_parallel>, #tpu.dimension_semantics<subcore_parallel>], iteration_bounds = array<i64: 2, 16>, scalar_prefetch = 0 : i64, scratch_operands = 5 : i64, tpu.core_type = #tpu.core_type<sc_vector_subcore>, window_params = [{transform_indices = #map}, {transform_indices = #map1}, {transform_indices = #map1}]} {
    %mul3A = arith.constant 328 : i32
    %mul3A_0 = arith.muli %arg1, %mul3A : i32
    %mul3A_1 = arith.constant 10000 : i32
    %mul3A_2 = arith.muli %arg1, %mul3A_1 : i32
    "tpu.region"() ({
      %run_scoped3A = tpu.sem_alloc : memref<!tpu.dma_semaphore, #tpu.memory_space<semaphore_mem>>
      %dma_start3A = arith.constant 0 : i32
      %dma_start3A_114 = tpu.memref_slice %arg5[%dma_start3A] : memref<10096xi32, #tpu.memory_space<vmem>> -> memref<10000xi32, #tpu.memory_space<vmem>>
      %dma_start3A_115 = tpu.memref_slice %arg2[%mul3A_2] : memref<160000xi32, #tpu.memory_space<hbm>> -> memref<10000xi32, #tpu.memory_space<hbm>>
      %dma_start3A_116 = arith.constant 0 : i32
      %dma_start3A_117 = tpu.memref_slice %arg5[%dma_start3A_116] : memref<10096xi32, #tpu.memory_space<vmem>> -> memref<10000xi32, #tpu.memory_space<vmem>>
      %dma_start3A_118 = tpu.memref_slice %arg2[%mul3A_2] : memref<160000xi32, #tpu.memory_space<hbm>> -> memref<10000xi32, #tpu.memory_space<hbm>>
      tpu.enqueue_dma source(%dma_start3A_118 : memref<10000xi32, #tpu.memory_space<hbm>>) target(%dma_start3A_117 : memref<10000xi32, #tpu.memory_space<vmem>>) target_semaphore(%run_scoped3A : memref<!tpu.dma_semaphore, #tpu.memory_space<semaphore_mem>>)
      %dma_wait3A = arith.constant 0 : i32
      %dma_wait3A_119 = tpu.memref_slice %arg5[%dma_wait3A] : memref<10096xi32, #tpu.memory_space<vmem>> -> memref<10000xi32, #tpu.memory_space<vmem>>
      %dma_wait3A_120 = tpu.memref_slice %arg2[%mul3A_2] : memref<160000xi32, #tpu.memory_space<hbm>> -> memref<10000xi32, #tpu.memory_space<hbm>>
      %dma_wait3A_121 = arith.constant 0 : i32
      %dma_wait3A_122 = tpu.memref_slice %arg5[%dma_wait3A_121] : memref<10096xi32, #tpu.memory_space<vmem>> -> memref<10000xi32, #tpu.memory_space<vmem>>
      %dma_wait3A_123 = tpu.memref_slice %arg2[%mul3A_2] : memref<160000xi32, #tpu.memory_space<hbm>> -> memref<10000xi32, #tpu.memory_space<hbm>>
      tpu.wait_dma2 semaphore(%run_scoped3A : memref<!tpu.dma_semaphore, #tpu.memory_space<semaphore_mem>>) src(%dma_wait3A_123 : memref<10000xi32, #tpu.memory_space<hbm>>) dst(%dma_wait3A_122 : memref<10000xi32, #tpu.memory_space<vmem>>)
      tpu.yield
    }) : () -> ()
    "tpu.region"() ({
      %run_scoped3A = tpu.sem_alloc : memref<!tpu.dma_semaphore, #tpu.memory_space<semaphore_mem>>
      %dma_start3A = arith.constant 0 : i32
      %dma_start3A_114 = tpu.memref_slice %arg8[%mul3A_0, %dma_start3A] : memref<5248x128xf32, #tpu.memory_space<vmem_shared>> -> memref<328x128xf32, #tpu.memory_space<vmem_shared>>
      %dma_start3A_115 = arith.constant 0 : i32
      %dma_start3A_116 = tpu.memref_slice %arg3[%mul3A_0, %dma_start3A_115] : memref<5248x128xf32, #tpu.memory_space<hbm>> -> memref<328x128xf32, #tpu.memory_space<hbm>>
      tpu.enqueue_dma source(%dma_start3A_116 : memref<328x128xf32, #tpu.memory_space<hbm>>) target(%dma_start3A_114 : memref<328x128xf32, #tpu.memory_space<vmem_shared>>) target_semaphore(%run_scoped3A : memref<!tpu.dma_semaphore, #tpu.memory_space<semaphore_mem>>)
      %dma_wait3A = arith.constant 0 : i32
      %dma_wait3A_117 = tpu.memref_slice %arg8[%mul3A_0, %dma_wait3A] : memref<5248x128xf32, #tpu.memory_space<vmem_shared>> -> memref<328x128xf32, #tpu.memory_space<vmem_shared>>
      %dma_wait3A_118 = arith.constant 0 : i32
      %dma_wait3A_119 = tpu.memref_slice %arg3[%mul3A_0, %dma_wait3A_118] : memref<5248x128xf32, #tpu.memory_space<hbm>> -> memref<328x128xf32, #tpu.memory_space<hbm>>
      tpu.wait_dma2 semaphore(%run_scoped3A : memref<!tpu.dma_semaphore, #tpu.memory_space<semaphore_mem>>) src(%dma_wait3A_119 : memref<328x128xf32, #tpu.memory_space<hbm>>) dst(%dma_wait3A_117 : memref<328x128xf32, #tpu.memory_space<vmem_shared>>)
      tpu.yield
    }) : () -> ()
    %iota3A = tpu.iota {dimensions = array<i32: 0>} : vector<16xi32>
    %scan3A = arith.constant 0 : i32
    %scan3A_3 = arith.constant 0 : i32
    %scan3A_4 = arith.constant 625 : i32
    %scan3A_5 = arith.addi %scan3A_3, %scan3A_4 : i32
    %scan3A_6 = arith.constant 1 : i32
    %scan3A_7 = scf.for %scan3A_114 = %scan3A_3 to %scan3A_5 step %scan3A_6 iter_args(%scan3A_115 = %scan3A) -> (i32)  : i32 {
      %mul3A_116 = arith.constant 1 : i32
      %mul3A_117 = arith.muli %scan3A_114, %mul3A_116 : i32
      %add3A_118 = arith.constant 0 : i32
      %add3A_119 = arith.addi %add3A_118, %mul3A_117 : i32
      %mul3A_120 = arith.constant 16 : i32
      %mul3A_121 = arith.muli %add3A_119, %mul3A_120 : i32
      %get3A = arith.index_cast %mul3A_121 : i32 to index
      %get3A_122 = tpu.vector_load %arg5[%get3A] {strides = array<i32>} : memref<10096xi32, #tpu.memory_space<vmem>>, vector<16xi32>,
      %mul3A_123 = arith.constant 5120 : i32
      %mul3A_124 = arith.muli %arg0, %mul3A_123 : i32
      %sub3A_125 = vector.broadcast %mul3A_124 : i32 to vector<16xi32>
      %sub3A_126 = arith.subi %get3A_122, %sub3A_125 : vector<16xi32>
      %ge3A = arith.constant 0 : i32
      %ge3A_127 = vector.broadcast %ge3A : i32 to vector<16xi32>
      %ge3A_128 = arith.cmpi sge, %sub3A_126, %ge3A_127 : vector<16xi32>
      %lt3A = arith.constant 5120 : i32
      %lt3A_129 = vector.broadcast %lt3A : i32 to vector<16xi32>
      %lt3A_130 = arith.cmpi slt, %sub3A_126, %lt3A_129 : vector<16xi32>
      %and3A_131 = arith.andi %ge3A_128, %lt3A_130 : vector<16xi1>
      %convert_element_type3A = arith.extui %and3A_131 : vector<16xi1> to vector<16xi32>
      %broadcast_in_dim3A = arith.constant true
      %broadcast_in_dim3A_132 = vector.broadcast %broadcast_in_dim3A : i1 to vector<16xi1>
      %masked_cumsum3A = tpu.scan <sum>, %convert_element_type3A masked %broadcast_in_dim3A_132 : vector<16xi32>, vector<16xi1> -> vector<16xi32>
      %add3A_133 = vector.broadcast %scan3A_115 : i32 to vector<16xi32>
      %add3A_134 = arith.addi %add3A_133, %masked_cumsum3A : vector<16xi32>
      %sub3A_135 = arith.constant 1 : i32
      %sub3A_136 = vector.broadcast %sub3A_135 : i32 to vector<16xi32>
      %sub3A_137 = arith.subi %add3A_134, %sub3A_136 : vector<16xi32>
      %add3A_138 = arith.constant 10080 : i32
      %add3A_139 = vector.broadcast %add3A_138 : i32 to vector<16xi32>
      %add3A_140 = arith.addi %add3A_139, %iota3A : vector<16xi32>
      %select_n3A_141 = arith.select %and3A_131, %sub3A_137, %add3A_140 : vector<16xi1>, vector<16xi32>
      tpu.vector_store_idx %arg5[%select_n3A_141], %sub3A_126 : memref<10096xi32, #tpu.memory_space<vmem>>[vector<16xi32>], vector<16xi32>,
      %reduce_sum3A = arith.constant true
      %reduce_sum3A_142 = vector.broadcast %reduce_sum3A : i1 to vector<16xi1>
      %reduce_sum3A_143 = tpu.scan <sum>, %convert_element_type3A masked %reduce_sum3A_142 : vector<16xi32>, vector<16xi1> -> vector<16xi32>
      %reduce_sum3A_144 = vector.extract %reduce_sum3A_143[15] : i32 from vector<16xi32>
      %add3A_145 = arith.addi %scan3A_115, %reduce_sum3A_144 : i32
      scf.yield %add3A_145 : i32
    }
    %scan3A_8 = arith.constant 625 : i32
    %add3A = arith.constant 5120 : i32
    %add3A_9 = vector.broadcast %add3A : i32 to vector<16xi32>
    %add3A_10 = arith.addi %add3A_9, %iota3A : vector<16xi32>
    %add3A_11 = arith.constant 0 : i32
    %add3A_12 = arith.addi %scan3A_7, %add3A_11 : i32
    %swap3A = arith.index_cast %add3A_12 : i32 to index
    %swap3A_13 = tpu.vector_load %arg5[%swap3A] {strides = array<i32>} : memref<10096xi32, #tpu.memory_space<vmem>>, vector<16xi32>,
    tpu.vector_store %arg5[%swap3A], %add3A_10 {strides = array<i32>} : memref<10096xi32, #tpu.memory_space<vmem>>, vector<16xi32>,
    %add3A_14 = arith.constant 5136 : i32
    %add3A_15 = vector.broadcast %add3A_14 : i32 to vector<16xi32>
    %add3A_16 = arith.addi %add3A_15, %iota3A : vector<16xi32>
    %add3A_17 = arith.constant 16 : i32
    %add3A_18 = arith.addi %scan3A_7, %add3A_17 : i32
    %swap3A_19 = arith.index_cast %add3A_18 : i32 to index
    %swap3A_20 = tpu.vector_load %arg5[%swap3A_19] {strides = array<i32>} : memref<10096xi32, #tpu.memory_space<vmem>>, vector<16xi32>,
    tpu.vector_store %arg5[%swap3A_19], %add3A_16 {strides = array<i32>} : memref<10096xi32, #tpu.memory_space<vmem>>, vector<16xi32>,
    %add3A_21 = arith.constant 5152 : i32
    %add3A_22 = vector.broadcast %add3A_21 : i32 to vector<16xi32>
    %add3A_23 = arith.addi %add3A_22, %iota3A : vector<16xi32>
    %add3A_24 = arith.constant 32 : i32
    %add3A_25 = arith.addi %scan3A_7, %add3A_24 : i32
    %swap3A_26 = arith.index_cast %add3A_25 : i32 to index
    %swap3A_27 = tpu.vector_load %arg5[%swap3A_26] {strides = array<i32>} : memref<10096xi32, #tpu.memory_space<vmem>>, vector<16xi32>,
    tpu.vector_store %arg5[%swap3A_26], %add3A_23 {strides = array<i32>} : memref<10096xi32, #tpu.memory_space<vmem>>, vector<16xi32>,
    %add3A_28 = arith.constant 5168 : i32
    %add3A_29 = vector.broadcast %add3A_28 : i32 to vector<16xi32>
    %add3A_30 = arith.addi %add3A_29, %iota3A : vector<16xi32>
    %add3A_31 = arith.constant 48 : i32
    %add3A_32 = arith.addi %scan3A_7, %add3A_31 : i32
    %swap3A_33 = arith.index_cast %add3A_32 : i32 to index
    %swap3A_34 = tpu.vector_load %arg5[%swap3A_33] {strides = array<i32>} : memref<10096xi32, #tpu.memory_space<vmem>>, vector<16xi32>,
    tpu.vector_store %arg5[%swap3A_33], %add3A_30 {strides = array<i32>} : memref<10096xi32, #tpu.memory_space<vmem>>, vector<16xi32>,
    %add3A_35 = arith.constant 5184 : i32
    %add3A_36 = vector.broadcast %add3A_35 : i32 to vector<16xi32>
    %add3A_37 = arith.addi %add3A_36, %iota3A : vector<16xi32>
    %add3A_38 = arith.constant 64 : i32
    %add3A_39 = arith.addi %scan3A_7, %add3A_38 : i32
    %swap3A_40 = arith.index_cast %add3A_39 : i32 to index
    %swap3A_41 = tpu.vector_load %arg5[%swap3A_40] {strides = array<i32>} : memref<10096xi32, #tpu.memory_space<vmem>>, vector<16xi32>,
    tpu.vector_store %arg5[%swap3A_40], %add3A_37 {strides = array<i32>} : memref<10096xi32, #tpu.memory_space<vmem>>, vector<16xi32>,
    %add3A_42 = arith.constant 80 : i32
    %add3A_43 = arith.addi %scan3A_7, %add3A_42 : i32
    %sub3A = arith.constant 1 : i32
    %sub3A_44 = arith.subi %add3A_43, %sub3A : i32
    %jit3A = arith.constant 80 : i32
    %div3A = arith.divsi %sub3A_44, %jit3A : i32
    %sign3A = arith.constant 0 : i32
    %sign3A_45 = arith.cmpi sgt, %sub3A_44, %sign3A : i32
    %sign3A_46 = arith.extui %sign3A_45 : i1 to i32
    %sign3A_47 = arith.constant 0 : i32
    %sign3A_48 = arith.cmpi slt, %sub3A_44, %sign3A_47 : i32
    %sign3A_49 = arith.extui %sign3A_48 : i1 to i32
    %sign3A_50 = arith.subi %sign3A_46, %sign3A_49 : i32
    %sign3A_51 = arith.constant 0 : i32
    %sign3A_52 = arith.cmpi sgt, %jit3A, %sign3A_51 : i32
    %sign3A_53 = arith.extui %sign3A_52 : i1 to i32
    %sign3A_54 = arith.constant 0 : i32
    %sign3A_55 = arith.cmpi slt, %jit3A, %sign3A_54 : i32
    %sign3A_56 = arith.extui %sign3A_55 : i1 to i32
    %sign3A_57 = arith.subi %sign3A_53, %sign3A_56 : i32
    %ne3A = arith.cmpi ne, %sign3A_50, %sign3A_57 : i32
    %rem3A = arith.remsi %sub3A_44, %jit3A : i32
    %ne3A_58 = arith.constant 0 : i32
    %ne3A_59 = arith.cmpi ne, %rem3A, %ne3A_58 : i32
    %and3A = arith.andi %ne3A, %ne3A_59 : i1
    %sub3A_60 = arith.constant 1 : i32
    %sub3A_61 = arith.subi %div3A, %sub3A_60 : i32
    %select_n3A = arith.select %and3A, %sub3A_61, %div3A : i32
    %mul3A_62 = arith.constant 1 : i32
    %mul3A_63 = arith.muli %select_n3A, %mul3A_62 : i32
    %sub3A_64 = arith.constant 0 : i32
    %sub3A_65 = arith.subi %mul3A_63, %sub3A_64 : i32
    %sub3A_66 = arith.constant 1 : i32
    %sub3A_67 = arith.constant 1 : i32
    %sub3A_68 = arith.subi %sub3A_66, %sub3A_67 : i32
    %add3A_69 = arith.addi %sub3A_65, %sub3A_68 : i32
    %div3A_70 = arith.constant 1 : i32
    %div3A_71 = arith.divsi %add3A_69, %div3A_70 : i32
    %while3A = arith.constant 1 : i32
    %while3A_72 = arith.constant 0 : i32
    %while3A_73 = arith.constant 0 : i32
    %while3A_74 = arith.subi %div3A_71, %while3A_73 : i32
    %while3A_75 = arith.addi %while3A_73, %while3A_74 : i32
    %while3A_76 = arith.constant 1 : i32
    %while3A_77 = arith.divsi %while3A_74, %while3A_76 : i32
    %while3A_78 = arith.muli %while3A_77, %while3A_76 : i32
    %while3A_79 = arith.addi %while3A_73, %while3A_78 : i32
    %while3A_80 = arith.constant 1 : i32
    scf.for %while3A_114 = %while3A_73 to %while3A_79 step %while3A_80  : i32 {
      %mul3A_115 = arith.muli %while3A_114, %while3A : i32
      %add3A_116 = arith.addi %while3A_72, %mul3A_115 : i32
      %mul3A_117 = arith.constant 80 : i32
      %mul3A_118 = arith.muli %add3A_116, %mul3A_117 : i32
      %add3A_119 = arith.constant 0 : i32
      %add3A_120 = arith.addi %mul3A_118, %add3A_119 : i32
      %get3A = arith.index_cast %add3A_120 : i32 to index
      %get3A_121 = tpu.vector_load %arg5[%get3A] {strides = array<i32>} : memref<10096xi32, #tpu.memory_space<vmem>>, vector<16xi32>,
      %swap3A_122 = arith.index_cast %add3A_116 : i32 to index
      %swap3A_123 = arith.constant 0 : index
      %swap3A_124 = tpu.vector_load %arg6[%swap3A_122, %swap3A_123] {strides = array<i32>} : memref<127x80xi32, #tpu.memory_space<vmem>>, vector<16xi32>,
      tpu.vector_store %arg6[%swap3A_122, %swap3A_123], %get3A_121 {strides = array<i32>} : memref<127x80xi32, #tpu.memory_space<vmem>>, vector<16xi32>,
      %mul3A_125 = arith.constant 80 : i32
      %mul3A_126 = arith.muli %add3A_116, %mul3A_125 : i32
      %add3A_127 = arith.constant 16 : i32
      %add3A_128 = arith.addi %mul3A_126, %add3A_127 : i32
      %get3A_129 = arith.index_cast %add3A_128 : i32 to index
      %get3A_130 = tpu.vector_load %arg5[%get3A_129] {strides = array<i32>} : memref<10096xi32, #tpu.memory_space<vmem>>, vector<16xi32>,
      %swap3A_131 = arith.index_cast %add3A_116 : i32 to index
      %swap3A_132 = arith.constant 16 : index
      %swap3A_133 = tpu.vector_load %arg6[%swap3A_131, %swap3A_132] {strides = array<i32>} : memref<127x80xi32, #tpu.memory_space<vmem>>, vector<16xi32>,
      tpu.vector_store %arg6[%swap3A_131, %swap3A_132], %get3A_130 {strides = array<i32>} : memref<127x80xi32, #tpu.memory_space<vmem>>, vector<16xi32>,
      %mul3A_134 = arith.constant 80 : i32
      %mul3A_135 = arith.muli %add3A_116, %mul3A_134 : i32
      %add3A_136 = arith.constant 32 : i32
      %add3A_137 = arith.addi %mul3A_135, %add3A_136 : i32
      %get3A_138 = arith.index_cast %add3A_137 : i32 to index
      %get3A_139 = tpu.vector_load %arg5[%get3A_138] {strides = array<i32>} : memref<10096xi32, #tpu.memory_space<vmem>>, vector<16xi32>,
      %swap3A_140 = arith.index_cast %add3A_116 : i32 to index
      %swap3A_141 = arith.constant 32 : index
      %swap3A_142 = tpu.vector_load %arg6[%swap3A_140, %swap3A_141] {strides = array<i32>} : memref<127x80xi32, #tpu.memory_space<vmem>>, vector<16xi32>,
      tpu.vector_store %arg6[%swap3A_140, %swap3A_141], %get3A_139 {strides = array<i32>} : memref<127x80xi32, #tpu.memory_space<vmem>>, vector<16xi32>,
      %mul3A_143 = arith.constant 80 : i32
      %mul3A_144 = arith.muli %add3A_116, %mul3A_143 : i32
      %add3A_145 = arith.constant 48 : i32
      %add3A_146 = arith.addi %mul3A_144, %add3A_145 : i32
      %get3A_147 = arith.index_cast %add3A_146 : i32 to index
      %get3A_148 = tpu.vector_load %arg5[%get3A_147] {strides = array<i32>} : memref<10096xi32, #tpu.memory_space<vmem>>, vector<16xi32>,
      %swap3A_149 = arith.index_cast %add3A_116 : i32 to index
      %swap3A_150 = arith.constant 48 : index
      %swap3A_151 = tpu.vector_load %arg6[%swap3A_149, %swap3A_150] {strides = array<i32>} : memref<127x80xi32, #tpu.memory_space<vmem>>, vector<16xi32>,
      tpu.vector_store %arg6[%swap3A_149, %swap3A_150], %get3A_148 {strides = array<i32>} : memref<127x80xi32, #tpu.memory_space<vmem>>, vector<16xi32>,
      %mul3A_152 = arith.constant 80 : i32
      %mul3A_153 = arith.muli %add3A_116, %mul3A_152 : i32
      %add3A_154 = arith.constant 64 : i32
      %add3A_155 = arith.addi %mul3A_153, %add3A_154 : i32
      %get3A_156 = arith.index_cast %add3A_155 : i32 to index
      %get3A_157 = tpu.vector_load %arg5[%get3A_156] {strides = array<i32>} : memref<10096xi32, #tpu.memory_space<vmem>>, vector<16xi32>,
      %swap3A_158 = arith.index_cast %add3A_116 : i32 to index
      %swap3A_159 = arith.constant 64 : index
      %swap3A_160 = tpu.vector_load %arg6[%swap3A_158, %swap3A_159] {strides = array<i32>} : memref<127x80xi32, #tpu.memory_space<vmem>>, vector<16xi32>,
      tpu.vector_store %arg6[%swap3A_158, %swap3A_159], %get3A_157 {strides = array<i32>} : memref<127x80xi32, #tpu.memory_space<vmem>>, vector<16xi32>,
    }
    %while3A_81 = arith.constant 1 : i32
    scf.for %while3A_114 = %while3A_79 to %while3A_75 step %while3A_81  : i32 {
      %mul3A_115 = arith.muli %while3A_114, %while3A : i32
      %add3A_116 = arith.addi %while3A_72, %mul3A_115 : i32
      %mul3A_117 = arith.constant 80 : i32
      %mul3A_118 = arith.muli %add3A_116, %mul3A_117 : i32
      %add3A_119 = arith.constant 0 : i32
      %add3A_120 = arith.addi %mul3A_118, %add3A_119 : i32
      %get3A = arith.index_cast %add3A_120 : i32 to index
      %get3A_121 = tpu.vector_load %arg5[%get3A] {strides = array<i32>} : memref<10096xi32, #tpu.memory_space<vmem>>, vector<16xi32>,
      %swap3A_122 = arith.index_cast %add3A_116 : i32 to index
      %swap3A_123 = arith.constant 0 : index
      %swap3A_124 = tpu.vector_load %arg6[%swap3A_122, %swap3A_123] {strides = array<i32>} : memref<127x80xi32, #tpu.memory_space<vmem>>, vector<16xi32>,
      tpu.vector_store %arg6[%swap3A_122, %swap3A_123], %get3A_121 {strides = array<i32>} : memref<127x80xi32, #tpu.memory_space<vmem>>, vector<16xi32>,
      %mul3A_125 = arith.constant 80 : i32
      %mul3A_126 = arith.muli %add3A_116, %mul3A_125 : i32
      %add3A_127 = arith.constant 16 : i32
      %add3A_128 = arith.addi %mul3A_126, %add3A_127 : i32
      %get3A_129 = arith.index_cast %add3A_128 : i32 to index
      %get3A_130 = tpu.vector_load %arg5[%get3A_129] {strides = array<i32>} : memref<10096xi32, #tpu.memory_space<vmem>>, vector<16xi32>,
      %swap3A_131 = arith.index_cast %add3A_116 : i32 to index
      %swap3A_132 = arith.constant 16 : index
      %swap3A_133 = tpu.vector_load %arg6[%swap3A_131, %swap3A_132] {strides = array<i32>} : memref<127x80xi32, #tpu.memory_space<vmem>>, vector<16xi32>,
      tpu.vector_store %arg6[%swap3A_131, %swap3A_132], %get3A_130 {strides = array<i32>} : memref<127x80xi32, #tpu.memory_space<vmem>>, vector<16xi32>,
      %mul3A_134 = arith.constant 80 : i32
      %mul3A_135 = arith.muli %add3A_116, %mul3A_134 : i32
      %add3A_136 = arith.constant 32 : i32
      %add3A_137 = arith.addi %mul3A_135, %add3A_136 : i32
      %get3A_138 = arith.index_cast %add3A_137 : i32 to index
      %get3A_139 = tpu.vector_load %arg5[%get3A_138] {strides = array<i32>} : memref<10096xi32, #tpu.memory_space<vmem>>, vector<16xi32>,
      %swap3A_140 = arith.index_cast %add3A_116 : i32 to index
      %swap3A_141 = arith.constant 32 : index
      %swap3A_142 = tpu.vector_load %arg6[%swap3A_140, %swap3A_141] {strides = array<i32>} : memref<127x80xi32, #tpu.memory_space<vmem>>, vector<16xi32>,
      tpu.vector_store %arg6[%swap3A_140, %swap3A_141], %get3A_139 {strides = array<i32>} : memref<127x80xi32, #tpu.memory_space<vmem>>, vector<16xi32>,
      %mul3A_143 = arith.constant 80 : i32
      %mul3A_144 = arith.muli %add3A_116, %mul3A_143 : i32
      %add3A_145 = arith.constant 48 : i32
      %add3A_146 = arith.addi %mul3A_144, %add3A_145 : i32
      %get3A_147 = arith.index_cast %add3A_146 : i32 to index
      %get3A_148 = tpu.vector_load %arg5[%get3A_147] {strides = array<i32>} : memref<10096xi32, #tpu.memory_space<vmem>>, vector<16xi32>,
      %swap3A_149 = arith.index_cast %add3A_116 : i32 to index
      %swap3A_150 = arith.constant 48 : index
      %swap3A_151 = tpu.vector_load %arg6[%swap3A_149, %swap3A_150] {strides = array<i32>} : memref<127x80xi32, #tpu.memory_space<vmem>>, vector<16xi32>,
      tpu.vector_store %arg6[%swap3A_149, %swap3A_150], %get3A_148 {strides = array<i32>} : memref<127x80xi32, #tpu.memory_space<vmem>>, vector<16xi32>,
      %mul3A_152 = arith.constant 80 : i32
      %mul3A_153 = arith.muli %add3A_116, %mul3A_152 : i32
      %add3A_154 = arith.constant 64 : i32
      %add3A_155 = arith.addi %mul3A_153, %add3A_154 : i32
      %get3A_156 = arith.index_cast %add3A_155 : i32 to index
      %get3A_157 = tpu.vector_load %arg5[%get3A_156] {strides = array<i32>} : memref<10096xi32, #tpu.memory_space<vmem>>, vector<16xi32>,
      %swap3A_158 = arith.index_cast %add3A_116 : i32 to index
      %swap3A_159 = arith.constant 64 : index
      %swap3A_160 = tpu.vector_load %arg6[%swap3A_158, %swap3A_159] {strides = array<i32>} : memref<127x80xi32, #tpu.memory_space<vmem>>, vector<16xi32>,
      tpu.vector_store %arg6[%swap3A_158, %swap3A_159], %get3A_157 {strides = array<i32>} : memref<127x80xi32, #tpu.memory_space<vmem>>, vector<16xi32>,
    }
    %scan3A_82 = arith.constant 0 : i32
    %scan3A_83 = arith.constant 80 : i32
    %scan3A_84 = arith.addi %scan3A_82, %scan3A_83 : i32
    %scan3A_85 = arith.constant 1 : i32
    scf.for %scan3A_114 = %scan3A_82 to %scan3A_84 step %scan3A_85  : i32 {
      %mul3A_115 = arith.constant 1 : i32
      %mul3A_116 = arith.muli %scan3A_114, %mul3A_115 : i32
      %add3A_117 = arith.constant 0 : i32
      %add3A_118 = arith.addi %add3A_117, %mul3A_116 : i32
      %scan3A_119 = arith.constant 0 : i32
      %scan3A_120 = arith.constant 8 : i32
      %scan3A_121 = arith.addi %scan3A_119, %scan3A_120 : i32
      %scan3A_122 = arith.constant 1 : i32
      scf.for %scan3A_124 = %scan3A_119 to %scan3A_121 step %scan3A_122  : i32 {
        %mul3A_125 = arith.constant 1 : i32
        %mul3A_126 = arith.muli %scan3A_124, %mul3A_125 : i32
        %add3A_127 = arith.constant 0 : i32
        %add3A_128 = arith.addi %add3A_127, %mul3A_126 : i32
        %broadcast_in_dim3A = arith.constant 1.000000e+00 : f32
        %broadcast_in_dim3A_129 = vector.broadcast %broadcast_in_dim3A : f32 to vector<16xf32>
        %mul3A_130 = arith.constant 16 : i32
        %mul3A_131 = arith.muli %add3A_128, %mul3A_130 : i32
        %swap3A_132 = arith.index_cast %add3A_118 : i32 to index
        %swap3A_133 = arith.index_cast %mul3A_131 : i32 to index
        %swap3A_134 = tpu.vector_load %arg7[%swap3A_132, %swap3A_133] {strides = array<i32>} : memref<80x128xf32, #tpu.memory_space<vmem>>, vector<16xf32>,
        tpu.vector_store %arg7[%swap3A_132, %swap3A_133], %broadcast_in_dim3A_129 {strides = array<i32>} : memref<80x128xf32, #tpu.memory_space<vmem>>, vector<16xf32>,
      }
      %scan3A_123 = arith.constant 8 : i32
    }
    %scan3A_86 = arith.constant 80 : i32
    %barrier3A = arith.constant 0 : index
    tpu.barrier barrier_id(%barrier3A)
    %sub3A_87 = arith.constant 0 : i32
    %sub3A_88 = arith.subi %mul3A_63, %sub3A_87 : i32
    %sub3A_89 = arith.constant 1 : i32
    %sub3A_90 = arith.constant 1 : i32
    %sub3A_91 = arith.subi %sub3A_89, %sub3A_90 : i32
    %add3A_92 = arith.addi %sub3A_88, %sub3A_91 : i32
    %div3A_93 = arith.constant 1 : i32
    %div3A_94 = arith.divsi %add3A_92, %div3A_93 : i32
    %while3A_95 = arith.constant 1 : i32
    %while3A_96 = arith.constant 0 : i32
    %while3A_97 = arith.constant 0 : i32
    %while3A_98 = arith.subi %div3A_94, %while3A_97 : i32
    %while3A_99 = arith.addi %while3A_97, %while3A_98 : i32
    %while3A_100 = arith.constant 1 : i32
    %while3A_101 = arith.divsi %while3A_98, %while3A_100 : i32
    %while3A_102 = arith.muli %while3A_101, %while3A_100 : i32
    %while3A_103 = arith.addi %while3A_97, %while3A_102 : i32
    %while3A_104 = arith.constant 1 : i32
    scf.for %while3A_114 = %while3A_97 to %while3A_103 step %while3A_104  : i32 {
      %mul3A_115 = arith.muli %while3A_114, %while3A_95 : i32
      %add3A_116 = arith.addi %while3A_96, %mul3A_115 : i32
      "tpu.region"() ({
        %run_scoped3A = tpu.sem_alloc : memref<!tpu.dma_semaphore, #tpu.memory_space<semaphore_mem>>
        %dma_start3A = arith.constant 0 : i32
        %dma_start3A_117 = tpu.memref_slice %arg6[%add3A_116, %dma_start3A] : memref<127x80xi32, #tpu.memory_space<vmem>> -> memref<1x80xi32, #tpu.memory_space<vmem>>
        %dma_start3A_118 = tpu.memref_squeeze %dma_start3A_117 : memref<1x80xi32, #tpu.memory_space<vmem>> -> memref<80xi32, #tpu.memory_space<vmem>>
        %dma_start3A_119 = arith.constant 0 : i32
        %dma_start3A_120 = arith.constant 0 : i32
        %dma_start3A_121 = tpu.memref_slice %arg8[%dma_start3A_119, %dma_start3A_120] : memref<5248x128xf32, #tpu.memory_space<vmem_shared>> -> memref<5248x128xf32, #tpu.memory_space<vmem_shared>>
        tpu.enqueue_indirect_dma source(%arg7 : memref<80x128xf32, #tpu.memory_space<vmem>>) target(%dma_start3A_121 : memref<5248x128xf32, #tpu.memory_space<vmem_shared>>) offsets(%dma_start3A_118 : memref<80xi32, #tpu.memory_space<vmem>>) semaphore(%run_scoped3A : memref<!tpu.dma_semaphore, #tpu.memory_space<semaphore_mem>>) {add = true}
        %dma_wait3A = arith.constant 0 : i32
        %dma_wait3A_122 = tpu.memref_slice %arg6[%add3A_116, %dma_wait3A] : memref<127x80xi32, #tpu.memory_space<vmem>> -> memref<1x80xi32, #tpu.memory_space<vmem>>
        %dma_wait3A_123 = tpu.memref_squeeze %dma_wait3A_122 : memref<1x80xi32, #tpu.memory_space<vmem>> -> memref<80xi32, #tpu.memory_space<vmem>>
        %dma_wait3A_124 = arith.constant 0 : i32
        %dma_wait3A_125 = arith.constant 0 : i32
        %dma_wait3A_126 = tpu.memref_slice %arg8[%dma_wait3A_124, %dma_wait3A_125] : memref<5248x128xf32, #tpu.memory_space<vmem_shared>> -> memref<5248x128xf32, #tpu.memory_space<vmem_shared>>
        tpu.wait_indirect_dma semaphore(%run_scoped3A : memref<!tpu.dma_semaphore, #tpu.memory_space<semaphore_mem>>) src(%arg7 : memref<80x128xf32, #tpu.memory_space<vmem>>) dst(%dma_wait3A_126 : memref<5248x128xf32, #tpu.memory_space<vmem_shared>>)
        tpu.yield
      }) : () -> ()
    }
    %while3A_105 = arith.constant 1 : i32
    scf.for %while3A_114 = %while3A_103 to %while3A_99 step %while3A_105  : i32 {
      %mul3A_115 = arith.muli %while3A_114, %while3A_95 : i32
      %add3A_116 = arith.addi %while3A_96, %mul3A_115 : i32
      "tpu.region"() ({
        %run_scoped3A = tpu.sem_alloc : memref<!tpu.dma_semaphore, #tpu.memory_space<semaphore_mem>>
        %dma_start3A = arith.constant 0 : i32
        %dma_start3A_117 = tpu.memref_slice %arg6[%add3A_116, %dma_start3A] : memref<127x80xi32, #tpu.memory_space<vmem>> -> memref<1x80xi32, #tpu.memory_space<vmem>>
        %dma_start3A_118 = tpu.memref_squeeze %dma_start3A_117 : memref<1x80xi32, #tpu.memory_space<vmem>> -> memref<80xi32, #tpu.memory_space<vmem>>
        %dma_start3A_119 = arith.constant 0 : i32
        %dma_start3A_120 = arith.constant 0 : i32
        %dma_start3A_121 = tpu.memref_slice %arg8[%dma_start3A_119, %dma_start3A_120] : memref<5248x128xf32, #tpu.memory_space<vmem_shared>> -> memref<5248x128xf32, #tpu.memory_space<vmem_shared>>
        tpu.enqueue_indirect_dma source(%arg7 : memref<80x128xf32, #tpu.memory_space<vmem>>) target(%dma_start3A_121 : memref<5248x128xf32, #tpu.memory_space<vmem_shared>>) offsets(%dma_start3A_118 : memref<80xi32, #tpu.memory_space<vmem>>) semaphore(%run_scoped3A : memref<!tpu.dma_semaphore, #tpu.memory_space<semaphore_mem>>) {add = true}
        %dma_wait3A = arith.constant 0 : i32
        %dma_wait3A_122 = tpu.memref_slice %arg6[%add3A_116, %dma_wait3A] : memref<127x80xi32, #tpu.memory_space<vmem>> -> memref<1x80xi32, #tpu.memory_space<vmem>>
        %dma_wait3A_123 = tpu.memref_squeeze %dma_wait3A_122 : memref<1x80xi32, #tpu.memory_space<vmem>> -> memref<80xi32, #tpu.memory_space<vmem>>
        %dma_wait3A_124 = arith.constant 0 : i32
        %dma_wait3A_125 = arith.constant 0 : i32
        %dma_wait3A_126 = tpu.memref_slice %arg8[%dma_wait3A_124, %dma_wait3A_125] : memref<5248x128xf32, #tpu.memory_space<vmem_shared>> -> memref<5248x128xf32, #tpu.memory_space<vmem_shared>>
        tpu.wait_indirect_dma semaphore(%run_scoped3A : memref<!tpu.dma_semaphore, #tpu.memory_space<semaphore_mem>>) src(%arg7 : memref<80x128xf32, #tpu.memory_space<vmem>>) dst(%dma_wait3A_126 : memref<5248x128xf32, #tpu.memory_space<vmem_shared>>)
        tpu.yield
      }) : () -> ()
    }
    %barrier3A_106 = arith.constant 0 : index
    tpu.barrier barrier_id(%barrier3A_106)
    %mul3A_107 = arith.constant 320 : i32
    %mul3A_108 = arith.muli %arg1, %mul3A_107 : i32
    %mul3A_109 = arith.constant 5120 : i32
    %mul3A_110 = arith.muli %arg0, %mul3A_109 : i32
    %mul3A_111 = arith.constant 320 : i32
    %mul3A_112 = arith.muli %arg1, %mul3A_111 : i32
    %add3A_113 = arith.addi %mul3A_110, %mul3A_112 : i32
    "tpu.region"() ({
      %run_scoped3A = tpu.sem_alloc : memref<!tpu.dma_semaphore, #tpu.memory_space<semaphore_mem>>
      %dma_start3A = arith.constant 0 : i32
      %dma_start3A_114 = tpu.memref_slice %arg4[%add3A_113, %dma_start3A] : memref<10240x128xf32, #tpu.memory_space<hbm>> -> memref<320x128xf32, #tpu.memory_space<hbm>>
      %dma_start3A_115 = arith.constant 0 : i32
      %dma_start3A_116 = tpu.memref_slice %arg8[%mul3A_108, %dma_start3A_115] : memref<5248x128xf32, #tpu.memory_space<vmem_shared>> -> memref<320x128xf32, #tpu.memory_space<vmem_shared>>
      tpu.enqueue_dma source(%dma_start3A_116 : memref<320x128xf32, #tpu.memory_space<vmem_shared>>) target(%dma_start3A_114 : memref<320x128xf32, #tpu.memory_space<hbm>>) target_semaphore(%run_scoped3A : memref<!tpu.dma_semaphore, #tpu.memory_space<semaphore_mem>>)
      %dma_wait3A = arith.constant 0 : i32
      %dma_wait3A_117 = tpu.memref_slice %arg4[%add3A_113, %dma_wait3A] : memref<10240x128xf32, #tpu.memory_space<hbm>> -> memref<320x128xf32, #tpu.memory_space<hbm>>
      %dma_wait3A_118 = arith.constant 0 : i32
      %dma_wait3A_119 = tpu.memref_slice %arg8[%mul3A_108, %dma_wait3A_118] : memref<5248x128xf32, #tpu.memory_space<vmem_shared>> -> memref<320x128xf32, #tpu.memory_space<vmem_shared>>
      tpu.wait_dma2 semaphore(%run_scoped3A : memref<!tpu.dma_semaphore, #tpu.memory_space<semaphore_mem>>) src(%dma_wait3A_119 : memref<320x128xf32, #tpu.memory_space<vmem_shared>>) dst(%dma_wait3A_117 : memref<320x128xf32, #tpu.memory_space<hbm>>)
      tpu.yield
    }) : () -> ()
    return
  }
}

module attributes {stable_mosaic.version = 14 : i64} {
  func.func @body(%arg0: i32, %arg1: memref<1000x256xf32, #tpu.memory_space<vmem>>, %arg2: memref<2x1000x128xf32, #tpu.memory_space<vmem>>, %arg3: memref<1000x128xf32, #tpu.memory_space<vmem>>, %arg4: memref<512x512xf32, #tpu.memory_space<vmem>>, %arg5: memref<1x512xf32, #tpu.memory_space<vmem>>, %arg6: memref<1000x512xf32, #tpu.memory_space<vmem>>) attributes {dimension_semantics = [#tpu.dimension_semantics<parallel>], iteration_bounds = array<i64: 10>, scalar_prefetch = 0 : i64, scratch_operands = 0 : i64, tpu.core_type = #tpu.core_type<tc>, window_params = [{transform_indices = @transform_0, window_bounds = array<i64: 1000, 256>}, {transform_indices = @transform_1, window_bounds = array<i64: 2, 1000, 128>}, {transform_indices = @transform_2, window_bounds = array<i64: 1000, 128>}, {pipeline_mode = #tpu.pipeline_mode<synchronous>, transform_indices = @transform_3, window_bounds = array<i64: 512, 512>}, {pipeline_mode = #tpu.pipeline_mode<synchronous>, transform_indices = @transform_4, window_bounds = array<i64: 1, 512>}, {transform_indices = @transform_5, window_bounds = array<i64: 1000, 512>}]} {
    %get3A = arith.constant 0 : index
    %get3A_0 = arith.constant 0 : index
    %get3A_1 = vector.load %arg3[%get3A, %get3A_0] : memref<1000x128xf32, #tpu.memory_space<vmem>>, vector<1000x1xf32>
    %max3A = arith.constant 1.000000e+00 : f32
    %max3A_2 = vector.broadcast %max3A : f32 to vector<1000x1xf32>
    %max3A_3 = arith.maximumf %get3A_1, %max3A_2 : vector<1000x1xf32>
    %div3A = arith.constant 1.000000e+00 : f32
    %div3A_4 = vector.broadcast %div3A : f32 to vector<1000x1xf32>
    %div3A_5 = arith.divf %div3A_4, %max3A_3 : vector<1000x1xf32>
    %get3A_6 = arith.constant 0 : index
    %get3A_7 = arith.constant 0 : index
    %get3A_8 = vector.load %arg1[%get3A_6, %get3A_7] : memref<1000x256xf32, #tpu.memory_space<vmem>>, vector<1000x256xf32>
    %get3A_9 = arith.constant 0 : index
    %get3A_10 = arith.constant 0 : index
    %get3A_11 = vector.load %arg4[%get3A_9, %get3A_10] : memref<512x512xf32, #tpu.memory_space<vmem>>, vector<256x512xf32>
    %dot_general3A = arith.constant dense<0.000000e+00> : vector<1000x512xf32>
    %dot_general3A_12 = tpu.matmul %get3A_8, %get3A_11, %dot_general3A {dimension_numbers = #tpu.dot_dimension_numbers<[1], [0], [0], [1], [0, 0, 1, 1], [], []>, transpose_lhs_hint = false} : vector<1000x256xf32>, vector<256x512xf32>, vector<1000x512xf32> -> vector<1000x512xf32>
    %get3A_13 = arith.constant 0 : index
    %get3A_14 = arith.constant 0 : index
    %get3A_15 = arith.constant 0 : index
    %get3A_16 = vector.load %arg2[%get3A_13, %get3A_14, %get3A_15] : memref<2x1000x128xf32, #tpu.memory_space<vmem>>, vector<1x1000x128xf32>
    %get3A_17 = vector.shape_cast %get3A_16 : vector<1x1000x128xf32> to vector<1000x128xf32>
    %mul3A = vector.broadcast %div3A_5 : vector<1000x1xf32> to vector<1000x128xf32>
    %mul3A_18 = arith.mulf %get3A_17, %mul3A : vector<1000x128xf32>
    %get3A_19 = arith.constant 256 : index
    %get3A_20 = arith.constant 0 : index
    %get3A_21 = vector.load %arg4[%get3A_19, %get3A_20] : memref<512x512xf32, #tpu.memory_space<vmem>>, vector<128x512xf32>
    %dot_general3A_22 = arith.constant dense<0.000000e+00> : vector<1000x512xf32>
    %dot_general3A_23 = tpu.matmul %mul3A_18, %get3A_21, %dot_general3A_22 {dimension_numbers = #tpu.dot_dimension_numbers<[1], [0], [0], [1], [0, 0, 1, 1], [], []>, transpose_lhs_hint = false} : vector<1000x128xf32>, vector<128x512xf32>, vector<1000x512xf32> -> vector<1000x512xf32>
    %add3A = arith.addf %dot_general3A_12, %dot_general3A_23 : vector<1000x512xf32>
    %get3A_24 = arith.constant 1 : index
    %get3A_25 = arith.constant 0 : index
    %get3A_26 = arith.constant 0 : index
    %get3A_27 = vector.load %arg2[%get3A_24, %get3A_25, %get3A_26] : memref<2x1000x128xf32, #tpu.memory_space<vmem>>, vector<1x1000x128xf32>
    %get3A_28 = vector.shape_cast %get3A_27 : vector<1x1000x128xf32> to vector<1000x128xf32>
    %mul3A_29 = vector.broadcast %div3A_5 : vector<1000x1xf32> to vector<1000x128xf32>
    %mul3A_30 = arith.mulf %get3A_28, %mul3A_29 : vector<1000x128xf32>
    %get3A_31 = arith.constant 384 : index
    %get3A_32 = arith.constant 0 : index
    %get3A_33 = vector.load %arg4[%get3A_31, %get3A_32] : memref<512x512xf32, #tpu.memory_space<vmem>>, vector<128x512xf32>
    %dot_general3A_34 = arith.constant dense<0.000000e+00> : vector<1000x512xf32>
    %dot_general3A_35 = tpu.matmul %mul3A_30, %get3A_33, %dot_general3A_34 {dimension_numbers = #tpu.dot_dimension_numbers<[1], [0], [0], [1], [0, 0, 1, 1], [], []>, transpose_lhs_hint = false} : vector<1000x128xf32>, vector<128x512xf32>, vector<1000x512xf32> -> vector<1000x512xf32>
    %add3A_36 = arith.addf %add3A, %dot_general3A_35 : vector<1000x512xf32>
    %get3A_37 = arith.constant 0 : index
    %get3A_38 = arith.constant 0 : index
    %get3A_39 = vector.load %arg5[%get3A_37, %get3A_38] : memref<1x512xf32, #tpu.memory_space<vmem>>, vector<1x512xf32>
    %add3A_40 = vector.broadcast %get3A_39 : vector<1x512xf32> to vector<1000x512xf32>
    %add3A_41 = arith.addf %add3A_36, %add3A_40 : vector<1000x512xf32>
    %max3A_42 = arith.constant 0.000000e+00 : f32
    %max3A_43 = vector.broadcast %max3A_42 : f32 to vector<1000x512xf32>
    %max3A_44 = arith.maximumf %add3A_41, %max3A_43 : vector<1000x512xf32>
    %swap3A = arith.constant 0 : index
    %swap3A_45 = arith.constant 0 : index
    %swap3A_46 = vector.load %arg6[%swap3A, %swap3A_45] : memref<1000x512xf32, #tpu.memory_space<vmem>>, vector<1000x512xf32>
    tpu.vector_store %arg6[%swap3A, %swap3A_45], %max3A_44 {strides = array<i32>} : memref<1000x512xf32, #tpu.memory_space<vmem>>, vector<1000x512xf32>,
    return
  }
  func.func @transform_0(%arg0: i32) -> (i32, i32) {
    %c0_i32 = arith.constant 0 : i32
    %c0_i32_0 = arith.constant 0 : i32
    return %arg0, %c0_i32 : i32, i32
  }
  func.func @transform_1(%arg0: i32) -> (i32, i32, i32) {
    %c0_i32 = arith.constant 0 : i32
    %c0_i32_0 = arith.constant 0 : i32
    %c0_i32_1 = arith.constant 0 : i32
    return %c0_i32, %arg0, %c0_i32_0 : i32, i32, i32
  }
  func.func @transform_2(%arg0: i32) -> (i32, i32) {
    %c0_i32 = arith.constant 0 : i32
    %c0_i32_0 = arith.constant 0 : i32
    return %arg0, %c0_i32 : i32, i32
  }
  func.func @transform_3(%arg0: i32) -> (i32, i32) {
    %c0_i32 = arith.constant 0 : i32
    %c0_i32_0 = arith.constant 0 : i32
    %c0_i32_1 = arith.constant 0 : i32
    return %c0_i32, %c0_i32_0 : i32, i32
  }
  func.func @transform_4(%arg0: i32) -> (i32, i32) {
    %c0_i32 = arith.constant 0 : i32
    %c0_i32_0 = arith.constant 0 : i32
    %c0_i32_1 = arith.constant 0 : i32
    return %c0_i32, %c0_i32_0 : i32, i32
  }
  func.func @transform_5(%arg0: i32) -> (i32, i32) {
    %c0_i32 = arith.constant 0 : i32
    %c0_i32_0 = arith.constant 0 : i32
    return %arg0, %c0_i32 : i32, i32
  }
}

module attributes {stable_mosaic.version = 14 : i64} {
  func.func @body(%arg0: i32, %arg1: memref<1000x512xf32, #tpu.memory_space<vmem>>, %arg2: memref<4x1000x128xf32, #tpu.memory_space<vmem>>, %arg3: memref<1000x128xf32, #tpu.memory_space<vmem>>, %arg4: memref<1024x256xf32, #tpu.memory_space<vmem>>, %arg5: memref<1x256xf32, #tpu.memory_space<vmem>>, %arg6: memref<1000x256xf32, #tpu.memory_space<vmem>>) attributes {dimension_semantics = [#tpu.dimension_semantics<parallel>], iteration_bounds = array<i64: 10>, scalar_prefetch = 0 : i64, scratch_operands = 0 : i64, tpu.core_type = #tpu.core_type<tc>, window_params = [{transform_indices = @transform_0, window_bounds = array<i64: 1000, 512>}, {transform_indices = @transform_1, window_bounds = array<i64: 4, 1000, 128>}, {transform_indices = @transform_2, window_bounds = array<i64: 1000, 128>}, {pipeline_mode = #tpu.pipeline_mode<synchronous>, transform_indices = @transform_3, window_bounds = array<i64: 1024, 256>}, {pipeline_mode = #tpu.pipeline_mode<synchronous>, transform_indices = @transform_4, window_bounds = array<i64: 1, 256>}, {transform_indices = @transform_5, window_bounds = array<i64: 1000, 256>}]} {
    %get3A = arith.constant 0 : index
    %get3A_0 = arith.constant 0 : index
    %get3A_1 = vector.load %arg3[%get3A, %get3A_0] : memref<1000x128xf32, #tpu.memory_space<vmem>>, vector<1000x1xf32>
    %max3A = arith.constant 1.000000e+00 : f32
    %max3A_2 = vector.broadcast %max3A : f32 to vector<1000x1xf32>
    %max3A_3 = arith.maximumf %get3A_1, %max3A_2 : vector<1000x1xf32>
    %div3A = arith.constant 1.000000e+00 : f32
    %div3A_4 = vector.broadcast %div3A : f32 to vector<1000x1xf32>
    %div3A_5 = arith.divf %div3A_4, %max3A_3 : vector<1000x1xf32>
    %get3A_6 = arith.constant 0 : index
    %get3A_7 = arith.constant 0 : index
    %get3A_8 = vector.load %arg1[%get3A_6, %get3A_7] : memref<1000x512xf32, #tpu.memory_space<vmem>>, vector<1000x512xf32>
    %get3A_9 = arith.constant 0 : index
    %get3A_10 = arith.constant 0 : index
    %get3A_11 = vector.load %arg4[%get3A_9, %get3A_10] : memref<1024x256xf32, #tpu.memory_space<vmem>>, vector<512x256xf32>
    %dot_general3A = arith.constant dense<0.000000e+00> : vector<1000x256xf32>
    %dot_general3A_12 = tpu.matmul %get3A_8, %get3A_11, %dot_general3A {dimension_numbers = #tpu.dot_dimension_numbers<[1], [0], [0], [1], [0, 0, 1, 1], [], []>, transpose_lhs_hint = false} : vector<1000x512xf32>, vector<512x256xf32>, vector<1000x256xf32> -> vector<1000x256xf32>
    %get3A_13 = arith.constant 0 : index
    %get3A_14 = arith.constant 0 : index
    %get3A_15 = arith.constant 0 : index
    %get3A_16 = vector.load %arg2[%get3A_13, %get3A_14, %get3A_15] : memref<4x1000x128xf32, #tpu.memory_space<vmem>>, vector<1x1000x128xf32>
    %get3A_17 = vector.shape_cast %get3A_16 : vector<1x1000x128xf32> to vector<1000x128xf32>
    %mul3A = vector.broadcast %div3A_5 : vector<1000x1xf32> to vector<1000x128xf32>
    %mul3A_18 = arith.mulf %get3A_17, %mul3A : vector<1000x128xf32>
    %get3A_19 = arith.constant 512 : index
    %get3A_20 = arith.constant 0 : index
    %get3A_21 = vector.load %arg4[%get3A_19, %get3A_20] : memref<1024x256xf32, #tpu.memory_space<vmem>>, vector<128x256xf32>
    %dot_general3A_22 = arith.constant dense<0.000000e+00> : vector<1000x256xf32>
    %dot_general3A_23 = tpu.matmul %mul3A_18, %get3A_21, %dot_general3A_22 {dimension_numbers = #tpu.dot_dimension_numbers<[1], [0], [0], [1], [0, 0, 1, 1], [], []>, transpose_lhs_hint = false} : vector<1000x128xf32>, vector<128x256xf32>, vector<1000x256xf32> -> vector<1000x256xf32>
    %add3A = arith.addf %dot_general3A_12, %dot_general3A_23 : vector<1000x256xf32>
    %get3A_24 = arith.constant 1 : index
    %get3A_25 = arith.constant 0 : index
    %get3A_26 = arith.constant 0 : index
    %get3A_27 = vector.load %arg2[%get3A_24, %get3A_25, %get3A_26] : memref<4x1000x128xf32, #tpu.memory_space<vmem>>, vector<1x1000x128xf32>
    %get3A_28 = vector.shape_cast %get3A_27 : vector<1x1000x128xf32> to vector<1000x128xf32>
    %mul3A_29 = vector.broadcast %div3A_5 : vector<1000x1xf32> to vector<1000x128xf32>
    %mul3A_30 = arith.mulf %get3A_28, %mul3A_29 : vector<1000x128xf32>
    %get3A_31 = arith.constant 640 : index
    %get3A_32 = arith.constant 0 : index
    %get3A_33 = vector.load %arg4[%get3A_31, %get3A_32] : memref<1024x256xf32, #tpu.memory_space<vmem>>, vector<128x256xf32>
    %dot_general3A_34 = arith.constant dense<0.000000e+00> : vector<1000x256xf32>
    %dot_general3A_35 = tpu.matmul %mul3A_30, %get3A_33, %dot_general3A_34 {dimension_numbers = #tpu.dot_dimension_numbers<[1], [0], [0], [1], [0, 0, 1, 1], [], []>, transpose_lhs_hint = false} : vector<1000x128xf32>, vector<128x256xf32>, vector<1000x256xf32> -> vector<1000x256xf32>
    %add3A_36 = arith.addf %add3A, %dot_general3A_35 : vector<1000x256xf32>
    %get3A_37 = arith.constant 2 : index
    %get3A_38 = arith.constant 0 : index
    %get3A_39 = arith.constant 0 : index
    %get3A_40 = vector.load %arg2[%get3A_37, %get3A_38, %get3A_39] : memref<4x1000x128xf32, #tpu.memory_space<vmem>>, vector<1x1000x128xf32>
    %get3A_41 = vector.shape_cast %get3A_40 : vector<1x1000x128xf32> to vector<1000x128xf32>
    %mul3A_42 = vector.broadcast %div3A_5 : vector<1000x1xf32> to vector<1000x128xf32>
    %mul3A_43 = arith.mulf %get3A_41, %mul3A_42 : vector<1000x128xf32>
    %get3A_44 = arith.constant 768 : index
    %get3A_45 = arith.constant 0 : index
    %get3A_46 = vector.load %arg4[%get3A_44, %get3A_45] : memref<1024x256xf32, #tpu.memory_space<vmem>>, vector<128x256xf32>
    %dot_general3A_47 = arith.constant dense<0.000000e+00> : vector<1000x256xf32>
    %dot_general3A_48 = tpu.matmul %mul3A_43, %get3A_46, %dot_general3A_47 {dimension_numbers = #tpu.dot_dimension_numbers<[1], [0], [0], [1], [0, 0, 1, 1], [], []>, transpose_lhs_hint = false} : vector<1000x128xf32>, vector<128x256xf32>, vector<1000x256xf32> -> vector<1000x256xf32>
    %add3A_49 = arith.addf %add3A_36, %dot_general3A_48 : vector<1000x256xf32>
    %get3A_50 = arith.constant 3 : index
    %get3A_51 = arith.constant 0 : index
    %get3A_52 = arith.constant 0 : index
    %get3A_53 = vector.load %arg2[%get3A_50, %get3A_51, %get3A_52] : memref<4x1000x128xf32, #tpu.memory_space<vmem>>, vector<1x1000x128xf32>
    %get3A_54 = vector.shape_cast %get3A_53 : vector<1x1000x128xf32> to vector<1000x128xf32>
    %mul3A_55 = vector.broadcast %div3A_5 : vector<1000x1xf32> to vector<1000x128xf32>
    %mul3A_56 = arith.mulf %get3A_54, %mul3A_55 : vector<1000x128xf32>
    %get3A_57 = arith.constant 896 : index
    %get3A_58 = arith.constant 0 : index
    %get3A_59 = vector.load %arg4[%get3A_57, %get3A_58] : memref<1024x256xf32, #tpu.memory_space<vmem>>, vector<128x256xf32>
    %dot_general3A_60 = arith.constant dense<0.000000e+00> : vector<1000x256xf32>
    %dot_general3A_61 = tpu.matmul %mul3A_56, %get3A_59, %dot_general3A_60 {dimension_numbers = #tpu.dot_dimension_numbers<[1], [0], [0], [1], [0, 0, 1, 1], [], []>, transpose_lhs_hint = false} : vector<1000x128xf32>, vector<128x256xf32>, vector<1000x256xf32> -> vector<1000x256xf32>
    %add3A_62 = arith.addf %add3A_49, %dot_general3A_61 : vector<1000x256xf32>
    %get3A_63 = arith.constant 0 : index
    %get3A_64 = arith.constant 0 : index
    %get3A_65 = vector.load %arg5[%get3A_63, %get3A_64] : memref<1x256xf32, #tpu.memory_space<vmem>>, vector<1x256xf32>
    %add3A_66 = vector.broadcast %get3A_65 : vector<1x256xf32> to vector<1000x256xf32>
    %add3A_67 = arith.addf %add3A_62, %add3A_66 : vector<1000x256xf32>
    %max3A_68 = arith.constant 0.000000e+00 : f32
    %max3A_69 = vector.broadcast %max3A_68 : f32 to vector<1000x256xf32>
    %max3A_70 = arith.maximumf %add3A_67, %max3A_69 : vector<1000x256xf32>
    %swap3A = arith.constant 0 : index
    %swap3A_71 = arith.constant 0 : index
    %swap3A_72 = vector.load %arg6[%swap3A, %swap3A_71] : memref<1000x256xf32, #tpu.memory_space<vmem>>, vector<1000x256xf32>
    tpu.vector_store %arg6[%swap3A, %swap3A_71], %max3A_70 {strides = array<i32>} : memref<1000x256xf32, #tpu.memory_space<vmem>>, vector<1000x256xf32>,
    return
  }
  func.func @transform_0(%arg0: i32) -> (i32, i32) {
    %c0_i32 = arith.constant 0 : i32
    %c0_i32_0 = arith.constant 0 : i32
    return %arg0, %c0_i32 : i32, i32
  }
  func.func @transform_1(%arg0: i32) -> (i32, i32, i32) {
    %c0_i32 = arith.constant 0 : i32
    %c0_i32_0 = arith.constant 0 : i32
    %c0_i32_1 = arith.constant 0 : i32
    return %c0_i32, %arg0, %c0_i32_0 : i32, i32, i32
  }
  func.func @transform_2(%arg0: i32) -> (i32, i32) {
    %c0_i32 = arith.constant 0 : i32
    %c0_i32_0 = arith.constant 0 : i32
    return %arg0, %c0_i32 : i32, i32
  }
  func.func @transform_3(%arg0: i32) -> (i32, i32) {
    %c0_i32 = arith.constant 0 : i32
    %c0_i32_0 = arith.constant 0 : i32
    %c0_i32_1 = arith.constant 0 : i32
    return %c0_i32, %c0_i32_0 : i32, i32
  }
  func.func @transform_4(%arg0: i32) -> (i32, i32) {
    %c0_i32 = arith.constant 0 : i32
    %c0_i32_0 = arith.constant 0 : i32
    %c0_i32_1 = arith.constant 0 : i32
    return %c0_i32, %c0_i32_0 : i32, i32
  }
  func.func @transform_5(%arg0: i32) -> (i32, i32) {
    %c0_i32 = arith.constant 0 : i32
    %c0_i32_0 = arith.constant 0 : i32
    return %arg0, %c0_i32 : i32, i32
  }
}

</mosaic_0001>

<sc_bundles>
// kernel: kernel.10.cloned.1.call-start
scs
__scs_entry_jumppad:
0x0: {  	(pc) =	sbr.rel $0x88, $3  }
0x1: {  	(tag) =	ssettag $0x0;
	lr =	simm.s32 $0x1  }
0x2: {  	[smem:$0x3F9B] =	sst lr;
	_ =	strace $0xD0000000  }
0x3: {  	_ = 	snop  }
0x4: {  	_ = 	snop  }
0x5: {  	_ = 	snop  }
0x6: {  	_ = 	snop  }
0x7: {  	_ = 	snop  }
__scs_overlays_trampoline_lowered:
0x8: {  	[smem:$0x3FAA] =	sst s0  }
0x9: {  	[smem:$0x3FAB] =	sst s1  }
0xa: {  	[smem:$0x3FAC] =	sst s2  }
0xb: {  	[smem:$0x3FAD] =	sst s3  }
0xc: {  	[smem:$0x3FAE] =	sst s4  }
0xd: {  	[smem:$0x3FAF] =	sst s5  }
0xe: {  	[smem:$0x3FB0] =	sst s6  }
0xf: {  	[smem:$0x3FB1] =	sst s7  }
0x10: {  	[smem:$0x3FB2] =	sst s8  }
0x11: {  	[smem:$0x3FB3] =	sst s9;
	s0 =	simm.s32 @!p0 $0x0  }
0x12: {  	s1 =	sld [smem:$0x3F99];
	s0 =	simm.s32 @p0 $0x1  }
0x13: {  	[smem:$0x3FB4] =	sst s0;
	s0 =	simm.s32 @!p1 $0x0  }
0x14: {  	s2 =	sld [smem:$0x3F98];
	s0 =	simm.s32 @p1 $0x1  }
0x15: {  	[smem:$0x3FB5] =	sst s0;
	s0 =	simm.s32 @!p2 $0x0  }
0x16: {  	s3 =	sld [smem:$0x3FDB];
	s0 =	simm.s32 @p2 $0x1  }
0x17: {  	s4 =	simm.s32 $0x1BF5;
	[smem:$0x3FB7] =	sst s0  }
0x18: {  	s0 =	sld [smem:$0x3F9A];
	_ =	swait.ge [sflag:s4], $0x0  }
0x19: {  	s7 =	sld [smem:$0x3F9B]  }
0x1a: {  	s8 =	sadd.s32 $0xFFFFE003, lr  }
0x1b: {  	s9 =	sadd.s32 $0xFFFFFEF7, lr;
	s5 =	simm.s32 $0xFFFFFFFF;
	p2 =	slt.u32 s8, $0xFFFFF086  }
0x1c: {  	p1 =	slt.u32 s9, $0xF7A;
	s5 =	simm.s32 @!p2 $0x0  }
0x1d: {  	s5 =	simm.s32 @p1 $0x1;
	p0 =	seq.s32 s7, s2  }
0x1e: {  	s7 =	smul.u32 @!p0 $0xF7A, s2;
	p2 =	seq.s32 @!p0 s5, $0x0  }
0x1f: {  	s9 =	smul.u32 $0xF7A, s1;
	s8 =	simm.s32 @!p0 $0x1BF5;
	p2 =	por !p2, p0  }
0x20: {  	[sflag:s8] =	ssyncset.s32 @!p0 $0xFFFFF086;
	s6 =	sadd.s32 @!p0 s3, s7;
	s7 =	simm.s32 @!p0 $0x108  }
0x21: {  	s3 =	sadd.s32 s3, s9;
	s6 =	sadd.s32 @!p0 $0x88, s6;
	s7 =	simm.s32 @p2 $0x1082  }
0x22: {  	[simem:s7], [sflag:s8] =	dma.local @!p0 [hbm:s6], $0xF7A  }
0x23: {  	s9 =	sor.u32 $0xD0000000, s2;
	s6 =	simm.s32 $0x108;
	_ =	swait.ge @!p0 [sflag:s8], $0x0  }
0x24: {  	s3 =	sadd.s32 $0x88, s3;
	s6 =	simm.s32 @!p1 $0x1082;
	[sflag:s4] =	ssyncset.s32 $0xFFFFF086  }
0x25: {  	[simem:s6], [sflag:s4] =	dma.local [hbm:s3], $0xF7A  }
0x26: {  	[smem:$0x3F9B] =	sst s1;
	(tag) =	ssettag s2;
	_ =	strace s9  }
0x27: {  	s1 =	sld [smem:$0x3FAB]  }
0x28: {  	s2 =	sld [smem:$0x3FAC]  }
0x29: {  	s4 =	sld [smem:$0x3FAE]  }
0x2a: {  	p0 =	seq.s32 s5, $0x0;
	s5 =	sld [smem:$0x3FAF]  }
0x2b: {  	s6 =	sld [smem:$0x3FB0]  }
0x2c: {  	s7 =	sld [smem:$0x3FB1]  }
0x2d: {  	s3 =	simm.s32 $0x108;
	s8 =	sld [smem:$0x3FB2]  }
0x2e: {  	s3 =	simm.s32 @!p0 $0x1082;
	s9 =	sld [smem:$0x3FB3]  }
0x2f: {  	lr =	sadd.s32 s0, s3;
	s0 =	sld [smem:$0x3FAA]  }
0x30: {  	s3 =	sld [smem:$0x3FAD]  }
0x31: {  	[smem:$0x3FB6] =	sst s10  }
0x32: {  	s10 =	sld [smem:$0x3FB4];
	_ =	sdelay $0x3  }
0x33: {  	p0 =	seq.s32 s10, $0x1;
	s10 =	sld [smem:$0x3FB6];
	_ =	sdelay $0x3  }
0x34: {  	[smem:$0x3FB6] =	sst s10  }
0x35: {  	s10 =	sld [smem:$0x3FB5];
	_ =	sdelay $0x3  }
0x36: {  	p1 =	seq.s32 s10, $0x1;
	s10 =	sld [smem:$0x3FB6];
	_ =	sdelay $0x3  }
0x37: {  	[smem:$0x3FB6] =	sst s10  }
0x38: {  	s10 =	sld [smem:$0x3FB7]  }
0x39: {  	_ = 	snop;
	(pc) =	sbr.ind lr, $3  }
0x3a: {  	_ = 	snop  }
0x3b: {  	_ = 	snop  }
0x3c: {  	p2 =	seq.s32 s10, $0x1;
	s10 =	sld [smem:$0x3FB6]  }
0x3d: {  	_ =	shalt  }
0x3e: {  	_ =	shalt  }
0x3f: {  	_ =	shalt  }
0x40: {  	_ =	shalt  }
0x41: {  	_ =	shalt  }
0x42: {  	_ =	shalt  }
0x43: {  	_ =	shalt  }
0x44: {  	_ =	shalt  }
0x45: {  	_ =	shalt  }
0x46: {  	_ =	shalt  }
0x47: {  	_ =	shalt  }
0x48: {  	_ =	shalt  }
0x49: {  	_ =	shalt  }
0x4a: {  	_ =	shalt  }
0x4b: {  	_ =	shalt  }
0x4c: {  	_ =	shalt  }
0x4d: {  	_ =	shalt  }
0x4e: {  	_ =	shalt  }
0x4f: {  	_ =	shalt  }
0x50: {  	_ =	shalt  }
0x51: {  	_ =	shalt  }
0x52: {  	_ =	shalt  }
0x53: {  	_ =	shalt  }
0x54: {  	_ =	shalt  }
0x55: {  	_ =	shalt  }
0x56: {  	_ =	shalt  }
0x57: {  	_ =	shalt  }
0x58: {  	_ =	shalt  }
0x59: {  	_ =	shalt  }
0x5a: {  	_ =	shalt  }
0x5b: {  	_ =	shalt  }
0x5c: {  	_ =	shalt  }
0x5d: {  	_ =	shalt  }
0x5e: {  	_ =	shalt  }
0x5f: {  	_ =	shalt  }
0x60: {  	_ =	shalt  }
0x61: {  	_ =	shalt  }
0x62: {  	_ =	shalt  }
0x63: {  	_ =	shalt  }
0x64: {  	_ =	shalt  }
0x65: {  	_ =	shalt  }
0x66: {  	_ =	shalt  }
0x67: {  	_ =	shalt  }
0x68: {  	_ =	shalt  }
0x69: {  	_ =	shalt  }
0x6a: {  	_ =	shalt  }
0x6b: {  	_ =	shalt  }
0x6c: {  	_ =	shalt  }
0x6d: {  	_ =	shalt  }
0x6e: {  	_ =	shalt  }
0x6f: {  	_ =	shalt  }
0x70: {  	_ =	shalt  }
0x71: {  	_ =	shalt  }
0x72: {  	_ =	shalt  }
0x73: {  	_ =	shalt  }
0x74: {  	_ =	shalt  }
0x75: {  	_ =	shalt  }
0x76: {  	_ =	shalt  }
0x77: {  	_ =	shalt  }
0x78: {  	_ =	shalt  }
0x79: {  	_ =	shalt  }
0x7a: {  	_ =	shalt  }
0x7b: {  	_ =	shalt  }
0x7c: {  	_ =	shalt  }
0x7d: {  	_ =	shalt  }
0x7e: {  	_ =	shalt  }
0x7f: {  	_ =	shalt  }
0x80: {  	_ =	shalt  }
0x81: {  	_ =	shalt  }
0x82: {  	_ =	shalt  }
0x83: {  	_ =	shalt  }
0x84: {  	_ =	shalt  }
0x85: {  	_ =	shalt  }
0x86: {  	_ =	shalt  }
0x87: {  	_ =	shalt  }
.Lfunc_end0:
.L_simem_size_0:
called_computation.1_lowered:
.L_overlay_start_0:
0x88: {  	s2 =	sld [smem:$0x3FD9]  }
0x89: {  	s3 =	sld [smem:$0x3FFE];
	_ =	sdelay $0x1  }
0x8a: {  	s1 =	srdreg.scid  }
0x8b: {  	s0 =	sand.u32 $0x1, s1  }
0x8c: {  	s17 =	sshll.u32 s0, $0xA;
	s2 =	sadd.s32 s3, s2  }
0x8d: {  	s2 =	sadd.s32 s2, s17  }
0x8e: {  	[smem:$0x3FC2] =	sst s2  }
0x8f: {  	_ = 	snop  }
0x90: {  	s18 =	sld [smem:$0x3FD0];
	(tm) =	ssettm $0x1  }
0x91: {  	s19 =	sld [smem:$0x3FFB];
	_ =	sdelay $0x3  }
0x92: {  	_ =	strace s19  }
0x93: {  	s2 =	sld [smem:$0x3FFC];
	_ =	sdelay $0x3  }
0x94: {  	_ =	strace s2  }
0x95: {  	s2 =	sld [smem:$0x3FFD];
	_ =	sdelay $0x3  }
0x96: {  	_ =	strace s2  }
0x97: {  	_ =	strace $0x8FFFFFFF  }
0x98: {  	s20 =	sld [smem:$0x3FDB];
	_ =	sdelay $0x1  }
0x99: {  	s4 =	simm.s32 $_scs_section_size  }
0x9a: {  	s5 =	simm.s32 $_size__tile_overlayer_lowered;
	s6 =	simm.s32 $_tile_overlayer_lowered  }
0x9b: {  	s7 =	simm.s32 $0x1BFF;
	s21 =	sshll.u32 s6, $0x1;
	s4 =	sadd.s32 s4, s20  }
0x9c: {  	s22 =	simm.s32 $0x0;
	s5 =	sshll.u32 s5, $0x1;
	s6 =	sadd.s32 s21, s4  }
0x9d: {  	[timem:s22], [sflag:s7] =	dma.local [hbm:s6], s5  }
0x9e: {  	_ =	swait.ge [sflag:s7], s5  }
0x9f: {  	s5 =	ssub.s32 $0x0, s5;
	[sflag:s7] =	ssyncset.done $0x0  }
0xa0: {  	[sflag:s7] =	ssyncadd.s32 s5;
	_ =	sdelay $0x1  }
0xa1: {  	s23 =	simm.s32 $0x1B8B  }
0xa2: {  	_ =	swait.ge [sflag:s23], $0x1  }
0xa3: {  	[sflag:s23] =	ssyncset.done $0x0  }
0xa4: {  	[sflag:s23] =	ssyncadd.s32 $0xFFFFFFFF  }
0xa5: {  	s5 =	sld [smem:$0x0]  }
0xa6: {  	s6 =	sand.u32 $0xFFFFFFFE, s1  }
0xa7: {  	p0 =	sne.s32 s1, s6  }
0xa8: {  	s6 =	sshll.u32 @p0 s6, $0xE  }
0xa9: {  	s6 =	sadd.s32 @p0 $0x11B8D, s6;
	s7 =	sshll.u32 @p0 s5, $0x11  }
0xaa: {  	s6 =	sor.u32 @p0 s7, s6  }
0xab: {  	[sflag:s6] =	ssyncadd.remote.s32 @p0 $0x1;
	_ =	sdelay $0x1  }
0xac: {  	s6 =	simm.s32 @p0 $0x1B8D  }
0xad: {  	_ =	swait.eq @p0 [sflag:s6], $0x1  }
0xae: {  	[sflag:s6] =	ssyncadd.s32 @p0 $0xFFFFFFFF  }
0xaf: {  	s7 =	sshll.u32 @!p0 s1, $0xE  }
0xb0: {  	s7 =	sor.u32 @!p0 $0x4000, s7;
	s6 =	simm.s32 @!p0 $0x1B8D  }
0xb1: {  	s5 =	sshll.u32 @!p0 s5, $0x11;
	s7 =	sadd.s32 @!p0 $0x11B8D, s7;
	_ =	swait.eq @!p0 [sflag:s6], $0x1  }
0xb2: {  	s5 =	sor.u32 @!p0 s5, s7;
	[sflag:s6] =	ssyncadd.s32 @!p0 $0xFFFFFFFF  }
0xb3: {  	s25 =	simm.s32 $0x1B8E;
	s24 =	sld [smem:$0x3FFE];
	[sflag:s5] =	ssyncadd.remote.s32 @!p0 $0x1  }
0xb4: {  	s26 =	simm.s32 $execute0_lowered;
	[smem:$0x3FD2] =	sst s25  }
0xb5: {  	s6 =	sshll.u32 s26, $0x1;
	_ =	strace $0x80000049;
	[dreg:$0x1] =	wrdreg $0xFFFFFFFF  }
0xb6: {  	s28 =	simm.s32 $_size_execute0_lowered;
	s4 =	sadd.s32 s4, s6;
	[dreg:$0x0] =	wrdreg $0x0  }
0xb7: {  	s6 =	sshll.u32 s28, $0x1;
	[dreg:$0x2] =	wrdreg s4  }
0xb8: {  	[dreg:$0x3] =	wrdreg s6  }
0xb9: {  	[dreg:$0x4] =	wrdreg $0xC0  }
0xba: {  	_ =	task [dreg:s22], $0x5FFFF  }
0xbb: {  	[dreg:$0x1] =	wrdreg $0xFFFFFFFF  }
0xbc: {  	[dreg:$0x0] =	wrdreg $0x60  }
0xbd: {  	[dreg:$0x2] =	wrdreg s18  }
0xbe: {  	[dreg:$0x3] =	wrdreg s24  }
0xbf: {  	[dreg:$0x4] =	wrdreg $0xF7000  }
0xc0: {  	[dreg:$0x5] =	wrdreg $0xA  }
0xc1: {  	_ =	task.clear_ibuf [dreg:s22], $0x6FFFF;
	_ =	strace $0x90000049  }
0xc2: {  	s29 =	simm.s32 $0xA;
	_ =	strace $0x8000004B  }
0xc3: {  	_ =	swait.ge [sflag:s29], $0x1  }
0xc4: {  	[sflag:s29] =	ssyncadd.s32 $0xFFFFFFFF  }
0xc5: {  	_ =	strace $0x9000004B  }
0xc6: {  	_ =	sfence  }
0xc7: {  	s30 =	sld [smem:$0x0];
	_ =	sdelay $0x2  }
0xc8: {  	s31 =	sshll.u32 s1, $0xD;
	s1 =	sshrl.u32 s1, $0x2  }
0xc9: {  	s4 =	sand.u32 $0x4000, s31;
	s1 =	sadd.s32 s1, s30  }
0xca: {  	s0 =	sor.u32 s4, s0;
	s1 =	sshll.u32 s1, $0x11  }
0xcb: {  	s0 =	sor.u32 s1, s0  }
0xcc: {  	s0 =	sadd.s32 $0x8F2B, s0  }
0xcd: {  	[sflag:s0] =	ssyncadd.remote.s32 $0x1  }
0xce: {  	_ =	sfence.sel $0xFFFF  }
0xcf: {  	[dreg:$0x0] =	wrdreg $0xFFFFFFFF;
	(pc) =	sbr.abs _section_cstart, $3  }
0xd0: {  	[dreg:$0x1] =	wrdreg $0xFFFFFFFF  }
0xd1: {  	_ =	task.clear_ibuf [dreg:s22], $0x2FFFF;
	_ =	strace $0x9FFFFFFF  }
0xd2: {  	(tm) =	ssettm $0x7FFFFFFF  }
0xd3: {  	_ =	shalt  }
tec
execute0_lowered:
.L_overlay_start_1:
0x0: {  	(tag) =	ssettag $0x1  }
0x1: {  	s2 =	rddreg [dreg:$0x0]  }
0x2: {  	s5 =	rddreg [dreg:$0x1]  }
0x3: {  	s3 =	rddreg [dreg:$0x2];
	s1 =	stileid.u32  }
0x4: {  	s0 =	rddreg [dreg:$0x3];
	s6 =	smul.u32 $0x4E2, s1  }
0x5: {  	s7 =	srdreg.scid;
	s24 =	smul.u32 $0x140, s1  }
0x6: {  	s4 =	simm.s32 $0x0;
	s16 =	simm.s32 $0x50;
	s10 =	smul.u32 $0x1480, s1  }
0x7: {  	s17 =	simm.s32 $0xCF00;
	s18 =	simm.s32 $0x0;
	s11 =	smul.u32 $0x29000, s1  }
0x8: {  	s8 =	sand.u32 $0x1, s7;
	[smem:$0x7FF] =	sst s4;
	s29 =	smul.u32 $0x28000, s1  }
0x9: {  	s14 =	sshll.u32 s1, $0x6;
	s9 =	smul.u32 $0x1400, s8;
	_ =	strace $0x8000004A  }
0xa: {  	s25 =	ssub.s32 $0x2, s8;
	s30 =	smul.u32 $0xFFFFEC00, s8;
	s14 =	sor.u32 $0x1C01, s14  }
0xb: {  	s6 =	sadd.s32 s6, s5;
	s10 =	sadd.s32 s10, s5;
	s26 =	sshrl.u32 s25, $0x1  }
0xc: {  	s28 =	sshrl.u32 s11, $0x2;
	s31 =	sshrl.u32 s29, $0x2;
	s7 =	sadd.s32 s24, s9  }
.Ltmp0:
0xd: {  	s13 =	ssub.s32 s25, s26;
	s15 =	sadd.s32 s28, s3;
	(pc) =	sbr.rel .LBB2_1-.Ltmp0, $4  }
0xe: {  	v7 =	vlaneseq.u32;
	s8 =	sadd.s32 s31, s3;
	s7 =	sshll.u32 s7, $0x4;
	s11 =	smax.u32 s13, $0x1  }
0xf: {  	v1 =	vimm.s32 $0x0;
	v2 =	vor.u32 $0x2760, v7;
	s13 =	simm.s32 $0x2780;
	s15 =	sshrl.u32 s15, $0x3;
	s12 =	sadd.s32 s7, s5  }
0x10: {  	v3 =	vor.u32 $0x1400, v7;
	v4 =	vor.u32 $0x1410, v7;
	v5 =	vor.u32 $0x1420, v7;
	s5 =	sadd.s32 $0x6A00, s6;
	s6 =	sadd.s32 $0x1A00, s6;
	s7 =	sadd.s32 $0xBA00, s10  }
0x11: {  	v6 =	vor.u32 $0x1430, v7;
	v7 =	vor.u32 $0x1440, v7;
	v0 =	vmov s30;
	s9 =	sadd.s32 $0x48200, s12;
	s10 =	sadd.s32 $0x70200, s12;
	s12 =	simm.s32 $0x1  }
.LBB2_25:
0x12: {  	[sflag:s12] =	ssyncadd.s32 $0xFFFFD800  }
.LBB2_26:
0x13: {  	s18 =	sadd.s32 $0x1, s18  }
0x14: {  	p0 =	sne.s32 s18, s11  }
.Ltmp1:
0x15: {  	[bflag:$0x0] =	sbarrier.arrive $0xFFFF;
	(pc) =	sbr.rel @!p0 .LBB2_27-.Ltmp1, $4  }
0x16: {  	[hbm:s10], [sflag:s14] =	dma.local [spmem:s20], $0x1400  }
0x17: {  	_ =	swait.ge [sflag:s12], $0x1400  }
0x18: {  	[sflag:s12] =	ssyncset.done $0x0  }
0x19: {  	[sflag:s12] =	ssyncadd.s32 $0xFFFFEC00  }
.LBB2_1:
0x1a: {  	[tilespmem:s4], [sflag:$0x1] =	stream.linear.gather [hbm4b:s5+s4], $0x2710, $0x38;
	[tilespmem:$0x19B00] =	vst v63  }
0x1b: {  	_ =	swait.ge [sflag:s12], $0x2710  }
0x1c: {  	[sflag:s12] =	ssyncset.done $0x0  }
0x1d: {  	[sflag:s12] =	ssyncadd.s32 $0xFFFFD8F0  }
0x1e: {  	[tilespmem:s13], [sflag:$0x1] =	stream.linear.gather [hbm4b:s6+s4], $0x2710, $0x38;
	[tilespmem:$0x19B00] =	vst v63  }
0x1f: {  	_ =	swait.ge [sflag:s12], $0x2710  }
0x20: {  	[sflag:s12] =	ssyncset.done $0x0  }
0x21: {  	[sflag:s12] =	ssyncadd.s32 $0xFFFFD8F0  }
0x22: {  	[spmem:s15], [sflag:s14] =	dma.local [hbm:s7], $0x1480  }
0x23: {  	_ =	swait.ge [sflag:s12], $0x1480  }
0x24: {  	[sflag:s12] =	ssyncset.done $0x0  }
0x25: {  	s19 =	simm.s32 $0x0;
	[sflag:s12] =	ssyncadd.s32 $0xFFFFEB80  }
0x26: {  	v8 =	vld [tilespmem:s19+$0x2780];
	_ =	sdelay $0x4  }
0x27: {  	v8 =	vadd.s32 v0, v8  }
0x28: {  	vm0 =	vlt.u32 v8, $0x1400  }
0x29: {  	v9 =	vsel vm0, $0x1, v1  }
0x2a: {  	(xrf0) =	vadd.scan.msk.s32 $0xffff, v9;
	_ =	sdelay $0x2  }
0x2b: {  	v63 =	vmov s4  }
0x2c: {  	v9 =	vadd.s32 $0xFFFFFFFF, v63  }
0x2d: {  	v9 =	vbroadcast v9, $0x0  }
0x2e: {  	v10, _, _ =	vpop (xrf0)  }
0x2f: {  	v9 =	vadd.s32 v10, v9;
	(v2sf) =	vpush v10, $0xF  }
0x30: {  	v11 =	vld [tilespmem:s19+$0x0];
	v9 =	vsel vm0, v9, v2;
	_ =	sdelay $0x4  }
0x31: {  	[tilespmem:v9+s4+$0x0] =	vst.idx.msk $0xffff, v11  }
0x32: {  	s21 =	simm.s32 $0x80;
	s20 =	simm.s32 $0x0;
	s19 =	simm.s32 $0x10;
	[tilespmem:v9+s13+$0x0] =	vst.idx.msk $0xffff, v8  }
.LBB2_2:
0x33: {  	p0 =	sne.s32 s21, $0x9C00;
	v8 =	vld [tilespmem:s19+$0x2780];
	_ =	sdelay $0x4  }
0x34: {  	v8 =	vadd.s32 v0, v8  }
0x35: {  	vm0 =	vlt.u32 v8, $0x1400  }
0x36: {  	v9 =	vsel vm0, $0x1, v1;
	s22 =	spop (v2sf)  }
0x37: {  	(xrf0) =	vadd.scan.msk.s32 $0xffff, v9;
	s20 =	sadd.s32 s20, s22  }
0x38: {  	v9 =	vmov s20  }
0x39: {  	v9 =	vadd.s32 $0xFFFFFFFF, v9  }
0x3a: {  	v9 =	vbroadcast v9, $0x0;
	_ =	sdelay $0x2  }
0x3b: {  	v10, _, _ =	vpop (xrf0)  }
0x3c: {  	v9 =	vadd.s32 v10, v9;
	(v2sf) =	vpush v10, $0xF  }
0x3d: {  	v9 =	vsel vm0, v9, v2;
	v10 =	vld [tilespmem:s19+$0x0];
	_ =	sdelay $0x1  }
.Ltmp2:
0x3e: {  	(pc) =	sbr.rel @p0 .LBB2_2-.Ltmp2, $3  }
0x3f: {  	_ =	sdelay $0x1  }
0x40: {  	[tilespmem:v9+s4+$0x0] =	vst.idx.msk $0xffff, v10  }
0x41: {  	s19 =	sshra.s32 s21, $0x2;
	s21 =	sadd.s32 $0x40, s21;
	[tilespmem:v9+s13+$0x0] =	vst.idx.msk $0xffff, v8  }
0x42: {  	v8 =	vld [tilespmem:s19+$0x2780];
	_ =	sdelay $0x4  }
0x43: {  	v8 =	vadd.s32 v0, v8  }
0x44: {  	vm0 =	vlt.u32 v8, $0x1400  }
0x45: {  	v9 =	vsel vm0, $0x1, v1  }
0x46: {  	(xrf0) =	vadd.scan.msk.s32 $0xffff, v9;
	_ =	sdelay $0x5  }
0x47: {  	v9, _, _ =	vpop (xrf0)  }
0x48: {  	(v2sf) =	vpush v9, $0xF;
	_ =	sdelay $0xc  }
0x49: {  	s21 =	spop (v2sf)  }
0x4a: {  	s20 =	sadd.s32 s20, s21  }
0x4b: {  	v10 =	vmov s20;
	s29 =	spop (v2sf)  }
0x4c: {  	v10 =	vadd.s32 $0xFFFFFFFF, v10;
	s20 =	sadd.s32 s20, s29  }
0x4d: {  	v10 =	vbroadcast v10, $0x0;
	s30 =	sadd.s32 $0x4F, s20  }
0x4e: {  	s31 =	smulhi.u32 $0x66666667, s30;
	s22 =	sshra.s32 s30, $0x1F  }
0x4f: {  	v9 =	vadd.s32 v9, v10;
	s22 =	smul.u32 $0x66666667, s22  }
0x50: {  	v63 =	vld [tilespmem:s19+$0x0];
	v9 =	vsel vm0, v9, v2  }
0x51: {  	s21 =	sadd.s32 s22, s31  }
0x52: {  	s22 =	sshrl.u32 s21, $0x1F;
	s21 =	sshra.s32 s21, $0x5  }
0x53: {  	s21 =	sadd.s32 s22, s21  }
0x54: {  	s22 =	smul.u32 $0xFFFFFFB0, s21  }
0x55: {  	[tilespmem:v9+s4+$0x0] =	vst.idx.msk $0xffff, v63;
	s23 =	ssub.s32 $0xFFFFFFB1, s20  }
0x56: {  	[tilespmem:v9+s13+$0x0] =	vst.idx.msk $0xffff, v8;
	p0 =	slt.s32 s30, $0x1;
	p1 =	sne.s32 s22, s23  }
0x57: {  	[tilespmem:s20+$0x0] =	vst v1;
	p0 =	por !p0, !p1  }
0x58: {  	s19 =	simm.s32 $0x1;
	[tilespmem:s20+$0x2780] =	vst v3;
	p0 =	por !p0, !p0  }
0x59: {  	[tilespmem:s20+$0x10] =	vst v1;
	s19 =	simm.s32 @!p0 $0x0  }
0x5a: {  	[tilespmem:s20+$0x2790] =	vst v4;
	s19 =	ssub.s32 s21, s19  }
0x5b: {  	[tilespmem:s20+$0x20] =	vst v1;
	p0 =	slt.s32 s19, $0x1  }
.Ltmp3:
0x5c: {  	[tilespmem:s20+$0x27A0] =	vst v5;
	(pc) =	sbr.rel @p0 .LBB2_28-.Ltmp3, $4  }
0x5d: {  	[tilespmem:s20+$0x30] =	vst v1  }
0x5e: {  	[tilespmem:s20+$0x27B0] =	vst v6  }
0x5f: {  	[tilespmem:s20+$0x40] =	vst v1  }
0x60: {  	[tilespmem:s20+$0x27C0] =	vst v7  }
0x61: {  	p1 =	sne.s32 s19, $0x1  }
.Ltmp4:
0x62: {  	_ = 	snop;
	(pc) =	sbr.rel @!p1 .LBB2_5-.Ltmp4, $3  }
0x63: {  	_ =	sdelay $0x1  }
0x64: {  	s22 =	simm.s32 $0x27A0  }
0x65: {  	s21 =	simm.s32 $0x4F20;
	s20 =	sadd.s32 $0xFFFFFFFF, s19;
	p2 =	por $0x0, $0x0;
	v8 =	vld [tilespmem:s22+$0xFFFFFFE0]  }
0x66: {  	_ =	sdelay $0x3  }
0x67: {  	[tilespmem:s21+$0xFFFFFFE0] =	vst v8  }
0x68: {  	v8 =	vld [tilespmem:s22+$0xFFFFFFF0];
	_ =	sdelay $0x4  }
0x69: {  	[tilespmem:s21+$0xFFFFFFF0] =	vst v8  }
0x6a: {  	v8 =	vld [tilespmem:s22+$0x0];
	_ =	sdelay $0x4  }
0x6b: {  	[tilespmem:s21+$0x0] =	vst v8  }
0x6c: {  	v8 =	vld [tilespmem:s22+$0x10];
	_ =	sdelay $0x4  }
0x6d: {  	[tilespmem:s21+$0x10] =	vst v8  }
0x6e: {  	v8 =	vld [tilespmem:s22+$0x20]  }
0x6f: {  	p3 =	sne.s32 s20, $0x1  }
.Ltmp5:
0x70: {  	_ = 	snop;
	(pc) =	sbr.rel @!p3 .LBB2_7-.Ltmp5, $3  }
0x71: {  	_ =	sdelay $0x1  }
0x72: {  	s22 =	simm.s32 $0x27F0;
	[tilespmem:s21+$0x20] =	vst v8  }
0x73: {  	s24 =	sadd.s32 $0xFFFFFFFF, s20;
	p2 =	por $0x1, $0x1;
	s23 =	simm.s32 $0x4F20;
	v8 =	vld [tilespmem:s22+$0xFFFFFFE0]  }
.LBB2_8:
0x74: {  	p3 =	sne.s32 s24, $0x1;
	_ =	sdelay $0x2  }
0x75: {  	s23 =	sadd.s32 $0x80, s23  }
0x76: {  	[tilespmem:s23+$0xFFFFFFE0] =	vst v8  }
0x77: {  	v8 =	vld [tilespmem:s22+$0xFFFFFFF0];
	_ =	sdelay $0x4  }
0x78: {  	[tilespmem:s23+$0xFFFFFFF0] =	vst v8  }
0x79: {  	v8 =	vld [tilespmem:s22+$0x0];
	_ =	sdelay $0x4  }
0x7a: {  	[tilespmem:s23+$0x0] =	vst v8  }
0x7b: {  	v8 =	vld [tilespmem:s22+$0x10];
	_ =	sdelay $0x4  }
0x7c: {  	[tilespmem:s23+$0x10] =	vst v8  }
0x7d: {  	v8 =	vld [tilespmem:s22+$0x20];
	_ =	sdelay $0x1  }
.Ltmp6:
0x7e: {  	(pc) =	sbr.rel @p3 .LBB2_8-.Ltmp6, $3  }
0x7f: {  	_ =	sdelay $0x1  }
0x80: {  	s22 =	sadd.s32 $0x50, s22;
	[tilespmem:s23+$0x20] =	vst v8  }
0x81: {  	s24 =	sadd.s32 $0xFFFFFFFF, s24;
	v8 =	vld [tilespmem:s22+$0xFFFFFFE0]  }
.LBB2_9:
0x82: {  	_ =	sdelay $0x1  }
0x83: {  	s23 =	sadd.s32 @p2 $0x80, s23  }
0x84: {  	s21 =	smov.u32 @p2 s23  }
0x85: {  	[tilespmem:s21+$0xFFFFFFE0] =	vst v8  }
0x86: {  	v8 =	vld [tilespmem:s22+$0xFFFFFFF0];
	_ =	sdelay $0x4  }
0x87: {  	[tilespmem:s21+$0xFFFFFFF0] =	vst v8  }
0x88: {  	v8 =	vld [tilespmem:s22+$0x0];
	_ =	sdelay $0x4  }
0x89: {  	[tilespmem:s21+$0x0] =	vst v8  }
0x8a: {  	v8 =	vld [tilespmem:s22+$0x10];
	_ =	sdelay $0x4  }
0x8b: {  	[tilespmem:s21+$0x10] =	vst v8  }
0x8c: {  	v8 =	vld [tilespmem:s22+$0x20];
	_ =	sdelay $0x2  }
.Ltmp7:
0x8d: {  	_ = 	snop;
	(pc) =	sbr.rel @!p1 .LBB2_10-.Ltmp7, $4  }
0x8e: {  	_ = 	snop  }
0x8f: {  	[tilespmem:s21+$0x20] =	vst v8  }
0x90: {  	s22 =	simm.s32 $0x20;
	[bflag:$0x0] =	sbarrier.arrive $0xFFFF  }
0x91: {  	p2 =	por $0x0, $0x0;
	s21 =	simm.s32 $0x8F20;
	v8 =	vld [tilespmem:s22+$0xFFFFFFE0]  }
0x92: {  	_ =	sdelay $0x3  }
0x93: {  	v8 =	vshll.u32 v8, $0x1  }
0x94: {  	[tilespmem:s21+$0xFFFFFFE0] =	vst v8  }
0x95: {  	v8 =	vld [tilespmem:s22+$0xFFFFFFF0];
	_ =	sdelay $0x4  }
0x96: {  	v8 =	vshll.u32 v8, $0x1  }
0x97: {  	[tilespmem:s21+$0xFFFFFFF0] =	vst v8  }
0x98: {  	v8 =	vld [tilespmem:s22+$0x0];
	_ =	sdelay $0x4  }
0x99: {  	v8 =	vshll.u32 v8, $0x1  }
0x9a: {  	[tilespmem:s21+$0x0] =	vst v8  }
0x9b: {  	v8 =	vld [tilespmem:s22+$0x10];
	_ =	sdelay $0x4  }
0x9c: {  	v8 =	vshll.u32 v8, $0x1  }
0x9d: {  	[tilespmem:s21+$0x10] =	vst v8  }
0x9e: {  	v8 =	vld [tilespmem:s22+$0x20];
	_ =	sdelay $0x1  }
0x9f: {  	p3 =	sne.s32 s20, $0x1  }
.Ltmp8:
0xa0: {  	_ = 	snop;
	(pc) =	sbr.rel @!p3 .LBB2_12-.Ltmp8, $4  }
0xa1: {  	_ = 	snop  }
0xa2: {  	v8 =	vshll.u32 v8, $0x1  }
0xa3: {  	s22 =	simm.s32 $0x70;
	[tilespmem:s21+$0x20] =	vst v8  }
0xa4: {  	s24 =	sadd.s32 $0xFFFFFFFF, s20;
	p2 =	por $0x1, $0x1;
	s23 =	simm.s32 $0x8F20;
	v8 =	vld [tilespmem:s22+$0xFFFFFFE0]  }
.LBB2_13:
0xa5: {  	p3 =	sne.s32 s24, $0x1;
	_ =	sdelay $0x3  }
0xa6: {  	s23 =	sadd.s32 $0x80, s23;
	v8 =	vshll.u32 v8, $0x1  }
0xa7: {  	[tilespmem:s23+$0xFFFFFFE0] =	vst v8  }
0xa8: {  	v8 =	vld [tilespmem:s22+$0xFFFFFFF0];
	_ =	sdelay $0x4  }
0xa9: {  	v8 =	vshll.u32 v8, $0x1  }
0xaa: {  	[tilespmem:s23+$0xFFFFFFF0] =	vst v8  }
0xab: {  	v8 =	vld [tilespmem:s22+$0x0];
	_ =	sdelay $0x4  }
0xac: {  	v8 =	vshll.u32 v8, $0x1  }
0xad: {  	[tilespmem:s23+$0x0] =	vst v8  }
0xae: {  	v8 =	vld [tilespmem:s22+$0x10];
	_ =	sdelay $0x4  }
0xaf: {  	v8 =	vshll.u32 v8, $0x1  }
0xb0: {  	[tilespmem:s23+$0x10] =	vst v8  }
0xb1: {  	v8 =	vld [tilespmem:s22+$0x20];
	_ =	sdelay $0x2  }
.Ltmp9:
0xb2: {  	(pc) =	sbr.rel @p3 .LBB2_13-.Ltmp9, $4  }
0xb3: {  	_ = 	snop  }
0xb4: {  	v8 =	vshll.u32 v8, $0x1  }
0xb5: {  	s22 =	sadd.s32 $0x50, s22;
	[tilespmem:s23+$0x20] =	vst v8  }
0xb6: {  	s24 =	sadd.s32 $0xFFFFFFFF, s24;
	v8 =	vld [tilespmem:s22+$0xFFFFFFE0]  }
.LBB2_14:
0xb7: {  	_ =	sdelay $0x2  }
0xb8: {  	s23 =	sadd.s32 @p2 $0x80, s23  }
0xb9: {  	s21 =	smov.u32 @p2 s23;
	v8 =	vshll.u32 v8, $0x1  }
0xba: {  	[tilespmem:s21+$0xFFFFFFE0] =	vst v8  }
0xbb: {  	v8 =	vld [tilespmem:s22+$0xFFFFFFF0];
	_ =	sdelay $0x4  }
0xbc: {  	v8 =	vshll.u32 v8, $0x1  }
0xbd: {  	[tilespmem:s21+$0xFFFFFFF0] =	vst v8  }
0xbe: {  	v8 =	vld [tilespmem:s22+$0x0];
	_ =	sdelay $0x4  }
0xbf: {  	v8 =	vshll.u32 v8, $0x1  }
0xc0: {  	[tilespmem:s21+$0x0] =	vst v8  }
0xc1: {  	v8 =	vld [tilespmem:s22+$0x10];
	_ =	sdelay $0x4  }
0xc2: {  	v8 =	vshll.u32 v8, $0x1  }
0xc3: {  	[tilespmem:s21+$0x10] =	vst v8  }
0xc4: {  	v8 =	vld [tilespmem:s22+$0x20];
	_ =	sdelay $0x4  }
0xc5: {  	v8 =	vshll.u32 v8, $0x1  }
0xc6: {  	[tilespmem:s21+$0x20] =	vst v8;
	s21 =	simm.s32 $0x8F00  }
0xc7: {  	[tilespmem:s17], [sflag:$0x1] =	stream.indirect.gather [hbm4b:s2+s16], $0x80, s21, s16, $0xb8;
	[tilespmem:$0x19B00] =	vst v63  }
0xc8: {  	_ =	swait.ge [sflag:s12], $0x2800  }
.Ltmp10:
0xc9: {  	[sflag:s12] =	ssyncset.done $0x0;
	(pc) =	sbr.rel @!p1 .LBB2_16-.Ltmp10, $4  }
0xca: {  	s22 =	simm.s32 $0x4F00;
	[sflag:s12] =	ssyncadd.s32 $0xFFFFD800  }
0xcb: {  	[spmem:s3] =	stream.indirect.scatter.add.f32 [tilespmem:s17], [sflag:$0x1], $0x80, s22, s16, $0xb8;
	[tilespmem:$0x19B00] =	vst v63  }
0xcc: {  	_ =	swait.ge [sflag:s12], $0x2800  }
0xcd: {  	[sflag:s12] =	ssyncset.done $0x0  }
.LBB2_15:
0xce: {  	[sflag:s12] =	ssyncadd.s32 $0xFFFFD800;
	s21 =	sadd.s32 $0x80, s21;
	s22 =	sadd.s32 $0x80, s22  }
0xcf: {  	[tilespmem:s17], [sflag:$0x1] =	stream.indirect.gather [hbm4b:s2+s16], $0x80, s21, s16, $0xb8;
	[tilespmem:$0x19B00] =	vst v63  }
0xd0: {  	p1 =	sne.s32 s20, $0x1;
	s20 =	sadd.s32 $0xFFFFFFFF, s20;
	_ =	swait.ge [sflag:s12], $0x2800  }
.Ltmp11:
0xd1: {  	[sflag:s12] =	ssyncset.done $0x0;
	(pc) =	sbr.rel @p1 .LBB2_15-.Ltmp11, $4  }
0xd2: {  	[sflag:s12] =	ssyncadd.s32 $0xFFFFD800  }
0xd3: {  	[spmem:s3] =	stream.indirect.scatter.add.f32 [tilespmem:s17], [sflag:$0x1], $0x80, s22, s16, $0xb8;
	[tilespmem:$0x19B00] =	vst v63  }
0xd4: {  	_ =	swait.ge [sflag:s12], $0x2800  }
0xd5: {  	[sflag:s12] =	ssyncset.done $0x0  }
.LBB2_16:
.Ltmp12:
0xd6: {  	(pc) =	sbr.rel .LBB2_17-.Ltmp12, $2  }
0xd7: {  	_ =	sdelay $0x2  }
0xd8: {  	[sflag:s12] =	ssyncadd.s32 $0xFFFFD800  }
.LBB2_28:
0xd9: {  	[bflag:$0x0] =	sbarrier.arrive $0xFFFF  }
.LBB2_17:
0xda: {  	[bflag:$0x0] =	sbarrier.arrive $0xFFFF;
	s20 =	sshrl.u32 s8, $0x3  }
0xdb: {  	[hbm:s9], [sflag:s14] =	dma.local [spmem:s20], $0x1400  }
0xdc: {  	_ =	swait.ge [sflag:s12], $0x1400  }
0xdd: {  	[sflag:s12] =	ssyncset.done $0x0  }
0xde: {  	[sflag:s12] =	ssyncadd.s32 $0xFFFFEC00  }
0xdf: {  	[bflag:$0x0] =	sbarrier.arrive $0xFFFF  }
0xe0: {  	[spmem:s15], [sflag:s14] =	dma.local [hbm:s7], $0x1480  }
.Ltmp13:
0xe1: {  	_ =	swait.ge [sflag:s12], $0x1480;
	(pc) =	sbr.rel @p0 .LBB2_26-.Ltmp13, $3  }
0xe2: {  	[sflag:s12] =	ssyncset.done $0x0  }
0xe3: {  	[sflag:s12] =	ssyncadd.s32 $0xFFFFEB80  }
0xe4: {  	[bflag:$0x0] =	sbarrier.arrive $0xFFFF;
	_ =	sdelay $0x1  }
0xe5: {  	p0 =	sne.s32 s19, $0x1  }
.Ltmp14:
0xe6: {  	_ = 	snop;
	(pc) =	sbr.rel @!p0 .LBB2_19-.Ltmp14, $3  }
0xe7: {  	_ =	sdelay $0x1  }
0xe8: {  	s22 =	simm.s32 $0x20  }
0xe9: {  	s21 =	simm.s32 $0x8F20;
	s19 =	sadd.s32 $0xFFFFFFFF, s19;
	p1 =	por $0x0, $0x0;
	v8 =	vld [tilespmem:s22+$0xFFFFFFE0]  }
0xea: {  	_ =	sdelay $0x3  }
0xeb: {  	v8 =	vshll.u32 v8, $0x1  }
0xec: {  	v8 =	vor.u32 $0x1, v8  }
0xed: {  	[tilespmem:s21+$0xFFFFFFE0] =	vst v8  }
0xee: {  	v8 =	vld [tilespmem:s22+$0xFFFFFFF0];
	_ =	sdelay $0x4  }
0xef: {  	v8 =	vshll.u32 v8, $0x1  }
0xf0: {  	v8 =	vor.u32 $0x1, v8  }
0xf1: {  	[tilespmem:s21+$0xFFFFFFF0] =	vst v8  }
0xf2: {  	v8 =	vld [tilespmem:s22+$0x0];
	_ =	sdelay $0x4  }
0xf3: {  	v8 =	vshll.u32 v8, $0x1  }
0xf4: {  	v8 =	vor.u32 $0x1, v8  }
0xf5: {  	[tilespmem:s21+$0x0] =	vst v8  }
0xf6: {  	v8 =	vld [tilespmem:s22+$0x10];
	_ =	sdelay $0x4  }
0xf7: {  	v8 =	vshll.u32 v8, $0x1  }
0xf8: {  	v8 =	vor.u32 $0x1, v8  }
0xf9: {  	[tilespmem:s21+$0x10] =	vst v8  }
0xfa: {  	v8 =	vld [tilespmem:s22+$0x20];
	_ =	sdelay $0x2  }
0xfb: {  	p2 =	sne.s32 s19, $0x1  }
.Ltmp15:
0xfc: {  	_ = 	snop;
	(pc) =	sbr.rel @!p2 .LBB2_21-.Ltmp15, $4  }
0xfd: {  	v8 =	vshll.u32 v8, $0x1  }
0xfe: {  	v8 =	vor.u32 $0x1, v8  }
0xff: {  	s22 =	simm.s32 $0x70;
	[tilespmem:s21+$0x20] =	vst v8  }
0x100: {  	s24 =	sadd.s32 $0xFFFFFFFF, s19;
	p1 =	por $0x1, $0x1;
	s23 =	simm.s32 $0x8F20;
	v8 =	vld [tilespmem:s22+$0xFFFFFFE0]  }
.LBB2_22:
0x101: {  	p2 =	sne.s32 s24, $0x1;
	_ =	sdelay $0x3  }
0x102: {  	v8 =	vshll.u32 v8, $0x1  }
0x103: {  	s23 =	sadd.s32 $0x80, s23;
	v8 =	vor.u32 $0x1, v8  }
0x104: {  	[tilespmem:s23+$0xFFFFFFE0] =	vst v8  }
0x105: {  	v8 =	vld [tilespmem:s22+$0xFFFFFFF0];
	_ =	sdelay $0x4  }
0x106: {  	v8 =	vshll.u32 v8, $0x1  }
0x107: {  	v8 =	vor.u32 $0x1, v8  }
0x108: {  	[tilespmem:s23+$0xFFFFFFF0] =	vst v8  }
0x109: {  	v8 =	vld [tilespmem:s22+$0x0];
	_ =	sdelay $0x4  }
0x10a: {  	v8 =	vshll.u32 v8, $0x1  }
0x10b: {  	v8 =	vor.u32 $0x1, v8  }
0x10c: {  	[tilespmem:s23+$0x0] =	vst v8  }
0x10d: {  	v8 =	vld [tilespmem:s22+$0x10];
	_ =	sdelay $0x4  }
0x10e: {  	v8 =	vshll.u32 v8, $0x1  }
0x10f: {  	v8 =	vor.u32 $0x1, v8  }
0x110: {  	[tilespmem:s23+$0x10] =	vst v8  }
0x111: {  	v8 =	vld [tilespmem:s22+$0x20];
	_ =	sdelay $0x3  }
.Ltmp16:
0x112: {  	(pc) =	sbr.rel @p2 .LBB2_22-.Ltmp16, $4  }
0x113: {  	v8 =	vshll.u32 v8, $0x1  }
0x114: {  	v8 =	vor.u32 $0x1, v8  }
0x115: {  	s22 =	sadd.s32 $0x50, s22;
	[tilespmem:s23+$0x20] =	vst v8  }
0x116: {  	s24 =	sadd.s32 $0xFFFFFFFF, s24;
	v8 =	vld [tilespmem:s22+$0xFFFFFFE0]  }
.LBB2_23:
0x117: {  	_ =	sdelay $0x3  }
0x118: {  	s23 =	sadd.s32 @p1 $0x80, s23;
	v8 =	vshll.u32 v8, $0x1  }
0x119: {  	s21 =	smov.u32 @p1 s23;
	v8 =	vor.u32 $0x1, v8  }
0x11a: {  	[tilespmem:s21+$0xFFFFFFE0] =	vst v8  }
0x11b: {  	v8 =	vld [tilespmem:s22+$0xFFFFFFF0];
	_ =	sdelay $0x4  }
0x11c: {  	v8 =	vshll.u32 v8, $0x1  }
0x11d: {  	v8 =	vor.u32 $0x1, v8  }
0x11e: {  	[tilespmem:s21+$0xFFFFFFF0] =	vst v8  }
0x11f: {  	v8 =	vld [tilespmem:s22+$0x0];
	_ =	sdelay $0x4  }
0x120: {  	v8 =	vshll.u32 v8, $0x1  }
0x121: {  	v8 =	vor.u32 $0x1, v8  }
0x122: {  	[tilespmem:s21+$0x0] =	vst v8  }
0x123: {  	v8 =	vld [tilespmem:s22+$0x10];
	_ =	sdelay $0x4  }
0x124: {  	v8 =	vshll.u32 v8, $0x1  }
0x125: {  	v8 =	vor.u32 $0x1, v8  }
0x126: {  	[tilespmem:s21+$0x10] =	vst v8  }
0x127: {  	v8 =	vld [tilespmem:s22+$0x20];
	_ =	sdelay $0x4  }
0x128: {  	v8 =	vshll.u32 v8, $0x1  }
0x129: {  	v8 =	vor.u32 $0x1, v8  }
0x12a: {  	[tilespmem:s21+$0x20] =	vst v8;
	s21 =	simm.s32 $0x8F00  }
0x12b: {  	[tilespmem:s17], [sflag:$0x1] =	stream.indirect.gather [hbm4b:s2+s16], $0x80, s21, s16, $0xb8;
	[tilespmem:$0x19B00] =	vst v63  }
0x12c: {  	_ =	swait.ge [sflag:s12], $0x2800  }
.Ltmp17:
0x12d: {  	[sflag:s12] =	ssyncset.done $0x0;
	(pc) =	sbr.rel @!p0 .LBB2_25-.Ltmp17, $4  }
0x12e: {  	s22 =	simm.s32 $0x4F00;
	[sflag:s12] =	ssyncadd.s32 $0xFFFFD800  }
0x12f: {  	[spmem:s3] =	stream.indirect.scatter.add.f32 [tilespmem:s17], [sflag:$0x1], $0x80, s22, s16, $0xb8;
	[tilespmem:$0x19B00] =	vst v63  }
0x130: {  	_ =	swait.ge [sflag:s12], $0x2800  }
0x131: {  	[sflag:s12] =	ssyncset.done $0x0  }
.LBB2_24:
0x132: {  	[sflag:s12] =	ssyncadd.s32 $0xFFFFD800;
	s21 =	sadd.s32 $0x80, s21;
	s22 =	sadd.s32 $0x80, s22  }
0x133: {  	[tilespmem:s17], [sflag:$0x1] =	stream.indirect.gather [hbm4b:s2+s16], $0x80, s21, s16, $0xb8;
	[tilespmem:$0x19B00] =	vst v63  }
0x134: {  	p0 =	sne.s32 s19, $0x1;
	s19 =	sadd.s32 $0xFFFFFFFF, s19;
	_ =	swait.ge [sflag:s12], $0x2800  }
.Ltmp18:
0x135: {  	[sflag:s12] =	ssyncset.done $0x0;
	(pc) =	sbr.rel @p0 .LBB2_24-.Ltmp18, $4  }
0x136: {  	[sflag:s12] =	ssyncadd.s32 $0xFFFFD800  }
0x137: {  	[spmem:s3] =	stream.indirect.scatter.add.f32 [tilespmem:s17], [sflag:$0x1], $0x80, s22, s16, $0xb8;
	[tilespmem:$0x19B00] =	vst v63  }
0x138: {  	_ =	swait.ge [sflag:s12], $0x2800  }
0x139: {  	[sflag:s12] =	ssyncset.done $0x0  }
.Ltmp19:
0x13a: {  	_ = 	snop;
	(pc) =	sbr.rel .LBB2_25-.Ltmp19, $1  }
0x13b: {  	_ =	sdelay $0x3  }
.LBB2_5:
.Ltmp20:
0x13c: {  	(pc) =	sbr.rel .LBB2_9-.Ltmp20, $2  }
0x13d: {  	_ =	sdelay $0x2  }
0x13e: {  	s23 =	simm.s32 $0x4F20  }
.LBB2_10:
.Ltmp21:
0x13f: {  	(pc) =	sbr.rel .LBB2_14-.Ltmp21, $2  }
0x140: {  	_ =	sdelay $0x2  }
0x141: {  	s23 =	simm.s32 $0x8F20  }
.LBB2_19:
.Ltmp22:
0x142: {  	(pc) =	sbr.rel .LBB2_23-.Ltmp22, $2  }
0x143: {  	_ =	sdelay $0x2  }
0x144: {  	s23 =	simm.s32 $0x8F20  }
.LBB2_7:
.Ltmp23:
0x145: {  	(pc) =	sbr.rel .LBB2_9-.Ltmp23, $2  }
0x146: {  	_ =	sdelay $0x2  }
0x147: {  	s23 =	simm.s32 $0x4F20  }
.LBB2_12:
.Ltmp24:
0x148: {  	(pc) =	sbr.rel .LBB2_14-.Ltmp24, $2  }
0x149: {  	_ =	sdelay $0x2  }
0x14a: {  	s23 =	simm.s32 $0x8F20  }
.LBB2_21:
.Ltmp25:
0x14b: {  	(pc) =	sbr.rel .LBB2_23-.Ltmp25, $2  }
0x14c: {  	_ =	sdelay $0x2  }
0x14d: {  	s23 =	simm.s32 $0x8F20  }
.LBB2_27:
0x14e: {  	_ =	sfence.sel $0x180000  }
0x14f: {  	[bflag:$0x0] =	sbarrier.arrive $0xFFFF  }
0x150: {  	p0 =	sne.s32 s1, $0x0;
	_ =	strace $0x9000004A  }
0x151: {  	s0 =	sadd.s32 @!p0 $0x100000, s0;
	[bflag:$0x2] =	sbarrier.arrive $0xFFFF  }
0x152: {  	[sflag:s0] =	ssyncadd.tile.s32 @!p0 $0x1;
	_ =	shalt  }
.Lfunc_end2:
_tile_overlayer_lowered:
.L_overlay_start_2:
0x153: {  	(tag) =	ssettag $0x2  }
0x154: {  	s0 =	rddreg [dreg:$0x0];
	s2 =	stileid.u32  }
0x155: {  	s1 =	rddreg [dreg:$0x1];
	p0 =	sne.s32 s2, $0x0  }
0x156: {  	s3 =	rddreg [dreg:$0x2];
	[bflag:$0x3] =	sbarrier.arrive $0xFFFF;
	s2 =	simm.s32 @!p0 $0x1C01  }
0x157: {  	[timem:s3], [sflag:s2] =	dma.local @!p0 [hbm:s0], s1  }
0x158: {  	s0 =	simm.s32 @!p0 $0x1  }
0x159: {  	_ =	swait.ge @!p0 [sflag:s0], s1  }
0x15a: {  	s1 =	ssub.s32 @!p0 $0x0, s1;
	[sflag:s0] =	ssyncset.done @!p0 $0x0  }
0x15b: {  	[sflag:s0] =	ssyncadd.s32 @!p0 s1  }
0x15c: {  	[bflag:$0x3] =	sbarrier.arrive $0xFFFF  }
0x15d: {  	_ =	shalt  }

// kernel: kernel.13.cloned.1.call-start
scs
__scs_entry_jumppad:
0x0: {  	(pc) =	sbr.rel $0x88, $3  }
0x1: {  	(tag) =	ssettag $0x0;
	lr =	simm.s32 $0x1  }
0x2: {  	[smem:$0x3F9B] =	sst lr;
	_ =	strace $0xD0000000  }
0x3: {  	_ = 	snop  }
0x4: {  	_ = 	snop  }
0x5: {  	_ = 	snop  }
0x6: {  	_ = 	snop  }
0x7: {  	_ = 	snop  }
__scs_overlays_trampoline_lowered:
0x8: {  	[smem:$0x3FAA] =	sst s0  }
0x9: {  	[smem:$0x3FAB] =	sst s1  }
0xa: {  	[smem:$0x3FAC] =	sst s2  }
0xb: {  	[smem:$0x3FAD] =	sst s3  }
0xc: {  	[smem:$0x3FAE] =	sst s4  }
0xd: {  	[smem:$0x3FAF] =	sst s5  }
0xe: {  	[smem:$0x3FB0] =	sst s6  }
0xf: {  	[smem:$0x3FB1] =	sst s7  }
0x10: {  	[smem:$0x3FB2] =	sst s8  }
0x11: {  	[smem:$0x3FB3] =	sst s9;
	s0 =	simm.s32 @!p0 $0x0  }
0x12: {  	s1 =	sld [smem:$0x3F99];
	s0 =	simm.s32 @p0 $0x1  }
0x13: {  	[smem:$0x3FB4] =	sst s0;
	s0 =	simm.s32 @!p1 $0x0  }
0x14: {  	s2 =	sld [smem:$0x3F98];
	s0 =	simm.s32 @p1 $0x1  }
0x15: {  	[smem:$0x3FB5] =	sst s0;
	s0 =	simm.s32 @!p2 $0x0  }
0x16: {  	s3 =	sld [smem:$0x3FDB];
	s0 =	simm.s32 @p2 $0x1  }
0x17: {  	s4 =	simm.s32 $0x1BF5;
	[smem:$0x3FB7] =	sst s0  }
0x18: {  	s0 =	sld [smem:$0x3F9A];
	_ =	swait.ge [sflag:s4], $0x0  }
0x19: {  	s7 =	sld [smem:$0x3F9B]  }
0x1a: {  	s8 =	sadd.s32 $0xFFFFE003, lr  }
0x1b: {  	s9 =	sadd.s32 $0xFFFFFEF7, lr;
	s5 =	simm.s32 $0xFFFFFFFF;
	p2 =	slt.u32 s8, $0xFFFFF086  }
0x1c: {  	p1 =	slt.u32 s9, $0xF7A;
	s5 =	simm.s32 @!p2 $0x0  }
0x1d: {  	s5 =	simm.s32 @p1 $0x1;
	p0 =	seq.s32 s7, s2  }
0x1e: {  	s7 =	smul.u32 @!p0 $0xF7A, s2;
	p2 =	seq.s32 @!p0 s5, $0x0  }
0x1f: {  	s9 =	smul.u32 $0xF7A, s1;
	s8 =	simm.s32 @!p0 $0x1BF5;
	p2 =	por !p2, p0  }
0x20: {  	[sflag:s8] =	ssyncset.s32 @!p0 $0xFFFFF086;
	s6 =	sadd.s32 @!p0 s3, s7;
	s7 =	simm.s32 @!p0 $0x108  }
0x21: {  	s3 =	sadd.s32 s3, s9;
	s6 =	sadd.s32 @!p0 $0x88, s6;
	s7 =	simm.s32 @p2 $0x1082  }
0x22: {  	[simem:s7], [sflag:s8] =	dma.local @!p0 [hbm:s6], $0xF7A  }
0x23: {  	s9 =	sor.u32 $0xD0000000, s2;
	s6 =	simm.s32 $0x108;
	_ =	swait.ge @!p0 [sflag:s8], $0x0  }
0x24: {  	s3 =	sadd.s32 $0x88, s3;
	s6 =	simm.s32 @!p1 $0x1082;
	[sflag:s4] =	ssyncset.s32 $0xFFFFF086  }
0x25: {  	[simem:s6], [sflag:s4] =	dma.local [hbm:s3], $0xF7A  }
0x26: {  	[smem:$0x3F9B] =	sst s1;
	(tag) =	ssettag s2;
	_ =	strace s9  }
0x27: {  	s1 =	sld [smem:$0x3FAB]  }
0x28: {  	s2 =	sld [smem:$0x3FAC]  }
0x29: {  	s4 =	sld [smem:$0x3FAE]  }
0x2a: {  	p0 =	seq.s32 s5, $0x0;
	s5 =	sld [smem:$0x3FAF]  }
0x2b: {  	s6 =	sld [smem:$0x3FB0]  }
0x2c: {  	s7 =	sld [smem:$0x3FB1]  }
0x2d: {  	s3 =	simm.s32 $0x108;
	s8 =	sld [smem:$0x3FB2]  }
0x2e: {  	s3 =	simm.s32 @!p0 $0x1082;
	s9 =	sld [smem:$0x3FB3]  }
0x2f: {  	lr =	sadd.s32 s0, s3;
	s0 =	sld [smem:$0x3FAA]  }
0x30: {  	s3 =	sld [smem:$0x3FAD]  }
0x31: {  	[smem:$0x3FB6] =	sst s10  }
0x32: {  	s10 =	sld [smem:$0x3FB4];
	_ =	sdelay $0x3  }
0x33: {  	p0 =	seq.s32 s10, $0x1;
	s10 =	sld [smem:$0x3FB6];
	_ =	sdelay $0x3  }
0x34: {  	[smem:$0x3FB6] =	sst s10  }
0x35: {  	s10 =	sld [smem:$0x3FB5];
	_ =	sdelay $0x3  }
0x36: {  	p1 =	seq.s32 s10, $0x1;
	s10 =	sld [smem:$0x3FB6];
	_ =	sdelay $0x3  }
0x37: {  	[smem:$0x3FB6] =	sst s10  }
0x38: {  	s10 =	sld [smem:$0x3FB7]  }
0x39: {  	_ = 	snop;
	(pc) =	sbr.ind lr, $3  }
0x3a: {  	_ = 	snop  }
0x3b: {  	_ = 	snop  }
0x3c: {  	p2 =	seq.s32 s10, $0x1;
	s10 =	sld [smem:$0x3FB6]  }
0x3d: {  	_ =	shalt  }
0x3e: {  	_ =	shalt  }
0x3f: {  	_ =	shalt  }
0x40: {  	_ =	shalt  }
0x41: {  	_ =	shalt  }
0x42: {  	_ =	shalt  }
0x43: {  	_ =	shalt  }
0x44: {  	_ =	shalt  }
0x45: {  	_ =	shalt  }
0x46: {  	_ =	shalt  }
0x47: {  	_ =	shalt  }
0x48: {  	_ =	shalt  }
0x49: {  	_ =	shalt  }
0x4a: {  	_ =	shalt  }
0x4b: {  	_ =	shalt  }
0x4c: {  	_ =	shalt  }
0x4d: {  	_ =	shalt  }
0x4e: {  	_ =	shalt  }
0x4f: {  	_ =	shalt  }
0x50: {  	_ =	shalt  }
0x51: {  	_ =	shalt  }
0x52: {  	_ =	shalt  }
0x53: {  	_ =	shalt  }
0x54: {  	_ =	shalt  }
0x55: {  	_ =	shalt  }
0x56: {  	_ =	shalt  }
0x57: {  	_ =	shalt  }
0x58: {  	_ =	shalt  }
0x59: {  	_ =	shalt  }
0x5a: {  	_ =	shalt  }
0x5b: {  	_ =	shalt  }
0x5c: {  	_ =	shalt  }
0x5d: {  	_ =	shalt  }
0x5e: {  	_ =	shalt  }
0x5f: {  	_ =	shalt  }
0x60: {  	_ =	shalt  }
0x61: {  	_ =	shalt  }
0x62: {  	_ =	shalt  }
0x63: {  	_ =	shalt  }
0x64: {  	_ =	shalt  }
0x65: {  	_ =	shalt  }
0x66: {  	_ =	shalt  }
0x67: {  	_ =	shalt  }
0x68: {  	_ =	shalt  }
0x69: {  	_ =	shalt  }
0x6a: {  	_ =	shalt  }
0x6b: {  	_ =	shalt  }
0x6c: {  	_ =	shalt  }
0x6d: {  	_ =	shalt  }
0x6e: {  	_ =	shalt  }
0x6f: {  	_ =	shalt  }
0x70: {  	_ =	shalt  }
0x71: {  	_ =	shalt  }
0x72: {  	_ =	shalt  }
0x73: {  	_ =	shalt  }
0x74: {  	_ =	shalt  }
0x75: {  	_ =	shalt  }
0x76: {  	_ =	shalt  }
0x77: {  	_ =	shalt  }
0x78: {  	_ =	shalt  }
0x79: {  	_ =	shalt  }
0x7a: {  	_ =	shalt  }
0x7b: {  	_ =	shalt  }
0x7c: {  	_ =	shalt  }
0x7d: {  	_ =	shalt  }
0x7e: {  	_ =	shalt  }
0x7f: {  	_ =	shalt  }
0x80: {  	_ =	shalt  }
0x81: {  	_ =	shalt  }
0x82: {  	_ =	shalt  }
0x83: {  	_ =	shalt  }
0x84: {  	_ =	shalt  }
0x85: {  	_ =	shalt  }
0x86: {  	_ =	shalt  }
0x87: {  	_ =	shalt  }
.Lfunc_end0:
.L_simem_size_0:
called_computation.2_lowered:
.L_overlay_start_0:
0x88: {  	s2 =	sld [smem:$0x3FD9]  }
0x89: {  	s3 =	sld [smem:$0x3FFE];
	_ =	sdelay $0x1  }
0x8a: {  	s1 =	srdreg.scid  }
0x8b: {  	s0 =	sand.u32 $0x1, s1  }
0x8c: {  	s16 =	sshll.u32 s0, $0xA;
	s2 =	sadd.s32 s3, s2  }
0x8d: {  	s2 =	sadd.s32 s2, s16  }
0x8e: {  	[smem:$0x3FC2] =	sst s2  }
0x8f: {  	_ = 	snop  }
0x90: {  	(tm) =	ssettm $0x1  }
0x91: {  	s17 =	sld [smem:$0x3FFB];
	_ =	sdelay $0x3  }
0x92: {  	_ =	strace s17  }
0x93: {  	s2 =	sld [smem:$0x3FFC];
	_ =	sdelay $0x3  }
0x94: {  	_ =	strace s2  }
0x95: {  	s2 =	sld [smem:$0x3FFD];
	_ =	sdelay $0x3  }
0x96: {  	_ =	strace s2  }
0x97: {  	_ =	strace $0x8FFFFFFF  }
0x98: {  	s18 =	sld [smem:$0x3FDB];
	_ =	sdelay $0x1  }
0x99: {  	s19 =	simm.s32 $_scs_section_size  }
0x9a: {  	s4 =	simm.s32 $_size__tile_overlayer_lowered;
	s5 =	simm.s32 $_tile_overlayer_lowered  }
0x9b: {  	s22 =	simm.s32 $0x1BFF;
	s21 =	sshll.u32 s5, $0x1;
	s2 =	sadd.s32 s19, s18  }
0x9c: {  	s6 =	simm.s32 $0x0;
	s20 =	sshll.u32 s4, $0x1;
	s4 =	sadd.s32 s21, s2  }
0x9d: {  	[timem:s6], [sflag:s22] =	dma.local [hbm:s4], s20  }
0x9e: {  	_ =	swait.ge [sflag:s22], s20  }
0x9f: {  	s3 =	ssub.s32 $0x0, s20;
	[sflag:s22] =	ssyncset.done $0x0  }
0xa0: {  	[sflag:s22] =	ssyncadd.s32 s3;
	_ =	sdelay $0x1  }
0xa1: {  	s23 =	simm.s32 $0x1B8B  }
0xa2: {  	_ =	swait.ge [sflag:s23], $0x1  }
0xa3: {  	[sflag:s23] =	ssyncset.done $0x0  }
0xa4: {  	s25 =	simm.s32 $0x1B8E;
	s24 =	sld [smem:$0x3FFE];
	[sflag:s23] =	ssyncadd.s32 $0xFFFFFFFF  }
0xa5: {  	s26 =	simm.s32 $execute0_lowered;
	[smem:$0x3FD2] =	sst s25  }
0xa6: {  	s4 =	sshll.u32 s26, $0x1;
	_ =	strace $0x8000004C;
	[dreg:$0x1] =	wrdreg $0xFFFFFFFF  }
0xa7: {  	s28 =	simm.s32 $_size_execute0_lowered;
	s2 =	sadd.s32 s2, s4;
	[dreg:$0x0] =	wrdreg $0x0  }
0xa8: {  	s4 =	sshll.u32 s28, $0x1;
	[dreg:$0x2] =	wrdreg s2  }
0xa9: {  	[dreg:$0x3] =	wrdreg s4  }
0xaa: {  	[dreg:$0x4] =	wrdreg $0xC0  }
0xab: {  	_ =	task [dreg:s6], $0x5FFFF  }
0xac: {  	[dreg:$0x1] =	wrdreg $0xFFFFFFFF  }
0xad: {  	[dreg:$0x0] =	wrdreg $0x60  }
0xae: {  	[dreg:$0x2] =	wrdreg s24  }
0xaf: {  	[dreg:$0x3] =	wrdreg $0xF7000  }
0xb0: {  	[dreg:$0x4] =	wrdreg $0x9  }
0xb1: {  	_ =	task.clear_ibuf [dreg:s6], $0x5FFFF;
	_ =	strace $0x9000004C  }
0xb2: {  	s29 =	simm.s32 $0x9;
	_ =	strace $0x8000004E  }
0xb3: {  	_ =	swait.ge [sflag:s29], $0x1  }
0xb4: {  	[sflag:s29] =	ssyncadd.s32 $0xFFFFFFFF  }
0xb5: {  	_ =	strace $0x9000004E  }
0xb6: {  	_ =	sfence  }
0xb7: {  	s30 =	sld [smem:$0x0];
	_ =	sdelay $0x2  }
0xb8: {  	s31 =	sshll.u32 s1, $0xD;
	s1 =	sshrl.u32 s1, $0x2  }
0xb9: {  	s3 =	sand.u32 $0x4000, s31;
	s1 =	sadd.s32 s1, s30  }
0xba: {  	s0 =	sor.u32 s3, s0;
	s1 =	sshll.u32 s1, $0x11  }
0xbb: {  	s0 =	sor.u32 s1, s0  }
0xbc: {  	s0 =	sadd.s32 $0x8F2B, s0  }
0xbd: {  	[sflag:s0] =	ssyncadd.remote.s32 $0x1  }
0xbe: {  	_ =	sfence.sel $0xFFFF  }
0xbf: {  	[dreg:$0x0] =	wrdreg $0xFFFFFFFF;
	(pc) =	sbr.abs _section_cstart, $3  }
0xc0: {  	[dreg:$0x1] =	wrdreg $0xFFFFFFFF  }
0xc1: {  	_ =	task.clear_ibuf [dreg:s6], $0x2FFFF;
	_ =	strace $0x9FFFFFFF  }
0xc2: {  	(tm) =	ssettm $0x7FFFFFFF  }
0xc3: {  	_ =	shalt  }
tec
execute0_lowered:
.L_overlay_start_1:
0x0: {  	(tag) =	ssettag $0x1  }
0x1: {  	s5 =	rddreg [dreg:$0x0]  }
0x2: {  	s2 =	rddreg [dreg:$0x1];
	s1 =	stileid.u32  }
0x3: {  	s0 =	rddreg [dreg:$0x2];
	s6 =	smul.u32 $0x4E2, s1  }
0x4: {  	s4 =	srdreg.scid;
	s7 =	smul.u32 $0x1480, s1  }
0x5: {  	s3 =	simm.s32 $0x0;
	s18 =	simm.s32 $0x50;
	s9 =	smul.u32 $0x140, s1  }
0x6: {  	s19 =	simm.s32 $0xCF00;
	s20 =	simm.s32 $0x0;
	s12 =	smul.u32 $0x29000, s1  }
0x7: {  	s8 =	sand.u32 $0x1, s4;
	[smem:$0x7FF] =	sst s3;
	s31 =	smul.u32 $0x28000, s1  }
0x8: {  	s4 =	sadd.s32 $0x134600, s5;
	s16 =	sshll.u32 s1, $0x6;
	s10 =	smul.u32 $0x1400, s8  }
0x9: {  	_ =	strace $0x8000004D;
	s29 =	ssub.s32 $0x2, s8;
	s15 =	smul.u32 $0xFFFFEC00, s8  }
0xa: {  	s16 =	sor.u32 $0x1C01, s16;
	s6 =	sadd.s32 s6, s5;
	s7 =	sadd.s32 s7, s5  }
0xb: {  	s11 =	sshrl.u32 s29, $0x1;
	s30 =	sshrl.u32 s12, $0x2;
	s9 =	sadd.s32 s9, s10  }
0xc: {  	s14 =	ssub.s32 s29, s11;
	s17 =	sadd.s32 s30, s2;
	s7 =	sadd.s32 $0xBA00, s7  }
.Ltmp0:
0xd: {  	s10 =	sshrl.u32 s31, $0x2;
	s9 =	sshll.u32 s9, $0x4;
	(pc) =	sbr.rel .LBB2_1-.Ltmp0, $4  }
0xe: {  	v7 =	vlaneseq.u32;
	v0 =	vmov s15;
	s15 =	simm.s32 $0x2780;
	s10 =	sadd.s32 s10, s2;
	s13 =	sadd.s32 s9, s5  }
0xf: {  	v2 =	vor.u32 $0x2760, v7;
	s5 =	sadd.s32 $0x6A00, s6;
	s6 =	sadd.s32 $0x1A00, s6;
	s8 =	sadd.s32 $0x1D0A00, s13  }
0x10: {  	v1 =	vimm.s32 $0x0;
	v3 =	vor.u32 $0x1400, v7;
	v4 =	vor.u32 $0x1410, v7;
	s17 =	sshrl.u32 s17, $0x3;
	s9 =	sadd.s32 $0x1F8A00, s13;
	s11 =	sadd.s32 $0x220A00, s13  }
0x11: {  	v5 =	vor.u32 $0x1420, v7;
	v6 =	vor.u32 $0x1430, v7;
	v7 =	vor.u32 $0x1440, v7;
	s12 =	sadd.s32 $0x248A00, s13;
	s13 =	smax.u32 s14, $0x1;
	s14 =	simm.s32 $0x1  }
.LBB2_43:
0x12: {  	[sflag:s14] =	ssyncadd.s32 $0xFFFFD800  }
.LBB2_44:
0x13: {  	s20 =	sadd.s32 $0x1, s20  }
0x14: {  	p0 =	sne.s32 s20, s13  }
.Ltmp1:
0x15: {  	[bflag:$0x0] =	sbarrier.arrive $0xFFFF;
	(pc) =	sbr.rel @!p0 .LBB2_45-.Ltmp1, $4  }
0x16: {  	[hbm:s12], [sflag:s16] =	dma.local [spmem:s22], $0x1400  }
0x17: {  	_ =	swait.ge [sflag:s14], $0x1400  }
0x18: {  	[sflag:s14] =	ssyncset.done $0x0  }
0x19: {  	[sflag:s14] =	ssyncadd.s32 $0xFFFFEC00  }
.LBB2_1:
0x1a: {  	[tilespmem:s3], [sflag:$0x1] =	stream.linear.gather [hbm4b:s5+s3], $0x2710, $0x38;
	[tilespmem:$0x19B00] =	vst v63  }
0x1b: {  	_ =	swait.ge [sflag:s14], $0x2710  }
0x1c: {  	[sflag:s14] =	ssyncset.done $0x0  }
0x1d: {  	[sflag:s14] =	ssyncadd.s32 $0xFFFFD8F0  }
0x1e: {  	[tilespmem:s15], [sflag:$0x1] =	stream.linear.gather [hbm4b:s6+s3], $0x2710, $0x38;
	[tilespmem:$0x19B00] =	vst v63  }
0x1f: {  	_ =	swait.ge [sflag:s14], $0x2710  }
0x20: {  	[sflag:s14] =	ssyncset.done $0x0  }
0x21: {  	[sflag:s14] =	ssyncadd.s32 $0xFFFFD8F0  }
0x22: {  	[spmem:s17], [sflag:s16] =	dma.local [hbm:s7], $0x1480  }
0x23: {  	_ =	swait.ge [sflag:s14], $0x1480  }
0x24: {  	[sflag:s14] =	ssyncset.done $0x0  }
0x25: {  	s21 =	simm.s32 $0x0;
	[sflag:s14] =	ssyncadd.s32 $0xFFFFEB80  }
0x26: {  	v8 =	vld [tilespmem:s21+$0x2780];
	_ =	sdelay $0x4  }
0x27: {  	v8 =	vadd.s32 v0, v8  }
0x28: {  	vm0 =	vlt.u32 v8, $0x1400  }
0x29: {  	v9 =	vsel vm0, $0x1, v1  }
0x2a: {  	(xrf0) =	vadd.scan.msk.s32 $0xffff, v9;
	_ =	sdelay $0x2  }
0x2b: {  	v63 =	vmov s3  }
0x2c: {  	v9 =	vadd.s32 $0xFFFFFFFF, v63  }
0x2d: {  	v9 =	vbroadcast v9, $0x0  }
0x2e: {  	v10, _, _ =	vpop (xrf0)  }
0x2f: {  	v9 =	vadd.s32 v10, v9;
	(v2sf) =	vpush v10, $0xF  }
0x30: {  	v11 =	vld [tilespmem:s21+$0x0];
	v9 =	vsel vm0, v9, v2;
	_ =	sdelay $0x4  }
0x31: {  	[tilespmem:v9+s3+$0x0] =	vst.idx.msk $0xffff, v11  }
0x32: {  	s23 =	simm.s32 $0x80;
	s22 =	simm.s32 $0x0;
	s21 =	simm.s32 $0x10;
	[tilespmem:v9+s15+$0x0] =	vst.idx.msk $0xffff, v8  }
.LBB2_2:
0x33: {  	p0 =	sne.s32 s23, $0x9C00;
	v8 =	vld [tilespmem:s21+$0x2780];
	_ =	sdelay $0x4  }
0x34: {  	v8 =	vadd.s32 v0, v8  }
0x35: {  	vm0 =	vlt.u32 v8, $0x1400  }
0x36: {  	v9 =	vsel vm0, $0x1, v1;
	s24 =	spop (v2sf)  }
0x37: {  	(xrf0) =	vadd.scan.msk.s32 $0xffff, v9;
	s22 =	sadd.s32 s22, s24  }
0x38: {  	v9 =	vmov s22  }
0x39: {  	v9 =	vadd.s32 $0xFFFFFFFF, v9  }
0x3a: {  	v9 =	vbroadcast v9, $0x0;
	_ =	sdelay $0x2  }
0x3b: {  	v10, _, _ =	vpop (xrf0)  }
0x3c: {  	v9 =	vadd.s32 v10, v9;
	(v2sf) =	vpush v10, $0xF  }
0x3d: {  	v9 =	vsel vm0, v9, v2;
	v10 =	vld [tilespmem:s21+$0x0];
	_ =	sdelay $0x1  }
.Ltmp2:
0x3e: {  	(pc) =	sbr.rel @p0 .LBB2_2-.Ltmp2, $3  }
0x3f: {  	_ =	sdelay $0x1  }
0x40: {  	[tilespmem:v9+s3+$0x0] =	vst.idx.msk $0xffff, v10  }
0x41: {  	s21 =	sshra.s32 s23, $0x2;
	s23 =	sadd.s32 $0x40, s23;
	[tilespmem:v9+s15+$0x0] =	vst.idx.msk $0xffff, v8  }
0x42: {  	v8 =	vld [tilespmem:s21+$0x2780];
	_ =	sdelay $0x4  }
0x43: {  	v8 =	vadd.s32 v0, v8  }
0x44: {  	vm0 =	vlt.u32 v8, $0x1400  }
0x45: {  	v9 =	vsel vm0, $0x1, v1  }
0x46: {  	(xrf0) =	vadd.scan.msk.s32 $0xffff, v9;
	_ =	sdelay $0x5  }
0x47: {  	v9, _, _ =	vpop (xrf0)  }
0x48: {  	(v2sf) =	vpush v9, $0xF;
	_ =	sdelay $0xc  }
0x49: {  	s23 =	spop (v2sf)  }
0x4a: {  	s22 =	sadd.s32 s22, s23  }
0x4b: {  	v10 =	vmov s22;
	s29 =	spop (v2sf)  }
0x4c: {  	v10 =	vadd.s32 $0xFFFFFFFF, v10;
	s22 =	sadd.s32 s22, s29  }
0x4d: {  	v10 =	vbroadcast v10, $0x0;
	s30 =	sadd.s32 $0x4F, s22  }
0x4e: {  	s31 =	smulhi.u32 $0x66666667, s30;
	s24 =	sshra.s32 s30, $0x1F  }
0x4f: {  	v9 =	vadd.s32 v9, v10;
	s24 =	smul.u32 $0x66666667, s24  }
0x50: {  	v63 =	vld [tilespmem:s21+$0x0];
	v9 =	vsel vm0, v9, v2  }
0x51: {  	s23 =	sadd.s32 s24, s31  }
0x52: {  	s24 =	sshrl.u32 s23, $0x1F;
	s23 =	sshra.s32 s23, $0x5  }
0x53: {  	s23 =	sadd.s32 s24, s23  }
0x54: {  	s24 =	smul.u32 $0xFFFFFFB0, s23  }
0x55: {  	[tilespmem:v9+s3+$0x0] =	vst.idx.msk $0xffff, v63;
	s25 =	ssub.s32 $0xFFFFFFB1, s22  }
0x56: {  	[tilespmem:v9+s15+$0x0] =	vst.idx.msk $0xffff, v8;
	p0 =	slt.s32 s30, $0x1;
	p1 =	sne.s32 s24, s25  }
0x57: {  	[tilespmem:s22+$0x0] =	vst v1;
	p0 =	por !p0, !p1  }
0x58: {  	s21 =	simm.s32 $0x1;
	[tilespmem:s22+$0x2780] =	vst v3;
	p0 =	por !p0, !p0  }
0x59: {  	[tilespmem:s22+$0x10] =	vst v1;
	s21 =	simm.s32 @!p0 $0x0  }
0x5a: {  	[tilespmem:s22+$0x2790] =	vst v4;
	s21 =	ssub.s32 s23, s21  }
0x5b: {  	[tilespmem:s22+$0x20] =	vst v1;
	p0 =	slt.s32 s21, $0x1  }
.Ltmp3:
0x5c: {  	[tilespmem:s22+$0x27A0] =	vst v5;
	(pc) =	sbr.rel @p0 .LBB2_46-.Ltmp3, $4  }
0x5d: {  	[tilespmem:s22+$0x30] =	vst v1  }
0x5e: {  	[tilespmem:s22+$0x27B0] =	vst v6  }
0x5f: {  	[tilespmem:s22+$0x40] =	vst v1  }
0x60: {  	[tilespmem:s22+$0x27C0] =	vst v7  }
0x61: {  	p1 =	sne.s32 s21, $0x1  }
.Ltmp4:
0x62: {  	_ = 	snop;
	(pc) =	sbr.rel @!p1 .LBB2_5-.Ltmp4, $3  }
0x63: {  	_ =	sdelay $0x1  }
0x64: {  	s24 =	simm.s32 $0x27A0  }
0x65: {  	s23 =	simm.s32 $0x4F20;
	s22 =	sadd.s32 $0xFFFFFFFF, s21;
	p2 =	por $0x0, $0x0;
	v8 =	vld [tilespmem:s24+$0xFFFFFFE0]  }
0x66: {  	_ =	sdelay $0x3  }
0x67: {  	[tilespmem:s23+$0xFFFFFFE0] =	vst v8  }
0x68: {  	v8 =	vld [tilespmem:s24+$0xFFFFFFF0];
	_ =	sdelay $0x4  }
0x69: {  	[tilespmem:s23+$0xFFFFFFF0] =	vst v8  }
0x6a: {  	v8 =	vld [tilespmem:s24+$0x0];
	_ =	sdelay $0x4  }
0x6b: {  	[tilespmem:s23+$0x0] =	vst v8  }
0x6c: {  	v8 =	vld [tilespmem:s24+$0x10];
	_ =	sdelay $0x4  }
0x6d: {  	[tilespmem:s23+$0x10] =	vst v8  }
0x6e: {  	v8 =	vld [tilespmem:s24+$0x20]  }
0x6f: {  	p3 =	sne.s32 s22, $0x1  }
.Ltmp5:
0x70: {  	_ = 	snop;
	(pc) =	sbr.rel @!p3 .LBB2_7-.Ltmp5, $3  }
0x71: {  	_ =	sdelay $0x1  }
0x72: {  	s24 =	simm.s32 $0x27F0;
	[tilespmem:s23+$0x20] =	vst v8  }
0x73: {  	s26 =	sadd.s32 $0xFFFFFFFF, s22;
	p2 =	por $0x1, $0x1;
	s25 =	simm.s32 $0x4F20;
	v8 =	vld [tilespmem:s24+$0xFFFFFFE0]  }
.LBB2_8:
0x74: {  	p3 =	sne.s32 s26, $0x1;
	_ =	sdelay $0x2  }
0x75: {  	s25 =	sadd.s32 $0x80, s25  }
0x76: {  	[tilespmem:s25+$0xFFFFFFE0] =	vst v8  }
0x77: {  	v8 =	vld [tilespmem:s24+$0xFFFFFFF0];
	_ =	sdelay $0x4  }
0x78: {  	[tilespmem:s25+$0xFFFFFFF0] =	vst v8  }
0x79: {  	v8 =	vld [tilespmem:s24+$0x0];
	_ =	sdelay $0x4  }
0x7a: {  	[tilespmem:s25+$0x0] =	vst v8  }
0x7b: {  	v8 =	vld [tilespmem:s24+$0x10];
	_ =	sdelay $0x4  }
0x7c: {  	[tilespmem:s25+$0x10] =	vst v8  }
0x7d: {  	v8 =	vld [tilespmem:s24+$0x20];
	_ =	sdelay $0x1  }
.Ltmp6:
0x7e: {  	(pc) =	sbr.rel @p3 .LBB2_8-.Ltmp6, $3  }
0x7f: {  	_ =	sdelay $0x1  }
0x80: {  	s24 =	sadd.s32 $0x50, s24;
	[tilespmem:s25+$0x20] =	vst v8  }
0x81: {  	s26 =	sadd.s32 $0xFFFFFFFF, s26;
	v8 =	vld [tilespmem:s24+$0xFFFFFFE0]  }
.LBB2_9:
0x82: {  	_ =	sdelay $0x1  }
0x83: {  	s25 =	sadd.s32 @p2 $0x80, s25  }
0x84: {  	s23 =	smov.u32 @p2 s25  }
0x85: {  	[tilespmem:s23+$0xFFFFFFE0] =	vst v8  }
0x86: {  	v8 =	vld [tilespmem:s24+$0xFFFFFFF0];
	_ =	sdelay $0x4  }
0x87: {  	[tilespmem:s23+$0xFFFFFFF0] =	vst v8  }
0x88: {  	v8 =	vld [tilespmem:s24+$0x0];
	_ =	sdelay $0x4  }
0x89: {  	[tilespmem:s23+$0x0] =	vst v8  }
0x8a: {  	v8 =	vld [tilespmem:s24+$0x10];
	_ =	sdelay $0x4  }
0x8b: {  	[tilespmem:s23+$0x10] =	vst v8  }
0x8c: {  	v8 =	vld [tilespmem:s24+$0x20];
	_ =	sdelay $0x2  }
.Ltmp7:
0x8d: {  	_ = 	snop;
	(pc) =	sbr.rel @!p1 .LBB2_10-.Ltmp7, $4  }
0x8e: {  	_ = 	snop  }
0x8f: {  	[tilespmem:s23+$0x20] =	vst v8  }
0x90: {  	s24 =	simm.s32 $0x20;
	[bflag:$0x0] =	sbarrier.arrive $0xFFFF  }
0x91: {  	p2 =	por $0x0, $0x0;
	s23 =	simm.s32 $0x8F20;
	v8 =	vld [tilespmem:s24+$0xFFFFFFE0]  }
0x92: {  	_ =	sdelay $0x3  }
0x93: {  	v8 =	vshll.u32 v8, $0x2  }
0x94: {  	[tilespmem:s23+$0xFFFFFFE0] =	vst v8  }
0x95: {  	v8 =	vld [tilespmem:s24+$0xFFFFFFF0];
	_ =	sdelay $0x4  }
0x96: {  	v8 =	vshll.u32 v8, $0x2  }
0x97: {  	[tilespmem:s23+$0xFFFFFFF0] =	vst v8  }
0x98: {  	v8 =	vld [tilespmem:s24+$0x0];
	_ =	sdelay $0x4  }
0x99: {  	v8 =	vshll.u32 v8, $0x2  }
0x9a: {  	[tilespmem:s23+$0x0] =	vst v8  }
0x9b: {  	v8 =	vld [tilespmem:s24+$0x10];
	_ =	sdelay $0x4  }
0x9c: {  	v8 =	vshll.u32 v8, $0x2  }
0x9d: {  	[tilespmem:s23+$0x10] =	vst v8  }
0x9e: {  	v8 =	vld [tilespmem:s24+$0x20];
	_ =	sdelay $0x1  }
0x9f: {  	p3 =	sne.s32 s22, $0x1  }
.Ltmp8:
0xa0: {  	_ = 	snop;
	(pc) =	sbr.rel @!p3 .LBB2_12-.Ltmp8, $4  }
0xa1: {  	_ = 	snop  }
0xa2: {  	v8 =	vshll.u32 v8, $0x2  }
0xa3: {  	s24 =	simm.s32 $0x70;
	[tilespmem:s23+$0x20] =	vst v8  }
0xa4: {  	s26 =	sadd.s32 $0xFFFFFFFF, s22;
	p2 =	por $0x1, $0x1;
	s25 =	simm.s32 $0x8F20;
	v8 =	vld [tilespmem:s24+$0xFFFFFFE0]  }
.LBB2_13:
0xa5: {  	p3 =	sne.s32 s26, $0x1;
	_ =	sdelay $0x3  }
0xa6: {  	s25 =	sadd.s32 $0x80, s25;
	v8 =	vshll.u32 v8, $0x2  }
0xa7: {  	[tilespmem:s25+$0xFFFFFFE0] =	vst v8  }
0xa8: {  	v8 =	vld [tilespmem:s24+$0xFFFFFFF0];
	_ =	sdelay $0x4  }
0xa9: {  	v8 =	vshll.u32 v8, $0x2  }
0xaa: {  	[tilespmem:s25+$0xFFFFFFF0] =	vst v8  }
0xab: {  	v8 =	vld [tilespmem:s24+$0x0];
	_ =	sdelay $0x4  }
0xac: {  	v8 =	vshll.u32 v8, $0x2  }
0xad: {  	[tilespmem:s25+$0x0] =	vst v8  }
0xae: {  	v8 =	vld [tilespmem:s24+$0x10];
	_ =	sdelay $0x4  }
0xaf: {  	v8 =	vshll.u32 v8, $0x2  }
0xb0: {  	[tilespmem:s25+$0x10] =	vst v8  }
0xb1: {  	v8 =	vld [tilespmem:s24+$0x20];
	_ =	sdelay $0x2  }
.Ltmp9:
0xb2: {  	(pc) =	sbr.rel @p3 .LBB2_13-.Ltmp9, $4  }
0xb3: {  	_ = 	snop  }
0xb4: {  	v8 =	vshll.u32 v8, $0x2  }
0xb5: {  	s24 =	sadd.s32 $0x50, s24;
	[tilespmem:s25+$0x20] =	vst v8  }
0xb6: {  	s26 =	sadd.s32 $0xFFFFFFFF, s26;
	v8 =	vld [tilespmem:s24+$0xFFFFFFE0]  }
.LBB2_14:
0xb7: {  	_ =	sdelay $0x2  }
0xb8: {  	s25 =	sadd.s32 @p2 $0x80, s25  }
0xb9: {  	s23 =	smov.u32 @p2 s25;
	v8 =	vshll.u32 v8, $0x2  }
0xba: {  	[tilespmem:s23+$0xFFFFFFE0] =	vst v8  }
0xbb: {  	v8 =	vld [tilespmem:s24+$0xFFFFFFF0];
	_ =	sdelay $0x4  }
0xbc: {  	v8 =	vshll.u32 v8, $0x2  }
0xbd: {  	[tilespmem:s23+$0xFFFFFFF0] =	vst v8  }
0xbe: {  	v8 =	vld [tilespmem:s24+$0x0];
	_ =	sdelay $0x4  }
0xbf: {  	v8 =	vshll.u32 v8, $0x2  }
0xc0: {  	[tilespmem:s23+$0x0] =	vst v8  }
0xc1: {  	v8 =	vld [tilespmem:s24+$0x10];
	_ =	sdelay $0x4  }
0xc2: {  	v8 =	vshll.u32 v8, $0x2  }
0xc3: {  	[tilespmem:s23+$0x10] =	vst v8  }
0xc4: {  	v8 =	vld [tilespmem:s24+$0x20];
	_ =	sdelay $0x4  }
0xc5: {  	v8 =	vshll.u32 v8, $0x2  }
0xc6: {  	[tilespmem:s23+$0x20] =	vst v8;
	s23 =	simm.s32 $0x8F00  }
0xc7: {  	[tilespmem:s19], [sflag:$0x1] =	stream.indirect.gather [hbm4b:s4+s18], $0x80, s23, s18, $0xb8;
	[tilespmem:$0x19B00] =	vst v63  }
0xc8: {  	_ =	swait.ge [sflag:s14], $0x2800  }
.Ltmp10:
0xc9: {  	[sflag:s14] =	ssyncset.done $0x0;
	(pc) =	sbr.rel @!p1 .LBB2_16-.Ltmp10, $4  }
0xca: {  	s24 =	simm.s32 $0x4F00;
	[sflag:s14] =	ssyncadd.s32 $0xFFFFD800  }
0xcb: {  	[spmem:s2] =	stream.indirect.scatter.add.f32 [tilespmem:s19], [sflag:$0x1], $0x80, s24, s18, $0xb8;
	[tilespmem:$0x19B00] =	vst v63  }
0xcc: {  	_ =	swait.ge [sflag:s14], $0x2800  }
0xcd: {  	[sflag:s14] =	ssyncset.done $0x0  }
.LBB2_15:
0xce: {  	[sflag:s14] =	ssyncadd.s32 $0xFFFFD800;
	s23 =	sadd.s32 $0x80, s23;
	s24 =	sadd.s32 $0x80, s24  }
0xcf: {  	[tilespmem:s19], [sflag:$0x1] =	stream.indirect.gather [hbm4b:s4+s18], $0x80, s23, s18, $0xb8;
	[tilespmem:$0x19B00] =	vst v63  }
0xd0: {  	p1 =	sne.s32 s22, $0x1;
	s22 =	sadd.s32 $0xFFFFFFFF, s22;
	_ =	swait.ge [sflag:s14], $0x2800  }
.Ltmp11:
0xd1: {  	[sflag:s14] =	ssyncset.done $0x0;
	(pc) =	sbr.rel @p1 .LBB2_15-.Ltmp11, $4  }
0xd2: {  	[sflag:s14] =	ssyncadd.s32 $0xFFFFD800  }
0xd3: {  	[spmem:s2] =	stream.indirect.scatter.add.f32 [tilespmem:s19], [sflag:$0x1], $0x80, s24, s18, $0xb8;
	[tilespmem:$0x19B00] =	vst v63  }
0xd4: {  	_ =	swait.ge [sflag:s14], $0x2800  }
0xd5: {  	[sflag:s14] =	ssyncset.done $0x0  }
.LBB2_16:
.Ltmp12:
0xd6: {  	(pc) =	sbr.rel .LBB2_17-.Ltmp12, $2  }
0xd7: {  	_ =	sdelay $0x2  }
0xd8: {  	[sflag:s14] =	ssyncadd.s32 $0xFFFFD800  }
.LBB2_46:
0xd9: {  	[bflag:$0x0] =	sbarrier.arrive $0xFFFF  }
.LBB2_17:
0xda: {  	[bflag:$0x0] =	sbarrier.arrive $0xFFFF;
	s22 =	sshrl.u32 s10, $0x3  }
0xdb: {  	[hbm:s8], [sflag:s16] =	dma.local [spmem:s22], $0x1400  }
0xdc: {  	_ =	swait.ge [sflag:s14], $0x1400  }
0xdd: {  	[sflag:s14] =	ssyncset.done $0x0  }
0xde: {  	[sflag:s14] =	ssyncadd.s32 $0xFFFFEC00  }
0xdf: {  	[bflag:$0x0] =	sbarrier.arrive $0xFFFF  }
0xe0: {  	[spmem:s17], [sflag:s16] =	dma.local [hbm:s7], $0x1480  }
.Ltmp13:
0xe1: {  	_ =	swait.ge [sflag:s14], $0x1480;
	(pc) =	sbr.rel @p0 .LBB2_26-.Ltmp13, $3  }
0xe2: {  	[sflag:s14] =	ssyncset.done $0x0  }
0xe3: {  	[sflag:s14] =	ssyncadd.s32 $0xFFFFEB80  }
0xe4: {  	[bflag:$0x0] =	sbarrier.arrive $0xFFFF;
	_ =	sdelay $0x1  }
0xe5: {  	p1 =	sne.s32 s21, $0x1  }
.Ltmp14:
0xe6: {  	_ = 	snop;
	(pc) =	sbr.rel @!p1 .LBB2_19-.Ltmp14, $3  }
0xe7: {  	_ =	sdelay $0x1  }
0xe8: {  	s25 =	simm.s32 $0x20  }
0xe9: {  	s24 =	simm.s32 $0x8F20;
	s23 =	sadd.s32 $0xFFFFFFFF, s21;
	p2 =	por $0x0, $0x0;
	v8 =	vld [tilespmem:s25+$0xFFFFFFE0]  }
0xea: {  	_ =	sdelay $0x3  }
0xeb: {  	v8 =	vshll.u32 v8, $0x2  }
0xec: {  	v8 =	vor.u32 $0x1, v8  }
0xed: {  	[tilespmem:s24+$0xFFFFFFE0] =	vst v8  }
0xee: {  	v8 =	vld [tilespmem:s25+$0xFFFFFFF0];
	_ =	sdelay $0x4  }
0xef: {  	v8 =	vshll.u32 v8, $0x2  }
0xf0: {  	v8 =	vor.u32 $0x1, v8  }
0xf1: {  	[tilespmem:s24+$0xFFFFFFF0] =	vst v8  }
0xf2: {  	v8 =	vld [tilespmem:s25+$0x0];
	_ =	sdelay $0x4  }
0xf3: {  	v8 =	vshll.u32 v8, $0x2  }
0xf4: {  	v8 =	vor.u32 $0x1, v8  }
0xf5: {  	[tilespmem:s24+$0x0] =	vst v8  }
0xf6: {  	v8 =	vld [tilespmem:s25+$0x10];
	_ =	sdelay $0x4  }
0xf7: {  	v8 =	vshll.u32 v8, $0x2  }
0xf8: {  	v8 =	vor.u32 $0x1, v8  }
0xf9: {  	[tilespmem:s24+$0x10] =	vst v8  }
0xfa: {  	v8 =	vld [tilespmem:s25+$0x20];
	_ =	sdelay $0x2  }
0xfb: {  	p3 =	sne.s32 s23, $0x1  }
.Ltmp15:
0xfc: {  	_ = 	snop;
	(pc) =	sbr.rel @!p3 .LBB2_21-.Ltmp15, $4  }
0xfd: {  	v8 =	vshll.u32 v8, $0x2  }
0xfe: {  	v8 =	vor.u32 $0x1, v8  }
0xff: {  	s25 =	simm.s32 $0x70;
	[tilespmem:s24+$0x20] =	vst v8  }
0x100: {  	s28 =	sadd.s32 $0xFFFFFFFF, s23;
	p2 =	por $0x1, $0x1;
	s26 =	simm.s32 $0x8F20;
	v8 =	vld [tilespmem:s25+$0xFFFFFFE0]  }
.LBB2_22:
0x101: {  	p3 =	sne.s32 s28, $0x1;
	_ =	sdelay $0x3  }
0x102: {  	v8 =	vshll.u32 v8, $0x2  }
0x103: {  	s26 =	sadd.s32 $0x80, s26;
	v8 =	vor.u32 $0x1, v8  }
0x104: {  	[tilespmem:s26+$0xFFFFFFE0] =	vst v8  }
0x105: {  	v8 =	vld [tilespmem:s25+$0xFFFFFFF0];
	_ =	sdelay $0x4  }
0x106: {  	v8 =	vshll.u32 v8, $0x2  }
0x107: {  	v8 =	vor.u32 $0x1, v8  }
0x108: {  	[tilespmem:s26+$0xFFFFFFF0] =	vst v8  }
0x109: {  	v8 =	vld [tilespmem:s25+$0x0];
	_ =	sdelay $0x4  }
0x10a: {  	v8 =	vshll.u32 v8, $0x2  }
0x10b: {  	v8 =	vor.u32 $0x1, v8  }
0x10c: {  	[tilespmem:s26+$0x0] =	vst v8  }
0x10d: {  	v8 =	vld [tilespmem:s25+$0x10];
	_ =	sdelay $0x4  }
0x10e: {  	v8 =	vshll.u32 v8, $0x2  }
0x10f: {  	v8 =	vor.u32 $0x1, v8  }
0x110: {  	[tilespmem:s26+$0x10] =	vst v8  }
0x111: {  	v8 =	vld [tilespmem:s25+$0x20];
	_ =	sdelay $0x3  }
.Ltmp16:
0x112: {  	(pc) =	sbr.rel @p3 .LBB2_22-.Ltmp16, $4  }
0x113: {  	v8 =	vshll.u32 v8, $0x2  }
0x114: {  	v8 =	vor.u32 $0x1, v8  }
0x115: {  	s25 =	sadd.s32 $0x50, s25;
	[tilespmem:s26+$0x20] =	vst v8  }
0x116: {  	s28 =	sadd.s32 $0xFFFFFFFF, s28;
	v8 =	vld [tilespmem:s25+$0xFFFFFFE0]  }
.LBB2_23:
0x117: {  	_ =	sdelay $0x3  }
0x118: {  	s26 =	sadd.s32 @p2 $0x80, s26;
	v8 =	vshll.u32 v8, $0x2  }
0x119: {  	s24 =	smov.u32 @p2 s26;
	v8 =	vor.u32 $0x1, v8  }
0x11a: {  	[tilespmem:s24+$0xFFFFFFE0] =	vst v8  }
0x11b: {  	v8 =	vld [tilespmem:s25+$0xFFFFFFF0];
	_ =	sdelay $0x4  }
0x11c: {  	v8 =	vshll.u32 v8, $0x2  }
0x11d: {  	v8 =	vor.u32 $0x1, v8  }
0x11e: {  	[tilespmem:s24+$0xFFFFFFF0] =	vst v8  }
0x11f: {  	v8 =	vld [tilespmem:s25+$0x0];
	_ =	sdelay $0x4  }
0x120: {  	v8 =	vshll.u32 v8, $0x2  }
0x121: {  	v8 =	vor.u32 $0x1, v8  }
0x122: {  	[tilespmem:s24+$0x0] =	vst v8  }
0x123: {  	v8 =	vld [tilespmem:s25+$0x10];
	_ =	sdelay $0x4  }
0x124: {  	v8 =	vshll.u32 v8, $0x2  }
0x125: {  	v8 =	vor.u32 $0x1, v8  }
0x126: {  	[tilespmem:s24+$0x10] =	vst v8  }
0x127: {  	v8 =	vld [tilespmem:s25+$0x20];
	_ =	sdelay $0x4  }
0x128: {  	v8 =	vshll.u32 v8, $0x2  }
0x129: {  	v8 =	vor.u32 $0x1, v8  }
0x12a: {  	[tilespmem:s24+$0x20] =	vst v8;
	s24 =	simm.s32 $0x8F00  }
0x12b: {  	[tilespmem:s19], [sflag:$0x1] =	stream.indirect.gather [hbm4b:s4+s18], $0x80, s24, s18, $0xb8;
	[tilespmem:$0x19B00] =	vst v63  }
0x12c: {  	_ =	swait.ge [sflag:s14], $0x2800  }
.Ltmp17:
0x12d: {  	[sflag:s14] =	ssyncset.done $0x0;
	(pc) =	sbr.rel @!p1 .LBB2_25-.Ltmp17, $4  }
0x12e: {  	s25 =	simm.s32 $0x4F00;
	[sflag:s14] =	ssyncadd.s32 $0xFFFFD800  }
0x12f: {  	[spmem:s2] =	stream.indirect.scatter.add.f32 [tilespmem:s19], [sflag:$0x1], $0x80, s25, s18, $0xb8;
	[tilespmem:$0x19B00] =	vst v63  }
0x130: {  	_ =	swait.ge [sflag:s14], $0x2800  }
0x131: {  	[sflag:s14] =	ssyncset.done $0x0  }
.LBB2_24:
0x132: {  	[sflag:s14] =	ssyncadd.s32 $0xFFFFD800;
	s24 =	sadd.s32 $0x80, s24;
	s25 =	sadd.s32 $0x80, s25  }
0x133: {  	[tilespmem:s19], [sflag:$0x1] =	stream.indirect.gather [hbm4b:s4+s18], $0x80, s24, s18, $0xb8;
	[tilespmem:$0x19B00] =	vst v63  }
0x134: {  	p1 =	sne.s32 s23, $0x1;
	s23 =	sadd.s32 $0xFFFFFFFF, s23;
	_ =	swait.ge [sflag:s14], $0x2800  }
.Ltmp18:
0x135: {  	[sflag:s14] =	ssyncset.done $0x0;
	(pc) =	sbr.rel @p1 .LBB2_24-.Ltmp18, $4  }
0x136: {  	[sflag:s14] =	ssyncadd.s32 $0xFFFFD800  }
0x137: {  	[spmem:s2] =	stream.indirect.scatter.add.f32 [tilespmem:s19], [sflag:$0x1], $0x80, s25, s18, $0xb8;
	[tilespmem:$0x19B00] =	vst v63  }
0x138: {  	_ =	swait.ge [sflag:s14], $0x2800  }
0x139: {  	[sflag:s14] =	ssyncset.done $0x0  }
.LBB2_25:
0x13a: {  	[sflag:s14] =	ssyncadd.s32 $0xFFFFD800  }
.LBB2_26:
0x13b: {  	[bflag:$0x0] =	sbarrier.arrive $0xFFFF  }
0x13c: {  	[hbm:s9], [sflag:s16] =	dma.local [spmem:s22], $0x1400  }
0x13d: {  	_ =	swait.ge [sflag:s14], $0x1400  }
0x13e: {  	[sflag:s14] =	ssyncset.done $0x0  }
0x13f: {  	[sflag:s14] =	ssyncadd.s32 $0xFFFFEC00  }
0x140: {  	[bflag:$0x0] =	sbarrier.arrive $0xFFFF  }
0x141: {  	[spmem:s17], [sflag:s16] =	dma.local [hbm:s7], $0x1480  }
.Ltmp19:
0x142: {  	_ =	swait.ge [sflag:s14], $0x1480;
	(pc) =	sbr.rel @p0 .LBB2_35-.Ltmp19, $3  }
0x143: {  	[sflag:s14] =	ssyncset.done $0x0  }
0x144: {  	[sflag:s14] =	ssyncadd.s32 $0xFFFFEB80  }
0x145: {  	[bflag:$0x0] =	sbarrier.arrive $0xFFFF;
	_ =	sdelay $0x1  }
0x146: {  	p1 =	sne.s32 s21, $0x1  }
.Ltmp20:
0x147: {  	_ = 	snop;
	(pc) =	sbr.rel @!p1 .LBB2_28-.Ltmp20, $3  }
0x148: {  	_ =	sdelay $0x1  }
0x149: {  	s25 =	simm.s32 $0x20  }
0x14a: {  	s24 =	simm.s32 $0x8F20;
	s23 =	sadd.s32 $0xFFFFFFFF, s21;
	p2 =	por $0x0, $0x0;
	v8 =	vld [tilespmem:s25+$0xFFFFFFE0]  }
0x14b: {  	_ =	sdelay $0x3  }
0x14c: {  	v8 =	vshll.u32 v8, $0x2  }
0x14d: {  	v8 =	vor.u32 $0x2, v8  }
0x14e: {  	[tilespmem:s24+$0xFFFFFFE0] =	vst v8  }
0x14f: {  	v8 =	vld [tilespmem:s25+$0xFFFFFFF0];
	_ =	sdelay $0x4  }
0x150: {  	v8 =	vshll.u32 v8, $0x2  }
0x151: {  	v8 =	vor.u32 $0x2, v8  }
0x152: {  	[tilespmem:s24+$0xFFFFFFF0] =	vst v8  }
0x153: {  	v8 =	vld [tilespmem:s25+$0x0];
	_ =	sdelay $0x4  }
0x154: {  	v8 =	vshll.u32 v8, $0x2  }
0x155: {  	v8 =	vor.u32 $0x2, v8  }
0x156: {  	[tilespmem:s24+$0x0] =	vst v8  }
0x157: {  	v8 =	vld [tilespmem:s25+$0x10];
	_ =	sdelay $0x4  }
0x158: {  	v8 =	vshll.u32 v8, $0x2  }
0x159: {  	v8 =	vor.u32 $0x2, v8  }
0x15a: {  	[tilespmem:s24+$0x10] =	vst v8  }
0x15b: {  	v8 =	vld [tilespmem:s25+$0x20];
	_ =	sdelay $0x2  }
0x15c: {  	p3 =	sne.s32 s23, $0x1  }
.Ltmp21:
0x15d: {  	_ = 	snop;
	(pc) =	sbr.rel @!p3 .LBB2_30-.Ltmp21, $4  }
0x15e: {  	v8 =	vshll.u32 v8, $0x2  }
0x15f: {  	v8 =	vor.u32 $0x2, v8  }
0x160: {  	s25 =	simm.s32 $0x70;
	[tilespmem:s24+$0x20] =	vst v8  }
0x161: {  	s28 =	sadd.s32 $0xFFFFFFFF, s23;
	p2 =	por $0x1, $0x1;
	s26 =	simm.s32 $0x8F20;
	v8 =	vld [tilespmem:s25+$0xFFFFFFE0]  }
.LBB2_31:
0x162: {  	p3 =	sne.s32 s28, $0x1;
	_ =	sdelay $0x3  }
0x163: {  	v8 =	vshll.u32 v8, $0x2  }
0x164: {  	s26 =	sadd.s32 $0x80, s26;
	v8 =	vor.u32 $0x2, v8  }
0x165: {  	[tilespmem:s26+$0xFFFFFFE0] =	vst v8  }
0x166: {  	v8 =	vld [tilespmem:s25+$0xFFFFFFF0];
	_ =	sdelay $0x4  }
0x167: {  	v8 =	vshll.u32 v8, $0x2  }
0x168: {  	v8 =	vor.u32 $0x2, v8  }
0x169: {  	[tilespmem:s26+$0xFFFFFFF0] =	vst v8  }
0x16a: {  	v8 =	vld [tilespmem:s25+$0x0];
	_ =	sdelay $0x4  }
0x16b: {  	v8 =	vshll.u32 v8, $0x2  }
0x16c: {  	v8 =	vor.u32 $0x2, v8  }
0x16d: {  	[tilespmem:s26+$0x0] =	vst v8  }
0x16e: {  	v8 =	vld [tilespmem:s25+$0x10];
	_ =	sdelay $0x4  }
0x16f: {  	v8 =	vshll.u32 v8, $0x2  }
0x170: {  	v8 =	vor.u32 $0x2, v8  }
0x171: {  	[tilespmem:s26+$0x10] =	vst v8  }
0x172: {  	v8 =	vld [tilespmem:s25+$0x20];
	_ =	sdelay $0x3  }
.Ltmp22:
0x173: {  	(pc) =	sbr.rel @p3 .LBB2_31-.Ltmp22, $4  }
0x174: {  	v8 =	vshll.u32 v8, $0x2  }
0x175: {  	v8 =	vor.u32 $0x2, v8  }
0x176: {  	s25 =	sadd.s32 $0x50, s25;
	[tilespmem:s26+$0x20] =	vst v8  }
0x177: {  	s28 =	sadd.s32 $0xFFFFFFFF, s28;
	v8 =	vld [tilespmem:s25+$0xFFFFFFE0]  }
.LBB2_32:
0x178: {  	_ =	sdelay $0x3  }
0x179: {  	s26 =	sadd.s32 @p2 $0x80, s26;
	v8 =	vshll.u32 v8, $0x2  }
0x17a: {  	s24 =	smov.u32 @p2 s26;
	v8 =	vor.u32 $0x2, v8  }
0x17b: {  	[tilespmem:s24+$0xFFFFFFE0] =	vst v8  }
0x17c: {  	v8 =	vld [tilespmem:s25+$0xFFFFFFF0];
	_ =	sdelay $0x4  }
0x17d: {  	v8 =	vshll.u32 v8, $0x2  }
0x17e: {  	v8 =	vor.u32 $0x2, v8  }
0x17f: {  	[tilespmem:s24+$0xFFFFFFF0] =	vst v8  }
0x180: {  	v8 =	vld [tilespmem:s25+$0x0];
	_ =	sdelay $0x4  }
0x181: {  	v8 =	vshll.u32 v8, $0x2  }
0x182: {  	v8 =	vor.u32 $0x2, v8  }
0x183: {  	[tilespmem:s24+$0x0] =	vst v8  }
0x184: {  	v8 =	vld [tilespmem:s25+$0x10];
	_ =	sdelay $0x4  }
0x185: {  	v8 =	vshll.u32 v8, $0x2  }
0x186: {  	v8 =	vor.u32 $0x2, v8  }
0x187: {  	[tilespmem:s24+$0x10] =	vst v8  }
0x188: {  	v8 =	vld [tilespmem:s25+$0x20];
	_ =	sdelay $0x4  }
0x189: {  	v8 =	vshll.u32 v8, $0x2  }
0x18a: {  	v8 =	vor.u32 $0x2, v8  }
0x18b: {  	[tilespmem:s24+$0x20] =	vst v8;
	s24 =	simm.s32 $0x8F00  }
0x18c: {  	[tilespmem:s19], [sflag:$0x1] =	stream.indirect.gather [hbm4b:s4+s18], $0x80, s24, s18, $0xb8;
	[tilespmem:$0x19B00] =	vst v63  }
0x18d: {  	_ =	swait.ge [sflag:s14], $0x2800  }
.Ltmp23:
0x18e: {  	[sflag:s14] =	ssyncset.done $0x0;
	(pc) =	sbr.rel @!p1 .LBB2_34-.Ltmp23, $4  }
0x18f: {  	s25 =	simm.s32 $0x4F00;
	[sflag:s14] =	ssyncadd.s32 $0xFFFFD800  }
0x190: {  	[spmem:s2] =	stream.indirect.scatter.add.f32 [tilespmem:s19], [sflag:$0x1], $0x80, s25, s18, $0xb8;
	[tilespmem:$0x19B00] =	vst v63  }
0x191: {  	_ =	swait.ge [sflag:s14], $0x2800  }
0x192: {  	[sflag:s14] =	ssyncset.done $0x0  }
.LBB2_33:
0x193: {  	[sflag:s14] =	ssyncadd.s32 $0xFFFFD800;
	s24 =	sadd.s32 $0x80, s24;
	s25 =	sadd.s32 $0x80, s25  }
0x194: {  	[tilespmem:s19], [sflag:$0x1] =	stream.indirect.gather [hbm4b:s4+s18], $0x80, s24, s18, $0xb8;
	[tilespmem:$0x19B00] =	vst v63  }
0x195: {  	p1 =	sne.s32 s23, $0x1;
	s23 =	sadd.s32 $0xFFFFFFFF, s23;
	_ =	swait.ge [sflag:s14], $0x2800  }
.Ltmp24:
0x196: {  	[sflag:s14] =	ssyncset.done $0x0;
	(pc) =	sbr.rel @p1 .LBB2_33-.Ltmp24, $4  }
0x197: {  	[sflag:s14] =	ssyncadd.s32 $0xFFFFD800  }
0x198: {  	[spmem:s2] =	stream.indirect.scatter.add.f32 [tilespmem:s19], [sflag:$0x1], $0x80, s25, s18, $0xb8;
	[tilespmem:$0x19B00] =	vst v63  }
0x199: {  	_ =	swait.ge [sflag:s14], $0x2800  }
0x19a: {  	[sflag:s14] =	ssyncset.done $0x0  }
.LBB2_34:
0x19b: {  	[sflag:s14] =	ssyncadd.s32 $0xFFFFD800  }
.LBB2_35:
0x19c: {  	[bflag:$0x0] =	sbarrier.arrive $0xFFFF  }
0x19d: {  	[hbm:s11], [sflag:s16] =	dma.local [spmem:s22], $0x1400  }
0x19e: {  	_ =	swait.ge [sflag:s14], $0x1400  }
0x19f: {  	[sflag:s14] =	ssyncset.done $0x0  }
0x1a0: {  	[sflag:s14] =	ssyncadd.s32 $0xFFFFEC00  }
0x1a1: {  	[bflag:$0x0] =	sbarrier.arrive $0xFFFF  }
0x1a2: {  	[spmem:s17], [sflag:s16] =	dma.local [hbm:s7], $0x1480  }
.Ltmp25:
0x1a3: {  	_ =	swait.ge [sflag:s14], $0x1480;
	(pc) =	sbr.rel @p0 .LBB2_44-.Ltmp25, $3  }
0x1a4: {  	[sflag:s14] =	ssyncset.done $0x0  }
0x1a5: {  	[sflag:s14] =	ssyncadd.s32 $0xFFFFEB80  }
0x1a6: {  	[bflag:$0x0] =	sbarrier.arrive $0xFFFF;
	_ =	sdelay $0x1  }
0x1a7: {  	p0 =	sne.s32 s21, $0x1  }
.Ltmp26:
0x1a8: {  	_ = 	snop;
	(pc) =	sbr.rel @!p0 .LBB2_37-.Ltmp26, $3  }
0x1a9: {  	_ =	sdelay $0x1  }
0x1aa: {  	s24 =	simm.s32 $0x20  }
0x1ab: {  	s23 =	simm.s32 $0x8F20;
	s21 =	sadd.s32 $0xFFFFFFFF, s21;
	p1 =	por $0x0, $0x0;
	v8 =	vld [tilespmem:s24+$0xFFFFFFE0]  }
0x1ac: {  	_ =	sdelay $0x3  }
0x1ad: {  	v8 =	vshll.u32 v8, $0x2  }
0x1ae: {  	v8 =	vor.u32 $0x3, v8  }
0x1af: {  	[tilespmem:s23+$0xFFFFFFE0] =	vst v8  }
0x1b0: {  	v8 =	vld [tilespmem:s24+$0xFFFFFFF0];
	_ =	sdelay $0x4  }
0x1b1: {  	v8 =	vshll.u32 v8, $0x2  }
0x1b2: {  	v8 =	vor.u32 $0x3, v8  }
0x1b3: {  	[tilespmem:s23+$0xFFFFFFF0] =	vst v8  }
0x1b4: {  	v8 =	vld [tilespmem:s24+$0x0];
	_ =	sdelay $0x4  }
0x1b5: {  	v8 =	vshll.u32 v8, $0x2  }
0x1b6: {  	v8 =	vor.u32 $0x3, v8  }
0x1b7: {  	[tilespmem:s23+$0x0] =	vst v8  }
0x1b8: {  	v8 =	vld [tilespmem:s24+$0x10];
	_ =	sdelay $0x4  }
0x1b9: {  	v8 =	vshll.u32 v8, $0x2  }
0x1ba: {  	v8 =	vor.u32 $0x3, v8  }
0x1bb: {  	[tilespmem:s23+$0x10] =	vst v8  }
0x1bc: {  	v8 =	vld [tilespmem:s24+$0x20];
	_ =	sdelay $0x2  }
0x1bd: {  	p2 =	sne.s32 s21, $0x1  }
.Ltmp27:
0x1be: {  	_ = 	snop;
	(pc) =	sbr.rel @!p2 .LBB2_39-.Ltmp27, $4  }
0x1bf: {  	v8 =	vshll.u32 v8, $0x2  }
0x1c0: {  	v8 =	vor.u32 $0x3, v8  }
0x1c1: {  	s24 =	simm.s32 $0x70;
	[tilespmem:s23+$0x20] =	vst v8  }
0x1c2: {  	s26 =	sadd.s32 $0xFFFFFFFF, s21;
	p1 =	por $0x1, $0x1;
	s25 =	simm.s32 $0x8F20;
	v8 =	vld [tilespmem:s24+$0xFFFFFFE0]  }
.LBB2_40:
0x1c3: {  	p2 =	sne.s32 s26, $0x1;
	_ =	sdelay $0x3  }
0x1c4: {  	v8 =	vshll.u32 v8, $0x2  }
0x1c5: {  	s25 =	sadd.s32 $0x80, s25;
	v8 =	vor.u32 $0x3, v8  }
0x1c6: {  	[tilespmem:s25+$0xFFFFFFE0] =	vst v8  }
0x1c7: {  	v8 =	vld [tilespmem:s24+$0xFFFFFFF0];
	_ =	sdelay $0x4  }
0x1c8: {  	v8 =	vshll.u32 v8, $0x2  }
0x1c9: {  	v8 =	vor.u32 $0x3, v8  }
0x1ca: {  	[tilespmem:s25+$0xFFFFFFF0] =	vst v8  }
0x1cb: {  	v8 =	vld [tilespmem:s24+$0x0];
	_ =	sdelay $0x4  }
0x1cc: {  	v8 =	vshll.u32 v8, $0x2  }
0x1cd: {  	v8 =	vor.u32 $0x3, v8  }
0x1ce: {  	[tilespmem:s25+$0x0] =	vst v8  }
0x1cf: {  	v8 =	vld [tilespmem:s24+$0x10];
	_ =	sdelay $0x4  }
0x1d0: {  	v8 =	vshll.u32 v8, $0x2  }
0x1d1: {  	v8 =	vor.u32 $0x3, v8  }
0x1d2: {  	[tilespmem:s25+$0x10] =	vst v8  }
0x1d3: {  	v8 =	vld [tilespmem:s24+$0x20];
	_ =	sdelay $0x3  }
.Ltmp28:
0x1d4: {  	(pc) =	sbr.rel @p2 .LBB2_40-.Ltmp28, $4  }
0x1d5: {  	v8 =	vshll.u32 v8, $0x2  }
0x1d6: {  	v8 =	vor.u32 $0x3, v8  }
0x1d7: {  	s24 =	sadd.s32 $0x50, s24;
	[tilespmem:s25+$0x20] =	vst v8  }
0x1d8: {  	s26 =	sadd.s32 $0xFFFFFFFF, s26;
	v8 =	vld [tilespmem:s24+$0xFFFFFFE0]  }
.LBB2_41:
0x1d9: {  	_ =	sdelay $0x3  }
0x1da: {  	s25 =	sadd.s32 @p1 $0x80, s25;
	v8 =	vshll.u32 v8, $0x2  }
0x1db: {  	s23 =	smov.u32 @p1 s25;
	v8 =	vor.u32 $0x3, v8  }
0x1dc: {  	[tilespmem:s23+$0xFFFFFFE0] =	vst v8  }
0x1dd: {  	v8 =	vld [tilespmem:s24+$0xFFFFFFF0];
	_ =	sdelay $0x4  }
0x1de: {  	v8 =	vshll.u32 v8, $0x2  }
0x1df: {  	v8 =	vor.u32 $0x3, v8  }
0x1e0: {  	[tilespmem:s23+$0xFFFFFFF0] =	vst v8  }
0x1e1: {  	v8 =	vld [tilespmem:s24+$0x0];
	_ =	sdelay $0x4  }
0x1e2: {  	v8 =	vshll.u32 v8, $0x2  }
0x1e3: {  	v8 =	vor.u32 $0x3, v8  }
0x1e4: {  	[tilespmem:s23+$0x0] =	vst v8  }
0x1e5: {  	v8 =	vld [tilespmem:s24+$0x10];
	_ =	sdelay $0x4  }
0x1e6: {  	v8 =	vshll.u32 v8, $0x2  }
0x1e7: {  	v8 =	vor.u32 $0x3, v8  }
0x1e8: {  	[tilespmem:s23+$0x10] =	vst v8  }
0x1e9: {  	v8 =	vld [tilespmem:s24+$0x20];
	_ =	sdelay $0x4  }
0x1ea: {  	v8 =	vshll.u32 v8, $0x2  }
0x1eb: {  	v8 =	vor.u32 $0x3, v8  }
0x1ec: {  	[tilespmem:s23+$0x20] =	vst v8;
	s23 =	simm.s32 $0x8F00  }
0x1ed: {  	[tilespmem:s19], [sflag:$0x1] =	stream.indirect.gather [hbm4b:s4+s18], $0x80, s23, s18, $0xb8;
	[tilespmem:$0x19B00] =	vst v63  }
0x1ee: {  	_ =	swait.ge [sflag:s14], $0x2800  }
.Ltmp29:
0x1ef: {  	[sflag:s14] =	ssyncset.done $0x0;
	(pc) =	sbr.rel @!p0 .LBB2_43-.Ltmp29, $4  }
0x1f0: {  	s24 =	simm.s32 $0x4F00;
	[sflag:s14] =	ssyncadd.s32 $0xFFFFD800  }
0x1f1: {  	[spmem:s2] =	stream.indirect.scatter.add.f32 [tilespmem:s19], [sflag:$0x1], $0x80, s24, s18, $0xb8;
	[tilespmem:$0x19B00] =	vst v63  }
0x1f2: {  	_ =	swait.ge [sflag:s14], $0x2800  }
0x1f3: {  	[sflag:s14] =	ssyncset.done $0x0  }
.LBB2_42:
0x1f4: {  	[sflag:s14] =	ssyncadd.s32 $0xFFFFD800;
	s23 =	sadd.s32 $0x80, s23;
	s24 =	sadd.s32 $0x80, s24  }
0x1f5: {  	[tilespmem:s19], [sflag:$0x1] =	stream.indirect.gather [hbm4b:s4+s18], $0x80, s23, s18, $0xb8;
	[tilespmem:$0x19B00] =	vst v63  }
0x1f6: {  	p0 =	sne.s32 s21, $0x1;
	s21 =	sadd.s32 $0xFFFFFFFF, s21;
	_ =	swait.ge [sflag:s14], $0x2800  }
.Ltmp30:
0x1f7: {  	[sflag:s14] =	ssyncset.done $0x0;
	(pc) =	sbr.rel @p0 .LBB2_42-.Ltmp30, $4  }
0x1f8: {  	[sflag:s14] =	ssyncadd.s32 $0xFFFFD800  }
0x1f9: {  	[spmem:s2] =	stream.indirect.scatter.add.f32 [tilespmem:s19], [sflag:$0x1], $0x80, s24, s18, $0xb8;
	[tilespmem:$0x19B00] =	vst v63  }
0x1fa: {  	_ =	swait.ge [sflag:s14], $0x2800  }
0x1fb: {  	[sflag:s14] =	ssyncset.done $0x0  }
.Ltmp31:
0x1fc: {  	_ = 	snop;
	(pc) =	sbr.rel .LBB2_43-.Ltmp31, $1  }
0x1fd: {  	_ =	sdelay $0x3  }
.LBB2_5:
.Ltmp32:
0x1fe: {  	(pc) =	sbr.rel .LBB2_9-.Ltmp32, $2  }
0x1ff: {  	_ =	sdelay $0x2  }
0x200: {  	s25 =	simm.s32 $0x4F20  }
.LBB2_10:
.Ltmp33:
0x201: {  	(pc) =	sbr.rel .LBB2_14-.Ltmp33, $2  }
0x202: {  	_ =	sdelay $0x2  }
0x203: {  	s25 =	simm.s32 $0x8F20  }
.LBB2_19:
.Ltmp34:
0x204: {  	(pc) =	sbr.rel .LBB2_23-.Ltmp34, $2  }
0x205: {  	_ =	sdelay $0x2  }
0x206: {  	s26 =	simm.s32 $0x8F20  }
.LBB2_28:
.Ltmp35:
0x207: {  	(pc) =	sbr.rel .LBB2_32-.Ltmp35, $2  }
0x208: {  	_ =	sdelay $0x2  }
0x209: {  	s26 =	simm.s32 $0x8F20  }
.LBB2_37:
.Ltmp36:
0x20a: {  	(pc) =	sbr.rel .LBB2_41-.Ltmp36, $2  }
0x20b: {  	_ =	sdelay $0x2  }
0x20c: {  	s25 =	simm.s32 $0x8F20  }
.LBB2_7:
.Ltmp37:
0x20d: {  	(pc) =	sbr.rel .LBB2_9-.Ltmp37, $2  }
0x20e: {  	_ =	sdelay $0x2  }
0x20f: {  	s25 =	simm.s32 $0x4F20  }
.LBB2_12:
.Ltmp38:
0x210: {  	(pc) =	sbr.rel .LBB2_14-.Ltmp38, $2  }
0x211: {  	_ =	sdelay $0x2  }
0x212: {  	s25 =	simm.s32 $0x8F20  }
.LBB2_21:
.Ltmp39:
0x213: {  	(pc) =	sbr.rel .LBB2_23-.Ltmp39, $2  }
0x214: {  	_ =	sdelay $0x2  }
0x215: {  	s26 =	simm.s32 $0x8F20  }
.LBB2_30:
.Ltmp40:
0x216: {  	(pc) =	sbr.rel .LBB2_32-.Ltmp40, $2  }
0x217: {  	_ =	sdelay $0x2  }
0x218: {  	s26 =	simm.s32 $0x8F20  }
.LBB2_39:
.Ltmp41:
0x219: {  	(pc) =	sbr.rel .LBB2_41-.Ltmp41, $2  }
0x21a: {  	_ =	sdelay $0x2  }
0x21b: {  	s25 =	simm.s32 $0x8F20  }
.LBB2_45:
0x21c: {  	_ =	sfence.sel $0x180000  }
0x21d: {  	[bflag:$0x0] =	sbarrier.arrive $0xFFFF  }
0x21e: {  	p0 =	sne.s32 s1, $0x0;
	_ =	strace $0x9000004D  }
0x21f: {  	s0 =	sadd.s32 @!p0 $0x100000, s0;
	[bflag:$0x2] =	sbarrier.arrive $0xFFFF  }
0x220: {  	[sflag:s0] =	ssyncadd.tile.s32 @!p0 $0x1;
	_ =	shalt  }
.Lfunc_end2:
_tile_overlayer_lowered:
.L_overlay_start_2:
0x221: {  	(tag) =	ssettag $0x2  }
0x222: {  	s0 =	rddreg [dreg:$0x0];
	s2 =	stileid.u32  }
0x223: {  	s1 =	rddreg [dreg:$0x1];
	p0 =	sne.s32 s2, $0x0  }
0x224: {  	s3 =	rddreg [dreg:$0x2];
	[bflag:$0x3] =	sbarrier.arrive $0xFFFF;
	s2 =	simm.s32 @!p0 $0x1C01  }
0x225: {  	[timem:s3], [sflag:s2] =	dma.local @!p0 [hbm:s0], s1  }
0x226: {  	s0 =	simm.s32 @!p0 $0x1  }
0x227: {  	_ =	swait.ge @!p0 [sflag:s0], s1  }
0x228: {  	s1 =	ssub.s32 @!p0 $0x0, s1;
	[sflag:s0] =	ssyncset.done @!p0 $0x0  }
0x229: {  	[sflag:s0] =	ssyncadd.s32 @!p0 s1  }
0x22a: {  	[bflag:$0x3] =	sbarrier.arrive $0xFFFF  }
0x22b: {  	_ =	shalt  }

// kernel: kernel.7.cloned.1.call-start
scs
__scs_entry_jumppad:
0x0: {  	(pc) =	sbr.rel $0x88, $3  }
0x1: {  	(tag) =	ssettag $0x0;
	lr =	simm.s32 $0x1  }
0x2: {  	[smem:$0x3F9B] =	sst lr;
	_ =	strace $0xD0000000  }
0x3: {  	_ = 	snop  }
0x4: {  	_ = 	snop  }
0x5: {  	_ = 	snop  }
0x6: {  	_ = 	snop  }
0x7: {  	_ = 	snop  }
__scs_overlays_trampoline_lowered:
0x8: {  	[smem:$0x3FAA] =	sst s0  }
0x9: {  	[smem:$0x3FAB] =	sst s1  }
0xa: {  	[smem:$0x3FAC] =	sst s2  }
0xb: {  	[smem:$0x3FAD] =	sst s3  }
0xc: {  	[smem:$0x3FAE] =	sst s4  }
0xd: {  	[smem:$0x3FAF] =	sst s5  }
0xe: {  	[smem:$0x3FB0] =	sst s6  }
0xf: {  	[smem:$0x3FB1] =	sst s7  }
0x10: {  	[smem:$0x3FB2] =	sst s8  }
0x11: {  	[smem:$0x3FB3] =	sst s9;
	s0 =	simm.s32 @!p0 $0x0  }
0x12: {  	s1 =	sld [smem:$0x3F99];
	s0 =	simm.s32 @p0 $0x1  }
0x13: {  	[smem:$0x3FB4] =	sst s0;
	s0 =	simm.s32 @!p1 $0x0  }
0x14: {  	s2 =	sld [smem:$0x3F98];
	s0 =	simm.s32 @p1 $0x1  }
0x15: {  	[smem:$0x3FB5] =	sst s0;
	s0 =	simm.s32 @!p2 $0x0  }
0x16: {  	s3 =	sld [smem:$0x3FDB];
	s0 =	simm.s32 @p2 $0x1  }
0x17: {  	s4 =	simm.s32 $0x1BF5;
	[smem:$0x3FB7] =	sst s0  }
0x18: {  	s0 =	sld [smem:$0x3F9A];
	_ =	swait.ge [sflag:s4], $0x0  }
0x19: {  	s7 =	sld [smem:$0x3F9B]  }
0x1a: {  	s8 =	sadd.s32 $0xFFFFE003, lr  }
0x1b: {  	s9 =	sadd.s32 $0xFFFFFEF7, lr;
	s5 =	simm.s32 $0xFFFFFFFF;
	p2 =	slt.u32 s8, $0xFFFFF086  }
0x1c: {  	p1 =	slt.u32 s9, $0xF7A;
	s5 =	simm.s32 @!p2 $0x0  }
0x1d: {  	s5 =	simm.s32 @p1 $0x1;
	p0 =	seq.s32 s7, s2  }
0x1e: {  	s7 =	smul.u32 @!p0 $0xF7A, s2;
	p2 =	seq.s32 @!p0 s5, $0x0  }
0x1f: {  	s9 =	smul.u32 $0xF7A, s1;
	s8 =	simm.s32 @!p0 $0x1BF5;
	p2 =	por !p2, p0  }
0x20: {  	[sflag:s8] =	ssyncset.s32 @!p0 $0xFFFFF086;
	s6 =	sadd.s32 @!p0 s3, s7;
	s7 =	simm.s32 @!p0 $0x108  }
0x21: {  	s3 =	sadd.s32 s3, s9;
	s6 =	sadd.s32 @!p0 $0x88, s6;
	s7 =	simm.s32 @p2 $0x1082  }
0x22: {  	[simem:s7], [sflag:s8] =	dma.local @!p0 [hbm:s6], $0xF7A  }
0x23: {  	s9 =	sor.u32 $0xD0000000, s2;
	s6 =	simm.s32 $0x108;
	_ =	swait.ge @!p0 [sflag:s8], $0x0  }
0x24: {  	s3 =	sadd.s32 $0x88, s3;
	s6 =	simm.s32 @!p1 $0x1082;
	[sflag:s4] =	ssyncset.s32 $0xFFFFF086  }
0x25: {  	[simem:s6], [sflag:s4] =	dma.local [hbm:s3], $0xF7A  }
0x26: {  	[smem:$0x3F9B] =	sst s1;
	(tag) =	ssettag s2;
	_ =	strace s9  }
0x27: {  	s1 =	sld [smem:$0x3FAB]  }
0x28: {  	s2 =	sld [smem:$0x3FAC]  }
0x29: {  	s4 =	sld [smem:$0x3FAE]  }
0x2a: {  	p0 =	seq.s32 s5, $0x0;
	s5 =	sld [smem:$0x3FAF]  }
0x2b: {  	s6 =	sld [smem:$0x3FB0]  }
0x2c: {  	s7 =	sld [smem:$0x3FB1]  }
0x2d: {  	s3 =	simm.s32 $0x108;
	s8 =	sld [smem:$0x3FB2]  }
0x2e: {  	s3 =	simm.s32 @!p0 $0x1082;
	s9 =	sld [smem:$0x3FB3]  }
0x2f: {  	lr =	sadd.s32 s0, s3;
	s0 =	sld [smem:$0x3FAA]  }
0x30: {  	s3 =	sld [smem:$0x3FAD]  }
0x31: {  	[smem:$0x3FB6] =	sst s10  }
0x32: {  	s10 =	sld [smem:$0x3FB4];
	_ =	sdelay $0x3  }
0x33: {  	p0 =	seq.s32 s10, $0x1;
	s10 =	sld [smem:$0x3FB6];
	_ =	sdelay $0x3  }
0x34: {  	[smem:$0x3FB6] =	sst s10  }
0x35: {  	s10 =	sld [smem:$0x3FB5];
	_ =	sdelay $0x3  }
0x36: {  	p1 =	seq.s32 s10, $0x1;
	s10 =	sld [smem:$0x3FB6];
	_ =	sdelay $0x3  }
0x37: {  	[smem:$0x3FB6] =	sst s10  }
0x38: {  	s10 =	sld [smem:$0x3FB7]  }
0x39: {  	_ = 	snop;
	(pc) =	sbr.ind lr, $3  }
0x3a: {  	_ = 	snop  }
0x3b: {  	_ = 	snop  }
0x3c: {  	p2 =	seq.s32 s10, $0x1;
	s10 =	sld [smem:$0x3FB6]  }
0x3d: {  	_ =	shalt  }
0x3e: {  	_ =	shalt  }
0x3f: {  	_ =	shalt  }
0x40: {  	_ =	shalt  }
0x41: {  	_ =	shalt  }
0x42: {  	_ =	shalt  }
0x43: {  	_ =	shalt  }
0x44: {  	_ =	shalt  }
0x45: {  	_ =	shalt  }
0x46: {  	_ =	shalt  }
0x47: {  	_ =	shalt  }
0x48: {  	_ =	shalt  }
0x49: {  	_ =	shalt  }
0x4a: {  	_ =	shalt  }
0x4b: {  	_ =	shalt  }
0x4c: {  	_ =	shalt  }
0x4d: {  	_ =	shalt  }
0x4e: {  	_ =	shalt  }
0x4f: {  	_ =	shalt  }
0x50: {  	_ =	shalt  }
0x51: {  	_ =	shalt  }
0x52: {  	_ =	shalt  }
0x53: {  	_ =	shalt  }
0x54: {  	_ =	shalt  }
0x55: {  	_ =	shalt  }
0x56: {  	_ =	shalt  }
0x57: {  	_ =	shalt  }
0x58: {  	_ =	shalt  }
0x59: {  	_ =	shalt  }
0x5a: {  	_ =	shalt  }
0x5b: {  	_ =	shalt  }
0x5c: {  	_ =	shalt  }
0x5d: {  	_ =	shalt  }
0x5e: {  	_ =	shalt  }
0x5f: {  	_ =	shalt  }
0x60: {  	_ =	shalt  }
0x61: {  	_ =	shalt  }
0x62: {  	_ =	shalt  }
0x63: {  	_ =	shalt  }
0x64: {  	_ =	shalt  }
0x65: {  	_ =	shalt  }
0x66: {  	_ =	shalt  }
0x67: {  	_ =	shalt  }
0x68: {  	_ =	shalt  }
0x69: {  	_ =	shalt  }
0x6a: {  	_ =	shalt  }
0x6b: {  	_ =	shalt  }
0x6c: {  	_ =	shalt  }
0x6d: {  	_ =	shalt  }
0x6e: {  	_ =	shalt  }
0x6f: {  	_ =	shalt  }
0x70: {  	_ =	shalt  }
0x71: {  	_ =	shalt  }
0x72: {  	_ =	shalt  }
0x73: {  	_ =	shalt  }
0x74: {  	_ =	shalt  }
0x75: {  	_ =	shalt  }
0x76: {  	_ =	shalt  }
0x77: {  	_ =	shalt  }
0x78: {  	_ =	shalt  }
0x79: {  	_ =	shalt  }
0x7a: {  	_ =	shalt  }
0x7b: {  	_ =	shalt  }
0x7c: {  	_ =	shalt  }
0x7d: {  	_ =	shalt  }
0x7e: {  	_ =	shalt  }
0x7f: {  	_ =	shalt  }
0x80: {  	_ =	shalt  }
0x81: {  	_ =	shalt  }
0x82: {  	_ =	shalt  }
0x83: {  	_ =	shalt  }
0x84: {  	_ =	shalt  }
0x85: {  	_ =	shalt  }
0x86: {  	_ =	shalt  }
0x87: {  	_ =	shalt  }
.Lfunc_end0:
.L_simem_size_0:
called_computation_lowered:
.L_overlay_start_0:
0x88: {  	s2 =	sld [smem:$0x3FD9]  }
0x89: {  	s3 =	sld [smem:$0x3FFE];
	_ =	sdelay $0x1  }
0x8a: {  	s1 =	srdreg.scid  }
0x8b: {  	s0 =	sand.u32 $0x1, s1  }
0x8c: {  	s16 =	sshll.u32 s0, $0xA;
	s2 =	sadd.s32 s3, s2  }
0x8d: {  	s2 =	sadd.s32 s2, s16  }
0x8e: {  	[smem:$0x3FC2] =	sst s2  }
0x8f: {  	_ = 	snop  }
0x90: {  	(tm) =	ssettm $0x1  }
0x91: {  	s17 =	sld [smem:$0x3FFB];
	_ =	sdelay $0x3  }
0x92: {  	_ =	strace s17  }
0x93: {  	s2 =	sld [smem:$0x3FFC];
	_ =	sdelay $0x3  }
0x94: {  	_ =	strace s2  }
0x95: {  	s2 =	sld [smem:$0x3FFD];
	_ =	sdelay $0x3  }
0x96: {  	_ =	strace s2  }
0x97: {  	_ =	strace $0x8FFFFFFF  }
0x98: {  	s18 =	sld [smem:$0x3FDB];
	_ =	sdelay $0x1  }
0x99: {  	s19 =	simm.s32 $_scs_section_size  }
0x9a: {  	s4 =	simm.s32 $_size__tile_overlayer_lowered;
	s5 =	simm.s32 $_tile_overlayer_lowered  }
0x9b: {  	s22 =	simm.s32 $0x1BFF;
	s21 =	sshll.u32 s5, $0x1;
	s2 =	sadd.s32 s19, s18  }
0x9c: {  	s6 =	simm.s32 $0x0;
	s20 =	sshll.u32 s4, $0x1;
	s4 =	sadd.s32 s21, s2  }
0x9d: {  	[timem:s6], [sflag:s22] =	dma.local [hbm:s4], s20  }
0x9e: {  	_ =	swait.ge [sflag:s22], s20  }
0x9f: {  	s3 =	ssub.s32 $0x0, s20;
	[sflag:s22] =	ssyncset.done $0x0  }
0xa0: {  	[sflag:s22] =	ssyncadd.s32 s3;
	_ =	sdelay $0x1  }
0xa1: {  	s23 =	simm.s32 $0x1B8B  }
0xa2: {  	_ =	swait.ge [sflag:s23], $0x1  }
0xa3: {  	[sflag:s23] =	ssyncset.done $0x0  }
0xa4: {  	s25 =	simm.s32 $0x1B8E;
	s24 =	sld [smem:$0x3FFE];
	[sflag:s23] =	ssyncadd.s32 $0xFFFFFFFF  }
0xa5: {  	s26 =	simm.s32 $execute0_lowered;
	[smem:$0x3FD2] =	sst s25  }
0xa6: {  	s4 =	sshll.u32 s26, $0x1;
	_ =	strace $0x80000046;
	[dreg:$0x1] =	wrdreg $0xFFFFFFFF  }
0xa7: {  	s28 =	simm.s32 $_size_execute0_lowered;
	s2 =	sadd.s32 s2, s4;
	[dreg:$0x0] =	wrdreg $0x0  }
0xa8: {  	s4 =	sshll.u32 s28, $0x1;
	[dreg:$0x2] =	wrdreg s2  }
0xa9: {  	[dreg:$0x3] =	wrdreg s4  }
0xaa: {  	[dreg:$0x4] =	wrdreg $0xC0  }
0xab: {  	_ =	task [dreg:s6], $0x5FFFF  }
0xac: {  	[dreg:$0x1] =	wrdreg $0xFFFFFFFF  }
0xad: {  	[dreg:$0x0] =	wrdreg $0x60  }
0xae: {  	[dreg:$0x2] =	wrdreg s24  }
0xaf: {  	[dreg:$0x3] =	wrdreg $0x8F800  }
0xb0: {  	[dreg:$0x4] =	wrdreg $0x9  }
0xb1: {  	_ =	task.clear_ibuf [dreg:s6], $0x5FFFF;
	_ =	strace $0x90000046  }
0xb2: {  	s29 =	simm.s32 $0x9;
	_ =	strace $0x80000048  }
0xb3: {  	_ =	swait.ge [sflag:s29], $0x1  }
0xb4: {  	[sflag:s29] =	ssyncadd.s32 $0xFFFFFFFF  }
0xb5: {  	_ =	strace $0x90000048  }
0xb6: {  	_ =	sfence  }
0xb7: {  	s30 =	sld [smem:$0x0];
	_ =	sdelay $0x2  }
0xb8: {  	s31 =	sshll.u32 s1, $0xD;
	s1 =	sshrl.u32 s1, $0x2  }
0xb9: {  	s3 =	sand.u32 $0x4000, s31;
	s1 =	sadd.s32 s1, s30  }
0xba: {  	s0 =	sor.u32 s3, s0;
	s1 =	sshll.u32 s1, $0x11  }
0xbb: {  	s0 =	sor.u32 s1, s0  }
0xbc: {  	s0 =	sadd.s32 $0x8F2B, s0  }
0xbd: {  	[sflag:s0] =	ssyncadd.remote.s32 $0x1  }
0xbe: {  	_ =	sfence.sel $0xFFFF  }
0xbf: {  	[dreg:$0x0] =	wrdreg $0xFFFFFFFF;
	(pc) =	sbr.abs _section_cstart, $3  }
0xc0: {  	[dreg:$0x1] =	wrdreg $0xFFFFFFFF  }
0xc1: {  	_ =	task.clear_ibuf [dreg:s6], $0x2FFFF;
	_ =	strace $0x9FFFFFFF  }
0xc2: {  	(tm) =	ssettm $0x7FFFFFFF  }
0xc3: {  	_ =	shalt  }
tec
execute0_lowered:
.L_overlay_start_1:
0x0: {  	(tag) =	ssettag $0x1  }
0x1: {  	s4 =	rddreg [dreg:$0x0];
	s0 =	stileid.u32  }
0x2: {  	s1 =	srdreg.scid;
	s5 =	smul.u32 $0x4E2, s0  }
0x3: {  	s2 =	rddreg [dreg:$0x1];
	s3 =	simm.s32 $0x0;
	s6 =	smul.u32 $0x1480, s0  }
0x4: {  	s12 =	simm.s32 $0x6780;
	s14 =	simm.s32 $0x0;
	s9 =	smul.u32 $0x1400, s0  }
0x5: {  	s7 =	sand.u32 $0x1, s1;
	s1 =	rddreg [dreg:$0x2];
	s10 =	smul.u32 $0x29000, s0  }
0x6: {  	[smem:$0x7FF] =	sst s3;
	s11 =	smul.u32 $0x28000, s0;
	s31 =	sshll.u32 s0, $0x6  }
0x7: {  	s8 =	smul.u32 $0x14000, s7;
	_ =	strace $0x80000047;
	s28 =	ssub.s32 $0x2, s7  }
0x8: {  	s7 =	smul.u32 $0xFFFFEC00, s7;
	s5 =	sadd.s32 s5, s4;
	s6 =	sadd.s32 s6, s4  }
0x9: {  	s29 =	sshrl.u32 s28, $0x1;
	s30 =	sshrl.u32 s10, $0x2;
	s11 =	sshrl.u32 s11, $0x2  }
.Ltmp0:
0xa: {  	s8 =	sadd.s32 s9, s8;
	s9 =	ssub.s32 s28, s29;
	(pc) =	sbr.rel .LBB2_1-.Ltmp0, $4  }
0xb: {  	v7 =	vlaneseq.u32;
	s10 =	sadd.s32 s30, s2;
	s13 =	sadd.s32 s11, s2;
	s11 =	simm.s32 $0x50  }
0xc: {  	v1 =	vimm.s32 $0x0;
	v8 =	vimm.f32 $1.000000000e+00;
	v2 =	vor.u32 $0x2760, v7;
	s8 =	sadd.s32 s8, s4;
	s4 =	sadd.s32 $0x1A00, s5;
	s5 =	sadd.s32 $0xBA00, s6  }
0xd: {  	v3 =	vor.u32 $0x1400, v7;
	v4 =	vor.u32 $0x1410, v7;
	v0 =	vmov s7;
	s7 =	smax.u32 s9, $0x1;
	s9 =	sor.u32 $0x1C01, s31;
	s10 =	sshrl.u32 s10, $0x3  }
0xe: {  	v5 =	vor.u32 $0x1420, v7;
	v6 =	vor.u32 $0x1430, v7;
	v7 =	vor.u32 $0x1440, v7;
	s13 =	sshrl.u32 s13, $0x3;
	s6 =	sadd.s32 $0x20200, s8;
	s8 =	simm.s32 $0x1  }
.LBB2_15:
0xf: {  	[sflag:s8] =	ssyncadd.s32 $0xFFFFD800  }
.LBB2_16:
0x10: {  	s14 =	sadd.s32 $0x1, s14  }
0x11: {  	p0 =	sne.s32 s14, s7  }
.Ltmp1:
0x12: {  	[bflag:$0x0] =	sbarrier.arrive $0xFFFF;
	(pc) =	sbr.rel @!p0 .LBB2_17-.Ltmp1, $4  }
0x13: {  	[hbm:s6], [sflag:s9] =	dma.local [spmem:s13], $0x1400  }
0x14: {  	_ =	swait.ge [sflag:s8], $0x1400  }
0x15: {  	[sflag:s8] =	ssyncset.done $0x0  }
0x16: {  	[sflag:s8] =	ssyncadd.s32 $0xFFFFEC00  }
.LBB2_1:
0x17: {  	[tilespmem:s3], [sflag:$0x1] =	stream.linear.gather [hbm4b:s4+s3], $0x2710, $0x38;
	[tilespmem:$0x13380] =	vst v63  }
0x18: {  	_ =	swait.ge [sflag:s8], $0x2710  }
0x19: {  	[sflag:s8] =	ssyncset.done $0x0  }
0x1a: {  	[sflag:s8] =	ssyncadd.s32 $0xFFFFD8F0  }
0x1b: {  	[spmem:s10], [sflag:s9] =	dma.local [hbm:s5], $0x1480  }
0x1c: {  	_ =	swait.ge [sflag:s8], $0x1480  }
0x1d: {  	[sflag:s8] =	ssyncset.done $0x0  }
0x1e: {  	s15 =	simm.s32 $0x0;
	[sflag:s8] =	ssyncadd.s32 $0xFFFFEB80  }
0x1f: {  	v9 =	vld [tilespmem:s15+$0x0];
	_ =	sdelay $0x4  }
0x20: {  	v9 =	vadd.s32 v0, v9  }
0x21: {  	vm0 =	vlt.u32 v9, $0x1400  }
0x22: {  	v10 =	vsel vm0, $0x1, v1  }
0x23: {  	(xrf0) =	vadd.scan.msk.s32 $0xffff, v10;
	_ =	sdelay $0x2  }
0x24: {  	v10 =	vmov s3  }
0x25: {  	v10 =	vadd.s32 $0xFFFFFFFF, v10  }
0x26: {  	v10 =	vbroadcast v10, $0x0  }
0x27: {  	v11, _, _ =	vpop (xrf0)  }
0x28: {  	v10 =	vadd.s32 v11, v10;
	(v2sf) =	vpush v11, $0xF  }
0x29: {  	v10 =	vsel vm0, v10, v2;
	_ =	sdelay $0x4  }
0x2a: {  	s17 =	simm.s32 $0x10;
	s16 =	simm.s32 $0x80;
	s15 =	simm.s32 $0x0;
	[tilespmem:v10+s3+$0x0] =	vst.idx.msk $0xffff, v9  }
.LBB2_2:
0x2b: {  	p0 =	sne.s32 s16, $0x9C00;
	v9 =	vld [tilespmem:s17+$0x0];
	_ =	sdelay $0x4  }
0x2c: {  	v9 =	vadd.s32 v0, v9  }
0x2d: {  	vm0 =	vlt.u32 v9, $0x1400  }
0x2e: {  	v10 =	vsel vm0, $0x1, v1  }
0x2f: {  	(xrf0) =	vadd.scan.msk.s32 $0xffff, v10;
	s17 =	spop (v2sf)  }
0x30: {  	s15 =	sadd.s32 s15, s17  }
0x31: {  	v10 =	vmov s15  }
0x32: {  	v10 =	vadd.s32 $0xFFFFFFFF, v10  }
0x33: {  	v10 =	vbroadcast v10, $0x0;
	_ =	sdelay $0x1  }
0x34: {  	v11, _, _ =	vpop (xrf0)  }
0x35: {  	v10 =	vadd.s32 v11, v10;
	(v2sf) =	vpush v11, $0xF  }
0x36: {  	v10 =	vsel vm0, v10, v2  }
.Ltmp2:
0x37: {  	(pc) =	sbr.rel @p0 .LBB2_2-.Ltmp2, $2  }
0x38: {  	_ =	sdelay $0x2  }
0x39: {  	s17 =	sshra.s32 s16, $0x2;
	s16 =	sadd.s32 $0x40, s16;
	[tilespmem:v10+s3+$0x0] =	vst.idx.msk $0xffff, v9  }
0x3a: {  	v9 =	vld [tilespmem:s17+$0x0];
	_ =	sdelay $0x4  }
0x3b: {  	v9 =	vadd.s32 v0, v9  }
0x3c: {  	vm0 =	vlt.u32 v9, $0x1400  }
0x3d: {  	v10 =	vsel vm0, $0x1, v1  }
0x3e: {  	(xrf0) =	vadd.scan.msk.s32 $0xffff, v10;
	_ =	sdelay $0x5  }
0x3f: {  	v10, _, _ =	vpop (xrf0)  }
0x40: {  	(v2sf) =	vpush v10, $0xF;
	_ =	sdelay $0xd  }
0x41: {  	s16 =	spop (v2sf)  }
0x42: {  	s15 =	sadd.s32 s15, s16;
	s29 =	spop (v2sf)  }
0x43: {  	s16 =	sadd.s32 s15, s29  }
0x44: {  	s30 =	sadd.s32 $0x4F, s16  }
0x45: {  	s31 =	smulhi.u32 $0x66666667, s30;
	s18 =	sshra.s32 s30, $0x1F  }
0x46: {  	s18 =	smul.u32 $0x66666667, s18;
	_ =	sdelay $0x1  }
0x47: {  	v11 =	vmov s15;
	s17 =	sadd.s32 s18, s31  }
0x48: {  	v11 =	vadd.s32 $0xFFFFFFFF, v11;
	s18 =	sshrl.u32 s17, $0x1F;
	s17 =	sshra.s32 s17, $0x5  }
0x49: {  	v11 =	vbroadcast v11, $0x0;
	s17 =	sadd.s32 s18, s17  }
0x4a: {  	s18 =	smul.u32 $0xFFFFFFB0, s17  }
0x4b: {  	v10 =	vadd.s32 v10, v11;
	s19 =	ssub.s32 $0xFFFFFFB1, s16  }
0x4c: {  	v10 =	vsel vm0, v10, v2;
	p0 =	slt.s32 s30, $0x1;
	p1 =	sne.s32 s18, s19  }
0x4d: {  	p0 =	por !p0, !p1  }
0x4e: {  	s15 =	simm.s32 $0x1;
	p0 =	por !p0, !p0  }
0x4f: {  	s15 =	simm.s32 @!p0 $0x0  }
0x50: {  	s15 =	ssub.s32 s17, s15  }
0x51: {  	[tilespmem:v10+s3+$0x0] =	vst.idx.msk $0xffff, v9;
	p0 =	slt.s32 s15, $0x1  }
.Ltmp3:
0x52: {  	[tilespmem:s16+$0x0] =	vst v3;
	(pc) =	sbr.rel @p0 .LBB2_10-.Ltmp3, $4  }
0x53: {  	[tilespmem:s16+$0x10] =	vst v4  }
0x54: {  	[tilespmem:s16+$0x20] =	vst v5  }
0x55: {  	[tilespmem:s16+$0x30] =	vst v6  }
0x56: {  	[tilespmem:s16+$0x40] =	vst v7  }
0x57: {  	p2 =	sne.s32 s15, $0x1  }
.Ltmp4:
0x58: {  	_ = 	snop;
	(pc) =	sbr.rel @!p2 .LBB2_5-.Ltmp4, $3  }
0x59: {  	_ =	sdelay $0x1  }
0x5a: {  	s17 =	simm.s32 $0x20  }
0x5b: {  	s16 =	simm.s32 $0x27A0;
	s18 =	sadd.s32 $0xFFFFFFFF, s15;
	p1 =	por $0x0, $0x0;
	v9 =	vld [tilespmem:s17+$0xFFFFFFE0]  }
0x5c: {  	_ =	sdelay $0x3  }
0x5d: {  	[tilespmem:s16+$0xFFFFFFE0] =	vst v9  }
0x5e: {  	v9 =	vld [tilespmem:s17+$0xFFFFFFF0];
	_ =	sdelay $0x4  }
0x5f: {  	[tilespmem:s16+$0xFFFFFFF0] =	vst v9  }
0x60: {  	v9 =	vld [tilespmem:s17+$0x0];
	_ =	sdelay $0x4  }
0x61: {  	[tilespmem:s16+$0x0] =	vst v9  }
0x62: {  	v9 =	vld [tilespmem:s17+$0x10];
	_ =	sdelay $0x4  }
0x63: {  	[tilespmem:s16+$0x10] =	vst v9  }
0x64: {  	v9 =	vld [tilespmem:s17+$0x20]  }
0x65: {  	p2 =	sne.s32 s18, $0x1  }
.Ltmp5:
0x66: {  	_ = 	snop;
	(pc) =	sbr.rel @!p2 .LBB2_7-.Ltmp5, $3  }
0x67: {  	_ =	sdelay $0x1  }
0x68: {  	s17 =	simm.s32 $0x70;
	[tilespmem:s16+$0x20] =	vst v9  }
0x69: {  	s19 =	sadd.s32 $0xFFFFFFFF, s18;
	p1 =	por $0x1, $0x1;
	s18 =	simm.s32 $0x27A0;
	v9 =	vld [tilespmem:s17+$0xFFFFFFE0]  }
.LBB2_8:
0x6a: {  	p2 =	sne.s32 s19, $0x1;
	_ =	sdelay $0x2  }
0x6b: {  	s18 =	sadd.s32 $0x80, s18  }
0x6c: {  	[tilespmem:s18+$0xFFFFFFE0] =	vst v9  }
0x6d: {  	v9 =	vld [tilespmem:s17+$0xFFFFFFF0];
	_ =	sdelay $0x4  }
0x6e: {  	[tilespmem:s18+$0xFFFFFFF0] =	vst v9  }
0x6f: {  	v9 =	vld [tilespmem:s17+$0x0];
	_ =	sdelay $0x4  }
0x70: {  	[tilespmem:s18+$0x0] =	vst v9  }
0x71: {  	v9 =	vld [tilespmem:s17+$0x10];
	_ =	sdelay $0x4  }
0x72: {  	[tilespmem:s18+$0x10] =	vst v9  }
0x73: {  	v9 =	vld [tilespmem:s17+$0x20];
	_ =	sdelay $0x1  }
.Ltmp6:
0x74: {  	(pc) =	sbr.rel @p2 .LBB2_8-.Ltmp6, $3  }
0x75: {  	_ =	sdelay $0x1  }
0x76: {  	s17 =	sadd.s32 $0x50, s17;
	[tilespmem:s18+$0x20] =	vst v9  }
0x77: {  	s19 =	sadd.s32 $0xFFFFFFFF, s19;
	v9 =	vld [tilespmem:s17+$0xFFFFFFE0]  }
.LBB2_9:
0x78: {  	_ =	sdelay $0x1  }
0x79: {  	s18 =	sadd.s32 @p1 $0x80, s18  }
0x7a: {  	s16 =	smov.u32 @p1 s18  }
0x7b: {  	[tilespmem:s16+$0xFFFFFFE0] =	vst v9  }
0x7c: {  	v9 =	vld [tilespmem:s17+$0xFFFFFFF0];
	_ =	sdelay $0x4  }
0x7d: {  	[tilespmem:s16+$0xFFFFFFF0] =	vst v9  }
0x7e: {  	v9 =	vld [tilespmem:s17+$0x0];
	_ =	sdelay $0x4  }
0x7f: {  	[tilespmem:s16+$0x0] =	vst v9  }
0x80: {  	v9 =	vld [tilespmem:s17+$0x10];
	_ =	sdelay $0x4  }
0x81: {  	[tilespmem:s16+$0x10] =	vst v9  }
0x82: {  	v9 =	vld [tilespmem:s17+$0x20];
	_ =	sdelay $0x4  }
0x83: {  	[tilespmem:s16+$0x20] =	vst v9  }
.LBB2_10:
0x84: {  	s16 =	simm.s32 $0x70;
	s17 =	simm.s32 $0x3C0  }
.LBB2_11:
0x85: {  	p1 =	sne.s32 s17, $0x9FC0;
	[tilespmem:s16+$0x6780] =	vst v8  }
0x86: {  	[tilespmem:s16+$0x6710] =	vst v8  }
0x87: {  	[tilespmem:s16+$0x6720] =	vst v8  }
.Ltmp7:
0x88: {  	[tilespmem:s16+$0x6730] =	vst v8;
	(pc) =	sbr.rel @p1 .LBB2_11-.Ltmp7, $4  }
0x89: {  	[tilespmem:s16+$0x6740] =	vst v8  }
0x8a: {  	[tilespmem:s16+$0x6750] =	vst v8  }
0x8b: {  	[tilespmem:s16+$0x6760] =	vst v8  }
0x8c: {  	[tilespmem:s16+$0x6770] =	vst v8;
	s16 =	sshra.s32 s17, $0x2;
	s17 =	sadd.s32 $0x200, s17  }
0x8d: {  	[tilespmem:s16+$0x6780] =	vst v8  }
0x8e: {  	[tilespmem:s16+$0x6710] =	vst v8  }
0x8f: {  	[tilespmem:s16+$0x6720] =	vst v8  }
0x90: {  	[tilespmem:s16+$0x6730] =	vst v8  }
0x91: {  	[tilespmem:s16+$0x6740] =	vst v8  }
.Ltmp8:
0x92: {  	[tilespmem:s16+$0x6750] =	vst v8;
	(pc) =	sbr.rel @p0 .LBB2_16-.Ltmp8, $4  }
0x93: {  	[tilespmem:s16+$0x6760] =	vst v8  }
0x94: {  	[tilespmem:s16+$0x6770] =	vst v8  }
0x95: {  	[bflag:$0x0] =	sbarrier.arrive $0xFFFF  }
0x96: {  	s16 =	simm.s32 $0x2780  }
0x97: {  	p0 =	sne.s32 s15, $0x1  }
.Ltmp9:
0x98: {  	_ = 	snop;
	(pc) =	sbr.rel @!p0 .LBB2_15-.Ltmp9, $4  }
0x99: {  	_ = 	snop  }
0x9a: {  	[spmem:s2] =	stream.indirect.scatter.add.f32 [tilespmem:s12], [sflag:$0x1], $0x80, s16, s11, $0xb8;
	[tilespmem:$0x13380] =	vst v63  }
0x9b: {  	_ =	swait.ge [sflag:s8], $0x2800  }
0x9c: {  	s15 =	sadd.s32 $0xFFFFFFFF, s15;
	[sflag:s8] =	ssyncset.done $0x0  }
.LBB2_14:
0x9d: {  	p0 =	sne.s32 s15, $0x1;
	[sflag:s8] =	ssyncadd.s32 $0xFFFFD800;
	s16 =	sadd.s32 $0x80, s16  }
.Ltmp10:
0x9e: {  	s15 =	sadd.s32 $0xFFFFFFFF, s15;
	(pc) =	sbr.rel @p0 .LBB2_14-.Ltmp10, $4  }
0x9f: {  	_ = 	snop  }
0xa0: {  	[spmem:s2] =	stream.indirect.scatter.add.f32 [tilespmem:s12], [sflag:$0x1], $0x80, s16, s11, $0xb8;
	[tilespmem:$0x13380] =	vst v63  }
0xa1: {  	_ =	swait.ge [sflag:s8], $0x2800  }
0xa2: {  	[sflag:s8] =	ssyncset.done $0x0  }
.Ltmp11:
0xa3: {  	_ = 	snop;
	(pc) =	sbr.rel .LBB2_15-.Ltmp11, $1  }
0xa4: {  	_ =	sdelay $0x3  }
.LBB2_5:
.Ltmp12:
0xa5: {  	(pc) =	sbr.rel .LBB2_9-.Ltmp12, $2  }
0xa6: {  	_ =	sdelay $0x2  }
0xa7: {  	s18 =	simm.s32 $0x27A0  }
.LBB2_7:
.Ltmp13:
0xa8: {  	(pc) =	sbr.rel .LBB2_9-.Ltmp13, $2  }
0xa9: {  	_ =	sdelay $0x2  }
0xaa: {  	s18 =	simm.s32 $0x27A0  }
.LBB2_17:
0xab: {  	_ =	sfence.sel $0x180000  }
0xac: {  	[bflag:$0x0] =	sbarrier.arrive $0xFFFF  }
0xad: {  	p0 =	sne.s32 s0, $0x0;
	_ =	strace $0x90000047  }
0xae: {  	s0 =	sadd.s32 @!p0 $0x100000, s1;
	[bflag:$0x2] =	sbarrier.arrive $0xFFFF  }
0xaf: {  	[sflag:s0] =	ssyncadd.tile.s32 @!p0 $0x1;
	_ =	shalt  }
.Lfunc_end2:
_tile_overlayer_lowered:
.L_overlay_start_2:
0xb0: {  	(tag) =	ssettag $0x2  }
0xb1: {  	s0 =	rddreg [dreg:$0x0];
	s2 =	stileid.u32  }
0xb2: {  	s1 =	rddreg [dreg:$0x1];
	p0 =	sne.s32 s2, $0x0  }
0xb3: {  	s3 =	rddreg [dreg:$0x2];
	[bflag:$0x3] =	sbarrier.arrive $0xFFFF;
	s2 =	simm.s32 @!p0 $0x1C01  }
0xb4: {  	[timem:s3], [sflag:s2] =	dma.local @!p0 [hbm:s0], s1  }
0xb5: {  	s0 =	simm.s32 @!p0 $0x1  }
0xb6: {  	_ =	swait.ge @!p0 [sflag:s0], s1  }
0xb7: {  	s1 =	ssub.s32 @!p0 $0x0, s1;
	[sflag:s0] =	ssyncset.done @!p0 $0x0  }
0xb8: {  	[sflag:s0] =	ssyncadd.s32 @!p0 s1  }
0xb9: {  	[bflag:$0x3] =	sbarrier.arrive $0xFFFF  }
0xba: {  	_ =	shalt  }

</sc_bundles>
